<compile_context>
chip_gen: v7x
topology: tpu7x:2x2x1
jax: 0.10.2.dev20260603
libtpu: 0.0.44.dev20260713+nightly
codegen_flags: <defaults>
</compile_context>

<pallas_src>
import dataclasses
import functools

import jax
import jax.numpy as jnp
from jax import lax
from jax.experimental import pallas as pl
from jax.experimental.pallas import tpu as pltpu
from jax.experimental.pallas import tpu_sc as plsc

_N = 10000
_E = 320000
_B = 16
_MAX_LEN = 8
_HID = 128
_LAYERS = 3

_NC = 2
_NS = 16
_NW = _NC * _NS
_CHUNK = 128
_CPW = 80
_SUPER = 2
_EPW = _CPW * _CHUNK
_EPAD = _NW * _EPW
_ACC_ROWS = 10016
_NSUPER = _CPW // _SUPER
_SROWS = _SUPER * _CHUNK


def _sc_gather_rows(table, idx3):
    d = table.shape[1]
    mesh = plsc.VectorSubcoreMesh(core_axis_name="c", subcore_axis_name="s")

    @functools.partial(
        pl.kernel,
        mesh=mesh,
        out_type=jax.ShapeDtypeStruct((_EPAD, d), jnp.float32),
        scratch_types=[
            pltpu.VMEM((_CPW, _CHUNK), jnp.int32),
            pltpu.VMEM((_CHUNK, d), jnp.float32),
            pltpu.VMEM((_CHUNK, d), jnp.float32),
            pltpu.VMEM_SHARED((table.shape[0], d), jnp.float32),
            pltpu.SemaphoreType.DMA,
            pltpu.SemaphoreType.DMA,
        ],
    )
    def gather_kernel(table_hbm, idx_hbm, out_hbm, idx_v, buf_a, buf_b,
                      tab_sh, sem_a, sem_b):
        sid = lax.axis_index("s")
        wid = lax.axis_index("c") * _NS + sid
        pltpu.sync_copy(idx_hbm.at[wid], idx_v)

        @pl.when(sid == 0)
        def _():
            pltpu.sync_copy(table_hbm, tab_sh)

        plsc.subcore_barrier()
        base0 = wid * _EPW
        ring = ((buf_a, sem_a), (buf_b, sem_b))

        def fire(c, buf, sem):
            pltpu.async_copy(tab_sh.at[idx_v.at[c]], buf, sem)

        def wait_g(buf, sem):
            pltpu.make_async_copy(
                tab_sh.at[idx_v.at[0]], buf, sem).wait()

        def wb(c, buf):
            pltpu.sync_copy(buf, out_hbm.at[pl.ds(base0 + c * _CHUNK, _CHUNK)])

        for k, (buf, sem) in enumerate(ring):
            fire(k, buf, sem)

        @pl.loop(0, _CPW, step=2)
        def _(c):
            for k, (buf, sem) in enumerate(ring):
                wait_g(buf, sem)
                wb(c + k, buf)

                @pl.when(c + k + 2 < _CPW)
                def _():
                    fire(c + k + 2, buf, sem)

    return gather_kernel(table, idx3)


def _sc_scatter_add2(ex, w, dst3, zeros):
    d = ex.shape[1]
    rows_per_sub = (_N // _NS) // 8 * 8
    tail_rows = _N - rows_per_sub * _NS
    mesh = plsc.VectorSubcoreMesh(core_axis_name="c", subcore_axis_name="s")
    out_sd = jax.ShapeDtypeStruct((_NC, _N, d), jnp.float32)

    @functools.partial(
        pl.kernel,
        mesh=mesh,
        out_type=(out_sd, out_sd),
        scratch_types=[
            pltpu.VMEM((_CPW, _CHUNK), jnp.int32),
            pltpu.VMEM((_CHUNK, d), jnp.float32),
            pltpu.VMEM((_CHUNK, d), jnp.float32),
            pltpu.VMEM_SHARED((_ACC_ROWS, d), jnp.float32),
            pltpu.SemaphoreType.DMA,
            pltpu.SemaphoreType.DMA,
        ],
    )
    def scatter_kernel(ex_hbm, w_hbm, dst_hbm, zeros_hbm, o1_hbm, o2_hbm,
                       idx_v, buf_a, buf_b, acc_sh, sem_a, sem_b):
        cid = lax.axis_index("c")
        sid = lax.axis_index("s")
        wid = cid * _NS + sid
        pltpu.sync_copy(dst_hbm.at[wid], idx_v)
        base0 = wid * _EPW

        for vals_hbm, out_hbm in ((ex_hbm, o1_hbm), (w_hbm, o2_hbm)):
            @pl.when(sid == 0)
            def _():
                pltpu.sync_copy(zeros_hbm, acc_sh)

            plsc.subcore_barrier()

            def vfire(c, buf, sem):
                pltpu.async_copy(
                    vals_hbm.at[pl.ds(base0 + c * _CHUNK, _CHUNK)], buf, sem)

            def vwait(buf, sem):
                pltpu.make_async_copy(
                    vals_hbm.at[pl.ds(base0, _CHUNK)], buf, sem).wait()

            def scat(c, buf):
                pltpu.sync_copy(buf, acc_sh.at[idx_v.at[c]], add=True)

            vfire(0, buf_a, sem_a)
            vfire(1, buf_b, sem_b)

            @pl.loop(0, _CPW, step=2)
            def _(c):
                vwait(buf_a, sem_a)
                scat(c, buf_a)

                @pl.when(c + 2 < _CPW)
                def _():
                    vfire(c + 2, buf_a, sem_a)

                vwait(buf_b, sem_b)
                scat(c + 1, buf_b)

                @pl.when(c + 3 < _CPW)
                def _():
                    vfire(c + 3, buf_b, sem_b)

            plsc.subcore_barrier()
            pltpu.sync_copy(
                acc_sh.at[pl.ds(sid * rows_per_sub, rows_per_sub)],
                out_hbm.at[cid, pl.ds(sid * rows_per_sub, rows_per_sub)],
            )
            if tail_rows:
                @pl.when(sid == _NS - 1)
                def _():
                    pltpu.sync_copy(
                        acc_sh.at[pl.ds(_NS * rows_per_sub, tail_rows)],
                        out_hbm.at[cid, pl.ds(_NS * rows_per_sub, tail_rows)],
                    )
            plsc.subcore_barrier()

    return scatter_kernel(ex, w, dst3, zeros)


def _sc_scatter_tab0(ex_tab, w_tab, pidx3, dst_flat, zeros):
    d = ex_tab.shape[1]
    rows_per_sub = (_N // _NS) // 8 * 8
    tail_rows = _N - rows_per_sub * _NS
    mesh = plsc.VectorSubcoreMesh(core_axis_name="c", subcore_axis_name="s")
    out_sd = jax.ShapeDtypeStruct((_NC, _N, d), jnp.float32)

    @functools.partial(
        pl.kernel,
        mesh=mesh,
        out_type=(out_sd, out_sd),
        scratch_types=[
            pltpu.VMEM((_CHUNK,), jnp.int32),
            pltpu.VMEM((_CHUNK,), jnp.int32),
            pltpu.VMEM((_CHUNK,), jnp.int32),
            pltpu.VMEM((_CHUNK,), jnp.int32),
            pltpu.VMEM((_CHUNK,), jnp.int32),
            pltpu.VMEM((_CHUNK,), jnp.int32),
            pltpu.VMEM((_CHUNK,), jnp.int32),
            pltpu.VMEM((_CHUNK,), jnp.int32),
            pltpu.VMEM((_CHUNK, d), jnp.float32),
            pltpu.VMEM((_CHUNK, d), jnp.float32),
            pltpu.VMEM_SHARED((_ACC_ROWS, d), jnp.float32),
            pltpu.VMEM_SHARED((100 * 16, d), jnp.float32),
            pltpu.SemaphoreType.DMA,
            pltpu.SemaphoreType.DMA,
            pltpu.SemaphoreType.DMA,
            pltpu.SemaphoreType.DMA,
            pltpu.SemaphoreType.DMA,
            pltpu.SemaphoreType.DMA,
        ],
    )
    def scatter_kernel(ex_hbm, w_hbm, pidx_hbm, dst_hbm, zeros_hbm, o1_hbm,
                       o2_hbm, p0, d0, p1, d1, p2, d2, p3, d3, buf_a, buf_b,
                       acc_sh, tab_sh, si0, si1, si2, si3, sv_a, sv_b):
        cid = lax.axis_index("c")
        sid = lax.axis_index("s")
        wid = cid * _NS + sid
        base0 = wid * _EPW
        islots = ((p0, d0, si0), (p1, d1, si1), (p2, d2, si2), (p3, d3, si3))

        def ifire(c, k):
            pbuf, dbuf, sem = islots[k]
            pltpu.async_copy(
                pidx_hbm.at[pl.ds(base0 + c * _CHUNK, _CHUNK)], pbuf, sem)
            pltpu.async_copy(
                dst_hbm.at[pl.ds(base0 + c * _CHUNK, _CHUNK)], dbuf, sem)

        def iwait(k):
            pbuf, dbuf, sem = islots[k]
            pltpu.make_async_copy(
                pidx_hbm.at[pl.ds(base0, _CHUNK)], pbuf, sem).wait()
            pltpu.make_async_copy(
                dst_hbm.at[pl.ds(base0, _CHUNK)], dbuf, sem).wait()

        for tab_hbm, out_hbm in ((ex_hbm, o1_hbm), (w_hbm, o2_hbm)):
            @pl.when(sid == 0)
            def _():
                pltpu.sync_copy(zeros_hbm, acc_sh)

            @pl.when(sid == 1)
            def _():
                pltpu.sync_copy(tab_hbm, tab_sh)

            plsc.subcore_barrier()

            def vfire(k, vbuf, sem):
                pltpu.async_copy(tab_sh.at[islots[k][0]], vbuf, sem)

            def vwait(vbuf, sem):
                pltpu.make_async_copy(tab_sh.at[p0], vbuf, sem).wait()

            def scat(k, vbuf):
                pltpu.sync_copy(vbuf, acc_sh.at[islots[k][1]], add=True)

            for k in range(4):
                ifire(k, k)
            iwait(0)
            vfire(0, buf_a, sv_a)

            @pl.loop(0, _CPW, step=4)
            def _(c):
                iwait(1)
                vfire(1, buf_b, sv_b)
                vwait(buf_a, sv_a)
                scat(0, buf_a)

                @pl.when(c + 4 < _CPW)
                def _():
                    ifire(c + 4, 0)

                iwait(2)
                vfire(2, buf_a, sv_a)
                vwait(buf_b, sv_b)
                scat(1, buf_b)

                @pl.when(c + 5 < _CPW)
                def _():
                    ifire(c + 5, 1)

                iwait(3)
                vfire(3, buf_b, sv_b)
                vwait(buf_a, sv_a)
                scat(2, buf_a)

                @pl.when(c + 6 < _CPW)
                def _():
                    ifire(c + 6, 2)

                @pl.when(c + 4 < _CPW)
                def _():
                    iwait(0)
                    vfire(0, buf_a, sv_a)

                vwait(buf_b, sv_b)
                scat(3, buf_b)

                @pl.when(c + 7 < _CPW)
                def _():
                    ifire(c + 7, 3)

            plsc.subcore_barrier()
            pltpu.sync_copy(
                acc_sh.at[pl.ds(sid * rows_per_sub, rows_per_sub)],
                out_hbm.at[cid, pl.ds(sid * rows_per_sub, rows_per_sub)],
            )
            if tail_rows:
                @pl.when(sid == _NS - 1)
                def _():
                    pltpu.sync_copy(
                        acc_sh.at[pl.ds(_NS * rows_per_sub, tail_rows)],
                        out_hbm.at[cid, pl.ds(_NS * rows_per_sub, tail_rows)],
                    )
            plsc.subcore_barrier()

    return scatter_kernel(ex_tab, w_tab, pidx3, dst_flat, zeros)


def _tc_tab0(hv, ntab_pad, etab_pad, bn_w_row, bn_b_row, beta_row):

    def body(hv_ref, ntab_ref, etab_ref, w_ref, b_ref, beta_ref,
             hv1_ref, ex_ref, wt_ref):
        x = hv_ref[...]
        mu = jnp.mean(x, axis=0, keepdims=True)
        dxc = x - mu
        var = jnp.mean(dxc * dxc, axis=0, keepdims=True)
        scale = lax.rsqrt(var + 1e-5)
        y = dxc * scale * w_ref[...] + b_ref[...]
        y = jnp.maximum(y, 0.0)
        hv1_ref[...] = y
        tab1 = (ntab_ref[...] - mu) * scale * w_ref[...] + b_ref[...]
        tab1 = jnp.maximum(tab1, 0.0)
        emax = jnp.max(etab_ref[...], axis=0, keepdims=True)
        mb = jnp.max(tab1, axis=0, keepdims=True) + emax + 1e-7
        m_row = jnp.maximum(beta_ref[...] * mb, 0.0)
        m3 = jnp.maximum(
            tab1[:100, None, :] + etab_ref[...][None, :, :], 0.0)
        m3 = m3 + 1e-7
        mm = m3.reshape(100 * 16, _HID)
        ex = jnp.exp(mm * beta_ref[...] - m_row)
        ex_ref[...] = ex
        wt_ref[...] = mm * ex

    return pl.pallas_call(
        body,
        out_shape=(
            jax.ShapeDtypeStruct((_N, _HID), jnp.float32),
            jax.ShapeDtypeStruct((100 * 16, _HID), jnp.float32),
            jax.ShapeDtypeStruct((100 * 16, _HID), jnp.float32),
        ),
    )(hv, ntab_pad, etab_pad, bn_w_row, bn_b_row, beta_row)


def _sc_pidx(node_cat_arr, src_flat, cat_flat):
    mesh = plsc.VectorSubcoreMesh(core_axis_name="c", subcore_axis_name="s")
    cp = pltpu.CompilerParams()
    if "needs_layout_passes" in pltpu.CompilerParams.__dataclass_fields__:
        cp = dataclasses.replace(cp, needs_layout_passes=False)

    @functools.partial(
        pl.kernel,
        mesh=mesh,
        out_type=jax.ShapeDtypeStruct((_EPAD,), jnp.int32),
        compiler_params=cp,
        scratch_types=[
            pltpu.VMEM((_N,), jnp.int32),
            pltpu.VMEM((_EPW,), jnp.int32),
            pltpu.VMEM((_EPW,), jnp.int32),
            pltpu.VMEM((_EPW,), jnp.int32),
        ],
    )
    def pidx_kernel(nc_hbm, src_hbm, cat_hbm, out_hbm, nc_v, src_v, cat_v,
                    o_v):
        wid = lax.axis_index("c") * _NS + lax.axis_index("s")
        base = wid * _EPW
        pltpu.sync_copy(nc_hbm, nc_v)
        pltpu.sync_copy(src_hbm.at[pl.ds(base, _EPW)], src_v)
        pltpu.sync_copy(cat_hbm.at[pl.ds(base, _EPW)], cat_v)

        @pl.loop(0, _EPW, step=16)
        def _(i):
            sv = src_v[pl.ds(i, 16)]
            nc = plsc.load_gather(nc_v, [sv])
            o_v[pl.ds(i, 16)] = nc * 16 + cat_v[pl.ds(i, 16)]

        pltpu.sync_copy(o_v, out_hbm.at[pl.ds(base, _EPW)])

    return pidx_kernel(node_cat_arr, src_flat, cat_flat)


def _tc_embed(cat_col, table_pad):
    n = cat_col.shape[0]
    v = table_pad.shape[0]

    def body(cat_ref, tab_ref, out_ref):
        io = lax.broadcasted_iota(jnp.int32, (n, v), 1).astype(jnp.float32)
        oh = (cat_ref[...] == io).astype(jnp.float32)
        out_ref[...] = jnp.dot(oh, tab_ref[...],
                               preferred_element_type=jnp.float32)

    return pl.pallas_call(
        body,
        out_shape=jax.ShapeDtypeStruct((n, _HID), jnp.float32),
    )(cat_col, table_pad)


def _tc_bn_relu(hv, bn_w_row, bn_b_row, beta_row, edge_emb):

    def body(hv_ref, w_ref, b_ref, beta_ref, emb_ref, hv1_ref, m_ref):
        x = hv_ref[...]
        mu = jnp.mean(x, axis=0, keepdims=True)
        dxc = x - mu
        var = jnp.mean(dxc * dxc, axis=0, keepdims=True)
        y = dxc * lax.rsqrt(var + 1e-5) * w_ref[...] + b_ref[...]
        y = jnp.maximum(y, 0.0)
        hv1_ref[...] = y
        emax = jnp.max(emb_ref[...], axis=0, keepdims=True)
        mb = jnp.max(y, axis=0, keepdims=True) + emax + 1e-7
        m_ref[...] = jnp.maximum(beta_ref[...] * mb, 0.0)

    return pl.pallas_call(
        body,
        out_shape=(
            jax.ShapeDtypeStruct((_N, _HID), jnp.float32),
            jax.ShapeDtypeStruct((1, _HID), jnp.float32),
        ),
    )(hv, bn_w_row, bn_b_row, beta_row, edge_emb)


def _tc_edge_elem(g, cat_col, m_row, beta_row, etab_pad):
    eb = 4096
    grid = _EPAD // eb

    def body(g_ref, cat_ref, m_ref, beta_ref, etab_ref, ex_ref, w_ref):
        io = lax.broadcasted_iota(jnp.int32, (eb, 16), 1).astype(jnp.float32)
        oh = (cat_ref[...] == io).astype(jnp.float32)
        he = jnp.dot(oh, etab_ref[...], preferred_element_type=jnp.float32)
        m = jnp.maximum(g_ref[...] + he, 0.0) + 1e-7
        ex = jnp.exp(m * beta_ref[...] - m_ref[...])
        ex_ref[...] = ex
        w_ref[...] = m * ex

    return pl.pallas_call(
        body,
        grid=(grid,),
        in_specs=[
            pl.BlockSpec((eb, _HID), lambda i: (i, 0)),
            pl.BlockSpec((eb, 1), lambda i: (i, 0)),
            pl.BlockSpec((1, _HID), lambda i: (0, 0)),
            pl.BlockSpec((1, _HID), lambda i: (0, 0)),
            pl.BlockSpec((16, _HID), lambda i: (0, 0)),
        ],
        out_specs=[
            pl.BlockSpec((eb, _HID), lambda i: (i, 0)),
            pl.BlockSpec((eb, _HID), lambda i: (i, 0)),
        ],
        out_shape=(
            jax.ShapeDtypeStruct((_EPAD, _HID), jnp.float32),
            jax.ShapeDtypeStruct((_EPAD, _HID), jnp.float32),
        ),
    )(g, cat_col, m_row, beta_row, etab_pad)


def _tc_combine_linear(s_part, w_part, hv1, hv_prev, lin_wt, lin_b_row):

    def body(sp_ref, wp_ref, hv1_ref, hvp_ref, wt_ref, b_ref, out_ref):
        ssum = sp_ref[0] + sp_ref[1]
        wsum = wp_ref[0] + wp_ref[1]
        agg = wsum / (ssum + 1e-16)
        feats = hv1_ref[...] + agg
        conv = jnp.dot(feats, wt_ref[...],
                       preferred_element_type=jnp.float32) + b_ref[...]
        out_ref[...] = conv + hvp_ref[...]

    return pl.pallas_call(
        body,
        out_shape=jax.ShapeDtypeStruct((_N, _HID), jnp.float32),
    )(s_part, w_part, hv1, hv_prev, lin_wt, lin_b_row)


def _tc_head(hv, gid_row, grp_row, wih_f, whh_f, bsum_f, wih_b, whh_b,
             bsum_b, wo1, wo2, bout_row):
    n_seg = _B * _MAX_LEN

    def body(hv_ref, gid_ref, grp_ref, wihf_ref, whhf_ref, bf_ref,
             wihb_ref, whhb_ref, bb_ref, wo1_ref, wo2_ref, bo_ref, out_ref):
        hv_v = hv_ref[...]
        comb = gid_ref[...] * _MAX_LEN + grp_ref[...]
        seg_iota = lax.broadcasted_iota(jnp.int32, (n_seg, _N), 0)
        oht = (seg_iota == comb).astype(jnp.float32)
        gsum = jnp.dot(oht, hv_v, preferred_element_type=jnp.float32)
        cnt = jnp.sum(oht, axis=1, keepdims=True)
        means = jnp.where(cnt > 0.0, gsum / jnp.maximum(cnt, 1.0), 0.0)
        cntpos = (cnt > 0.0).astype(jnp.float32)

        row_iota = lax.broadcasted_iota(jnp.int32, (_B, n_seg), 0)
        col_iota = lax.broadcasted_iota(jnp.int32, (_B, n_seg), 1)

        def step_sel(t):
            return (col_iota == row_iota * _MAX_LEN + t).astype(jnp.float32)

        acc = jnp.zeros((_B, _HID), dtype=jnp.float32)
        h = jnp.zeros((_B, _HID), dtype=jnp.float32)
        for t in range(_MAX_LEN):
            sel = step_sel(t)
            x = jnp.dot(sel, means, preferred_element_type=jnp.float32)
            h = jnp.tanh(
                jnp.dot(x, wihf_ref[...], preferred_element_type=jnp.float32)
                + jnp.dot(h, whhf_ref[...], preferred_element_type=jnp.float32)
                + bf_ref[...])
            mask = jnp.dot(sel, cntpos, preferred_element_type=jnp.float32)
            acc = acc + 0.5 * h * mask
        h = jnp.zeros((_B, _HID), dtype=jnp.float32)
        for t in range(_MAX_LEN - 1, -1, -1):
            sel = step_sel(t)
            x = jnp.dot(sel, means, preferred_element_type=jnp.float32)
            h = jnp.tanh(
                jnp.dot(x, wihb_ref[...], preferred_element_type=jnp.float32)
                + jnp.dot(h, whhb_ref[...], preferred_element_type=jnp.float32)
                + bb_ref[...])
            mask = jnp.dot(sel, cntpos, preferred_element_type=jnp.float32)
            acc = acc + 0.5 * h * mask

        gid_iota = lax.broadcasted_iota(jnp.int32, (_B, _N), 0)
        ohg = (gid_iota == gid_ref[...]).astype(jnp.float32)
        gp = jnp.dot(ohg, hv_v, preferred_element_type=jnp.float32)
        gcnt = jnp.sum(ohg, axis=1, keepdims=True)
        gpool = gp / jnp.maximum(gcnt, 1.0)

        out_ref[...] = (
            jnp.dot(acc, wo1_ref[...], preferred_element_type=jnp.float32)
            + jnp.dot(gpool, wo2_ref[...], preferred_element_type=jnp.float32)
            + bo_ref[...])

    return pl.pallas_call(
        body,
        out_shape=jax.ShapeDtypeStruct((_B, _HID), jnp.float32),
    )(hv, gid_row, grp_row, wih_f, whh_f, bsum_f, wih_b, whh_b, bsum_b,
      wo1, wo2, bout_row)


def kernel(edge_index, node_cat, edge_cat, graph_ids, group_ids, node_emb,
           edge_emb, bn_w, bn_b, lin_W, lin_b, beta, W_ih, W_hh, b_ih, b_hh,
           W_out, b_out):
    src = edge_index[0]
    dst = edge_index[1]
    npad = _EPAD - _E

    src_pad = jnp.concatenate([src, jnp.zeros((npad,), jnp.int32)])
    dst_pad = jnp.concatenate([dst, jnp.full((npad,), _N, jnp.int32)])
    src3 = src_pad.reshape(_NW, _CPW, _CHUNK)
    dst3 = dst_pad.reshape(_NW, _CPW, _CHUNK)
    cat_col = jnp.concatenate(
        [edge_cat, jnp.zeros((npad,), jnp.int32)]
    ).astype(jnp.float32).reshape(_EPAD, 1)

    zeros_acc = jnp.zeros((_ACC_ROWS, _HID), dtype=jnp.float32)
    ntab_pad = jnp.concatenate(
        [node_emb, jnp.zeros((128 - node_emb.shape[0], _HID))]).astype(
            jnp.float32)
    etab_pad = jnp.concatenate(
        [edge_emb, jnp.zeros((16 - edge_emb.shape[0], _HID))]).astype(
            jnp.float32)

    hv = _tc_embed(node_cat.astype(jnp.float32).reshape(_N, 1), ntab_pad)

    cat_pad = jnp.concatenate([edge_cat, jnp.zeros((npad,), jnp.int32)])
    pidx_flat = _sc_pidx(node_cat, src_pad, cat_pad)

    bn_w_row = bn_w[0].reshape(1, _HID)
    bn_b_row = bn_b[0].reshape(1, _HID)
    beta_row = jnp.broadcast_to(beta[0], (1, _HID)).astype(jnp.float32)
    hv1, ex_tab, w_tab = _tc_tab0(hv, ntab_pad, etab_pad,
                                  bn_w_row, bn_b_row, beta_row)
    s_part, w_part = _sc_scatter_tab0(ex_tab, w_tab, pidx_flat, dst_pad,
                                      zeros_acc)
    hv = _tc_combine_linear(s_part, w_part, hv1, hv,
                            lin_W[0].T, lin_b[0].reshape(1, _HID))

    for l in range(1, _LAYERS):
        bn_w_row = bn_w[l].reshape(1, _HID)
        bn_b_row = bn_b[l].reshape(1, _HID)
        beta_row = jnp.broadcast_to(beta[l], (1, _HID)).astype(jnp.float32)
        hv1, m_row = _tc_bn_relu(hv, bn_w_row, bn_b_row, beta_row, edge_emb)
        g = _sc_gather_rows(hv1, src3)
        ex, w = _tc_edge_elem(g, cat_col, m_row, beta_row, etab_pad)
        s_part, w_part = _sc_scatter_add2(ex, w, dst3, zeros_acc)
        hv = _tc_combine_linear(s_part, w_part, hv1, hv,
                                lin_W[l].T, lin_b[l].reshape(1, _HID))

    gid_row = graph_ids.reshape(1, _N)
    grp_row = group_ids.reshape(1, _N)
    bsum_f = (b_ih[0] + b_hh[0]).reshape(1, _HID)
    bsum_b = (b_ih[1] + b_hh[1]).reshape(1, _HID)
    return _tc_head(hv, gid_row, grp_row,
                    W_ih[0].T, W_hh[0].T, bsum_f,
                    W_ih[1].T, W_hh[1].T, bsum_b,
                    W_out[:, :_HID].T, W_out[:, _HID:].T,
                    b_out.reshape(1, _HID))

# --- scband reference (transcript-rebuilt; emitter-appended) ---
"""Pipeline reference for scband-atc-dgcn-62809601737032 (READ-ONLY COPY).

The authoritative reference and input builder live on the scoring server;
editing this copy changes nothing except your own understanding.
"""

import jax, jax.numpy as jnp
import numpy as np

N = 10000
E = 320000
B = 16
MAX_LEN = 8
HID = 128
OUT = 128
LAYERS = 3
NODE_VOCAB = 100
EDGE_VOCAB = 10


def setup_inputs(seed: int = 0):
    key = jax.random.key(seed)
    ks = jax.random.split(key, 16)
    inp = {}
    inp['edge_index'] = jax.random.randint(ks[0], (2, E), 0, N, dtype=jnp.int32)
    inp['node_cat'] = jax.random.randint(ks[1], (N,), 0, NODE_VOCAB, dtype=jnp.int32)
    inp['edge_cat'] = jax.random.randint(ks[2], (E,), 0, EDGE_VOCAB, dtype=jnp.int32)
    inp['graph_ids'] = jnp.sort(jax.random.randint(ks[3], (N,), 0, B, dtype=jnp.int32))
    inp['group_ids'] = jax.random.randint(ks[4], (N,), 0, MAX_LEN, dtype=jnp.int32)
    inp['node_emb'] = jax.random.normal(ks[5], (NODE_VOCAB, HID), dtype=jnp.float32) * 0.02
    inp['edge_emb'] = jax.random.normal(ks[6], (EDGE_VOCAB, HID), dtype=jnp.float32) * 0.02
    inp['bn_w'] = jnp.ones((LAYERS, HID), dtype=jnp.float32)
    inp['bn_b'] = jnp.zeros((LAYERS, HID), dtype=jnp.float32)
    inp['lin_W'] = jax.random.normal(ks[7], (LAYERS, HID, HID), dtype=jnp.float32) * (1.0 / np.sqrt(HID))
    inp['lin_b'] = jnp.zeros((LAYERS, HID), dtype=jnp.float32)
    inp['beta'] = jnp.ones((LAYERS,), dtype=jnp.float32)
    inp['W_ih'] = jax.random.normal(ks[8], (2, HID, HID), dtype=jnp.float32) * (1.0 / np.sqrt(HID))
    inp['W_hh'] = jax.random.normal(ks[9], (2, HID, HID), dtype=jnp.float32) * (1.0 / np.sqrt(HID))
    inp['b_ih'] = jnp.zeros((2, HID), dtype=jnp.float32)
    inp['b_hh'] = jnp.zeros((2, HID), dtype=jnp.float32)
    inp['W_out'] = jax.random.normal(ks[10], (OUT, 2 * HID), dtype=jnp.float32) * (1.0 / np.sqrt(2 * HID))
    inp['b_out'] = jnp.zeros((OUT,), dtype=jnp.float32)
    return inp


def _segment_softmax(scores, seg, num):
    smax = jax.ops.segment_max(scores, seg, num_segments=num)
    ex = jnp.exp(scores - smax[seg])
    ssum = jax.ops.segment_sum(ex, seg, num_segments=num)
    return ex / (ssum[seg] + 1e-16)


def _forward(edge_index, node_cat, edge_cat, graph_ids, group_ids, node_emb, edge_emb, bn_w, bn_b, lin_W, lin_b, beta, W_ih, W_hh, b_ih, b_hh, W_out, b_out):
    src = edge_index[0]
    dst = edge_index[1]
    # node/edge categorical embeddings (single table each, summed over list)
    hv = node_emb[node_cat]
    he = edge_emb[edge_cat]
    for l in range(LAYERS):
        # BatchNorm1d (training-mode batch statistics), then ReLU, dropout p=0
        mu = hv.mean(axis=0)
        var = hv.var(axis=0)
        hv1 = (hv - mu) / jnp.sqrt(var + 1e-5) * bn_w[l] + bn_b[l]
        hv1 = jax.nn.relu(hv1)
        # GENConv: m = u_add_e, relu + eps, softmax aggregation over dst
        m = hv1[src] + he
        m = jax.nn.relu(m) + 1e-7
        a = _segment_softmax(m * beta[l], dst, N)
        agg = jax.ops.segment_sum(m * a, dst, num_segments=N)
        feats = hv1 + agg
        conv = feats @ lin_W[l].T + lin_b[l]  # mlp_layers=1 -> single Linear
        hv = conv + hv  # skip connect
    # sub_g_rnn_split: per (graph, group) mean pooling, padded to MAX_LEN
    comb = graph_ids * MAX_LEN + group_ids
    cnt = jax.ops.segment_sum(jnp.ones((N,), dtype=jnp.float32), comb, num_segments=B * MAX_LEN)
    gsum = jax.ops.segment_sum(hv, comb, num_segments=B * MAX_LEN)
    means = jnp.where(cnt[:, None] > 0, gsum / jnp.maximum(cnt, 1.0)[:, None], 0.0)
    rnn_input = means.reshape(B, MAX_LEN, HID)
    mask = (cnt > 0).reshape(B, MAX_LEN)

    def rnn_dir(x, Wih, Whh, bih, bhh, reverse):
        seq = x[:, ::-1, :] if reverse else x
        h = jnp.zeros((B, HID), dtype=jnp.float32)
        outs = []
        for t in range(MAX_LEN):
            h = jnp.tanh(seq[:, t, :] @ Wih.T + bih + h @ Whh.T + bhh)
            outs.append(h)
        o = jnp.stack(outs, axis=1)
        return o[:, ::-1, :] if reverse else o

    f = rnn_dir(rnn_input, W_ih[0], W_hh[0], b_ih[0], b_hh[0], False)
    b = rnn_dir(rnn_input, W_ih[1], W_hh[1], b_ih[1], b_hh[1], True)
    seq_output = (f + b) / 2.0
    masked = jnp.where(mask[:, :, None], seq_output, 0.0).sum(axis=1)
    gcnt = jax.ops.segment_sum(jnp.ones((N,), dtype=jnp.float32), graph_ids, num_segments=B)
    gpool = jax.ops.segment_sum(hv, graph_ids, num_segments=B) / jnp.maximum(gcnt, 1.0)[:, None]
    return jnp.concatenate([masked, gpool], axis=1) @ W_out.T + b_out


def reference(edge_index, node_cat, edge_cat, graph_ids, group_ids, node_emb, edge_emb, bn_w, bn_b, lin_W, lin_b, beta, W_ih, W_hh, b_ih, b_hh, W_out, b_out):
    return _forward(edge_index, node_cat, edge_cat, graph_ids, group_ids, node_emb, edge_emb, bn_w, bn_b, lin_W, lin_b, beta, W_ih, W_hh, b_ih, b_hh, W_out, b_out)

if __name__ == "__main__":
    import jax
    _d = setup_inputs()
    print(jax.jit(kernel)(*tuple(_d.values())))

</pallas_src>

<mosaic_0001>
#map = affine_map<(d0, d1) -> (0, 0)>
#map1 = affine_map<(d0, d1) -> (0, 0, 0)>
module attributes {stable_mosaic.version = 14 : i64} {
  func.func @gather_kernel(%arg0: i32, %arg1: i32, %arg2: memref<10000x128xf32, #tpu.memory_space<hbm>>, %arg3: memref<32x80x128xi32, #tpu.memory_space<hbm>>, %arg4: memref<327680x128xf32, #tpu.memory_space<hbm>>, %arg5: memref<80x128xi32, #tpu.memory_space<vmem>>, %arg6: memref<128x128xf32, #tpu.memory_space<vmem>>, %arg7: memref<128x128xf32, #tpu.memory_space<vmem>>, %arg8: memref<10000x128xf32, #tpu.memory_space<vmem_shared>>, %arg9: memref<!tpu.dma_semaphore, #tpu.memory_space<semaphore_mem>>, %arg10: memref<!tpu.dma_semaphore, #tpu.memory_space<semaphore_mem>>) attributes {dimension_semantics = [#tpu.dimension_semantics<core_parallel>, #tpu.dimension_semantics<subcore_parallel>], iteration_bounds = array<i64: 2, 16>, scalar_prefetch = 0 : i64, scratch_operands = 6 : i64, tpu.core_type = #tpu.core_type<sc_vector_subcore>, window_params = [{transform_indices = #map}, {transform_indices = #map1}, {transform_indices = #map}]} {
    %mul3A = arith.constant 16 : i32
    %mul3A_0 = arith.muli %arg0, %mul3A : i32
    %add3A = arith.addi %mul3A_0, %arg1 : i32
    "tpu.region"() ({
      %run_scoped3A = tpu.sem_alloc : memref<!tpu.dma_semaphore, #tpu.memory_space<semaphore_mem>>
      %dma_start3A_22 = arith.constant 0 : i32
      %dma_start3A_23 = arith.constant 0 : i32
      %dma_start3A_24 = tpu.memref_slice %arg3[%add3A, %dma_start3A_22, %dma_start3A_23] : memref<32x80x128xi32, #tpu.memory_space<hbm>> -> memref<1x80x128xi32, #tpu.memory_space<hbm>>
      %dma_start3A_25 = tpu.memref_squeeze %dma_start3A_24 : memref<1x80x128xi32, #tpu.memory_space<hbm>> -> memref<80x128xi32, #tpu.memory_space<hbm>>
      %dma_start3A_26 = arith.constant 0 : i32
      %dma_start3A_27 = arith.constant 0 : i32
      %dma_start3A_28 = tpu.memref_slice %arg3[%add3A, %dma_start3A_26, %dma_start3A_27] : memref<32x80x128xi32, #tpu.memory_space<hbm>> -> memref<1x80x128xi32, #tpu.memory_space<hbm>>
      %dma_start3A_29 = tpu.memref_squeeze %dma_start3A_28 : memref<1x80x128xi32, #tpu.memory_space<hbm>> -> memref<80x128xi32, #tpu.memory_space<hbm>>
      tpu.enqueue_dma source(%dma_start3A_29 : memref<80x128xi32, #tpu.memory_space<hbm>>) target(%arg5 : memref<80x128xi32, #tpu.memory_space<vmem>>) target_semaphore(%run_scoped3A : memref<!tpu.dma_semaphore, #tpu.memory_space<semaphore_mem>>)
      %dma_wait3A = arith.constant 0 : i32
      %dma_wait3A_30 = arith.constant 0 : i32
      %dma_wait3A_31 = tpu.memref_slice %arg3[%add3A, %dma_wait3A, %dma_wait3A_30] : memref<32x80x128xi32, #tpu.memory_space<hbm>> -> memref<1x80x128xi32, #tpu.memory_space<hbm>>
      %dma_wait3A_32 = tpu.memref_squeeze %dma_wait3A_31 : memref<1x80x128xi32, #tpu.memory_space<hbm>> -> memref<80x128xi32, #tpu.memory_space<hbm>>
      %dma_wait3A_33 = arith.constant 0 : i32
      %dma_wait3A_34 = arith.constant 0 : i32
      %dma_wait3A_35 = tpu.memref_slice %arg3[%add3A, %dma_wait3A_33, %dma_wait3A_34] : memref<32x80x128xi32, #tpu.memory_space<hbm>> -> memref<1x80x128xi32, #tpu.memory_space<hbm>>
      %dma_wait3A_36 = tpu.memref_squeeze %dma_wait3A_35 : memref<1x80x128xi32, #tpu.memory_space<hbm>> -> memref<80x128xi32, #tpu.memory_space<hbm>>
      tpu.wait_dma2 semaphore(%run_scoped3A : memref<!tpu.dma_semaphore, #tpu.memory_space<semaphore_mem>>) src(%dma_wait3A_36 : memref<80x128xi32, #tpu.memory_space<hbm>>) dst(%arg5 : memref<80x128xi32, #tpu.memory_space<vmem>>)
      tpu.yield
    }) : () -> ()
    %eq3A = arith.constant 0 : i32
    %eq3A_1 = arith.cmpi eq, %arg1, %eq3A : i32
    %convert_element_type3A = arith.extui %eq3A_1 : i1 to i32
    %cond3A = arith.constant 0 : i32
    %cond3A_2 = arith.cmpi ne, %convert_element_type3A, %cond3A : i32
    scf.if %cond3A_2 {
      "tpu.region"() ({
        %run_scoped3A = tpu.sem_alloc : memref<!tpu.dma_semaphore, #tpu.memory_space<semaphore_mem>>
        tpu.enqueue_dma source(%arg2 : memref<10000x128xf32, #tpu.memory_space<hbm>>) target(%arg8 : memref<10000x128xf32, #tpu.memory_space<vmem_shared>>) target_semaphore(%run_scoped3A : memref<!tpu.dma_semaphore, #tpu.memory_space<semaphore_mem>>)
        tpu.wait_dma2 semaphore(%run_scoped3A : memref<!tpu.dma_semaphore, #tpu.memory_space<semaphore_mem>>) src(%arg2 : memref<10000x128xf32, #tpu.memory_space<hbm>>) dst(%arg8 : memref<10000x128xf32, #tpu.memory_space<vmem_shared>>)
        tpu.yield
      }) : () -> ()
    } else {
    }
    %barrier3A = arith.constant 0 : index
    tpu.barrier barrier_id(%barrier3A)
    %mul3A_3 = arith.constant 10240 : i32
    %mul3A_4 = arith.muli %add3A, %mul3A_3 : i32
    %dma_start3A = arith.constant 0 : i32
    %dma_start3A_5 = arith.constant 0 : i32
    %dma_start3A_6 = tpu.memref_slice %arg5[%dma_start3A, %dma_start3A_5] : memref<80x128xi32, #tpu.memory_space<vmem>> -> memref<1x128xi32, #tpu.memory_space<vmem>>
    %dma_start3A_7 = tpu.memref_squeeze %dma_start3A_6 : memref<1x128xi32, #tpu.memory_space<vmem>> -> memref<128xi32, #tpu.memory_space<vmem>>
    %dma_start3A_8 = arith.constant 0 : i32
    %dma_start3A_9 = arith.constant 0 : i32
    %dma_start3A_10 = tpu.memref_slice %arg8[%dma_start3A_8, %dma_start3A_9] : memref<10000x128xf32, #tpu.memory_space<vmem_shared>> -> memref<10000x128xf32, #tpu.memory_space<vmem_shared>>
    tpu.enqueue_indirect_dma source(%dma_start3A_10 : memref<10000x128xf32, #tpu.memory_space<vmem_shared>>) target(%arg6 : memref<128x128xf32, #tpu.memory_space<vmem>>) offsets(%dma_start3A_7 : memref<128xi32, #tpu.memory_space<vmem>>) semaphore(%arg9 : memref<!tpu.dma_semaphore, #tpu.memory_space<semaphore_mem>>)
    %dma_start3A_11 = arith.constant 1 : i32
    %dma_start3A_12 = arith.constant 0 : i32
    %dma_start3A_13 = tpu.memref_slice %arg5[%dma_start3A_11, %dma_start3A_12] : memref<80x128xi32, #tpu.memory_space<vmem>> -> memref<1x128xi32, #tpu.memory_space<vmem>>
    %dma_start3A_14 = tpu.memref_squeeze %dma_start3A_13 : memref<1x128xi32, #tpu.memory_space<vmem>> -> memref<128xi32, #tpu.memory_space<vmem>>
    %dma_start3A_15 = arith.constant 0 : i32
    %dma_start3A_16 = arith.constant 0 : i32
    %dma_start3A_17 = tpu.memref_slice %arg8[%dma_start3A_15, %dma_start3A_16] : memref<10000x128xf32, #tpu.memory_space<vmem_shared>> -> memref<10000x128xf32, #tpu.memory_space<vmem_shared>>
    tpu.enqueue_indirect_dma source(%dma_start3A_17 : memref<10000x128xf32, #tpu.memory_space<vmem_shared>>) target(%arg7 : memref<128x128xf32, #tpu.memory_space<vmem>>) offsets(%dma_start3A_14 : memref<128xi32, #tpu.memory_space<vmem>>) semaphore(%arg10 : memref<!tpu.dma_semaphore, #tpu.memory_space<semaphore_mem>>)
    %scan3A = arith.constant 0 : i32
    %scan3A_18 = arith.constant 40 : i32
    %scan3A_19 = arith.addi %scan3A, %scan3A_18 : i32
    %scan3A_20 = arith.constant 1 : i32
    scf.for %scan3A_22 = %scan3A to %scan3A_19 step %scan3A_20  : i32 {
      %mul3A_23 = arith.constant 2 : i32
      %mul3A_24 = arith.muli %scan3A_22, %mul3A_23 : i32
      %add3A_25 = arith.constant 0 : i32
      %add3A_26 = arith.addi %add3A_25, %mul3A_24 : i32
      %dma_wait3A = arith.constant 0 : i32
      %dma_wait3A_27 = arith.constant 0 : i32
      %dma_wait3A_28 = tpu.memref_slice %arg5[%dma_wait3A, %dma_wait3A_27] : memref<80x128xi32, #tpu.memory_space<vmem>> -> memref<1x128xi32, #tpu.memory_space<vmem>>
      %dma_wait3A_29 = tpu.memref_squeeze %dma_wait3A_28 : memref<1x128xi32, #tpu.memory_space<vmem>> -> memref<128xi32, #tpu.memory_space<vmem>>
      %dma_wait3A_30 = arith.constant 0 : i32
      %dma_wait3A_31 = arith.constant 0 : i32
      %dma_wait3A_32 = tpu.memref_slice %arg8[%dma_wait3A_30, %dma_wait3A_31] : memref<10000x128xf32, #tpu.memory_space<vmem_shared>> -> memref<10000x128xf32, #tpu.memory_space<vmem_shared>>
      tpu.wait_indirect_dma semaphore(%arg9 : memref<!tpu.dma_semaphore, #tpu.memory_space<semaphore_mem>>) src(%dma_wait3A_32 : memref<10000x128xf32, #tpu.memory_space<vmem_shared>>) dst(%arg6 : memref<128x128xf32, #tpu.memory_space<vmem>>)
      %add3A_33 = arith.constant 0 : i32
      %add3A_34 = arith.addi %add3A_26, %add3A_33 : i32
      %mul3A_35 = arith.constant 128 : i32
      %mul3A_36 = arith.muli %add3A_34, %mul3A_35 : i32
      %add3A_37 = arith.addi %mul3A_4, %mul3A_36 : i32
      "tpu.region"() ({
        %run_scoped3A = tpu.sem_alloc : memref<!tpu.dma_semaphore, #tpu.memory_space<semaphore_mem>>
        %dma_start3A_67 = arith.constant 0 : i32
        %dma_start3A_68 = tpu.memref_slice %arg4[%add3A_37, %dma_start3A_67] : memref<327680x128xf32, #tpu.memory_space<hbm>> -> memref<128x128xf32, #tpu.memory_space<hbm>>
        %dma_start3A_69 = arith.constant 0 : i32
        %dma_start3A_70 = tpu.memref_slice %arg4[%add3A_37, %dma_start3A_69] : memref<327680x128xf32, #tpu.memory_space<hbm>> -> memref<128x128xf32, #tpu.memory_space<hbm>>
        tpu.enqueue_dma source(%arg6 : memref<128x128xf32, #tpu.memory_space<vmem>>) target(%dma_start3A_70 : memref<128x128xf32, #tpu.memory_space<hbm>>) target_semaphore(%run_scoped3A : memref<!tpu.dma_semaphore, #tpu.memory_space<semaphore_mem>>)
        %dma_wait3A_71 = arith.constant 0 : i32
        %dma_wait3A_72 = tpu.memref_slice %arg4[%add3A_37, %dma_wait3A_71] : memref<327680x128xf32, #tpu.memory_space<hbm>> -> memref<128x128xf32, #tpu.memory_space<hbm>>
        %dma_wait3A_73 = arith.constant 0 : i32
        %dma_wait3A_74 = tpu.memref_slice %arg4[%add3A_37, %dma_wait3A_73] : memref<327680x128xf32, #tpu.memory_space<hbm>> -> memref<128x128xf32, #tpu.memory_space<hbm>>
        tpu.wait_dma2 semaphore(%run_scoped3A : memref<!tpu.dma_semaphore, #tpu.memory_space<semaphore_mem>>) src(%arg6 : memref<128x128xf32, #tpu.memory_space<vmem>>) dst(%dma_wait3A_74 : memref<128x128xf32, #tpu.memory_space<hbm>>)
        tpu.yield
      }) : () -> ()
      %add3A_38 = arith.constant 0 : i32
      %add3A_39 = arith.addi %add3A_26, %add3A_38 : i32
      %add3A_40 = arith.constant 2 : i32
      %add3A_41 = arith.addi %add3A_39, %add3A_40 : i32
      %lt3A = arith.constant 80 : i32
      %lt3A_42 = arith.cmpi slt, %add3A_41, %lt3A : i32
      %convert_element_type3A_43 = arith.extui %lt3A_42 : i1 to i32
      %cond3A_44 = arith.constant 0 : i32
      %cond3A_45 = arith.cmpi ne, %convert_element_type3A_43, %cond3A_44 : i32
      scf.if %cond3A_45 {
        %add3A_67 = arith.constant 0 : i32
        %add3A_68 = arith.addi %add3A_26, %add3A_67 : i32
        %add3A_69 = arith.constant 2 : i32
        %add3A_70 = arith.addi %add3A_68, %add3A_69 : i32
        %dma_start3A_71 = arith.constant 0 : i32
        %dma_start3A_72 = tpu.memref_slice %arg5[%add3A_70, %dma_start3A_71] : memref<80x128xi32, #tpu.memory_space<vmem>> -> memref<1x128xi32, #tpu.memory_space<vmem>>
        %dma_start3A_73 = tpu.memref_squeeze %dma_start3A_72 : memref<1x128xi32, #tpu.memory_space<vmem>> -> memref<128xi32, #tpu.memory_space<vmem>>
        %dma_start3A_74 = arith.constant 0 : i32
        %dma_start3A_75 = arith.constant 0 : i32
        %dma_start3A_76 = tpu.memref_slice %arg8[%dma_start3A_74, %dma_start3A_75] : memref<10000x128xf32, #tpu.memory_space<vmem_shared>> -> memref<10000x128xf32, #tpu.memory_space<vmem_shared>>
        tpu.enqueue_indirect_dma source(%dma_start3A_76 : memref<10000x128xf32, #tpu.memory_space<vmem_shared>>) target(%arg6 : memref<128x128xf32, #tpu.memory_space<vmem>>) offsets(%dma_start3A_73 : memref<128xi32, #tpu.memory_space<vmem>>) semaphore(%arg9 : memref<!tpu.dma_semaphore, #tpu.memory_space<semaphore_mem>>)
      } else {
      }
      %dma_wait3A_46 = arith.constant 0 : i32
      %dma_wait3A_47 = arith.constant 0 : i32
      %dma_wait3A_48 = tpu.memref_slice %arg5[%dma_wait3A_46, %dma_wait3A_47] : memref<80x128xi32, #tpu.memory_space<vmem>> -> memref<1x128xi32, #tpu.memory_space<vmem>>
      %dma_wait3A_49 = tpu.memref_squeeze %dma_wait3A_48 : memref<1x128xi32, #tpu.memory_space<vmem>> -> memref<128xi32, #tpu.memory_space<vmem>>
      %dma_wait3A_50 = arith.constant 0 : i32
      %dma_wait3A_51 = arith.constant 0 : i32
      %dma_wait3A_52 = tpu.memref_slice %arg8[%dma_wait3A_50, %dma_wait3A_51] : memref<10000x128xf32, #tpu.memory_space<vmem_shared>> -> memref<10000x128xf32, #tpu.memory_space<vmem_shared>>
      tpu.wait_indirect_dma semaphore(%arg10 : memref<!tpu.dma_semaphore, #tpu.memory_space<semaphore_mem>>) src(%dma_wait3A_52 : memref<10000x128xf32, #tpu.memory_space<vmem_shared>>) dst(%arg7 : memref<128x128xf32, #tpu.memory_space<vmem>>)
      %add3A_53 = arith.constant 1 : i32
      %add3A_54 = arith.addi %add3A_26, %add3A_53 : i32
      %mul3A_55 = arith.constant 128 : i32
      %mul3A_56 = arith.muli %add3A_54, %mul3A_55 : i32
      %add3A_57 = arith.addi %mul3A_4, %mul3A_56 : i32
      "tpu.region"() ({
        %run_scoped3A = tpu.sem_alloc : memref<!tpu.dma_semaphore, #tpu.memory_space<semaphore_mem>>
        %dma_start3A_67 = arith.constant 0 : i32
        %dma_start3A_68 = tpu.memref_slice %arg4[%add3A_57, %dma_start3A_67] : memref<327680x128xf32, #tpu.memory_space<hbm>> -> memref<128x128xf32, #tpu.memory_space<hbm>>
        %dma_start3A_69 = arith.constant 0 : i32
        %dma_start3A_70 = tpu.memref_slice %arg4[%add3A_57, %dma_start3A_69] : memref<327680x128xf32, #tpu.memory_space<hbm>> -> memref<128x128xf32, #tpu.memory_space<hbm>>
        tpu.enqueue_dma source(%arg7 : memref<128x128xf32, #tpu.memory_space<vmem>>) target(%dma_start3A_70 : memref<128x128xf32, #tpu.memory_space<hbm>>) target_semaphore(%run_scoped3A : memref<!tpu.dma_semaphore, #tpu.memory_space<semaphore_mem>>)
        %dma_wait3A_71 = arith.constant 0 : i32
        %dma_wait3A_72 = tpu.memref_slice %arg4[%add3A_57, %dma_wait3A_71] : memref<327680x128xf32, #tpu.memory_space<hbm>> -> memref<128x128xf32, #tpu.memory_space<hbm>>
        %dma_wait3A_73 = arith.constant 0 : i32
        %dma_wait3A_74 = tpu.memref_slice %arg4[%add3A_57, %dma_wait3A_73] : memref<327680x128xf32, #tpu.memory_space<hbm>> -> memref<128x128xf32, #tpu.memory_space<hbm>>
        tpu.wait_dma2 semaphore(%run_scoped3A : memref<!tpu.dma_semaphore, #tpu.memory_space<semaphore_mem>>) src(%arg7 : memref<128x128xf32, #tpu.memory_space<vmem>>) dst(%dma_wait3A_74 : memref<128x128xf32, #tpu.memory_space<hbm>>)
        tpu.yield
      }) : () -> ()
      %add3A_58 = arith.constant 1 : i32
      %add3A_59 = arith.addi %add3A_26, %add3A_58 : i32
      %add3A_60 = arith.constant 2 : i32
      %add3A_61 = arith.addi %add3A_59, %add3A_60 : i32
      %lt3A_62 = arith.constant 80 : i32
      %lt3A_63 = arith.cmpi slt, %add3A_61, %lt3A_62 : i32
      %convert_element_type3A_64 = arith.extui %lt3A_63 : i1 to i32
      %cond3A_65 = arith.constant 0 : i32
      %cond3A_66 = arith.cmpi ne, %convert_element_type3A_64, %cond3A_65 : i32
      scf.if %cond3A_66 {
        %add3A_67 = arith.constant 1 : i32
        %add3A_68 = arith.addi %add3A_26, %add3A_67 : i32
        %add3A_69 = arith.constant 2 : i32
        %add3A_70 = arith.addi %add3A_68, %add3A_69 : i32
        %dma_start3A_71 = arith.constant 0 : i32
        %dma_start3A_72 = tpu.memref_slice %arg5[%add3A_70, %dma_start3A_71] : memref<80x128xi32, #tpu.memory_space<vmem>> -> memref<1x128xi32, #tpu.memory_space<vmem>>
        %dma_start3A_73 = tpu.memref_squeeze %dma_start3A_72 : memref<1x128xi32, #tpu.memory_space<vmem>> -> memref<128xi32, #tpu.memory_space<vmem>>
        %dma_start3A_74 = arith.constant 0 : i32
        %dma_start3A_75 = arith.constant 0 : i32
        %dma_start3A_76 = tpu.memref_slice %arg8[%dma_start3A_74, %dma_start3A_75] : memref<10000x128xf32, #tpu.memory_space<vmem_shared>> -> memref<10000x128xf32, #tpu.memory_space<vmem_shared>>
        tpu.enqueue_indirect_dma source(%dma_start3A_76 : memref<10000x128xf32, #tpu.memory_space<vmem_shared>>) target(%arg7 : memref<128x128xf32, #tpu.memory_space<vmem>>) offsets(%dma_start3A_73 : memref<128xi32, #tpu.memory_space<vmem>>) semaphore(%arg10 : memref<!tpu.dma_semaphore, #tpu.memory_space<semaphore_mem>>)
      } else {
      }
    }
    %scan3A_21 = arith.constant 40 : i32
    return
  }
}

#map = affine_map<(d0, d1) -> (0)>
module attributes {stable_mosaic.version = 14 : i64} {
  func.func @pidx_kernel(%arg0: i32, %arg1: i32, %arg2: memref<10000xi32, #tpu.memory_space<hbm>>, %arg3: memref<327680xi32, #tpu.memory_space<hbm>>, %arg4: memref<327680xi32, #tpu.memory_space<hbm>>, %arg5: memref<327680xi32, #tpu.memory_space<hbm>>, %arg6: memref<10000xi32, #tpu.memory_space<vmem>>, %arg7: memref<10240xi32, #tpu.memory_space<vmem>>, %arg8: memref<10240xi32, #tpu.memory_space<vmem>>, %arg9: memref<10240xi32, #tpu.memory_space<vmem>>) attributes {dimension_semantics = [#tpu.dimension_semantics<core_parallel>, #tpu.dimension_semantics<subcore_parallel>], iteration_bounds = array<i64: 2, 16>, scalar_prefetch = 0 : i64, scratch_operands = 4 : i64, tpu.core_type = #tpu.core_type<sc_vector_subcore>, window_params = [{transform_indices = #map}, {transform_indices = #map}, {transform_indices = #map}, {transform_indices = #map}]} {
    %mul3A = arith.constant 16 : i32
    %mul3A_0 = arith.muli %arg0, %mul3A : i32
    %add3A = arith.addi %mul3A_0, %arg1 : i32
    %mul3A_1 = arith.constant 10240 : i32
    %mul3A_2 = arith.muli %add3A, %mul3A_1 : i32
    "tpu.region"() ({
      %run_scoped3A = tpu.sem_alloc : memref<!tpu.dma_semaphore, #tpu.memory_space<semaphore_mem>>
      tpu.enqueue_dma source(%arg2 : memref<10000xi32, #tpu.memory_space<hbm>>) target(%arg6 : memref<10000xi32, #tpu.memory_space<vmem>>) target_semaphore(%run_scoped3A : memref<!tpu.dma_semaphore, #tpu.memory_space<semaphore_mem>>)
      tpu.wait_dma2 semaphore(%run_scoped3A : memref<!tpu.dma_semaphore, #tpu.memory_space<semaphore_mem>>) src(%arg2 : memref<10000xi32, #tpu.memory_space<hbm>>) dst(%arg6 : memref<10000xi32, #tpu.memory_space<vmem>>)
      tpu.yield
    }) : () -> ()
    "tpu.region"() ({
      %run_scoped3A = tpu.sem_alloc : memref<!tpu.dma_semaphore, #tpu.memory_space<semaphore_mem>>
      %dma_start3A = tpu.memref_slice %arg3[%mul3A_2] : memref<327680xi32, #tpu.memory_space<hbm>> -> memref<10240xi32, #tpu.memory_space<hbm>>
      %dma_start3A_7 = tpu.memref_slice %arg3[%mul3A_2] : memref<327680xi32, #tpu.memory_space<hbm>> -> memref<10240xi32, #tpu.memory_space<hbm>>
      tpu.enqueue_dma source(%dma_start3A_7 : memref<10240xi32, #tpu.memory_space<hbm>>) target(%arg7 : memref<10240xi32, #tpu.memory_space<vmem>>) target_semaphore(%run_scoped3A : memref<!tpu.dma_semaphore, #tpu.memory_space<semaphore_mem>>)
      %dma_wait3A = tpu.memref_slice %arg3[%mul3A_2] : memref<327680xi32, #tpu.memory_space<hbm>> -> memref<10240xi32, #tpu.memory_space<hbm>>
      %dma_wait3A_8 = tpu.memref_slice %arg3[%mul3A_2] : memref<327680xi32, #tpu.memory_space<hbm>> -> memref<10240xi32, #tpu.memory_space<hbm>>
      tpu.wait_dma2 semaphore(%run_scoped3A : memref<!tpu.dma_semaphore, #tpu.memory_space<semaphore_mem>>) src(%dma_wait3A_8 : memref<10240xi32, #tpu.memory_space<hbm>>) dst(%arg7 : memref<10240xi32, #tpu.memory_space<vmem>>)
      tpu.yield
    }) : () -> ()
    "tpu.region"() ({
      %run_scoped3A = tpu.sem_alloc : memref<!tpu.dma_semaphore, #tpu.memory_space<semaphore_mem>>
      %dma_start3A = tpu.memref_slice %arg4[%mul3A_2] : memref<327680xi32, #tpu.memory_space<hbm>> -> memref<10240xi32, #tpu.memory_space<hbm>>
      %dma_start3A_7 = tpu.memref_slice %arg4[%mul3A_2] : memref<327680xi32, #tpu.memory_space<hbm>> -> memref<10240xi32, #tpu.memory_space<hbm>>
      tpu.enqueue_dma source(%dma_start3A_7 : memref<10240xi32, #tpu.memory_space<hbm>>) target(%arg8 : memref<10240xi32, #tpu.memory_space<vmem>>) target_semaphore(%run_scoped3A : memref<!tpu.dma_semaphore, #tpu.memory_space<semaphore_mem>>)
      %dma_wait3A = tpu.memref_slice %arg4[%mul3A_2] : memref<327680xi32, #tpu.memory_space<hbm>> -> memref<10240xi32, #tpu.memory_space<hbm>>
      %dma_wait3A_8 = tpu.memref_slice %arg4[%mul3A_2] : memref<327680xi32, #tpu.memory_space<hbm>> -> memref<10240xi32, #tpu.memory_space<hbm>>
      tpu.wait_dma2 semaphore(%run_scoped3A : memref<!tpu.dma_semaphore, #tpu.memory_space<semaphore_mem>>) src(%dma_wait3A_8 : memref<10240xi32, #tpu.memory_space<hbm>>) dst(%arg8 : memref<10240xi32, #tpu.memory_space<vmem>>)
      tpu.yield
    }) : () -> ()
    %scan3A = arith.constant 0 : i32
    %scan3A_3 = arith.constant 640 : i32
    %scan3A_4 = arith.addi %scan3A, %scan3A_3 : i32
    %scan3A_5 = arith.constant 1 : i32
    scf.for %scan3A_7 = %scan3A to %scan3A_4 step %scan3A_5  : i32 {
      %mul3A_8 = arith.constant 16 : i32
      %mul3A_9 = arith.muli %scan3A_7, %mul3A_8 : i32
      %add3A_10 = arith.constant 0 : i32
      %add3A_11 = arith.addi %add3A_10, %mul3A_9 : i32
      %get3A = arith.index_cast %add3A_11 : i32 to index
      %get3A_12 = tpu.vector_load %arg7[%get3A] {strides = array<i32>} : memref<10240xi32, #tpu.memory_space<vmem>>, vector<16xi32>,
      %gather3A = tpu.vector_load_idx %arg6[%get3A_12] : memref<10000xi32, #tpu.memory_space<vmem>>[vector<16xi32>], vector<16xi32>,
      %mul3A_13 = arith.constant 16 : i32
      %mul3A_14 = vector.broadcast %mul3A_13 : i32 to vector<16xi32>
      %mul3A_15 = arith.muli %gather3A, %mul3A_14 : vector<16xi32>
      %get3A_16 = arith.index_cast %add3A_11 : i32 to index
      %get3A_17 = tpu.vector_load %arg8[%get3A_16] {strides = array<i32>} : memref<10240xi32, #tpu.memory_space<vmem>>, vector<16xi32>,
      %add3A_18 = arith.addi %mul3A_15, %get3A_17 : vector<16xi32>
      %swap3A = arith.index_cast %add3A_11 : i32 to index
      %swap3A_19 = tpu.vector_load %arg9[%swap3A] {strides = array<i32>} : memref<10240xi32, #tpu.memory_space<vmem>>, vector<16xi32>,
      tpu.vector_store %arg9[%swap3A], %add3A_18 {strides = array<i32>} : memref<10240xi32, #tpu.memory_space<vmem>>, vector<16xi32>,
    }
    %scan3A_6 = arith.constant 640 : i32
    "tpu.region"() ({
      %run_scoped3A = tpu.sem_alloc : memref<!tpu.dma_semaphore, #tpu.memory_space<semaphore_mem>>
      %dma_start3A = tpu.memref_slice %arg5[%mul3A_2] : memref<327680xi32, #tpu.memory_space<hbm>> -> memref<10240xi32, #tpu.memory_space<hbm>>
      %dma_start3A_7 = tpu.memref_slice %arg5[%mul3A_2] : memref<327680xi32, #tpu.memory_space<hbm>> -> memref<10240xi32, #tpu.memory_space<hbm>>
      tpu.enqueue_dma source(%arg9 : memref<10240xi32, #tpu.memory_space<vmem>>) target(%dma_start3A_7 : memref<10240xi32, #tpu.memory_space<hbm>>) target_semaphore(%run_scoped3A : memref<!tpu.dma_semaphore, #tpu.memory_space<semaphore_mem>>)
      %dma_wait3A = tpu.memref_slice %arg5[%mul3A_2] : memref<327680xi32, #tpu.memory_space<hbm>> -> memref<10240xi32, #tpu.memory_space<hbm>>
      %dma_wait3A_8 = tpu.memref_slice %arg5[%mul3A_2] : memref<327680xi32, #tpu.memory_space<hbm>> -> memref<10240xi32, #tpu.memory_space<hbm>>
      tpu.wait_dma2 semaphore(%run_scoped3A : memref<!tpu.dma_semaphore, #tpu.memory_space<semaphore_mem>>) src(%arg9 : memref<10240xi32, #tpu.memory_space<vmem>>) dst(%dma_wait3A_8 : memref<10240xi32, #tpu.memory_space<hbm>>)
      tpu.yield
    }) : () -> ()
    return
  }
}

#map = affine_map<(d0, d1) -> (0, 0)>
#map1 = affine_map<(d0, d1) -> (0)>
#map2 = affine_map<(d0, d1) -> (0, 0, 0)>
module attributes {stable_mosaic.version = 14 : i64} {
  func.func @scatter_kernel(%arg0: i32, %arg1: i32, %arg2: memref<1600x128xf32, #tpu.memory_space<hbm>>, %arg3: memref<1600x128xf32, #tpu.memory_space<hbm>>, %arg4: memref<327680xi32, #tpu.memory_space<hbm>>, %arg5: memref<327680xi32, #tpu.memory_space<hbm>>, %arg6: memref<10016x128xf32, #tpu.memory_space<hbm>>, %arg7: memref<2x10000x128xf32, #tpu.memory_space<hbm>>, %arg8: memref<2x10000x128xf32, #tpu.memory_space<hbm>>, %arg9: memref<128xi32, #tpu.memory_space<vmem>>, %arg10: memref<128xi32, #tpu.memory_space<vmem>>, %arg11: memref<128xi32, #tpu.memory_space<vmem>>, %arg12: memref<128xi32, #tpu.memory_space<vmem>>, %arg13: memref<128xi32, #tpu.memory_space<vmem>>, %arg14: memref<128xi32, #tpu.memory_space<vmem>>, %arg15: memref<128xi32, #tpu.memory_space<vmem>>, %arg16: memref<128xi32, #tpu.memory_space<vmem>>, %arg17: memref<128x128xf32, #tpu.memory_space<vmem>>, %arg18: memref<128x128xf32, #tpu.memory_space<vmem>>, %arg19: memref<10016x128xf32, #tpu.memory_space<vmem_shared>>, %arg20: memref<1600x128xf32, #tpu.memory_space<vmem_shared>>, %arg21: memref<!tpu.dma_semaphore, #tpu.memory_space<semaphore_mem>>, %arg22: memref<!tpu.dma_semaphore, #tpu.memory_space<semaphore_mem>>, %arg23: memref<!tpu.dma_semaphore, #tpu.memory_space<semaphore_mem>>, %arg24: memref<!tpu.dma_semaphore, #tpu.memory_space<semaphore_mem>>, %arg25: memref<!tpu.dma_semaphore, #tpu.memory_space<semaphore_mem>>, %arg26: memref<!tpu.dma_semaphore, #tpu.memory_space<semaphore_mem>>) attributes {dimension_semantics = [#tpu.dimension_semantics<core_parallel>, #tpu.dimension_semantics<subcore_parallel>], iteration_bounds = array<i64: 2, 16>, scalar_prefetch = 0 : i64, scratch_operands = 18 : i64, tpu.core_type = #tpu.core_type<sc_vector_subcore>, window_params = [{transform_indices = #map}, {transform_indices = #map}, {transform_indices = #map1}, {transform_indices = #map1}, {transform_indices = #map}, {transform_indices = #map2}, {transform_indices = #map2}]} {
    %mul3A = arith.constant 16 : i32
    %mul3A_0 = arith.muli %arg0, %mul3A : i32
    %add3A = arith.addi %mul3A_0, %arg1 : i32
    %mul3A_1 = arith.constant 10240 : i32
    %mul3A_2 = arith.muli %add3A, %mul3A_1 : i32
    %eq3A = arith.constant 0 : i32
    %eq3A_3 = arith.cmpi eq, %arg1, %eq3A : i32
    %convert_element_type3A = arith.extui %eq3A_3 : i1 to i32
    %cond3A = arith.constant 0 : i32
    %cond3A_4 = arith.cmpi ne, %convert_element_type3A, %cond3A : i32
    scf.if %cond3A_4 {
      "tpu.region"() ({
        %run_scoped3A = tpu.sem_alloc : memref<!tpu.dma_semaphore, #tpu.memory_space<semaphore_mem>>
        tpu.enqueue_dma source(%arg6 : memref<10016x128xf32, #tpu.memory_space<hbm>>) target(%arg19 : memref<10016x128xf32, #tpu.memory_space<vmem_shared>>) target_semaphore(%run_scoped3A : memref<!tpu.dma_semaphore, #tpu.memory_space<semaphore_mem>>)
        tpu.wait_dma2 semaphore(%run_scoped3A : memref<!tpu.dma_semaphore, #tpu.memory_space<semaphore_mem>>) src(%arg6 : memref<10016x128xf32, #tpu.memory_space<hbm>>) dst(%arg19 : memref<10016x128xf32, #tpu.memory_space<vmem_shared>>)
        tpu.yield
      }) : () -> ()
    } else {
    }
    %eq3A_5 = arith.constant 1 : i32
    %eq3A_6 = arith.cmpi eq, %arg1, %eq3A_5 : i32
    %convert_element_type3A_7 = arith.extui %eq3A_6 : i1 to i32
    %cond3A_8 = arith.constant 0 : i32
    %cond3A_9 = arith.cmpi ne, %convert_element_type3A_7, %cond3A_8 : i32
    scf.if %cond3A_9 {
      "tpu.region"() ({
        %run_scoped3A = tpu.sem_alloc : memref<!tpu.dma_semaphore, #tpu.memory_space<semaphore_mem>>
        tpu.enqueue_dma source(%arg2 : memref<1600x128xf32, #tpu.memory_space<hbm>>) target(%arg20 : memref<1600x128xf32, #tpu.memory_space<vmem_shared>>) target_semaphore(%run_scoped3A : memref<!tpu.dma_semaphore, #tpu.memory_space<semaphore_mem>>)
        tpu.wait_dma2 semaphore(%run_scoped3A : memref<!tpu.dma_semaphore, #tpu.memory_space<semaphore_mem>>) src(%arg2 : memref<1600x128xf32, #tpu.memory_space<hbm>>) dst(%arg20 : memref<1600x128xf32, #tpu.memory_space<vmem_shared>>)
        tpu.yield
      }) : () -> ()
    } else {
    }
    %barrier3A = arith.constant 0 : index
    tpu.barrier barrier_id(%barrier3A)
    %add3A_10 = arith.constant 0 : i32
    %add3A_11 = arith.addi %mul3A_2, %add3A_10 : i32
    %dma_start3A = tpu.memref_slice %arg4[%add3A_11] : memref<327680xi32, #tpu.memory_space<hbm>> -> memref<128xi32, #tpu.memory_space<hbm>>
    %dma_start3A_12 = tpu.memref_slice %arg4[%add3A_11] : memref<327680xi32, #tpu.memory_space<hbm>> -> memref<128xi32, #tpu.memory_space<hbm>>
    tpu.enqueue_dma source(%dma_start3A_12 : memref<128xi32, #tpu.memory_space<hbm>>) target(%arg9 : memref<128xi32, #tpu.memory_space<vmem>>) target_semaphore(%arg21 : memref<!tpu.dma_semaphore, #tpu.memory_space<semaphore_mem>>)
    %add3A_13 = arith.constant 0 : i32
    %add3A_14 = arith.addi %mul3A_2, %add3A_13 : i32
    %dma_start3A_15 = tpu.memref_slice %arg5[%add3A_14] : memref<327680xi32, #tpu.memory_space<hbm>> -> memref<128xi32, #tpu.memory_space<hbm>>
    %dma_start3A_16 = tpu.memref_slice %arg5[%add3A_14] : memref<327680xi32, #tpu.memory_space<hbm>> -> memref<128xi32, #tpu.memory_space<hbm>>
    tpu.enqueue_dma source(%dma_start3A_16 : memref<128xi32, #tpu.memory_space<hbm>>) target(%arg10 : memref<128xi32, #tpu.memory_space<vmem>>) target_semaphore(%arg21 : memref<!tpu.dma_semaphore, #tpu.memory_space<semaphore_mem>>)
    %add3A_17 = arith.constant 128 : i32
    %add3A_18 = arith.addi %mul3A_2, %add3A_17 : i32
    %dma_start3A_19 = tpu.memref_slice %arg4[%add3A_18] : memref<327680xi32, #tpu.memory_space<hbm>> -> memref<128xi32, #tpu.memory_space<hbm>>
    %dma_start3A_20 = tpu.memref_slice %arg4[%add3A_18] : memref<327680xi32, #tpu.memory_space<hbm>> -> memref<128xi32, #tpu.memory_space<hbm>>
    tpu.enqueue_dma source(%dma_start3A_20 : memref<128xi32, #tpu.memory_space<hbm>>) target(%arg11 : memref<128xi32, #tpu.memory_space<vmem>>) target_semaphore(%arg22 : memref<!tpu.dma_semaphore, #tpu.memory_space<semaphore_mem>>)
    %add3A_21 = arith.constant 128 : i32
    %add3A_22 = arith.addi %mul3A_2, %add3A_21 : i32
    %dma_start3A_23 = tpu.memref_slice %arg5[%add3A_22] : memref<327680xi32, #tpu.memory_space<hbm>> -> memref<128xi32, #tpu.memory_space<hbm>>
    %dma_start3A_24 = tpu.memref_slice %arg5[%add3A_22] : memref<327680xi32, #tpu.memory_space<hbm>> -> memref<128xi32, #tpu.memory_space<hbm>>
    tpu.enqueue_dma source(%dma_start3A_24 : memref<128xi32, #tpu.memory_space<hbm>>) target(%arg12 : memref<128xi32, #tpu.memory_space<vmem>>) target_semaphore(%arg22 : memref<!tpu.dma_semaphore, #tpu.memory_space<semaphore_mem>>)
    %add3A_25 = arith.constant 256 : i32
    %add3A_26 = arith.addi %mul3A_2, %add3A_25 : i32
    %dma_start3A_27 = tpu.memref_slice %arg4[%add3A_26] : memref<327680xi32, #tpu.memory_space<hbm>> -> memref<128xi32, #tpu.memory_space<hbm>>
    %dma_start3A_28 = tpu.memref_slice %arg4[%add3A_26] : memref<327680xi32, #tpu.memory_space<hbm>> -> memref<128xi32, #tpu.memory_space<hbm>>
    tpu.enqueue_dma source(%dma_start3A_28 : memref<128xi32, #tpu.memory_space<hbm>>) target(%arg13 : memref<128xi32, #tpu.memory_space<vmem>>) target_semaphore(%arg23 : memref<!tpu.dma_semaphore, #tpu.memory_space<semaphore_mem>>)
    %add3A_29 = arith.constant 256 : i32
    %add3A_30 = arith.addi %mul3A_2, %add3A_29 : i32
    %dma_start3A_31 = tpu.memref_slice %arg5[%add3A_30] : memref<327680xi32, #tpu.memory_space<hbm>> -> memref<128xi32, #tpu.memory_space<hbm>>
    %dma_start3A_32 = tpu.memref_slice %arg5[%add3A_30] : memref<327680xi32, #tpu.memory_space<hbm>> -> memref<128xi32, #tpu.memory_space<hbm>>
    tpu.enqueue_dma source(%dma_start3A_32 : memref<128xi32, #tpu.memory_space<hbm>>) target(%arg14 : memref<128xi32, #tpu.memory_space<vmem>>) target_semaphore(%arg23 : memref<!tpu.dma_semaphore, #tpu.memory_space<semaphore_mem>>)
    %add3A_33 = arith.constant 384 : i32
    %add3A_34 = arith.addi %mul3A_2, %add3A_33 : i32
    %dma_start3A_35 = tpu.memref_slice %arg4[%add3A_34] : memref<327680xi32, #tpu.memory_space<hbm>> -> memref<128xi32, #tpu.memory_space<hbm>>
    %dma_start3A_36 = tpu.memref_slice %arg4[%add3A_34] : memref<327680xi32, #tpu.memory_space<hbm>> -> memref<128xi32, #tpu.memory_space<hbm>>
    tpu.enqueue_dma source(%dma_start3A_36 : memref<128xi32, #tpu.memory_space<hbm>>) target(%arg15 : memref<128xi32, #tpu.memory_space<vmem>>) target_semaphore(%arg24 : memref<!tpu.dma_semaphore, #tpu.memory_space<semaphore_mem>>)
    %add3A_37 = arith.constant 384 : i32
    %add3A_38 = arith.addi %mul3A_2, %add3A_37 : i32
    %dma_start3A_39 = tpu.memref_slice %arg5[%add3A_38] : memref<327680xi32, #tpu.memory_space<hbm>> -> memref<128xi32, #tpu.memory_space<hbm>>
    %dma_start3A_40 = tpu.memref_slice %arg5[%add3A_38] : memref<327680xi32, #tpu.memory_space<hbm>> -> memref<128xi32, #tpu.memory_space<hbm>>
    tpu.enqueue_dma source(%dma_start3A_40 : memref<128xi32, #tpu.memory_space<hbm>>) target(%arg16 : memref<128xi32, #tpu.memory_space<vmem>>) target_semaphore(%arg24 : memref<!tpu.dma_semaphore, #tpu.memory_space<semaphore_mem>>)
    %dma_wait3A = tpu.memref_slice %arg4[%mul3A_2] : memref<327680xi32, #tpu.memory_space<hbm>> -> memref<128xi32, #tpu.memory_space<hbm>>
    %dma_wait3A_41 = tpu.memref_slice %arg4[%mul3A_2] : memref<327680xi32, #tpu.memory_space<hbm>> -> memref<128xi32, #tpu.memory_space<hbm>>
    tpu.wait_dma2 semaphore(%arg21 : memref<!tpu.dma_semaphore, #tpu.memory_space<semaphore_mem>>) src(%dma_wait3A_41 : memref<128xi32, #tpu.memory_space<hbm>>) dst(%arg9 : memref<128xi32, #tpu.memory_space<vmem>>)
    %dma_wait3A_42 = tpu.memref_slice %arg5[%mul3A_2] : memref<327680xi32, #tpu.memory_space<hbm>> -> memref<128xi32, #tpu.memory_space<hbm>>
    %dma_wait3A_43 = tpu.memref_slice %arg5[%mul3A_2] : memref<327680xi32, #tpu.memory_space<hbm>> -> memref<128xi32, #tpu.memory_space<hbm>>
    tpu.wait_dma2 semaphore(%arg21 : memref<!tpu.dma_semaphore, #tpu.memory_space<semaphore_mem>>) src(%dma_wait3A_43 : memref<128xi32, #tpu.memory_space<hbm>>) dst(%arg10 : memref<128xi32, #tpu.memory_space<vmem>>)
    %dma_start3A_44 = arith.constant 0 : i32
    %dma_start3A_45 = arith.constant 0 : i32
    %dma_start3A_46 = tpu.memref_slice %arg20[%dma_start3A_44, %dma_start3A_45] : memref<1600x128xf32, #tpu.memory_space<vmem_shared>> -> memref<1600x128xf32, #tpu.memory_space<vmem_shared>>
    tpu.enqueue_indirect_dma source(%dma_start3A_46 : memref<1600x128xf32, #tpu.memory_space<vmem_shared>>) target(%arg17 : memref<128x128xf32, #tpu.memory_space<vmem>>) offsets(%arg9 : memref<128xi32, #tpu.memory_space<vmem>>) semaphore(%arg25 : memref<!tpu.dma_semaphore, #tpu.memory_space<semaphore_mem>>)
    %scan3A = arith.constant 0 : i32
    %scan3A_47 = arith.constant 20 : i32
    %scan3A_48 = arith.addi %scan3A, %scan3A_47 : i32
    %scan3A_49 = arith.constant 1 : i32
    scf.for %scan3A_128 = %scan3A to %scan3A_48 step %scan3A_49  : i32 {
      %mul3A_129 = arith.constant 4 : i32
      %mul3A_130 = arith.muli %scan3A_128, %mul3A_129 : i32
      %add3A_131 = arith.constant 0 : i32
      %add3A_132 = arith.addi %add3A_131, %mul3A_130 : i32
      %dma_wait3A_133 = tpu.memref_slice %arg4[%mul3A_2] : memref<327680xi32, #tpu.memory_space<hbm>> -> memref<128xi32, #tpu.memory_space<hbm>>
      %dma_wait3A_134 = tpu.memref_slice %arg4[%mul3A_2] : memref<327680xi32, #tpu.memory_space<hbm>> -> memref<128xi32, #tpu.memory_space<hbm>>
      tpu.wait_dma2 semaphore(%arg22 : memref<!tpu.dma_semaphore, #tpu.memory_space<semaphore_mem>>) src(%dma_wait3A_134 : memref<128xi32, #tpu.memory_space<hbm>>) dst(%arg11 : memref<128xi32, #tpu.memory_space<vmem>>)
      %dma_wait3A_135 = tpu.memref_slice %arg5[%mul3A_2] : memref<327680xi32, #tpu.memory_space<hbm>> -> memref<128xi32, #tpu.memory_space<hbm>>
      %dma_wait3A_136 = tpu.memref_slice %arg5[%mul3A_2] : memref<327680xi32, #tpu.memory_space<hbm>> -> memref<128xi32, #tpu.memory_space<hbm>>
      tpu.wait_dma2 semaphore(%arg22 : memref<!tpu.dma_semaphore, #tpu.memory_space<semaphore_mem>>) src(%dma_wait3A_136 : memref<128xi32, #tpu.memory_space<hbm>>) dst(%arg12 : memref<128xi32, #tpu.memory_space<vmem>>)
      %dma_start3A_137 = arith.constant 0 : i32
      %dma_start3A_138 = arith.constant 0 : i32
      %dma_start3A_139 = tpu.memref_slice %arg20[%dma_start3A_137, %dma_start3A_138] : memref<1600x128xf32, #tpu.memory_space<vmem_shared>> -> memref<1600x128xf32, #tpu.memory_space<vmem_shared>>
      tpu.enqueue_indirect_dma source(%dma_start3A_139 : memref<1600x128xf32, #tpu.memory_space<vmem_shared>>) target(%arg18 : memref<128x128xf32, #tpu.memory_space<vmem>>) offsets(%arg11 : memref<128xi32, #tpu.memory_space<vmem>>) semaphore(%arg26 : memref<!tpu.dma_semaphore, #tpu.memory_space<semaphore_mem>>)
      %dma_wait3A_140 = arith.constant 0 : i32
      %dma_wait3A_141 = arith.constant 0 : i32
      %dma_wait3A_142 = tpu.memref_slice %arg20[%dma_wait3A_140, %dma_wait3A_141] : memref<1600x128xf32, #tpu.memory_space<vmem_shared>> -> memref<1600x128xf32, #tpu.memory_space<vmem_shared>>
      tpu.wait_indirect_dma semaphore(%arg25 : memref<!tpu.dma_semaphore, #tpu.memory_space<semaphore_mem>>) src(%dma_wait3A_142 : memref<1600x128xf32, #tpu.memory_space<vmem_shared>>) dst(%arg17 : memref<128x128xf32, #tpu.memory_space<vmem>>)
      "tpu.region"() ({
        %run_scoped3A = tpu.sem_alloc : memref<!tpu.dma_semaphore, #tpu.memory_space<semaphore_mem>>
        %dma_start3A_200 = arith.constant 0 : i32
        %dma_start3A_201 = arith.constant 0 : i32
        %dma_start3A_202 = tpu.memref_slice %arg19[%dma_start3A_200, %dma_start3A_201] : memref<10016x128xf32, #tpu.memory_space<vmem_shared>> -> memref<10016x128xf32, #tpu.memory_space<vmem_shared>>
        tpu.enqueue_indirect_dma source(%arg17 : memref<128x128xf32, #tpu.memory_space<vmem>>) target(%dma_start3A_202 : memref<10016x128xf32, #tpu.memory_space<vmem_shared>>) offsets(%arg10 : memref<128xi32, #tpu.memory_space<vmem>>) semaphore(%run_scoped3A : memref<!tpu.dma_semaphore, #tpu.memory_space<semaphore_mem>>) {add = true}
        %dma_wait3A_203 = arith.constant 0 : i32
        %dma_wait3A_204 = arith.constant 0 : i32
        %dma_wait3A_205 = tpu.memref_slice %arg19[%dma_wait3A_203, %dma_wait3A_204] : memref<10016x128xf32, #tpu.memory_space<vmem_shared>> -> memref<10016x128xf32, #tpu.memory_space<vmem_shared>>
        tpu.wait_indirect_dma semaphore(%run_scoped3A : memref<!tpu.dma_semaphore, #tpu.memory_space<semaphore_mem>>) src(%arg17 : memref<128x128xf32, #tpu.memory_space<vmem>>) dst(%dma_wait3A_205 : memref<10016x128xf32, #tpu.memory_space<vmem_shared>>)
        tpu.yield
      }) : () -> ()
      %add3A_143 = arith.constant 4 : i32
      %add3A_144 = arith.addi %add3A_132, %add3A_143 : i32
      %lt3A = arith.constant 80 : i32
      %lt3A_145 = arith.cmpi slt, %add3A_144, %lt3A : i32
      %convert_element_type3A_146 = arith.extui %lt3A_145 : i1 to i32
      %cond3A_147 = arith.constant 0 : i32
      %cond3A_148 = arith.cmpi ne, %convert_element_type3A_146, %cond3A_147 : i32
      scf.if %cond3A_148 {
        %add3A_200 = arith.constant 4 : i32
        %add3A_201 = arith.addi %add3A_132, %add3A_200 : i32
        %mul3A_202 = arith.constant 128 : i32
        %mul3A_203 = arith.muli %add3A_201, %mul3A_202 : i32
        %add3A_204 = arith.addi %mul3A_2, %mul3A_203 : i32
        %dma_start3A_205 = tpu.memref_slice %arg4[%add3A_204] : memref<327680xi32, #tpu.memory_space<hbm>> -> memref<128xi32, #tpu.memory_space<hbm>>
        %dma_start3A_206 = tpu.memref_slice %arg4[%add3A_204] : memref<327680xi32, #tpu.memory_space<hbm>> -> memref<128xi32, #tpu.memory_space<hbm>>
        tpu.enqueue_dma source(%dma_start3A_206 : memref<128xi32, #tpu.memory_space<hbm>>) target(%arg9 : memref<128xi32, #tpu.memory_space<vmem>>) target_semaphore(%arg21 : memref<!tpu.dma_semaphore, #tpu.memory_space<semaphore_mem>>)
        %mul3A_207 = arith.constant 128 : i32
        %mul3A_208 = arith.muli %add3A_201, %mul3A_207 : i32
        %add3A_209 = arith.addi %mul3A_2, %mul3A_208 : i32
        %dma_start3A_210 = tpu.memref_slice %arg5[%add3A_209] : memref<327680xi32, #tpu.memory_space<hbm>> -> memref<128xi32, #tpu.memory_space<hbm>>
        %dma_start3A_211 = tpu.memref_slice %arg5[%add3A_209] : memref<327680xi32, #tpu.memory_space<hbm>> -> memref<128xi32, #tpu.memory_space<hbm>>
        tpu.enqueue_dma source(%dma_start3A_211 : memref<128xi32, #tpu.memory_space<hbm>>) target(%arg10 : memref<128xi32, #tpu.memory_space<vmem>>) target_semaphore(%arg21 : memref<!tpu.dma_semaphore, #tpu.memory_space<semaphore_mem>>)
      } else {
      }
      %dma_wait3A_149 = tpu.memref_slice %arg4[%mul3A_2] : memref<327680xi32, #tpu.memory_space<hbm>> -> memref<128xi32, #tpu.memory_space<hbm>>
      %dma_wait3A_150 = tpu.memref_slice %arg4[%mul3A_2] : memref<327680xi32, #tpu.memory_space<hbm>> -> memref<128xi32, #tpu.memory_space<hbm>>
      tpu.wait_dma2 semaphore(%arg23 : memref<!tpu.dma_semaphore, #tpu.memory_space<semaphore_mem>>) src(%dma_wait3A_150 : memref<128xi32, #tpu.memory_space<hbm>>) dst(%arg13 : memref<128xi32, #tpu.memory_space<vmem>>)
      %dma_wait3A_151 = tpu.memref_slice %arg5[%mul3A_2] : memref<327680xi32, #tpu.memory_space<hbm>> -> memref<128xi32, #tpu.memory_space<hbm>>
      %dma_wait3A_152 = tpu.memref_slice %arg5[%mul3A_2] : memref<327680xi32, #tpu.memory_space<hbm>> -> memref<128xi32, #tpu.memory_space<hbm>>
      tpu.wait_dma2 semaphore(%arg23 : memref<!tpu.dma_semaphore, #tpu.memory_space<semaphore_mem>>) src(%dma_wait3A_152 : memref<128xi32, #tpu.memory_space<hbm>>) dst(%arg14 : memref<128xi32, #tpu.memory_space<vmem>>)
      %dma_start3A_153 = arith.constant 0 : i32
      %dma_start3A_154 = arith.constant 0 : i32
      %dma_start3A_155 = tpu.memref_slice %arg20[%dma_start3A_153, %dma_start3A_154] : memref<1600x128xf32, #tpu.memory_space<vmem_shared>> -> memref<1600x128xf32, #tpu.memory_space<vmem_shared>>
      tpu.enqueue_indirect_dma source(%dma_start3A_155 : memref<1600x128xf32, #tpu.memory_space<vmem_shared>>) target(%arg17 : memref<128x128xf32, #tpu.memory_space<vmem>>) offsets(%arg13 : memref<128xi32, #tpu.memory_space<vmem>>) semaphore(%arg25 : memref<!tpu.dma_semaphore, #tpu.memory_space<semaphore_mem>>)
      %dma_wait3A_156 = arith.constant 0 : i32
      %dma_wait3A_157 = arith.constant 0 : i32
      %dma_wait3A_158 = tpu.memref_slice %arg20[%dma_wait3A_156, %dma_wait3A_157] : memref<1600x128xf32, #tpu.memory_space<vmem_shared>> -> memref<1600x128xf32, #tpu.memory_space<vmem_shared>>
      tpu.wait_indirect_dma semaphore(%arg26 : memref<!tpu.dma_semaphore, #tpu.memory_space<semaphore_mem>>) src(%dma_wait3A_158 : memref<1600x128xf32, #tpu.memory_space<vmem_shared>>) dst(%arg18 : memref<128x128xf32, #tpu.memory_space<vmem>>)
      "tpu.region"() ({
        %run_scoped3A = tpu.sem_alloc : memref<!tpu.dma_semaphore, #tpu.memory_space<semaphore_mem>>
        %dma_start3A_200 = arith.constant 0 : i32
        %dma_start3A_201 = arith.constant 0 : i32
        %dma_start3A_202 = tpu.memref_slice %arg19[%dma_start3A_200, %dma_start3A_201] : memref<10016x128xf32, #tpu.memory_space<vmem_shared>> -> memref<10016x128xf32, #tpu.memory_space<vmem_shared>>
        tpu.enqueue_indirect_dma source(%arg18 : memref<128x128xf32, #tpu.memory_space<vmem>>) target(%dma_start3A_202 : memref<10016x128xf32, #tpu.memory_space<vmem_shared>>) offsets(%arg12 : memref<128xi32, #tpu.memory_space<vmem>>) semaphore(%run_scoped3A : memref<!tpu.dma_semaphore, #tpu.memory_space<semaphore_mem>>) {add = true}
        %dma_wait3A_203 = arith.constant 0 : i32
        %dma_wait3A_204 = arith.constant 0 : i32
        %dma_wait3A_205 = tpu.memref_slice %arg19[%dma_wait3A_203, %dma_wait3A_204] : memref<10016x128xf32, #tpu.memory_space<vmem_shared>> -> memref<10016x128xf32, #tpu.memory_space<vmem_shared>>
        tpu.wait_indirect_dma semaphore(%run_scoped3A : memref<!tpu.dma_semaphore, #tpu.memory_space<semaphore_mem>>) src(%arg18 : memref<128x128xf32, #tpu.memory_space<vmem>>) dst(%dma_wait3A_205 : memref<10016x128xf32, #tpu.memory_space<vmem_shared>>)
        tpu.yield
      }) : () -> ()
      %add3A_159 = arith.constant 5 : i32
      %add3A_160 = arith.addi %add3A_132, %add3A_159 : i32
      %lt3A_161 = arith.constant 80 : i32
      %lt3A_162 = arith.cmpi slt, %add3A_160, %lt3A_161 : i32
      %convert_element_type3A_163 = arith.extui %lt3A_162 : i1 to i32
      %cond3A_164 = arith.constant 0 : i32
      %cond3A_165 = arith.cmpi ne, %convert_element_type3A_163, %cond3A_164 : i32
      scf.if %cond3A_165 {
        %add3A_200 = arith.constant 5 : i32
        %add3A_201 = arith.addi %add3A_132, %add3A_200 : i32
        %mul3A_202 = arith.constant 128 : i32
        %mul3A_203 = arith.muli %add3A_201, %mul3A_202 : i32
        %add3A_204 = arith.addi %mul3A_2, %mul3A_203 : i32
        %dma_start3A_205 = tpu.memref_slice %arg4[%add3A_204] : memref<327680xi32, #tpu.memory_space<hbm>> -> memref<128xi32, #tpu.memory_space<hbm>>
        %dma_start3A_206 = tpu.memref_slice %arg4[%add3A_204] : memref<327680xi32, #tpu.memory_space<hbm>> -> memref<128xi32, #tpu.memory_space<hbm>>
        tpu.enqueue_dma source(%dma_start3A_206 : memref<128xi32, #tpu.memory_space<hbm>>) target(%arg11 : memref<128xi32, #tpu.memory_space<vmem>>) target_semaphore(%arg22 : memref<!tpu.dma_semaphore, #tpu.memory_space<semaphore_mem>>)
        %mul3A_207 = arith.constant 128 : i32
        %mul3A_208 = arith.muli %add3A_201, %mul3A_207 : i32
        %add3A_209 = arith.addi %mul3A_2, %mul3A_208 : i32
        %dma_start3A_210 = tpu.memref_slice %arg5[%add3A_209] : memref<327680xi32, #tpu.memory_space<hbm>> -> memref<128xi32, #tpu.memory_space<hbm>>
        %dma_start3A_211 = tpu.memref_slice %arg5[%add3A_209] : memref<327680xi32, #tpu.memory_space<hbm>> -> memref<128xi32, #tpu.memory_space<hbm>>
        tpu.enqueue_dma source(%dma_start3A_211 : memref<128xi32, #tpu.memory_space<hbm>>) target(%arg12 : memref<128xi32, #tpu.memory_space<vmem>>) target_semaphore(%arg22 : memref<!tpu.dma_semaphore, #tpu.memory_space<semaphore_mem>>)
      } else {
      }
      %dma_wait3A_166 = tpu.memref_slice %arg4[%mul3A_2] : memref<327680xi32, #tpu.memory_space<hbm>> -> memref<128xi32, #tpu.memory_space<hbm>>
      %dma_wait3A_167 = tpu.memref_slice %arg4[%mul3A_2] : memref<327680xi32, #tpu.memory_space<hbm>> -> memref<128xi32, #tpu.memory_space<hbm>>
      tpu.wait_dma2 semaphore(%arg24 : memref<!tpu.dma_semaphore, #tpu.memory_space<semaphore_mem>>) src(%dma_wait3A_167 : memref<128xi32, #tpu.memory_space<hbm>>) dst(%arg15 : memref<128xi32, #tpu.memory_space<vmem>>)
      %dma_wait3A_168 = tpu.memref_slice %arg5[%mul3A_2] : memref<327680xi32, #tpu.memory_space<hbm>> -> memref<128xi32, #tpu.memory_space<hbm>>
      %dma_wait3A_169 = tpu.memref_slice %arg5[%mul3A_2] : memref<327680xi32, #tpu.memory_space<hbm>> -> memref<128xi32, #tpu.memory_space<hbm>>
      tpu.wait_dma2 semaphore(%arg24 : memref<!tpu.dma_semaphore, #tpu.memory_space<semaphore_mem>>) src(%dma_wait3A_169 : memref<128xi32, #tpu.memory_space<hbm>>) dst(%arg16 : memref<128xi32, #tpu.memory_space<vmem>>)
      %dma_start3A_170 = arith.constant 0 : i32
      %dma_start3A_171 = arith.constant 0 : i32
      %dma_start3A_172 = tpu.memref_slice %arg20[%dma_start3A_170, %dma_start3A_171] : memref<1600x128xf32, #tpu.memory_space<vmem_shared>> -> memref<1600x128xf32, #tpu.memory_space<vmem_shared>>
      tpu.enqueue_indirect_dma source(%dma_start3A_172 : memref<1600x128xf32, #tpu.memory_space<vmem_shared>>) target(%arg18 : memref<128x128xf32, #tpu.memory_space<vmem>>) offsets(%arg15 : memref<128xi32, #tpu.memory_space<vmem>>) semaphore(%arg26 : memref<!tpu.dma_semaphore, #tpu.memory_space<semaphore_mem>>)
      %dma_wait3A_173 = arith.constant 0 : i32
      %dma_wait3A_174 = arith.constant 0 : i32
      %dma_wait3A_175 = tpu.memref_slice %arg20[%dma_wait3A_173, %dma_wait3A_174] : memref<1600x128xf32, #tpu.memory_space<vmem_shared>> -> memref<1600x128xf32, #tpu.memory_space<vmem_shared>>
      tpu.wait_indirect_dma semaphore(%arg25 : memref<!tpu.dma_semaphore, #tpu.memory_space<semaphore_mem>>) src(%dma_wait3A_175 : memref<1600x128xf32, #tpu.memory_space<vmem_shared>>) dst(%arg17 : memref<128x128xf32, #tpu.memory_space<vmem>>)
      "tpu.region"() ({
        %run_scoped3A = tpu.sem_alloc : memref<!tpu.dma_semaphore, #tpu.memory_space<semaphore_mem>>
        %dma_start3A_200 = arith.constant 0 : i32
        %dma_start3A_201 = arith.constant 0 : i32
        %dma_start3A_202 = tpu.memref_slice %arg19[%dma_start3A_200, %dma_start3A_201] : memref<10016x128xf32, #tpu.memory_space<vmem_shared>> -> memref<10016x128xf32, #tpu.memory_space<vmem_shared>>
        tpu.enqueue_indirect_dma source(%arg17 : memref<128x128xf32, #tpu.memory_space<vmem>>) target(%dma_start3A_202 : memref<10016x128xf32, #tpu.memory_space<vmem_shared>>) offsets(%arg14 : memref<128xi32, #tpu.memory_space<vmem>>) semaphore(%run_scoped3A : memref<!tpu.dma_semaphore, #tpu.memory_space<semaphore_mem>>) {add = true}
        %dma_wait3A_203 = arith.constant 0 : i32
        %dma_wait3A_204 = arith.constant 0 : i32
        %dma_wait3A_205 = tpu.memref_slice %arg19[%dma_wait3A_203, %dma_wait3A_204] : memref<10016x128xf32, #tpu.memory_space<vmem_shared>> -> memref<10016x128xf32, #tpu.memory_space<vmem_shared>>
        tpu.wait_indirect_dma semaphore(%run_scoped3A : memref<!tpu.dma_semaphore, #tpu.memory_space<semaphore_mem>>) src(%arg17 : memref<128x128xf32, #tpu.memory_space<vmem>>) dst(%dma_wait3A_205 : memref<10016x128xf32, #tpu.memory_space<vmem_shared>>)
        tpu.yield
      }) : () -> ()
      %add3A_176 = arith.constant 6 : i32
      %add3A_177 = arith.addi %add3A_132, %add3A_176 : i32
      %lt3A_178 = arith.constant 80 : i32
      %lt3A_179 = arith.cmpi slt, %add3A_177, %lt3A_178 : i32
      %convert_element_type3A_180 = arith.extui %lt3A_179 : i1 to i32
      %cond3A_181 = arith.constant 0 : i32
      %cond3A_182 = arith.cmpi ne, %convert_element_type3A_180, %cond3A_181 : i32
      scf.if %cond3A_182 {
        %add3A_200 = arith.constant 6 : i32
        %add3A_201 = arith.addi %add3A_132, %add3A_200 : i32
        %mul3A_202 = arith.constant 128 : i32
        %mul3A_203 = arith.muli %add3A_201, %mul3A_202 : i32
        %add3A_204 = arith.addi %mul3A_2, %mul3A_203 : i32
        %dma_start3A_205 = tpu.memref_slice %arg4[%add3A_204] : memref<327680xi32, #tpu.memory_space<hbm>> -> memref<128xi32, #tpu.memory_space<hbm>>
        %dma_start3A_206 = tpu.memref_slice %arg4[%add3A_204] : memref<327680xi32, #tpu.memory_space<hbm>> -> memref<128xi32, #tpu.memory_space<hbm>>
        tpu.enqueue_dma source(%dma_start3A_206 : memref<128xi32, #tpu.memory_space<hbm>>) target(%arg13 : memref<128xi32, #tpu.memory_space<vmem>>) target_semaphore(%arg23 : memref<!tpu.dma_semaphore, #tpu.memory_space<semaphore_mem>>)
        %mul3A_207 = arith.constant 128 : i32
        %mul3A_208 = arith.muli %add3A_201, %mul3A_207 : i32
        %add3A_209 = arith.addi %mul3A_2, %mul3A_208 : i32
        %dma_start3A_210 = tpu.memref_slice %arg5[%add3A_209] : memref<327680xi32, #tpu.memory_space<hbm>> -> memref<128xi32, #tpu.memory_space<hbm>>
        %dma_start3A_211 = tpu.memref_slice %arg5[%add3A_209] : memref<327680xi32, #tpu.memory_space<hbm>> -> memref<128xi32, #tpu.memory_space<hbm>>
        tpu.enqueue_dma source(%dma_start3A_211 : memref<128xi32, #tpu.memory_space<hbm>>) target(%arg14 : memref<128xi32, #tpu.memory_space<vmem>>) target_semaphore(%arg23 : memref<!tpu.dma_semaphore, #tpu.memory_space<semaphore_mem>>)
      } else {
      }
      %add3A_183 = arith.constant 4 : i32
      %add3A_184 = arith.addi %add3A_132, %add3A_183 : i32
      %lt3A_185 = arith.constant 80 : i32
      %lt3A_186 = arith.cmpi slt, %add3A_184, %lt3A_185 : i32
      %convert_element_type3A_187 = arith.extui %lt3A_186 : i1 to i32
      %cond3A_188 = arith.constant 0 : i32
      %cond3A_189 = arith.cmpi ne, %convert_element_type3A_187, %cond3A_188 : i32
      scf.if %cond3A_189 {
        %dma_wait3A_200 = tpu.memref_slice %arg4[%mul3A_2] : memref<327680xi32, #tpu.memory_space<hbm>> -> memref<128xi32, #tpu.memory_space<hbm>>
        %dma_wait3A_201 = tpu.memref_slice %arg4[%mul3A_2] : memref<327680xi32, #tpu.memory_space<hbm>> -> memref<128xi32, #tpu.memory_space<hbm>>
        tpu.wait_dma2 semaphore(%arg21 : memref<!tpu.dma_semaphore, #tpu.memory_space<semaphore_mem>>) src(%dma_wait3A_201 : memref<128xi32, #tpu.memory_space<hbm>>) dst(%arg9 : memref<128xi32, #tpu.memory_space<vmem>>)
        %dma_wait3A_202 = tpu.memref_slice %arg5[%mul3A_2] : memref<327680xi32, #tpu.memory_space<hbm>> -> memref<128xi32, #tpu.memory_space<hbm>>
        %dma_wait3A_203 = tpu.memref_slice %arg5[%mul3A_2] : memref<327680xi32, #tpu.memory_space<hbm>> -> memref<128xi32, #tpu.memory_space<hbm>>
        tpu.wait_dma2 semaphore(%arg21 : memref<!tpu.dma_semaphore, #tpu.memory_space<semaphore_mem>>) src(%dma_wait3A_203 : memref<128xi32, #tpu.memory_space<hbm>>) dst(%arg10 : memref<128xi32, #tpu.memory_space<vmem>>)
        %dma_start3A_204 = arith.constant 0 : i32
        %dma_start3A_205 = arith.constant 0 : i32
        %dma_start3A_206 = tpu.memref_slice %arg20[%dma_start3A_204, %dma_start3A_205] : memref<1600x128xf32, #tpu.memory_space<vmem_shared>> -> memref<1600x128xf32, #tpu.memory_space<vmem_shared>>
        tpu.enqueue_indirect_dma source(%dma_start3A_206 : memref<1600x128xf32, #tpu.memory_space<vmem_shared>>) target(%arg17 : memref<128x128xf32, #tpu.memory_space<vmem>>) offsets(%arg9 : memref<128xi32, #tpu.memory_space<vmem>>) semaphore(%arg25 : memref<!tpu.dma_semaphore, #tpu.memory_space<semaphore_mem>>)
      } else {
      }
      %dma_wait3A_190 = arith.constant 0 : i32
      %dma_wait3A_191 = arith.constant 0 : i32
      %dma_wait3A_192 = tpu.memref_slice %arg20[%dma_wait3A_190, %dma_wait3A_191] : memref<1600x128xf32, #tpu.memory_space<vmem_shared>> -> memref<1600x128xf32, #tpu.memory_space<vmem_shared>>
      tpu.wait_indirect_dma semaphore(%arg26 : memref<!tpu.dma_semaphore, #tpu.memory_space<semaphore_mem>>) src(%dma_wait3A_192 : memref<1600x128xf32, #tpu.memory_space<vmem_shared>>) dst(%arg18 : memref<128x128xf32, #tpu.memory_space<vmem>>)
      "tpu.region"() ({
        %run_scoped3A = tpu.sem_alloc : memref<!tpu.dma_semaphore, #tpu.memory_space<semaphore_mem>>
        %dma_start3A_200 = arith.constant 0 : i32
        %dma_start3A_201 = arith.constant 0 : i32
        %dma_start3A_202 = tpu.memref_slice %arg19[%dma_start3A_200, %dma_start3A_201] : memref<10016x128xf32, #tpu.memory_space<vmem_shared>> -> memref<10016x128xf32, #tpu.memory_space<vmem_shared>>
        tpu.enqueue_indirect_dma source(%arg18 : memref<128x128xf32, #tpu.memory_space<vmem>>) target(%dma_start3A_202 : memref<10016x128xf32, #tpu.memory_space<vmem_shared>>) offsets(%arg16 : memref<128xi32, #tpu.memory_space<vmem>>) semaphore(%run_scoped3A : memref<!tpu.dma_semaphore, #tpu.memory_space<semaphore_mem>>) {add = true}
        %dma_wait3A_203 = arith.constant 0 : i32
        %dma_wait3A_204 = arith.constant 0 : i32
        %dma_wait3A_205 = tpu.memref_slice %arg19[%dma_wait3A_203, %dma_wait3A_204] : memref<10016x128xf32, #tpu.memory_space<vmem_shared>> -> memref<10016x128xf32, #tpu.memory_space<vmem_shared>>
        tpu.wait_indirect_dma semaphore(%run_scoped3A : memref<!tpu.dma_semaphore, #tpu.memory_space<semaphore_mem>>) src(%arg18 : memref<128x128xf32, #tpu.memory_space<vmem>>) dst(%dma_wait3A_205 : memref<10016x128xf32, #tpu.memory_space<vmem_shared>>)
        tpu.yield
      }) : () -> ()
      %add3A_193 = arith.constant 7 : i32
      %add3A_194 = arith.addi %add3A_132, %add3A_193 : i32
      %lt3A_195 = arith.constant 80 : i32
      %lt3A_196 = arith.cmpi slt, %add3A_194, %lt3A_195 : i32
      %convert_element_type3A_197 = arith.extui %lt3A_196 : i1 to i32
      %cond3A_198 = arith.constant 0 : i32
      %cond3A_199 = arith.cmpi ne, %convert_element_type3A_197, %cond3A_198 : i32
      scf.if %cond3A_199 {
        %add3A_200 = arith.constant 7 : i32
        %add3A_201 = arith.addi %add3A_132, %add3A_200 : i32
        %mul3A_202 = arith.constant 128 : i32
        %mul3A_203 = arith.muli %add3A_201, %mul3A_202 : i32
        %add3A_204 = arith.addi %mul3A_2, %mul3A_203 : i32
        %dma_start3A_205 = tpu.memref_slice %arg4[%add3A_204] : memref<327680xi32, #tpu.memory_space<hbm>> -> memref<128xi32, #tpu.memory_space<hbm>>
        %dma_start3A_206 = tpu.memref_slice %arg4[%add3A_204] : memref<327680xi32, #tpu.memory_space<hbm>> -> memref<128xi32, #tpu.memory_space<hbm>>
        tpu.enqueue_dma source(%dma_start3A_206 : memref<128xi32, #tpu.memory_space<hbm>>) target(%arg15 : memref<128xi32, #tpu.memory_space<vmem>>) target_semaphore(%arg24 : memref<!tpu.dma_semaphore, #tpu.memory_space<semaphore_mem>>)
        %mul3A_207 = arith.constant 128 : i32
        %mul3A_208 = arith.muli %add3A_201, %mul3A_207 : i32
        %add3A_209 = arith.addi %mul3A_2, %mul3A_208 : i32
        %dma_start3A_210 = tpu.memref_slice %arg5[%add3A_209] : memref<327680xi32, #tpu.memory_space<hbm>> -> memref<128xi32, #tpu.memory_space<hbm>>
        %dma_start3A_211 = tpu.memref_slice %arg5[%add3A_209] : memref<327680xi32, #tpu.memory_space<hbm>> -> memref<128xi32, #tpu.memory_space<hbm>>
        tpu.enqueue_dma source(%dma_start3A_211 : memref<128xi32, #tpu.memory_space<hbm>>) target(%arg16 : memref<128xi32, #tpu.memory_space<vmem>>) target_semaphore(%arg24 : memref<!tpu.dma_semaphore, #tpu.memory_space<semaphore_mem>>)
      } else {
      }
    }
    %scan3A_50 = arith.constant 20 : i32
    %barrier3A_51 = arith.constant 0 : index
    tpu.barrier barrier_id(%barrier3A_51)
    %mul3A_52 = arith.constant 624 : i32
    %mul3A_53 = arith.muli %arg1, %mul3A_52 : i32
    %mul3A_54 = arith.constant 624 : i32
    %mul3A_55 = arith.muli %arg1, %mul3A_54 : i32
    "tpu.region"() ({
      %run_scoped3A = tpu.sem_alloc : memref<!tpu.dma_semaphore, #tpu.memory_space<semaphore_mem>>
      %dma_start3A_128 = arith.constant 0 : i32
      %dma_start3A_129 = tpu.memref_slice %arg7[%arg0, %mul3A_55, %dma_start3A_128] : memref<2x10000x128xf32, #tpu.memory_space<hbm>> -> memref<1x624x128xf32, #tpu.memory_space<hbm>>
      %dma_start3A_130 = tpu.memref_squeeze %dma_start3A_129 : memref<1x624x128xf32, #tpu.memory_space<hbm>> -> memref<624x128xf32, #tpu.memory_space<hbm>>
      %dma_start3A_131 = arith.constant 0 : i32
      %dma_start3A_132 = tpu.memref_slice %arg19[%mul3A_53, %dma_start3A_131] : memref<10016x128xf32, #tpu.memory_space<vmem_shared>> -> memref<624x128xf32, #tpu.memory_space<vmem_shared>>
      tpu.enqueue_dma source(%dma_start3A_132 : memref<624x128xf32, #tpu.memory_space<vmem_shared>>) target(%dma_start3A_130 : memref<624x128xf32, #tpu.memory_space<hbm>>) target_semaphore(%run_scoped3A : memref<!tpu.dma_semaphore, #tpu.memory_space<semaphore_mem>>)
      %dma_wait3A_133 = arith.constant 0 : i32
      %dma_wait3A_134 = tpu.memref_slice %arg7[%arg0, %mul3A_55, %dma_wait3A_133] : memref<2x10000x128xf32, #tpu.memory_space<hbm>> -> memref<1x624x128xf32, #tpu.memory_space<hbm>>
      %dma_wait3A_135 = tpu.memref_squeeze %dma_wait3A_134 : memref<1x624x128xf32, #tpu.memory_space<hbm>> -> memref<624x128xf32, #tpu.memory_space<hbm>>
      %dma_wait3A_136 = arith.constant 0 : i32
      %dma_wait3A_137 = tpu.memref_slice %arg19[%mul3A_53, %dma_wait3A_136] : memref<10016x128xf32, #tpu.memory_space<vmem_shared>> -> memref<624x128xf32, #tpu.memory_space<vmem_shared>>
      tpu.wait_dma2 semaphore(%run_scoped3A : memref<!tpu.dma_semaphore, #tpu.memory_space<semaphore_mem>>) src(%dma_wait3A_137 : memref<624x128xf32, #tpu.memory_space<vmem_shared>>) dst(%dma_wait3A_135 : memref<624x128xf32, #tpu.memory_space<hbm>>)
      tpu.yield
    }) : () -> ()
    %eq3A_56 = arith.constant 15 : i32
    %eq3A_57 = arith.cmpi eq, %arg1, %eq3A_56 : i32
    %convert_element_type3A_58 = arith.extui %eq3A_57 : i1 to i32
    %cond3A_59 = arith.constant 0 : i32
    %cond3A_60 = arith.cmpi ne, %convert_element_type3A_58, %cond3A_59 : i32
    scf.if %cond3A_60 {
      "tpu.region"() ({
        %run_scoped3A = tpu.sem_alloc : memref<!tpu.dma_semaphore, #tpu.memory_space<semaphore_mem>>
        %dma_start3A_128 = arith.constant 9984 : i32
        %dma_start3A_129 = arith.constant 0 : i32
        %dma_start3A_130 = tpu.memref_slice %arg7[%arg0, %dma_start3A_128, %dma_start3A_129] : memref<2x10000x128xf32, #tpu.memory_space<hbm>> -> memref<1x16x128xf32, #tpu.memory_space<hbm>>
        %dma_start3A_131 = tpu.memref_squeeze %dma_start3A_130 : memref<1x16x128xf32, #tpu.memory_space<hbm>> -> memref<16x128xf32, #tpu.memory_space<hbm>>
        %dma_start3A_132 = arith.constant 9984 : i32
        %dma_start3A_133 = arith.constant 0 : i32
        %dma_start3A_134 = tpu.memref_slice %arg19[%dma_start3A_132, %dma_start3A_133] : memref<10016x128xf32, #tpu.memory_space<vmem_shared>> -> memref<16x128xf32, #tpu.memory_space<vmem_shared>>
        tpu.enqueue_dma source(%dma_start3A_134 : memref<16x128xf32, #tpu.memory_space<vmem_shared>>) target(%dma_start3A_131 : memref<16x128xf32, #tpu.memory_space<hbm>>) target_semaphore(%run_scoped3A : memref<!tpu.dma_semaphore, #tpu.memory_space<semaphore_mem>>)
        %dma_wait3A_135 = arith.constant 9984 : i32
        %dma_wait3A_136 = arith.constant 0 : i32
        %dma_wait3A_137 = tpu.memref_slice %arg7[%arg0, %dma_wait3A_135, %dma_wait3A_136] : memref<2x10000x128xf32, #tpu.memory_space<hbm>> -> memref<1x16x128xf32, #tpu.memory_space<hbm>>
        %dma_wait3A_138 = tpu.memref_squeeze %dma_wait3A_137 : memref<1x16x128xf32, #tpu.memory_space<hbm>> -> memref<16x128xf32, #tpu.memory_space<hbm>>
        %dma_wait3A_139 = arith.constant 9984 : i32
        %dma_wait3A_140 = arith.constant 0 : i32
        %dma_wait3A_141 = tpu.memref_slice %arg19[%dma_wait3A_139, %dma_wait3A_140] : memref<10016x128xf32, #tpu.memory_space<vmem_shared>> -> memref<16x128xf32, #tpu.memory_space<vmem_shared>>
        tpu.wait_dma2 semaphore(%run_scoped3A : memref<!tpu.dma_semaphore, #tpu.memory_space<semaphore_mem>>) src(%dma_wait3A_141 : memref<16x128xf32, #tpu.memory_space<vmem_shared>>) dst(%dma_wait3A_138 : memref<16x128xf32, #tpu.memory_space<hbm>>)
        tpu.yield
      }) : () -> ()
    } else {
    }
    %barrier3A_61 = arith.constant 0 : index
    tpu.barrier barrier_id(%barrier3A_61)
    %eq3A_62 = arith.constant 0 : i32
    %eq3A_63 = arith.cmpi eq, %arg1, %eq3A_62 : i32
    %convert_element_type3A_64 = arith.extui %eq3A_63 : i1 to i32
    %cond3A_65 = arith.constant 0 : i32
    %cond3A_66 = arith.cmpi ne, %convert_element_type3A_64, %cond3A_65 : i32
    scf.if %cond3A_66 {
      "tpu.region"() ({
        %run_scoped3A = tpu.sem_alloc : memref<!tpu.dma_semaphore, #tpu.memory_space<semaphore_mem>>
        tpu.enqueue_dma source(%arg6 : memref<10016x128xf32, #tpu.memory_space<hbm>>) target(%arg19 : memref<10016x128xf32, #tpu.memory_space<vmem_shared>>) target_semaphore(%run_scoped3A : memref<!tpu.dma_semaphore, #tpu.memory_space<semaphore_mem>>)
        tpu.wait_dma2 semaphore(%run_scoped3A : memref<!tpu.dma_semaphore, #tpu.memory_space<semaphore_mem>>) src(%arg6 : memref<10016x128xf32, #tpu.memory_space<hbm>>) dst(%arg19 : memref<10016x128xf32, #tpu.memory_space<vmem_shared>>)
        tpu.yield
      }) : () -> ()
    } else {
    }
    %eq3A_67 = arith.constant 1 : i32
    %eq3A_68 = arith.cmpi eq, %arg1, %eq3A_67 : i32
    %convert_element_type3A_69 = arith.extui %eq3A_68 : i1 to i32
    %cond3A_70 = arith.constant 0 : i32
    %cond3A_71 = arith.cmpi ne, %convert_element_type3A_69, %cond3A_70 : i32
    scf.if %cond3A_71 {
      "tpu.region"() ({
        %run_scoped3A = tpu.sem_alloc : memref<!tpu.dma_semaphore, #tpu.memory_space<semaphore_mem>>
        tpu.enqueue_dma source(%arg3 : memref<1600x128xf32, #tpu.memory_space<hbm>>) target(%arg20 : memref<1600x128xf32, #tpu.memory_space<vmem_shared>>) target_semaphore(%run_scoped3A : memref<!tpu.dma_semaphore, #tpu.memory_space<semaphore_mem>>)
        tpu.wait_dma2 semaphore(%run_scoped3A : memref<!tpu.dma_semaphore, #tpu.memory_space<semaphore_mem>>) src(%arg3 : memref<1600x128xf32, #tpu.memory_space<hbm>>) dst(%arg20 : memref<1600x128xf32, #tpu.memory_space<vmem_shared>>)
        tpu.yield
      }) : () -> ()
    } else {
    }
    %barrier3A_72 = arith.constant 0 : index
    tpu.barrier barrier_id(%barrier3A_72)
    %add3A_73 = arith.constant 0 : i32
    %add3A_74 = arith.addi %mul3A_2, %add3A_73 : i32
    %dma_start3A_75 = tpu.memref_slice %arg4[%add3A_74] : memref<327680xi32, #tpu.memory_space<hbm>> -> memref<128xi32, #tpu.memory_space<hbm>>
    %dma_start3A_76 = tpu.memref_slice %arg4[%add3A_74] : memref<327680xi32, #tpu.memory_space<hbm>> -> memref<128xi32, #tpu.memory_space<hbm>>
    tpu.enqueue_dma source(%dma_start3A_76 : memref<128xi32, #tpu.memory_space<hbm>>) target(%arg9 : memref<128xi32, #tpu.memory_space<vmem>>) target_semaphore(%arg21 : memref<!tpu.dma_semaphore, #tpu.memory_space<semaphore_mem>>)
    %add3A_77 = arith.constant 0 : i32
    %add3A_78 = arith.addi %mul3A_2, %add3A_77 : i32
    %dma_start3A_79 = tpu.memref_slice %arg5[%add3A_78] : memref<327680xi32, #tpu.memory_space<hbm>> -> memref<128xi32, #tpu.memory_space<hbm>>
    %dma_start3A_80 = tpu.memref_slice %arg5[%add3A_78] : memref<327680xi32, #tpu.memory_space<hbm>> -> memref<128xi32, #tpu.memory_space<hbm>>
    tpu.enqueue_dma source(%dma_start3A_80 : memref<128xi32, #tpu.memory_space<hbm>>) target(%arg10 : memref<128xi32, #tpu.memory_space<vmem>>) target_semaphore(%arg21 : memref<!tpu.dma_semaphore, #tpu.memory_space<semaphore_mem>>)
    %add3A_81 = arith.constant 128 : i32
    %add3A_82 = arith.addi %mul3A_2, %add3A_81 : i32
    %dma_start3A_83 = tpu.memref_slice %arg4[%add3A_82] : memref<327680xi32, #tpu.memory_space<hbm>> -> memref<128xi32, #tpu.memory_space<hbm>>
    %dma_start3A_84 = tpu.memref_slice %arg4[%add3A_82] : memref<327680xi32, #tpu.memory_space<hbm>> -> memref<128xi32, #tpu.memory_space<hbm>>
    tpu.enqueue_dma source(%dma_start3A_84 : memref<128xi32, #tpu.memory_space<hbm>>) target(%arg11 : memref<128xi32, #tpu.memory_space<vmem>>) target_semaphore(%arg22 : memref<!tpu.dma_semaphore, #tpu.memory_space<semaphore_mem>>)
    %add3A_85 = arith.constant 128 : i32
    %add3A_86 = arith.addi %mul3A_2, %add3A_85 : i32
    %dma_start3A_87 = tpu.memref_slice %arg5[%add3A_86] : memref<327680xi32, #tpu.memory_space<hbm>> -> memref<128xi32, #tpu.memory_space<hbm>>
    %dma_start3A_88 = tpu.memref_slice %arg5[%add3A_86] : memref<327680xi32, #tpu.memory_space<hbm>> -> memref<128xi32, #tpu.memory_space<hbm>>
    tpu.enqueue_dma source(%dma_start3A_88 : memref<128xi32, #tpu.memory_space<hbm>>) target(%arg12 : memref<128xi32, #tpu.memory_space<vmem>>) target_semaphore(%arg22 : memref<!tpu.dma_semaphore, #tpu.memory_space<semaphore_mem>>)
    %add3A_89 = arith.constant 256 : i32
    %add3A_90 = arith.addi %mul3A_2, %add3A_89 : i32
    %dma_start3A_91 = tpu.memref_slice %arg4[%add3A_90] : memref<327680xi32, #tpu.memory_space<hbm>> -> memref<128xi32, #tpu.memory_space<hbm>>
    %dma_start3A_92 = tpu.memref_slice %arg4[%add3A_90] : memref<327680xi32, #tpu.memory_space<hbm>> -> memref<128xi32, #tpu.memory_space<hbm>>
    tpu.enqueue_dma source(%dma_start3A_92 : memref<128xi32, #tpu.memory_space<hbm>>) target(%arg13 : memref<128xi32, #tpu.memory_space<vmem>>) target_semaphore(%arg23 : memref<!tpu.dma_semaphore, #tpu.memory_space<semaphore_mem>>)
    %add3A_93 = arith.constant 256 : i32
    %add3A_94 = arith.addi %mul3A_2, %add3A_93 : i32
    %dma_start3A_95 = tpu.memref_slice %arg5[%add3A_94] : memref<327680xi32, #tpu.memory_space<hbm>> -> memref<128xi32, #tpu.memory_space<hbm>>
    %dma_start3A_96 = tpu.memref_slice %arg5[%add3A_94] : memref<327680xi32, #tpu.memory_space<hbm>> -> memref<128xi32, #tpu.memory_space<hbm>>
    tpu.enqueue_dma source(%dma_start3A_96 : memref<128xi32, #tpu.memory_space<hbm>>) target(%arg14 : memref<128xi32, #tpu.memory_space<vmem>>) target_semaphore(%arg23 : memref<!tpu.dma_semaphore, #tpu.memory_space<semaphore_mem>>)
    %add3A_97 = arith.constant 384 : i32
    %add3A_98 = arith.addi %mul3A_2, %add3A_97 : i32
    %dma_start3A_99 = tpu.memref_slice %arg4[%add3A_98] : memref<327680xi32, #tpu.memory_space<hbm>> -> memref<128xi32, #tpu.memory_space<hbm>>
    %dma_start3A_100 = tpu.memref_slice %arg4[%add3A_98] : memref<327680xi32, #tpu.memory_space<hbm>> -> memref<128xi32, #tpu.memory_space<hbm>>
    tpu.enqueue_dma source(%dma_start3A_100 : memref<128xi32, #tpu.memory_space<hbm>>) target(%arg15 : memref<128xi32, #tpu.memory_space<vmem>>) target_semaphore(%arg24 : memref<!tpu.dma_semaphore, #tpu.memory_space<semaphore_mem>>)
    %add3A_101 = arith.constant 384 : i32
    %add3A_102 = arith.addi %mul3A_2, %add3A_101 : i32
    %dma_start3A_103 = tpu.memref_slice %arg5[%add3A_102] : memref<327680xi32, #tpu.memory_space<hbm>> -> memref<128xi32, #tpu.memory_space<hbm>>
    %dma_start3A_104 = tpu.memref_slice %arg5[%add3A_102] : memref<327680xi32, #tpu.memory_space<hbm>> -> memref<128xi32, #tpu.memory_space<hbm>>
    tpu.enqueue_dma source(%dma_start3A_104 : memref<128xi32, #tpu.memory_space<hbm>>) target(%arg16 : memref<128xi32, #tpu.memory_space<vmem>>) target_semaphore(%arg24 : memref<!tpu.dma_semaphore, #tpu.memory_space<semaphore_mem>>)
    %dma_wait3A_105 = tpu.memref_slice %arg4[%mul3A_2] : memref<327680xi32, #tpu.memory_space<hbm>> -> memref<128xi32, #tpu.memory_space<hbm>>
    %dma_wait3A_106 = tpu.memref_slice %arg4[%mul3A_2] : memref<327680xi32, #tpu.memory_space<hbm>> -> memref<128xi32, #tpu.memory_space<hbm>>
    tpu.wait_dma2 semaphore(%arg21 : memref<!tpu.dma_semaphore, #tpu.memory_space<semaphore_mem>>) src(%dma_wait3A_106 : memref<128xi32, #tpu.memory_space<hbm>>) dst(%arg9 : memref<128xi32, #tpu.memory_space<vmem>>)
    %dma_wait3A_107 = tpu.memref_slice %arg5[%mul3A_2] : memref<327680xi32, #tpu.memory_space<hbm>> -> memref<128xi32, #tpu.memory_space<hbm>>
    %dma_wait3A_108 = tpu.memref_slice %arg5[%mul3A_2] : memref<327680xi32, #tpu.memory_space<hbm>> -> memref<128xi32, #tpu.memory_space<hbm>>
    tpu.wait_dma2 semaphore(%arg21 : memref<!tpu.dma_semaphore, #tpu.memory_space<semaphore_mem>>) src(%dma_wait3A_108 : memref<128xi32, #tpu.memory_space<hbm>>) dst(%arg10 : memref<128xi32, #tpu.memory_space<vmem>>)
    %dma_start3A_109 = arith.constant 0 : i32
    %dma_start3A_110 = arith.constant 0 : i32
    %dma_start3A_111 = tpu.memref_slice %arg20[%dma_start3A_109, %dma_start3A_110] : memref<1600x128xf32, #tpu.memory_space<vmem_shared>> -> memref<1600x128xf32, #tpu.memory_space<vmem_shared>>
    tpu.enqueue_indirect_dma source(%dma_start3A_111 : memref<1600x128xf32, #tpu.memory_space<vmem_shared>>) target(%arg17 : memref<128x128xf32, #tpu.memory_space<vmem>>) offsets(%arg9 : memref<128xi32, #tpu.memory_space<vmem>>) semaphore(%arg25 : memref<!tpu.dma_semaphore, #tpu.memory_space<semaphore_mem>>)
    %scan3A_112 = arith.constant 0 : i32
    %scan3A_113 = arith.constant 20 : i32
    %scan3A_114 = arith.addi %scan3A_112, %scan3A_113 : i32
    %scan3A_115 = arith.constant 1 : i32
    scf.for %scan3A_128 = %scan3A_112 to %scan3A_114 step %scan3A_115  : i32 {
      %mul3A_129 = arith.constant 4 : i32
      %mul3A_130 = arith.muli %scan3A_128, %mul3A_129 : i32
      %add3A_131 = arith.constant 0 : i32
      %add3A_132 = arith.addi %add3A_131, %mul3A_130 : i32
      %dma_wait3A_133 = tpu.memref_slice %arg4[%mul3A_2] : memref<327680xi32, #tpu.memory_space<hbm>> -> memref<128xi32, #tpu.memory_space<hbm>>
      %dma_wait3A_134 = tpu.memref_slice %arg4[%mul3A_2] : memref<327680xi32, #tpu.memory_space<hbm>> -> memref<128xi32, #tpu.memory_space<hbm>>
      tpu.wait_dma2 semaphore(%arg22 : memref<!tpu.dma_semaphore, #tpu.memory_space<semaphore_mem>>) src(%dma_wait3A_134 : memref<128xi32, #tpu.memory_space<hbm>>) dst(%arg11 : memref<128xi32, #tpu.memory_space<vmem>>)
      %dma_wait3A_135 = tpu.memref_slice %arg5[%mul3A_2] : memref<327680xi32, #tpu.memory_space<hbm>> -> memref<128xi32, #tpu.memory_space<hbm>>
      %dma_wait3A_136 = tpu.memref_slice %arg5[%mul3A_2] : memref<327680xi32, #tpu.memory_space<hbm>> -> memref<128xi32, #tpu.memory_space<hbm>>
      tpu.wait_dma2 semaphore(%arg22 : memref<!tpu.dma_semaphore, #tpu.memory_space<semaphore_mem>>) src(%dma_wait3A_136 : memref<128xi32, #tpu.memory_space<hbm>>) dst(%arg12 : memref<128xi32, #tpu.memory_space<vmem>>)
      %dma_start3A_137 = arith.constant 0 : i32
      %dma_start3A_138 = arith.constant 0 : i32
      %dma_start3A_139 = tpu.memref_slice %arg20[%dma_start3A_137, %dma_start3A_138] : memref<1600x128xf32, #tpu.memory_space<vmem_shared>> -> memref<1600x128xf32, #tpu.memory_space<vmem_shared>>
      tpu.enqueue_indirect_dma source(%dma_start3A_139 : memref<1600x128xf32, #tpu.memory_space<vmem_shared>>) target(%arg18 : memref<128x128xf32, #tpu.memory_space<vmem>>) offsets(%arg11 : memref<128xi32, #tpu.memory_space<vmem>>) semaphore(%arg26 : memref<!tpu.dma_semaphore, #tpu.memory_space<semaphore_mem>>)
      %dma_wait3A_140 = arith.constant 0 : i32
      %dma_wait3A_141 = arith.constant 0 : i32
      %dma_wait3A_142 = tpu.memref_slice %arg20[%dma_wait3A_140, %dma_wait3A_141] : memref<1600x128xf32, #tpu.memory_space<vmem_shared>> -> memref<1600x128xf32, #tpu.memory_space<vmem_shared>>
      tpu.wait_indirect_dma semaphore(%arg25 : memref<!tpu.dma_semaphore, #tpu.memory_space<semaphore_mem>>) src(%dma_wait3A_142 : memref<1600x128xf32, #tpu.memory_space<vmem_shared>>) dst(%arg17 : memref<128x128xf32, #tpu.memory_space<vmem>>)
      "tpu.region"() ({
        %run_scoped3A = tpu.sem_alloc : memref<!tpu.dma_semaphore, #tpu.memory_space<semaphore_mem>>
        %dma_start3A_200 = arith.constant 0 : i32
        %dma_start3A_201 = arith.constant 0 : i32
        %dma_start3A_202 = tpu.memref_slice %arg19[%dma_start3A_200, %dma_start3A_201] : memref<10016x128xf32, #tpu.memory_space<vmem_shared>> -> memref<10016x128xf32, #tpu.memory_space<vmem_shared>>
        tpu.enqueue_indirect_dma source(%arg17 : memref<128x128xf32, #tpu.memory_space<vmem>>) target(%dma_start3A_202 : memref<10016x128xf32, #tpu.memory_space<vmem_shared>>) offsets(%arg10 : memref<128xi32, #tpu.memory_space<vmem>>) semaphore(%run_scoped3A : memref<!tpu.dma_semaphore, #tpu.memory_space<semaphore_mem>>) {add = true}
        %dma_wait3A_203 = arith.constant 0 : i32
        %dma_wait3A_204 = arith.constant 0 : i32
        %dma_wait3A_205 = tpu.memref_slice %arg19[%dma_wait3A_203, %dma_wait3A_204] : memref<10016x128xf32, #tpu.memory_space<vmem_shared>> -> memref<10016x128xf32, #tpu.memory_space<vmem_shared>>
        tpu.wait_indirect_dma semaphore(%run_scoped3A : memref<!tpu.dma_semaphore, #tpu.memory_space<semaphore_mem>>) src(%arg17 : memref<128x128xf32, #tpu.memory_space<vmem>>) dst(%dma_wait3A_205 : memref<10016x128xf32, #tpu.memory_space<vmem_shared>>)
        tpu.yield
      }) : () -> ()
      %add3A_143 = arith.constant 4 : i32
      %add3A_144 = arith.addi %add3A_132, %add3A_143 : i32
      %lt3A = arith.constant 80 : i32
      %lt3A_145 = arith.cmpi slt, %add3A_144, %lt3A : i32
      %convert_element_type3A_146 = arith.extui %lt3A_145 : i1 to i32
      %cond3A_147 = arith.constant 0 : i32
      %cond3A_148 = arith.cmpi ne, %convert_element_type3A_146, %cond3A_147 : i32
      scf.if %cond3A_148 {
        %add3A_200 = arith.constant 4 : i32
        %add3A_201 = arith.addi %add3A_132, %add3A_200 : i32
        %mul3A_202 = arith.constant 128 : i32
        %mul3A_203 = arith.muli %add3A_201, %mul3A_202 : i32
        %add3A_204 = arith.addi %mul3A_2, %mul3A_203 : i32
        %dma_start3A_205 = tpu.memref_slice %arg4[%add3A_204] : memref<327680xi32, #tpu.memory_space<hbm>> -> memref<128xi32, #tpu.memory_space<hbm>>
        %dma_start3A_206 = tpu.memref_slice %arg4[%add3A_204] : memref<327680xi32, #tpu.memory_space<hbm>> -> memref<128xi32, #tpu.memory_space<hbm>>
        tpu.enqueue_dma source(%dma_start3A_206 : memref<128xi32, #tpu.memory_space<hbm>>) target(%arg9 : memref<128xi32, #tpu.memory_space<vmem>>) target_semaphore(%arg21 : memref<!tpu.dma_semaphore, #tpu.memory_space<semaphore_mem>>)
        %mul3A_207 = arith.constant 128 : i32
        %mul3A_208 = arith.muli %add3A_201, %mul3A_207 : i32
        %add3A_209 = arith.addi %mul3A_2, %mul3A_208 : i32
        %dma_start3A_210 = tpu.memref_slice %arg5[%add3A_209] : memref<327680xi32, #tpu.memory_space<hbm>> -> memref<128xi32, #tpu.memory_space<hbm>>
        %dma_start3A_211 = tpu.memref_slice %arg5[%add3A_209] : memref<327680xi32, #tpu.memory_space<hbm>> -> memref<128xi32, #tpu.memory_space<hbm>>
        tpu.enqueue_dma source(%dma_start3A_211 : memref<128xi32, #tpu.memory_space<hbm>>) target(%arg10 : memref<128xi32, #tpu.memory_space<vmem>>) target_semaphore(%arg21 : memref<!tpu.dma_semaphore, #tpu.memory_space<semaphore_mem>>)
      } else {
      }
      %dma_wait3A_149 = tpu.memref_slice %arg4[%mul3A_2] : memref<327680xi32, #tpu.memory_space<hbm>> -> memref<128xi32, #tpu.memory_space<hbm>>
      %dma_wait3A_150 = tpu.memref_slice %arg4[%mul3A_2] : memref<327680xi32, #tpu.memory_space<hbm>> -> memref<128xi32, #tpu.memory_space<hbm>>
      tpu.wait_dma2 semaphore(%arg23 : memref<!tpu.dma_semaphore, #tpu.memory_space<semaphore_mem>>) src(%dma_wait3A_150 : memref<128xi32, #tpu.memory_space<hbm>>) dst(%arg13 : memref<128xi32, #tpu.memory_space<vmem>>)
      %dma_wait3A_151 = tpu.memref_slice %arg5[%mul3A_2] : memref<327680xi32, #tpu.memory_space<hbm>> -> memref<128xi32, #tpu.memory_space<hbm>>
      %dma_wait3A_152 = tpu.memref_slice %arg5[%mul3A_2] : memref<327680xi32, #tpu.memory_space<hbm>> -> memref<128xi32, #tpu.memory_space<hbm>>
      tpu.wait_dma2 semaphore(%arg23 : memref<!tpu.dma_semaphore, #tpu.memory_space<semaphore_mem>>) src(%dma_wait3A_152 : memref<128xi32, #tpu.memory_space<hbm>>) dst(%arg14 : memref<128xi32, #tpu.memory_space<vmem>>)
      %dma_start3A_153 = arith.constant 0 : i32
      %dma_start3A_154 = arith.constant 0 : i32
      %dma_start3A_155 = tpu.memref_slice %arg20[%dma_start3A_153, %dma_start3A_154] : memref<1600x128xf32, #tpu.memory_space<vmem_shared>> -> memref<1600x128xf32, #tpu.memory_space<vmem_shared>>
      tpu.enqueue_indirect_dma source(%dma_start3A_155 : memref<1600x128xf32, #tpu.memory_space<vmem_shared>>) target(%arg17 : memref<128x128xf32, #tpu.memory_space<vmem>>) offsets(%arg13 : memref<128xi32, #tpu.memory_space<vmem>>) semaphore(%arg25 : memref<!tpu.dma_semaphore, #tpu.memory_space<semaphore_mem>>)
      %dma_wait3A_156 = arith.constant 0 : i32
      %dma_wait3A_157 = arith.constant 0 : i32
      %dma_wait3A_158 = tpu.memref_slice %arg20[%dma_wait3A_156, %dma_wait3A_157] : memref<1600x128xf32, #tpu.memory_space<vmem_shared>> -> memref<1600x128xf32, #tpu.memory_space<vmem_shared>>
      tpu.wait_indirect_dma semaphore(%arg26 : memref<!tpu.dma_semaphore, #tpu.memory_space<semaphore_mem>>) src(%dma_wait3A_158 : memref<1600x128xf32, #tpu.memory_space<vmem_shared>>) dst(%arg18 : memref<128x128xf32, #tpu.memory_space<vmem>>)
      "tpu.region"() ({
        %run_scoped3A = tpu.sem_alloc : memref<!tpu.dma_semaphore, #tpu.memory_space<semaphore_mem>>
        %dma_start3A_200 = arith.constant 0 : i32
        %dma_start3A_201 = arith.constant 0 : i32
        %dma_start3A_202 = tpu.memref_slice %arg19[%dma_start3A_200, %dma_start3A_201] : memref<10016x128xf32, #tpu.memory_space<vmem_shared>> -> memref<10016x128xf32, #tpu.memory_space<vmem_shared>>
        tpu.enqueue_indirect_dma source(%arg18 : memref<128x128xf32, #tpu.memory_space<vmem>>) target(%dma_start3A_202 : memref<10016x128xf32, #tpu.memory_space<vmem_shared>>) offsets(%arg12 : memref<128xi32, #tpu.memory_space<vmem>>) semaphore(%run_scoped3A : memref<!tpu.dma_semaphore, #tpu.memory_space<semaphore_mem>>) {add = true}
        %dma_wait3A_203 = arith.constant 0 : i32
        %dma_wait3A_204 = arith.constant 0 : i32
        %dma_wait3A_205 = tpu.memref_slice %arg19[%dma_wait3A_203, %dma_wait3A_204] : memref<10016x128xf32, #tpu.memory_space<vmem_shared>> -> memref<10016x128xf32, #tpu.memory_space<vmem_shared>>
        tpu.wait_indirect_dma semaphore(%run_scoped3A : memref<!tpu.dma_semaphore, #tpu.memory_space<semaphore_mem>>) src(%arg18 : memref<128x128xf32, #tpu.memory_space<vmem>>) dst(%dma_wait3A_205 : memref<10016x128xf32, #tpu.memory_space<vmem_shared>>)
        tpu.yield
      }) : () -> ()
      %add3A_159 = arith.constant 5 : i32
      %add3A_160 = arith.addi %add3A_132, %add3A_159 : i32
      %lt3A_161 = arith.constant 80 : i32
      %lt3A_162 = arith.cmpi slt, %add3A_160, %lt3A_161 : i32
      %convert_element_type3A_163 = arith.extui %lt3A_162 : i1 to i32
      %cond3A_164 = arith.constant 0 : i32
      %cond3A_165 = arith.cmpi ne, %convert_element_type3A_163, %cond3A_164 : i32
      scf.if %cond3A_165 {
        %add3A_200 = arith.constant 5 : i32
        %add3A_201 = arith.addi %add3A_132, %add3A_200 : i32
        %mul3A_202 = arith.constant 128 : i32
        %mul3A_203 = arith.muli %add3A_201, %mul3A_202 : i32
        %add3A_204 = arith.addi %mul3A_2, %mul3A_203 : i32
        %dma_start3A_205 = tpu.memref_slice %arg4[%add3A_204] : memref<327680xi32, #tpu.memory_space<hbm>> -> memref<128xi32, #tpu.memory_space<hbm>>
        %dma_start3A_206 = tpu.memref_slice %arg4[%add3A_204] : memref<327680xi32, #tpu.memory_space<hbm>> -> memref<128xi32, #tpu.memory_space<hbm>>
        tpu.enqueue_dma source(%dma_start3A_206 : memref<128xi32, #tpu.memory_space<hbm>>) target(%arg11 : memref<128xi32, #tpu.memory_space<vmem>>) target_semaphore(%arg22 : memref<!tpu.dma_semaphore, #tpu.memory_space<semaphore_mem>>)
        %mul3A_207 = arith.constant 128 : i32
        %mul3A_208 = arith.muli %add3A_201, %mul3A_207 : i32
        %add3A_209 = arith.addi %mul3A_2, %mul3A_208 : i32
        %dma_start3A_210 = tpu.memref_slice %arg5[%add3A_209] : memref<327680xi32, #tpu.memory_space<hbm>> -> memref<128xi32, #tpu.memory_space<hbm>>
        %dma_start3A_211 = tpu.memref_slice %arg5[%add3A_209] : memref<327680xi32, #tpu.memory_space<hbm>> -> memref<128xi32, #tpu.memory_space<hbm>>
        tpu.enqueue_dma source(%dma_start3A_211 : memref<128xi32, #tpu.memory_space<hbm>>) target(%arg12 : memref<128xi32, #tpu.memory_space<vmem>>) target_semaphore(%arg22 : memref<!tpu.dma_semaphore, #tpu.memory_space<semaphore_mem>>)
      } else {
      }
      %dma_wait3A_166 = tpu.memref_slice %arg4[%mul3A_2] : memref<327680xi32, #tpu.memory_space<hbm>> -> memref<128xi32, #tpu.memory_space<hbm>>
      %dma_wait3A_167 = tpu.memref_slice %arg4[%mul3A_2] : memref<327680xi32, #tpu.memory_space<hbm>> -> memref<128xi32, #tpu.memory_space<hbm>>
      tpu.wait_dma2 semaphore(%arg24 : memref<!tpu.dma_semaphore, #tpu.memory_space<semaphore_mem>>) src(%dma_wait3A_167 : memref<128xi32, #tpu.memory_space<hbm>>) dst(%arg15 : memref<128xi32, #tpu.memory_space<vmem>>)
      %dma_wait3A_168 = tpu.memref_slice %arg5[%mul3A_2] : memref<327680xi32, #tpu.memory_space<hbm>> -> memref<128xi32, #tpu.memory_space<hbm>>
      %dma_wait3A_169 = tpu.memref_slice %arg5[%mul3A_2] : memref<327680xi32, #tpu.memory_space<hbm>> -> memref<128xi32, #tpu.memory_space<hbm>>
      tpu.wait_dma2 semaphore(%arg24 : memref<!tpu.dma_semaphore, #tpu.memory_space<semaphore_mem>>) src(%dma_wait3A_169 : memref<128xi32, #tpu.memory_space<hbm>>) dst(%arg16 : memref<128xi32, #tpu.memory_space<vmem>>)
      %dma_start3A_170 = arith.constant 0 : i32
      %dma_start3A_171 = arith.constant 0 : i32
      %dma_start3A_172 = tpu.memref_slice %arg20[%dma_start3A_170, %dma_start3A_171] : memref<1600x128xf32, #tpu.memory_space<vmem_shared>> -> memref<1600x128xf32, #tpu.memory_space<vmem_shared>>
      tpu.enqueue_indirect_dma source(%dma_start3A_172 : memref<1600x128xf32, #tpu.memory_space<vmem_shared>>) target(%arg18 : memref<128x128xf32, #tpu.memory_space<vmem>>) offsets(%arg15 : memref<128xi32, #tpu.memory_space<vmem>>) semaphore(%arg26 : memref<!tpu.dma_semaphore, #tpu.memory_space<semaphore_mem>>)
      %dma_wait3A_173 = arith.constant 0 : i32
      %dma_wait3A_174 = arith.constant 0 : i32
      %dma_wait3A_175 = tpu.memref_slice %arg20[%dma_wait3A_173, %dma_wait3A_174] : memref<1600x128xf32, #tpu.memory_space<vmem_shared>> -> memref<1600x128xf32, #tpu.memory_space<vmem_shared>>
      tpu.wait_indirect_dma semaphore(%arg25 : memref<!tpu.dma_semaphore, #tpu.memory_space<semaphore_mem>>) src(%dma_wait3A_175 : memref<1600x128xf32, #tpu.memory_space<vmem_shared>>) dst(%arg17 : memref<128x128xf32, #tpu.memory_space<vmem>>)
      "tpu.region"() ({
        %run_scoped3A = tpu.sem_alloc : memref<!tpu.dma_semaphore, #tpu.memory_space<semaphore_mem>>
        %dma_start3A_200 = arith.constant 0 : i32
        %dma_start3A_201 = arith.constant 0 : i32
        %dma_start3A_202 = tpu.memref_slice %arg19[%dma_start3A_200, %dma_start3A_201] : memref<10016x128xf32, #tpu.memory_space<vmem_shared>> -> memref<10016x128xf32, #tpu.memory_space<vmem_shared>>
        tpu.enqueue_indirect_dma source(%arg17 : memref<128x128xf32, #tpu.memory_space<vmem>>) target(%dma_start3A_202 : memref<10016x128xf32, #tpu.memory_space<vmem_shared>>) offsets(%arg14 : memref<128xi32, #tpu.memory_space<vmem>>) semaphore(%run_scoped3A : memref<!tpu.dma_semaphore, #tpu.memory_space<semaphore_mem>>) {add = true}
        %dma_wait3A_203 = arith.constant 0 : i32
        %dma_wait3A_204 = arith.constant 0 : i32
        %dma_wait3A_205 = tpu.memref_slice %arg19[%dma_wait3A_203, %dma_wait3A_204] : memref<10016x128xf32, #tpu.memory_space<vmem_shared>> -> memref<10016x128xf32, #tpu.memory_space<vmem_shared>>
        tpu.wait_indirect_dma semaphore(%run_scoped3A : memref<!tpu.dma_semaphore, #tpu.memory_space<semaphore_mem>>) src(%arg17 : memref<128x128xf32, #tpu.memory_space<vmem>>) dst(%dma_wait3A_205 : memref<10016x128xf32, #tpu.memory_space<vmem_shared>>)
        tpu.yield
      }) : () -> ()
      %add3A_176 = arith.constant 6 : i32
      %add3A_177 = arith.addi %add3A_132, %add3A_176 : i32
      %lt3A_178 = arith.constant 80 : i32
      %lt3A_179 = arith.cmpi slt, %add3A_177, %lt3A_178 : i32
      %convert_element_type3A_180 = arith.extui %lt3A_179 : i1 to i32
      %cond3A_181 = arith.constant 0 : i32
      %cond3A_182 = arith.cmpi ne, %convert_element_type3A_180, %cond3A_181 : i32
      scf.if %cond3A_182 {
        %add3A_200 = arith.constant 6 : i32
        %add3A_201 = arith.addi %add3A_132, %add3A_200 : i32
        %mul3A_202 = arith.constant 128 : i32
        %mul3A_203 = arith.muli %add3A_201, %mul3A_202 : i32
        %add3A_204 = arith.addi %mul3A_2, %mul3A_203 : i32
        %dma_start3A_205 = tpu.memref_slice %arg4[%add3A_204] : memref<327680xi32, #tpu.memory_space<hbm>> -> memref<128xi32, #tpu.memory_space<hbm>>
        %dma_start3A_206 = tpu.memref_slice %arg4[%add3A_204] : memref<327680xi32, #tpu.memory_space<hbm>> -> memref<128xi32, #tpu.memory_space<hbm>>
        tpu.enqueue_dma source(%dma_start3A_206 : memref<128xi32, #tpu.memory_space<hbm>>) target(%arg13 : memref<128xi32, #tpu.memory_space<vmem>>) target_semaphore(%arg23 : memref<!tpu.dma_semaphore, #tpu.memory_space<semaphore_mem>>)
        %mul3A_207 = arith.constant 128 : i32
        %mul3A_208 = arith.muli %add3A_201, %mul3A_207 : i32
        %add3A_209 = arith.addi %mul3A_2, %mul3A_208 : i32
        %dma_start3A_210 = tpu.memref_slice %arg5[%add3A_209] : memref<327680xi32, #tpu.memory_space<hbm>> -> memref<128xi32, #tpu.memory_space<hbm>>
        %dma_start3A_211 = tpu.memref_slice %arg5[%add3A_209] : memref<327680xi32, #tpu.memory_space<hbm>> -> memref<128xi32, #tpu.memory_space<hbm>>
        tpu.enqueue_dma source(%dma_start3A_211 : memref<128xi32, #tpu.memory_space<hbm>>) target(%arg14 : memref<128xi32, #tpu.memory_space<vmem>>) target_semaphore(%arg23 : memref<!tpu.dma_semaphore, #tpu.memory_space<semaphore_mem>>)
      } else {
      }
      %add3A_183 = arith.constant 4 : i32
      %add3A_184 = arith.addi %add3A_132, %add3A_183 : i32
      %lt3A_185 = arith.constant 80 : i32
      %lt3A_186 = arith.cmpi slt, %add3A_184, %lt3A_185 : i32
      %convert_element_type3A_187 = arith.extui %lt3A_186 : i1 to i32
      %cond3A_188 = arith.constant 0 : i32
      %cond3A_189 = arith.cmpi ne, %convert_element_type3A_187, %cond3A_188 : i32
      scf.if %cond3A_189 {
        %dma_wait3A_200 = tpu.memref_slice %arg4[%mul3A_2] : memref<327680xi32, #tpu.memory_space<hbm>> -> memref<128xi32, #tpu.memory_space<hbm>>
        %dma_wait3A_201 = tpu.memref_slice %arg4[%mul3A_2] : memref<327680xi32, #tpu.memory_space<hbm>> -> memref<128xi32, #tpu.memory_space<hbm>>
        tpu.wait_dma2 semaphore(%arg21 : memref<!tpu.dma_semaphore, #tpu.memory_space<semaphore_mem>>) src(%dma_wait3A_201 : memref<128xi32, #tpu.memory_space<hbm>>) dst(%arg9 : memref<128xi32, #tpu.memory_space<vmem>>)
        %dma_wait3A_202 = tpu.memref_slice %arg5[%mul3A_2] : memref<327680xi32, #tpu.memory_space<hbm>> -> memref<128xi32, #tpu.memory_space<hbm>>
        %dma_wait3A_203 = tpu.memref_slice %arg5[%mul3A_2] : memref<327680xi32, #tpu.memory_space<hbm>> -> memref<128xi32, #tpu.memory_space<hbm>>
        tpu.wait_dma2 semaphore(%arg21 : memref<!tpu.dma_semaphore, #tpu.memory_space<semaphore_mem>>) src(%dma_wait3A_203 : memref<128xi32, #tpu.memory_space<hbm>>) dst(%arg10 : memref<128xi32, #tpu.memory_space<vmem>>)
        %dma_start3A_204 = arith.constant 0 : i32
        %dma_start3A_205 = arith.constant 0 : i32
        %dma_start3A_206 = tpu.memref_slice %arg20[%dma_start3A_204, %dma_start3A_205] : memref<1600x128xf32, #tpu.memory_space<vmem_shared>> -> memref<1600x128xf32, #tpu.memory_space<vmem_shared>>
        tpu.enqueue_indirect_dma source(%dma_start3A_206 : memref<1600x128xf32, #tpu.memory_space<vmem_shared>>) target(%arg17 : memref<128x128xf32, #tpu.memory_space<vmem>>) offsets(%arg9 : memref<128xi32, #tpu.memory_space<vmem>>) semaphore(%arg25 : memref<!tpu.dma_semaphore, #tpu.memory_space<semaphore_mem>>)
      } else {
      }
      %dma_wait3A_190 = arith.constant 0 : i32
      %dma_wait3A_191 = arith.constant 0 : i32
      %dma_wait3A_192 = tpu.memref_slice %arg20[%dma_wait3A_190, %dma_wait3A_191] : memref<1600x128xf32, #tpu.memory_space<vmem_shared>> -> memref<1600x128xf32, #tpu.memory_space<vmem_shared>>
      tpu.wait_indirect_dma semaphore(%arg26 : memref<!tpu.dma_semaphore, #tpu.memory_space<semaphore_mem>>) src(%dma_wait3A_192 : memref<1600x128xf32, #tpu.memory_space<vmem_shared>>) dst(%arg18 : memref<128x128xf32, #tpu.memory_space<vmem>>)
      "tpu.region"() ({
        %run_scoped3A = tpu.sem_alloc : memref<!tpu.dma_semaphore, #tpu.memory_space<semaphore_mem>>
        %dma_start3A_200 = arith.constant 0 : i32
        %dma_start3A_201 = arith.constant 0 : i32
        %dma_start3A_202 = tpu.memref_slice %arg19[%dma_start3A_200, %dma_start3A_201] : memref<10016x128xf32, #tpu.memory_space<vmem_shared>> -> memref<10016x128xf32, #tpu.memory_space<vmem_shared>>
        tpu.enqueue_indirect_dma source(%arg18 : memref<128x128xf32, #tpu.memory_space<vmem>>) target(%dma_start3A_202 : memref<10016x128xf32, #tpu.memory_space<vmem_shared>>) offsets(%arg16 : memref<128xi32, #tpu.memory_space<vmem>>) semaphore(%run_scoped3A : memref<!tpu.dma_semaphore, #tpu.memory_space<semaphore_mem>>) {add = true}
        %dma_wait3A_203 = arith.constant 0 : i32
        %dma_wait3A_204 = arith.constant 0 : i32
        %dma_wait3A_205 = tpu.memref_slice %arg19[%dma_wait3A_203, %dma_wait3A_204] : memref<10016x128xf32, #tpu.memory_space<vmem_shared>> -> memref<10016x128xf32, #tpu.memory_space<vmem_shared>>
        tpu.wait_indirect_dma semaphore(%run_scoped3A : memref<!tpu.dma_semaphore, #tpu.memory_space<semaphore_mem>>) src(%arg18 : memref<128x128xf32, #tpu.memory_space<vmem>>) dst(%dma_wait3A_205 : memref<10016x128xf32, #tpu.memory_space<vmem_shared>>)
        tpu.yield
      }) : () -> ()
      %add3A_193 = arith.constant 7 : i32
      %add3A_194 = arith.addi %add3A_132, %add3A_193 : i32
      %lt3A_195 = arith.constant 80 : i32
      %lt3A_196 = arith.cmpi slt, %add3A_194, %lt3A_195 : i32
      %convert_element_type3A_197 = arith.extui %lt3A_196 : i1 to i32
      %cond3A_198 = arith.constant 0 : i32
      %cond3A_199 = arith.cmpi ne, %convert_element_type3A_197, %cond3A_198 : i32
      scf.if %cond3A_199 {
        %add3A_200 = arith.constant 7 : i32
        %add3A_201 = arith.addi %add3A_132, %add3A_200 : i32
        %mul3A_202 = arith.constant 128 : i32
        %mul3A_203 = arith.muli %add3A_201, %mul3A_202 : i32
        %add3A_204 = arith.addi %mul3A_2, %mul3A_203 : i32
        %dma_start3A_205 = tpu.memref_slice %arg4[%add3A_204] : memref<327680xi32, #tpu.memory_space<hbm>> -> memref<128xi32, #tpu.memory_space<hbm>>
        %dma_start3A_206 = tpu.memref_slice %arg4[%add3A_204] : memref<327680xi32, #tpu.memory_space<hbm>> -> memref<128xi32, #tpu.memory_space<hbm>>
        tpu.enqueue_dma source(%dma_start3A_206 : memref<128xi32, #tpu.memory_space<hbm>>) target(%arg15 : memref<128xi32, #tpu.memory_space<vmem>>) target_semaphore(%arg24 : memref<!tpu.dma_semaphore, #tpu.memory_space<semaphore_mem>>)
        %mul3A_207 = arith.constant 128 : i32
        %mul3A_208 = arith.muli %add3A_201, %mul3A_207 : i32
        %add3A_209 = arith.addi %mul3A_2, %mul3A_208 : i32
        %dma_start3A_210 = tpu.memref_slice %arg5[%add3A_209] : memref<327680xi32, #tpu.memory_space<hbm>> -> memref<128xi32, #tpu.memory_space<hbm>>
        %dma_start3A_211 = tpu.memref_slice %arg5[%add3A_209] : memref<327680xi32, #tpu.memory_space<hbm>> -> memref<128xi32, #tpu.memory_space<hbm>>
        tpu.enqueue_dma source(%dma_start3A_211 : memref<128xi32, #tpu.memory_space<hbm>>) target(%arg16 : memref<128xi32, #tpu.memory_space<vmem>>) target_semaphore(%arg24 : memref<!tpu.dma_semaphore, #tpu.memory_space<semaphore_mem>>)
      } else {
      }
    }
    %scan3A_116 = arith.constant 20 : i32
    %barrier3A_117 = arith.constant 0 : index
    tpu.barrier barrier_id(%barrier3A_117)
    %mul3A_118 = arith.constant 624 : i32
    %mul3A_119 = arith.muli %arg1, %mul3A_118 : i32
    %mul3A_120 = arith.constant 624 : i32
    %mul3A_121 = arith.muli %arg1, %mul3A_120 : i32
    "tpu.region"() ({
      %run_scoped3A = tpu.sem_alloc : memref<!tpu.dma_semaphore, #tpu.memory_space<semaphore_mem>>
      %dma_start3A_128 = arith.constant 0 : i32
      %dma_start3A_129 = tpu.memref_slice %arg8[%arg0, %mul3A_121, %dma_start3A_128] : memref<2x10000x128xf32, #tpu.memory_space<hbm>> -> memref<1x624x128xf32, #tpu.memory_space<hbm>>
      %dma_start3A_130 = tpu.memref_squeeze %dma_start3A_129 : memref<1x624x128xf32, #tpu.memory_space<hbm>> -> memref<624x128xf32, #tpu.memory_space<hbm>>
      %dma_start3A_131 = arith.constant 0 : i32
      %dma_start3A_132 = tpu.memref_slice %arg19[%mul3A_119, %dma_start3A_131] : memref<10016x128xf32, #tpu.memory_space<vmem_shared>> -> memref<624x128xf32, #tpu.memory_space<vmem_shared>>
      tpu.enqueue_dma source(%dma_start3A_132 : memref<624x128xf32, #tpu.memory_space<vmem_shared>>) target(%dma_start3A_130 : memref<624x128xf32, #tpu.memory_space<hbm>>) target_semaphore(%run_scoped3A : memref<!tpu.dma_semaphore, #tpu.memory_space<semaphore_mem>>)
      %dma_wait3A_133 = arith.constant 0 : i32
      %dma_wait3A_134 = tpu.memref_slice %arg8[%arg0, %mul3A_121, %dma_wait3A_133] : memref<2x10000x128xf32, #tpu.memory_space<hbm>> -> memref<1x624x128xf32, #tpu.memory_space<hbm>>
      %dma_wait3A_135 = tpu.memref_squeeze %dma_wait3A_134 : memref<1x624x128xf32, #tpu.memory_space<hbm>> -> memref<624x128xf32, #tpu.memory_space<hbm>>
      %dma_wait3A_136 = arith.constant 0 : i32
      %dma_wait3A_137 = tpu.memref_slice %arg19[%mul3A_119, %dma_wait3A_136] : memref<10016x128xf32, #tpu.memory_space<vmem_shared>> -> memref<624x128xf32, #tpu.memory_space<vmem_shared>>
      tpu.wait_dma2 semaphore(%run_scoped3A : memref<!tpu.dma_semaphore, #tpu.memory_space<semaphore_mem>>) src(%dma_wait3A_137 : memref<624x128xf32, #tpu.memory_space<vmem_shared>>) dst(%dma_wait3A_135 : memref<624x128xf32, #tpu.memory_space<hbm>>)
      tpu.yield
    }) : () -> ()
    %eq3A_122 = arith.constant 15 : i32
    %eq3A_123 = arith.cmpi eq, %arg1, %eq3A_122 : i32
    %convert_element_type3A_124 = arith.extui %eq3A_123 : i1 to i32
    %cond3A_125 = arith.constant 0 : i32
    %cond3A_126 = arith.cmpi ne, %convert_element_type3A_124, %cond3A_125 : i32
    scf.if %cond3A_126 {
      "tpu.region"() ({
        %run_scoped3A = tpu.sem_alloc : memref<!tpu.dma_semaphore, #tpu.memory_space<semaphore_mem>>
        %dma_start3A_128 = arith.constant 9984 : i32
        %dma_start3A_129 = arith.constant 0 : i32
        %dma_start3A_130 = tpu.memref_slice %arg8[%arg0, %dma_start3A_128, %dma_start3A_129] : memref<2x10000x128xf32, #tpu.memory_space<hbm>> -> memref<1x16x128xf32, #tpu.memory_space<hbm>>
        %dma_start3A_131 = tpu.memref_squeeze %dma_start3A_130 : memref<1x16x128xf32, #tpu.memory_space<hbm>> -> memref<16x128xf32, #tpu.memory_space<hbm>>
        %dma_start3A_132 = arith.constant 9984 : i32
        %dma_start3A_133 = arith.constant 0 : i32
        %dma_start3A_134 = tpu.memref_slice %arg19[%dma_start3A_132, %dma_start3A_133] : memref<10016x128xf32, #tpu.memory_space<vmem_shared>> -> memref<16x128xf32, #tpu.memory_space<vmem_shared>>
        tpu.enqueue_dma source(%dma_start3A_134 : memref<16x128xf32, #tpu.memory_space<vmem_shared>>) target(%dma_start3A_131 : memref<16x128xf32, #tpu.memory_space<hbm>>) target_semaphore(%run_scoped3A : memref<!tpu.dma_semaphore, #tpu.memory_space<semaphore_mem>>)
        %dma_wait3A_135 = arith.constant 9984 : i32
        %dma_wait3A_136 = arith.constant 0 : i32
        %dma_wait3A_137 = tpu.memref_slice %arg8[%arg0, %dma_wait3A_135, %dma_wait3A_136] : memref<2x10000x128xf32, #tpu.memory_space<hbm>> -> memref<1x16x128xf32, #tpu.memory_space<hbm>>
        %dma_wait3A_138 = tpu.memref_squeeze %dma_wait3A_137 : memref<1x16x128xf32, #tpu.memory_space<hbm>> -> memref<16x128xf32, #tpu.memory_space<hbm>>
        %dma_wait3A_139 = arith.constant 9984 : i32
        %dma_wait3A_140 = arith.constant 0 : i32
        %dma_wait3A_141 = tpu.memref_slice %arg19[%dma_wait3A_139, %dma_wait3A_140] : memref<10016x128xf32, #tpu.memory_space<vmem_shared>> -> memref<16x128xf32, #tpu.memory_space<vmem_shared>>
        tpu.wait_dma2 semaphore(%run_scoped3A : memref<!tpu.dma_semaphore, #tpu.memory_space<semaphore_mem>>) src(%dma_wait3A_141 : memref<16x128xf32, #tpu.memory_space<vmem_shared>>) dst(%dma_wait3A_138 : memref<16x128xf32, #tpu.memory_space<hbm>>)
        tpu.yield
      }) : () -> ()
    } else {
    }
    %barrier3A_127 = arith.constant 0 : index
    tpu.barrier barrier_id(%barrier3A_127)
    return
  }
}

#map = affine_map<(d0, d1) -> (0, 0)>
#map1 = affine_map<(d0, d1) -> (0, 0, 0)>
module attributes {stable_mosaic.version = 14 : i64} {
  func.func @scatter_kernel(%arg0: i32, %arg1: i32, %arg2: memref<327680x128xf32, #tpu.memory_space<hbm>>, %arg3: memref<327680x128xf32, #tpu.memory_space<hbm>>, %arg4: memref<32x80x128xi32, #tpu.memory_space<hbm>>, %arg5: memref<10016x128xf32, #tpu.memory_space<hbm>>, %arg6: memref<2x10000x128xf32, #tpu.memory_space<hbm>>, %arg7: memref<2x10000x128xf32, #tpu.memory_space<hbm>>, %arg8: memref<80x128xi32, #tpu.memory_space<vmem>>, %arg9: memref<128x128xf32, #tpu.memory_space<vmem>>, %arg10: memref<128x128xf32, #tpu.memory_space<vmem>>, %arg11: memref<10016x128xf32, #tpu.memory_space<vmem_shared>>, %arg12: memref<!tpu.dma_semaphore, #tpu.memory_space<semaphore_mem>>, %arg13: memref<!tpu.dma_semaphore, #tpu.memory_space<semaphore_mem>>) attributes {dimension_semantics = [#tpu.dimension_semantics<core_parallel>, #tpu.dimension_semantics<subcore_parallel>], iteration_bounds = array<i64: 2, 16>, scalar_prefetch = 0 : i64, scratch_operands = 6 : i64, tpu.core_type = #tpu.core_type<sc_vector_subcore>, window_params = [{transform_indices = #map}, {transform_indices = #map}, {transform_indices = #map1}, {transform_indices = #map}, {transform_indices = #map1}, {transform_indices = #map1}]} {
    %mul3A = arith.constant 16 : i32
    %mul3A_0 = arith.muli %arg0, %mul3A : i32
    %add3A = arith.addi %mul3A_0, %arg1 : i32
    "tpu.region"() ({
      %run_scoped3A = tpu.sem_alloc : memref<!tpu.dma_semaphore, #tpu.memory_space<semaphore_mem>>
      %dma_start3A_65 = arith.constant 0 : i32
      %dma_start3A_66 = arith.constant 0 : i32
      %dma_start3A_67 = tpu.memref_slice %arg4[%add3A, %dma_start3A_65, %dma_start3A_66] : memref<32x80x128xi32, #tpu.memory_space<hbm>> -> memref<1x80x128xi32, #tpu.memory_space<hbm>>
      %dma_start3A_68 = tpu.memref_squeeze %dma_start3A_67 : memref<1x80x128xi32, #tpu.memory_space<hbm>> -> memref<80x128xi32, #tpu.memory_space<hbm>>
      %dma_start3A_69 = arith.constant 0 : i32
      %dma_start3A_70 = arith.constant 0 : i32
      %dma_start3A_71 = tpu.memref_slice %arg4[%add3A, %dma_start3A_69, %dma_start3A_70] : memref<32x80x128xi32, #tpu.memory_space<hbm>> -> memref<1x80x128xi32, #tpu.memory_space<hbm>>
      %dma_start3A_72 = tpu.memref_squeeze %dma_start3A_71 : memref<1x80x128xi32, #tpu.memory_space<hbm>> -> memref<80x128xi32, #tpu.memory_space<hbm>>
      tpu.enqueue_dma source(%dma_start3A_72 : memref<80x128xi32, #tpu.memory_space<hbm>>) target(%arg8 : memref<80x128xi32, #tpu.memory_space<vmem>>) target_semaphore(%run_scoped3A : memref<!tpu.dma_semaphore, #tpu.memory_space<semaphore_mem>>)
      %dma_wait3A = arith.constant 0 : i32
      %dma_wait3A_73 = arith.constant 0 : i32
      %dma_wait3A_74 = tpu.memref_slice %arg4[%add3A, %dma_wait3A, %dma_wait3A_73] : memref<32x80x128xi32, #tpu.memory_space<hbm>> -> memref<1x80x128xi32, #tpu.memory_space<hbm>>
      %dma_wait3A_75 = tpu.memref_squeeze %dma_wait3A_74 : memref<1x80x128xi32, #tpu.memory_space<hbm>> -> memref<80x128xi32, #tpu.memory_space<hbm>>
      %dma_wait3A_76 = arith.constant 0 : i32
      %dma_wait3A_77 = arith.constant 0 : i32
      %dma_wait3A_78 = tpu.memref_slice %arg4[%add3A, %dma_wait3A_76, %dma_wait3A_77] : memref<32x80x128xi32, #tpu.memory_space<hbm>> -> memref<1x80x128xi32, #tpu.memory_space<hbm>>
      %dma_wait3A_79 = tpu.memref_squeeze %dma_wait3A_78 : memref<1x80x128xi32, #tpu.memory_space<hbm>> -> memref<80x128xi32, #tpu.memory_space<hbm>>
      tpu.wait_dma2 semaphore(%run_scoped3A : memref<!tpu.dma_semaphore, #tpu.memory_space<semaphore_mem>>) src(%dma_wait3A_79 : memref<80x128xi32, #tpu.memory_space<hbm>>) dst(%arg8 : memref<80x128xi32, #tpu.memory_space<vmem>>)
      tpu.yield
    }) : () -> ()
    %mul3A_1 = arith.constant 10240 : i32
    %mul3A_2 = arith.muli %add3A, %mul3A_1 : i32
    %eq3A = arith.constant 0 : i32
    %eq3A_3 = arith.cmpi eq, %arg1, %eq3A : i32
    %convert_element_type3A = arith.extui %eq3A_3 : i1 to i32
    %cond3A = arith.constant 0 : i32
    %cond3A_4 = arith.cmpi ne, %convert_element_type3A, %cond3A : i32
    scf.if %cond3A_4 {
      "tpu.region"() ({
        %run_scoped3A = tpu.sem_alloc : memref<!tpu.dma_semaphore, #tpu.memory_space<semaphore_mem>>
        tpu.enqueue_dma source(%arg5 : memref<10016x128xf32, #tpu.memory_space<hbm>>) target(%arg11 : memref<10016x128xf32, #tpu.memory_space<vmem_shared>>) target_semaphore(%run_scoped3A : memref<!tpu.dma_semaphore, #tpu.memory_space<semaphore_mem>>)
        tpu.wait_dma2 semaphore(%run_scoped3A : memref<!tpu.dma_semaphore, #tpu.memory_space<semaphore_mem>>) src(%arg5 : memref<10016x128xf32, #tpu.memory_space<hbm>>) dst(%arg11 : memref<10016x128xf32, #tpu.memory_space<vmem_shared>>)
        tpu.yield
      }) : () -> ()
    } else {
    }
    %barrier3A = arith.constant 0 : index
    tpu.barrier barrier_id(%barrier3A)
    %add3A_5 = arith.constant 0 : i32
    %add3A_6 = arith.addi %mul3A_2, %add3A_5 : i32
    %dma_start3A = arith.constant 0 : i32
    %dma_start3A_7 = tpu.memref_slice %arg2[%add3A_6, %dma_start3A] : memref<327680x128xf32, #tpu.memory_space<hbm>> -> memref<128x128xf32, #tpu.memory_space<hbm>>
    %dma_start3A_8 = arith.constant 0 : i32
    %dma_start3A_9 = tpu.memref_slice %arg2[%add3A_6, %dma_start3A_8] : memref<327680x128xf32, #tpu.memory_space<hbm>> -> memref<128x128xf32, #tpu.memory_space<hbm>>
    tpu.enqueue_dma source(%dma_start3A_9 : memref<128x128xf32, #tpu.memory_space<hbm>>) target(%arg9 : memref<128x128xf32, #tpu.memory_space<vmem>>) target_semaphore(%arg12 : memref<!tpu.dma_semaphore, #tpu.memory_space<semaphore_mem>>)
    %add3A_10 = arith.constant 128 : i32
    %add3A_11 = arith.addi %mul3A_2, %add3A_10 : i32
    %dma_start3A_12 = arith.constant 0 : i32
    %dma_start3A_13 = tpu.memref_slice %arg2[%add3A_11, %dma_start3A_12] : memref<327680x128xf32, #tpu.memory_space<hbm>> -> memref<128x128xf32, #tpu.memory_space<hbm>>
    %dma_start3A_14 = arith.constant 0 : i32
    %dma_start3A_15 = tpu.memref_slice %arg2[%add3A_11, %dma_start3A_14] : memref<327680x128xf32, #tpu.memory_space<hbm>> -> memref<128x128xf32, #tpu.memory_space<hbm>>
    tpu.enqueue_dma source(%dma_start3A_15 : memref<128x128xf32, #tpu.memory_space<hbm>>) target(%arg10 : memref<128x128xf32, #tpu.memory_space<vmem>>) target_semaphore(%arg13 : memref<!tpu.dma_semaphore, #tpu.memory_space<semaphore_mem>>)
    %scan3A = arith.constant 0 : i32
    %scan3A_16 = arith.constant 40 : i32
    %scan3A_17 = arith.addi %scan3A, %scan3A_16 : i32
    %scan3A_18 = arith.constant 1 : i32
    scf.for %scan3A_65 = %scan3A to %scan3A_17 step %scan3A_18  : i32 {
      %mul3A_66 = arith.constant 2 : i32
      %mul3A_67 = arith.muli %scan3A_65, %mul3A_66 : i32
      %add3A_68 = arith.constant 0 : i32
      %add3A_69 = arith.addi %add3A_68, %mul3A_67 : i32
      %dma_wait3A = arith.constant 0 : i32
      %dma_wait3A_70 = tpu.memref_slice %arg2[%mul3A_2, %dma_wait3A] : memref<327680x128xf32, #tpu.memory_space<hbm>> -> memref<128x128xf32, #tpu.memory_space<hbm>>
      %dma_wait3A_71 = arith.constant 0 : i32
      %dma_wait3A_72 = tpu.memref_slice %arg2[%mul3A_2, %dma_wait3A_71] : memref<327680x128xf32, #tpu.memory_space<hbm>> -> memref<128x128xf32, #tpu.memory_space<hbm>>
      tpu.wait_dma2 semaphore(%arg12 : memref<!tpu.dma_semaphore, #tpu.memory_space<semaphore_mem>>) src(%dma_wait3A_72 : memref<128x128xf32, #tpu.memory_space<hbm>>) dst(%arg9 : memref<128x128xf32, #tpu.memory_space<vmem>>)
      "tpu.region"() ({
        %run_scoped3A = tpu.sem_alloc : memref<!tpu.dma_semaphore, #tpu.memory_space<semaphore_mem>>
        %dma_start3A_92 = arith.constant 0 : i32
        %dma_start3A_93 = tpu.memref_slice %arg8[%add3A_69, %dma_start3A_92] : memref<80x128xi32, #tpu.memory_space<vmem>> -> memref<1x128xi32, #tpu.memory_space<vmem>>
        %dma_start3A_94 = tpu.memref_squeeze %dma_start3A_93 : memref<1x128xi32, #tpu.memory_space<vmem>> -> memref<128xi32, #tpu.memory_space<vmem>>
        %dma_start3A_95 = arith.constant 0 : i32
        %dma_start3A_96 = arith.constant 0 : i32
        %dma_start3A_97 = tpu.memref_slice %arg11[%dma_start3A_95, %dma_start3A_96] : memref<10016x128xf32, #tpu.memory_space<vmem_shared>> -> memref<10016x128xf32, #tpu.memory_space<vmem_shared>>
        tpu.enqueue_indirect_dma source(%arg9 : memref<128x128xf32, #tpu.memory_space<vmem>>) target(%dma_start3A_97 : memref<10016x128xf32, #tpu.memory_space<vmem_shared>>) offsets(%dma_start3A_94 : memref<128xi32, #tpu.memory_space<vmem>>) semaphore(%run_scoped3A : memref<!tpu.dma_semaphore, #tpu.memory_space<semaphore_mem>>) {add = true}
        %dma_wait3A_98 = arith.constant 0 : i32
        %dma_wait3A_99 = tpu.memref_slice %arg8[%add3A_69, %dma_wait3A_98] : memref<80x128xi32, #tpu.memory_space<vmem>> -> memref<1x128xi32, #tpu.memory_space<vmem>>
        %dma_wait3A_100 = tpu.memref_squeeze %dma_wait3A_99 : memref<1x128xi32, #tpu.memory_space<vmem>> -> memref<128xi32, #tpu.memory_space<vmem>>
        %dma_wait3A_101 = arith.constant 0 : i32
        %dma_wait3A_102 = arith.constant 0 : i32
        %dma_wait3A_103 = tpu.memref_slice %arg11[%dma_wait3A_101, %dma_wait3A_102] : memref<10016x128xf32, #tpu.memory_space<vmem_shared>> -> memref<10016x128xf32, #tpu.memory_space<vmem_shared>>
        tpu.wait_indirect_dma semaphore(%run_scoped3A : memref<!tpu.dma_semaphore, #tpu.memory_space<semaphore_mem>>) src(%arg9 : memref<128x128xf32, #tpu.memory_space<vmem>>) dst(%dma_wait3A_103 : memref<10016x128xf32, #tpu.memory_space<vmem_shared>>)
        tpu.yield
      }) : () -> ()
      %add3A_73 = arith.constant 2 : i32
      %add3A_74 = arith.addi %add3A_69, %add3A_73 : i32
      %lt3A = arith.constant 80 : i32
      %lt3A_75 = arith.cmpi slt, %add3A_74, %lt3A : i32
      %convert_element_type3A_76 = arith.extui %lt3A_75 : i1 to i32
      %cond3A_77 = arith.constant 0 : i32
      %cond3A_78 = arith.cmpi ne, %convert_element_type3A_76, %cond3A_77 : i32
      scf.if %cond3A_78 {
        %add3A_92 = arith.constant 2 : i32
        %add3A_93 = arith.addi %add3A_69, %add3A_92 : i32
        %mul3A_94 = arith.constant 128 : i32
        %mul3A_95 = arith.muli %add3A_93, %mul3A_94 : i32
        %add3A_96 = arith.addi %mul3A_2, %mul3A_95 : i32
        %dma_start3A_97 = arith.constant 0 : i32
        %dma_start3A_98 = tpu.memref_slice %arg2[%add3A_96, %dma_start3A_97] : memref<327680x128xf32, #tpu.memory_space<hbm>> -> memref<128x128xf32, #tpu.memory_space<hbm>>
        %dma_start3A_99 = arith.constant 0 : i32
        %dma_start3A_100 = tpu.memref_slice %arg2[%add3A_96, %dma_start3A_99] : memref<327680x128xf32, #tpu.memory_space<hbm>> -> memref<128x128xf32, #tpu.memory_space<hbm>>
        tpu.enqueue_dma source(%dma_start3A_100 : memref<128x128xf32, #tpu.memory_space<hbm>>) target(%arg9 : memref<128x128xf32, #tpu.memory_space<vmem>>) target_semaphore(%arg12 : memref<!tpu.dma_semaphore, #tpu.memory_space<semaphore_mem>>)
      } else {
      }
      %dma_wait3A_79 = arith.constant 0 : i32
      %dma_wait3A_80 = tpu.memref_slice %arg2[%mul3A_2, %dma_wait3A_79] : memref<327680x128xf32, #tpu.memory_space<hbm>> -> memref<128x128xf32, #tpu.memory_space<hbm>>
      %dma_wait3A_81 = arith.constant 0 : i32
      %dma_wait3A_82 = tpu.memref_slice %arg2[%mul3A_2, %dma_wait3A_81] : memref<327680x128xf32, #tpu.memory_space<hbm>> -> memref<128x128xf32, #tpu.memory_space<hbm>>
      tpu.wait_dma2 semaphore(%arg13 : memref<!tpu.dma_semaphore, #tpu.memory_space<semaphore_mem>>) src(%dma_wait3A_82 : memref<128x128xf32, #tpu.memory_space<hbm>>) dst(%arg10 : memref<128x128xf32, #tpu.memory_space<vmem>>)
      %add3A_83 = arith.constant 1 : i32
      %add3A_84 = arith.addi %add3A_69, %add3A_83 : i32
      "tpu.region"() ({
        %run_scoped3A = tpu.sem_alloc : memref<!tpu.dma_semaphore, #tpu.memory_space<semaphore_mem>>
        %dma_start3A_92 = arith.constant 0 : i32
        %dma_start3A_93 = tpu.memref_slice %arg8[%add3A_84, %dma_start3A_92] : memref<80x128xi32, #tpu.memory_space<vmem>> -> memref<1x128xi32, #tpu.memory_space<vmem>>
        %dma_start3A_94 = tpu.memref_squeeze %dma_start3A_93 : memref<1x128xi32, #tpu.memory_space<vmem>> -> memref<128xi32, #tpu.memory_space<vmem>>
        %dma_start3A_95 = arith.constant 0 : i32
        %dma_start3A_96 = arith.constant 0 : i32
        %dma_start3A_97 = tpu.memref_slice %arg11[%dma_start3A_95, %dma_start3A_96] : memref<10016x128xf32, #tpu.memory_space<vmem_shared>> -> memref<10016x128xf32, #tpu.memory_space<vmem_shared>>
        tpu.enqueue_indirect_dma source(%arg10 : memref<128x128xf32, #tpu.memory_space<vmem>>) target(%dma_start3A_97 : memref<10016x128xf32, #tpu.memory_space<vmem_shared>>) offsets(%dma_start3A_94 : memref<128xi32, #tpu.memory_space<vmem>>) semaphore(%run_scoped3A : memref<!tpu.dma_semaphore, #tpu.memory_space<semaphore_mem>>) {add = true}
        %dma_wait3A_98 = arith.constant 0 : i32
        %dma_wait3A_99 = tpu.memref_slice %arg8[%add3A_84, %dma_wait3A_98] : memref<80x128xi32, #tpu.memory_space<vmem>> -> memref<1x128xi32, #tpu.memory_space<vmem>>
        %dma_wait3A_100 = tpu.memref_squeeze %dma_wait3A_99 : memref<1x128xi32, #tpu.memory_space<vmem>> -> memref<128xi32, #tpu.memory_space<vmem>>
        %dma_wait3A_101 = arith.constant 0 : i32
        %dma_wait3A_102 = arith.constant 0 : i32
        %dma_wait3A_103 = tpu.memref_slice %arg11[%dma_wait3A_101, %dma_wait3A_102] : memref<10016x128xf32, #tpu.memory_space<vmem_shared>> -> memref<10016x128xf32, #tpu.memory_space<vmem_shared>>
        tpu.wait_indirect_dma semaphore(%run_scoped3A : memref<!tpu.dma_semaphore, #tpu.memory_space<semaphore_mem>>) src(%arg10 : memref<128x128xf32, #tpu.memory_space<vmem>>) dst(%dma_wait3A_103 : memref<10016x128xf32, #tpu.memory_space<vmem_shared>>)
        tpu.yield
      }) : () -> ()
      %add3A_85 = arith.constant 3 : i32
      %add3A_86 = arith.addi %add3A_69, %add3A_85 : i32
      %lt3A_87 = arith.constant 80 : i32
      %lt3A_88 = arith.cmpi slt, %add3A_86, %lt3A_87 : i32
      %convert_element_type3A_89 = arith.extui %lt3A_88 : i1 to i32
      %cond3A_90 = arith.constant 0 : i32
      %cond3A_91 = arith.cmpi ne, %convert_element_type3A_89, %cond3A_90 : i32
      scf.if %cond3A_91 {
        %add3A_92 = arith.constant 3 : i32
        %add3A_93 = arith.addi %add3A_69, %add3A_92 : i32
        %mul3A_94 = arith.constant 128 : i32
        %mul3A_95 = arith.muli %add3A_93, %mul3A_94 : i32
        %add3A_96 = arith.addi %mul3A_2, %mul3A_95 : i32
        %dma_start3A_97 = arith.constant 0 : i32
        %dma_start3A_98 = tpu.memref_slice %arg2[%add3A_96, %dma_start3A_97] : memref<327680x128xf32, #tpu.memory_space<hbm>> -> memref<128x128xf32, #tpu.memory_space<hbm>>
        %dma_start3A_99 = arith.constant 0 : i32
        %dma_start3A_100 = tpu.memref_slice %arg2[%add3A_96, %dma_start3A_99] : memref<327680x128xf32, #tpu.memory_space<hbm>> -> memref<128x128xf32, #tpu.memory_space<hbm>>
        tpu.enqueue_dma source(%dma_start3A_100 : memref<128x128xf32, #tpu.memory_space<hbm>>) target(%arg10 : memref<128x128xf32, #tpu.memory_space<vmem>>) target_semaphore(%arg13 : memref<!tpu.dma_semaphore, #tpu.memory_space<semaphore_mem>>)
      } else {
      }
    }
    %scan3A_19 = arith.constant 40 : i32
    %barrier3A_20 = arith.constant 0 : index
    tpu.barrier barrier_id(%barrier3A_20)
    %mul3A_21 = arith.constant 624 : i32
    %mul3A_22 = arith.muli %arg1, %mul3A_21 : i32
    %mul3A_23 = arith.constant 624 : i32
    %mul3A_24 = arith.muli %arg1, %mul3A_23 : i32
    "tpu.region"() ({
      %run_scoped3A = tpu.sem_alloc : memref<!tpu.dma_semaphore, #tpu.memory_space<semaphore_mem>>
      %dma_start3A_65 = arith.constant 0 : i32
      %dma_start3A_66 = tpu.memref_slice %arg6[%arg0, %mul3A_24, %dma_start3A_65] : memref<2x10000x128xf32, #tpu.memory_space<hbm>> -> memref<1x624x128xf32, #tpu.memory_space<hbm>>
      %dma_start3A_67 = tpu.memref_squeeze %dma_start3A_66 : memref<1x624x128xf32, #tpu.memory_space<hbm>> -> memref<624x128xf32, #tpu.memory_space<hbm>>
      %dma_start3A_68 = arith.constant 0 : i32
      %dma_start3A_69 = tpu.memref_slice %arg11[%mul3A_22, %dma_start3A_68] : memref<10016x128xf32, #tpu.memory_space<vmem_shared>> -> memref<624x128xf32, #tpu.memory_space<vmem_shared>>
      tpu.enqueue_dma source(%dma_start3A_69 : memref<624x128xf32, #tpu.memory_space<vmem_shared>>) target(%dma_start3A_67 : memref<624x128xf32, #tpu.memory_space<hbm>>) target_semaphore(%run_scoped3A : memref<!tpu.dma_semaphore, #tpu.memory_space<semaphore_mem>>)
      %dma_wait3A = arith.constant 0 : i32
      %dma_wait3A_70 = tpu.memref_slice %arg6[%arg0, %mul3A_24, %dma_wait3A] : memref<2x10000x128xf32, #tpu.memory_space<hbm>> -> memref<1x624x128xf32, #tpu.memory_space<hbm>>
      %dma_wait3A_71 = tpu.memref_squeeze %dma_wait3A_70 : memref<1x624x128xf32, #tpu.memory_space<hbm>> -> memref<624x128xf32, #tpu.memory_space<hbm>>
      %dma_wait3A_72 = arith.constant 0 : i32
      %dma_wait3A_73 = tpu.memref_slice %arg11[%mul3A_22, %dma_wait3A_72] : memref<10016x128xf32, #tpu.memory_space<vmem_shared>> -> memref<624x128xf32, #tpu.memory_space<vmem_shared>>
      tpu.wait_dma2 semaphore(%run_scoped3A : memref<!tpu.dma_semaphore, #tpu.memory_space<semaphore_mem>>) src(%dma_wait3A_73 : memref<624x128xf32, #tpu.memory_space<vmem_shared>>) dst(%dma_wait3A_71 : memref<624x128xf32, #tpu.memory_space<hbm>>)
      tpu.yield
    }) : () -> ()
    %eq3A_25 = arith.constant 15 : i32
    %eq3A_26 = arith.cmpi eq, %arg1, %eq3A_25 : i32
    %convert_element_type3A_27 = arith.extui %eq3A_26 : i1 to i32
    %cond3A_28 = arith.constant 0 : i32
    %cond3A_29 = arith.cmpi ne, %convert_element_type3A_27, %cond3A_28 : i32
    scf.if %cond3A_29 {
      "tpu.region"() ({
        %run_scoped3A = tpu.sem_alloc : memref<!tpu.dma_semaphore, #tpu.memory_space<semaphore_mem>>
        %dma_start3A_65 = arith.constant 9984 : i32
        %dma_start3A_66 = arith.constant 0 : i32
        %dma_start3A_67 = tpu.memref_slice %arg6[%arg0, %dma_start3A_65, %dma_start3A_66] : memref<2x10000x128xf32, #tpu.memory_space<hbm>> -> memref<1x16x128xf32, #tpu.memory_space<hbm>>
        %dma_start3A_68 = tpu.memref_squeeze %dma_start3A_67 : memref<1x16x128xf32, #tpu.memory_space<hbm>> -> memref<16x128xf32, #tpu.memory_space<hbm>>
        %dma_start3A_69 = arith.constant 9984 : i32
        %dma_start3A_70 = arith.constant 0 : i32
        %dma_start3A_71 = tpu.memref_slice %arg11[%dma_start3A_69, %dma_start3A_70] : memref<10016x128xf32, #tpu.memory_space<vmem_shared>> -> memref<16x128xf32, #tpu.memory_space<vmem_shared>>
        tpu.enqueue_dma source(%dma_start3A_71 : memref<16x128xf32, #tpu.memory_space<vmem_shared>>) target(%dma_start3A_68 : memref<16x128xf32, #tpu.memory_space<hbm>>) target_semaphore(%run_scoped3A : memref<!tpu.dma_semaphore, #tpu.memory_space<semaphore_mem>>)
        %dma_wait3A = arith.constant 9984 : i32
        %dma_wait3A_72 = arith.constant 0 : i32
        %dma_wait3A_73 = tpu.memref_slice %arg6[%arg0, %dma_wait3A, %dma_wait3A_72] : memref<2x10000x128xf32, #tpu.memory_space<hbm>> -> memref<1x16x128xf32, #tpu.memory_space<hbm>>
        %dma_wait3A_74 = tpu.memref_squeeze %dma_wait3A_73 : memref<1x16x128xf32, #tpu.memory_space<hbm>> -> memref<16x128xf32, #tpu.memory_space<hbm>>
        %dma_wait3A_75 = arith.constant 9984 : i32
        %dma_wait3A_76 = arith.constant 0 : i32
        %dma_wait3A_77 = tpu.memref_slice %arg11[%dma_wait3A_75, %dma_wait3A_76] : memref<10016x128xf32, #tpu.memory_space<vmem_shared>> -> memref<16x128xf32, #tpu.memory_space<vmem_shared>>
        tpu.wait_dma2 semaphore(%run_scoped3A : memref<!tpu.dma_semaphore, #tpu.memory_space<semaphore_mem>>) src(%dma_wait3A_77 : memref<16x128xf32, #tpu.memory_space<vmem_shared>>) dst(%dma_wait3A_74 : memref<16x128xf32, #tpu.memory_space<hbm>>)
        tpu.yield
      }) : () -> ()
    } else {
    }
    %barrier3A_30 = arith.constant 0 : index
    tpu.barrier barrier_id(%barrier3A_30)
    %eq3A_31 = arith.constant 0 : i32
    %eq3A_32 = arith.cmpi eq, %arg1, %eq3A_31 : i32
    %convert_element_type3A_33 = arith.extui %eq3A_32 : i1 to i32
    %cond3A_34 = arith.constant 0 : i32
    %cond3A_35 = arith.cmpi ne, %convert_element_type3A_33, %cond3A_34 : i32
    scf.if %cond3A_35 {
      "tpu.region"() ({
        %run_scoped3A = tpu.sem_alloc : memref<!tpu.dma_semaphore, #tpu.memory_space<semaphore_mem>>
        tpu.enqueue_dma source(%arg5 : memref<10016x128xf32, #tpu.memory_space<hbm>>) target(%arg11 : memref<10016x128xf32, #tpu.memory_space<vmem_shared>>) target_semaphore(%run_scoped3A : memref<!tpu.dma_semaphore, #tpu.memory_space<semaphore_mem>>)
        tpu.wait_dma2 semaphore(%run_scoped3A : memref<!tpu.dma_semaphore, #tpu.memory_space<semaphore_mem>>) src(%arg5 : memref<10016x128xf32, #tpu.memory_space<hbm>>) dst(%arg11 : memref<10016x128xf32, #tpu.memory_space<vmem_shared>>)
        tpu.yield
      }) : () -> ()
    } else {
    }
    %barrier3A_36 = arith.constant 0 : index
    tpu.barrier barrier_id(%barrier3A_36)
    %add3A_37 = arith.constant 0 : i32
    %add3A_38 = arith.addi %mul3A_2, %add3A_37 : i32
    %dma_start3A_39 = arith.constant 0 : i32
    %dma_start3A_40 = tpu.memref_slice %arg3[%add3A_38, %dma_start3A_39] : memref<327680x128xf32, #tpu.memory_space<hbm>> -> memref<128x128xf32, #tpu.memory_space<hbm>>
    %dma_start3A_41 = arith.constant 0 : i32
    %dma_start3A_42 = tpu.memref_slice %arg3[%add3A_38, %dma_start3A_41] : memref<327680x128xf32, #tpu.memory_space<hbm>> -> memref<128x128xf32, #tpu.memory_space<hbm>>
    tpu.enqueue_dma source(%dma_start3A_42 : memref<128x128xf32, #tpu.memory_space<hbm>>) target(%arg9 : memref<128x128xf32, #tpu.memory_space<vmem>>) target_semaphore(%arg12 : memref<!tpu.dma_semaphore, #tpu.memory_space<semaphore_mem>>)
    %add3A_43 = arith.constant 128 : i32
    %add3A_44 = arith.addi %mul3A_2, %add3A_43 : i32
    %dma_start3A_45 = arith.constant 0 : i32
    %dma_start3A_46 = tpu.memref_slice %arg3[%add3A_44, %dma_start3A_45] : memref<327680x128xf32, #tpu.memory_space<hbm>> -> memref<128x128xf32, #tpu.memory_space<hbm>>
    %dma_start3A_47 = arith.constant 0 : i32
    %dma_start3A_48 = tpu.memref_slice %arg3[%add3A_44, %dma_start3A_47] : memref<327680x128xf32, #tpu.memory_space<hbm>> -> memref<128x128xf32, #tpu.memory_space<hbm>>
    tpu.enqueue_dma source(%dma_start3A_48 : memref<128x128xf32, #tpu.memory_space<hbm>>) target(%arg10 : memref<128x128xf32, #tpu.memory_space<vmem>>) target_semaphore(%arg13 : memref<!tpu.dma_semaphore, #tpu.memory_space<semaphore_mem>>)
    %scan3A_49 = arith.constant 0 : i32
    %scan3A_50 = arith.constant 40 : i32
    %scan3A_51 = arith.addi %scan3A_49, %scan3A_50 : i32
    %scan3A_52 = arith.constant 1 : i32
    scf.for %scan3A_65 = %scan3A_49 to %scan3A_51 step %scan3A_52  : i32 {
      %mul3A_66 = arith.constant 2 : i32
      %mul3A_67 = arith.muli %scan3A_65, %mul3A_66 : i32
      %add3A_68 = arith.constant 0 : i32
      %add3A_69 = arith.addi %add3A_68, %mul3A_67 : i32
      %dma_wait3A = arith.constant 0 : i32
      %dma_wait3A_70 = tpu.memref_slice %arg3[%mul3A_2, %dma_wait3A] : memref<327680x128xf32, #tpu.memory_space<hbm>> -> memref<128x128xf32, #tpu.memory_space<hbm>>
      %dma_wait3A_71 = arith.constant 0 : i32
      %dma_wait3A_72 = tpu.memref_slice %arg3[%mul3A_2, %dma_wait3A_71] : memref<327680x128xf32, #tpu.memory_space<hbm>> -> memref<128x128xf32, #tpu.memory_space<hbm>>
      tpu.wait_dma2 semaphore(%arg12 : memref<!tpu.dma_semaphore, #tpu.memory_space<semaphore_mem>>) src(%dma_wait3A_72 : memref<128x128xf32, #tpu.memory_space<hbm>>) dst(%arg9 : memref<128x128xf32, #tpu.memory_space<vmem>>)
      "tpu.region"() ({
        %run_scoped3A = tpu.sem_alloc : memref<!tpu.dma_semaphore, #tpu.memory_space<semaphore_mem>>
        %dma_start3A_92 = arith.constant 0 : i32
        %dma_start3A_93 = tpu.memref_slice %arg8[%add3A_69, %dma_start3A_92] : memref<80x128xi32, #tpu.memory_space<vmem>> -> memref<1x128xi32, #tpu.memory_space<vmem>>
        %dma_start3A_94 = tpu.memref_squeeze %dma_start3A_93 : memref<1x128xi32, #tpu.memory_space<vmem>> -> memref<128xi32, #tpu.memory_space<vmem>>
        %dma_start3A_95 = arith.constant 0 : i32
        %dma_start3A_96 = arith.constant 0 : i32
        %dma_start3A_97 = tpu.memref_slice %arg11[%dma_start3A_95, %dma_start3A_96] : memref<10016x128xf32, #tpu.memory_space<vmem_shared>> -> memref<10016x128xf32, #tpu.memory_space<vmem_shared>>
        tpu.enqueue_indirect_dma source(%arg9 : memref<128x128xf32, #tpu.memory_space<vmem>>) target(%dma_start3A_97 : memref<10016x128xf32, #tpu.memory_space<vmem_shared>>) offsets(%dma_start3A_94 : memref<128xi32, #tpu.memory_space<vmem>>) semaphore(%run_scoped3A : memref<!tpu.dma_semaphore, #tpu.memory_space<semaphore_mem>>) {add = true}
        %dma_wait3A_98 = arith.constant 0 : i32
        %dma_wait3A_99 = tpu.memref_slice %arg8[%add3A_69, %dma_wait3A_98] : memref<80x128xi32, #tpu.memory_space<vmem>> -> memref<1x128xi32, #tpu.memory_space<vmem>>
        %dma_wait3A_100 = tpu.memref_squeeze %dma_wait3A_99 : memref<1x128xi32, #tpu.memory_space<vmem>> -> memref<128xi32, #tpu.memory_space<vmem>>
        %dma_wait3A_101 = arith.constant 0 : i32
        %dma_wait3A_102 = arith.constant 0 : i32
        %dma_wait3A_103 = tpu.memref_slice %arg11[%dma_wait3A_101, %dma_wait3A_102] : memref<10016x128xf32, #tpu.memory_space<vmem_shared>> -> memref<10016x128xf32, #tpu.memory_space<vmem_shared>>
        tpu.wait_indirect_dma semaphore(%run_scoped3A : memref<!tpu.dma_semaphore, #tpu.memory_space<semaphore_mem>>) src(%arg9 : memref<128x128xf32, #tpu.memory_space<vmem>>) dst(%dma_wait3A_103 : memref<10016x128xf32, #tpu.memory_space<vmem_shared>>)
        tpu.yield
      }) : () -> ()
      %add3A_73 = arith.constant 2 : i32
      %add3A_74 = arith.addi %add3A_69, %add3A_73 : i32
      %lt3A = arith.constant 80 : i32
      %lt3A_75 = arith.cmpi slt, %add3A_74, %lt3A : i32
      %convert_element_type3A_76 = arith.extui %lt3A_75 : i1 to i32
      %cond3A_77 = arith.constant 0 : i32
      %cond3A_78 = arith.cmpi ne, %convert_element_type3A_76, %cond3A_77 : i32
      scf.if %cond3A_78 {
        %add3A_92 = arith.constant 2 : i32
        %add3A_93 = arith.addi %add3A_69, %add3A_92 : i32
        %mul3A_94 = arith.constant 128 : i32
        %mul3A_95 = arith.muli %add3A_93, %mul3A_94 : i32
        %add3A_96 = arith.addi %mul3A_2, %mul3A_95 : i32
        %dma_start3A_97 = arith.constant 0 : i32
        %dma_start3A_98 = tpu.memref_slice %arg3[%add3A_96, %dma_start3A_97] : memref<327680x128xf32, #tpu.memory_space<hbm>> -> memref<128x128xf32, #tpu.memory_space<hbm>>
        %dma_start3A_99 = arith.constant 0 : i32
        %dma_start3A_100 = tpu.memref_slice %arg3[%add3A_96, %dma_start3A_99] : memref<327680x128xf32, #tpu.memory_space<hbm>> -> memref<128x128xf32, #tpu.memory_space<hbm>>
        tpu.enqueue_dma source(%dma_start3A_100 : memref<128x128xf32, #tpu.memory_space<hbm>>) target(%arg9 : memref<128x128xf32, #tpu.memory_space<vmem>>) target_semaphore(%arg12 : memref<!tpu.dma_semaphore, #tpu.memory_space<semaphore_mem>>)
      } else {
      }
      %dma_wait3A_79 = arith.constant 0 : i32
      %dma_wait3A_80 = tpu.memref_slice %arg3[%mul3A_2, %dma_wait3A_79] : memref<327680x128xf32, #tpu.memory_space<hbm>> -> memref<128x128xf32, #tpu.memory_space<hbm>>
      %dma_wait3A_81 = arith.constant 0 : i32
      %dma_wait3A_82 = tpu.memref_slice %arg3[%mul3A_2, %dma_wait3A_81] : memref<327680x128xf32, #tpu.memory_space<hbm>> -> memref<128x128xf32, #tpu.memory_space<hbm>>
      tpu.wait_dma2 semaphore(%arg13 : memref<!tpu.dma_semaphore, #tpu.memory_space<semaphore_mem>>) src(%dma_wait3A_82 : memref<128x128xf32, #tpu.memory_space<hbm>>) dst(%arg10 : memref<128x128xf32, #tpu.memory_space<vmem>>)
      %add3A_83 = arith.constant 1 : i32
      %add3A_84 = arith.addi %add3A_69, %add3A_83 : i32
      "tpu.region"() ({
        %run_scoped3A = tpu.sem_alloc : memref<!tpu.dma_semaphore, #tpu.memory_space<semaphore_mem>>
        %dma_start3A_92 = arith.constant 0 : i32
        %dma_start3A_93 = tpu.memref_slice %arg8[%add3A_84, %dma_start3A_92] : memref<80x128xi32, #tpu.memory_space<vmem>> -> memref<1x128xi32, #tpu.memory_space<vmem>>
        %dma_start3A_94 = tpu.memref_squeeze %dma_start3A_93 : memref<1x128xi32, #tpu.memory_space<vmem>> -> memref<128xi32, #tpu.memory_space<vmem>>
        %dma_start3A_95 = arith.constant 0 : i32
        %dma_start3A_96 = arith.constant 0 : i32
        %dma_start3A_97 = tpu.memref_slice %arg11[%dma_start3A_95, %dma_start3A_96] : memref<10016x128xf32, #tpu.memory_space<vmem_shared>> -> memref<10016x128xf32, #tpu.memory_space<vmem_shared>>
        tpu.enqueue_indirect_dma source(%arg10 : memref<128x128xf32, #tpu.memory_space<vmem>>) target(%dma_start3A_97 : memref<10016x128xf32, #tpu.memory_space<vmem_shared>>) offsets(%dma_start3A_94 : memref<128xi32, #tpu.memory_space<vmem>>) semaphore(%run_scoped3A : memref<!tpu.dma_semaphore, #tpu.memory_space<semaphore_mem>>) {add = true}
        %dma_wait3A_98 = arith.constant 0 : i32
        %dma_wait3A_99 = tpu.memref_slice %arg8[%add3A_84, %dma_wait3A_98] : memref<80x128xi32, #tpu.memory_space<vmem>> -> memref<1x128xi32, #tpu.memory_space<vmem>>
        %dma_wait3A_100 = tpu.memref_squeeze %dma_wait3A_99 : memref<1x128xi32, #tpu.memory_space<vmem>> -> memref<128xi32, #tpu.memory_space<vmem>>
        %dma_wait3A_101 = arith.constant 0 : i32
        %dma_wait3A_102 = arith.constant 0 : i32
        %dma_wait3A_103 = tpu.memref_slice %arg11[%dma_wait3A_101, %dma_wait3A_102] : memref<10016x128xf32, #tpu.memory_space<vmem_shared>> -> memref<10016x128xf32, #tpu.memory_space<vmem_shared>>
        tpu.wait_indirect_dma semaphore(%run_scoped3A : memref<!tpu.dma_semaphore, #tpu.memory_space<semaphore_mem>>) src(%arg10 : memref<128x128xf32, #tpu.memory_space<vmem>>) dst(%dma_wait3A_103 : memref<10016x128xf32, #tpu.memory_space<vmem_shared>>)
        tpu.yield
      }) : () -> ()
      %add3A_85 = arith.constant 3 : i32
      %add3A_86 = arith.addi %add3A_69, %add3A_85 : i32
      %lt3A_87 = arith.constant 80 : i32
      %lt3A_88 = arith.cmpi slt, %add3A_86, %lt3A_87 : i32
      %convert_element_type3A_89 = arith.extui %lt3A_88 : i1 to i32
      %cond3A_90 = arith.constant 0 : i32
      %cond3A_91 = arith.cmpi ne, %convert_element_type3A_89, %cond3A_90 : i32
      scf.if %cond3A_91 {
        %add3A_92 = arith.constant 3 : i32
        %add3A_93 = arith.addi %add3A_69, %add3A_92 : i32
        %mul3A_94 = arith.constant 128 : i32
        %mul3A_95 = arith.muli %add3A_93, %mul3A_94 : i32
        %add3A_96 = arith.addi %mul3A_2, %mul3A_95 : i32
        %dma_start3A_97 = arith.constant 0 : i32
        %dma_start3A_98 = tpu.memref_slice %arg3[%add3A_96, %dma_start3A_97] : memref<327680x128xf32, #tpu.memory_space<hbm>> -> memref<128x128xf32, #tpu.memory_space<hbm>>
        %dma_start3A_99 = arith.constant 0 : i32
        %dma_start3A_100 = tpu.memref_slice %arg3[%add3A_96, %dma_start3A_99] : memref<327680x128xf32, #tpu.memory_space<hbm>> -> memref<128x128xf32, #tpu.memory_space<hbm>>
        tpu.enqueue_dma source(%dma_start3A_100 : memref<128x128xf32, #tpu.memory_space<hbm>>) target(%arg10 : memref<128x128xf32, #tpu.memory_space<vmem>>) target_semaphore(%arg13 : memref<!tpu.dma_semaphore, #tpu.memory_space<semaphore_mem>>)
      } else {
      }
    }
    %scan3A_53 = arith.constant 40 : i32
    %barrier3A_54 = arith.constant 0 : index
    tpu.barrier barrier_id(%barrier3A_54)
    %mul3A_55 = arith.constant 624 : i32
    %mul3A_56 = arith.muli %arg1, %mul3A_55 : i32
    %mul3A_57 = arith.constant 624 : i32
    %mul3A_58 = arith.muli %arg1, %mul3A_57 : i32
    "tpu.region"() ({
      %run_scoped3A = tpu.sem_alloc : memref<!tpu.dma_semaphore, #tpu.memory_space<semaphore_mem>>
      %dma_start3A_65 = arith.constant 0 : i32
      %dma_start3A_66 = tpu.memref_slice %arg7[%arg0, %mul3A_58, %dma_start3A_65] : memref<2x10000x128xf32, #tpu.memory_space<hbm>> -> memref<1x624x128xf32, #tpu.memory_space<hbm>>
      %dma_start3A_67 = tpu.memref_squeeze %dma_start3A_66 : memref<1x624x128xf32, #tpu.memory_space<hbm>> -> memref<624x128xf32, #tpu.memory_space<hbm>>
      %dma_start3A_68 = arith.constant 0 : i32
      %dma_start3A_69 = tpu.memref_slice %arg11[%mul3A_56, %dma_start3A_68] : memref<10016x128xf32, #tpu.memory_space<vmem_shared>> -> memref<624x128xf32, #tpu.memory_space<vmem_shared>>
      tpu.enqueue_dma source(%dma_start3A_69 : memref<624x128xf32, #tpu.memory_space<vmem_shared>>) target(%dma_start3A_67 : memref<624x128xf32, #tpu.memory_space<hbm>>) target_semaphore(%run_scoped3A : memref<!tpu.dma_semaphore, #tpu.memory_space<semaphore_mem>>)
      %dma_wait3A = arith.constant 0 : i32
      %dma_wait3A_70 = tpu.memref_slice %arg7[%arg0, %mul3A_58, %dma_wait3A] : memref<2x10000x128xf32, #tpu.memory_space<hbm>> -> memref<1x624x128xf32, #tpu.memory_space<hbm>>
      %dma_wait3A_71 = tpu.memref_squeeze %dma_wait3A_70 : memref<1x624x128xf32, #tpu.memory_space<hbm>> -> memref<624x128xf32, #tpu.memory_space<hbm>>
      %dma_wait3A_72 = arith.constant 0 : i32
      %dma_wait3A_73 = tpu.memref_slice %arg11[%mul3A_56, %dma_wait3A_72] : memref<10016x128xf32, #tpu.memory_space<vmem_shared>> -> memref<624x128xf32, #tpu.memory_space<vmem_shared>>
      tpu.wait_dma2 semaphore(%run_scoped3A : memref<!tpu.dma_semaphore, #tpu.memory_space<semaphore_mem>>) src(%dma_wait3A_73 : memref<624x128xf32, #tpu.memory_space<vmem_shared>>) dst(%dma_wait3A_71 : memref<624x128xf32, #tpu.memory_space<hbm>>)
      tpu.yield
    }) : () -> ()
    %eq3A_59 = arith.constant 15 : i32
    %eq3A_60 = arith.cmpi eq, %arg1, %eq3A_59 : i32
    %convert_element_type3A_61 = arith.extui %eq3A_60 : i1 to i32
    %cond3A_62 = arith.constant 0 : i32
    %cond3A_63 = arith.cmpi ne, %convert_element_type3A_61, %cond3A_62 : i32
    scf.if %cond3A_63 {
      "tpu.region"() ({
        %run_scoped3A = tpu.sem_alloc : memref<!tpu.dma_semaphore, #tpu.memory_space<semaphore_mem>>
        %dma_start3A_65 = arith.constant 9984 : i32
        %dma_start3A_66 = arith.constant 0 : i32
        %dma_start3A_67 = tpu.memref_slice %arg7[%arg0, %dma_start3A_65, %dma_start3A_66] : memref<2x10000x128xf32, #tpu.memory_space<hbm>> -> memref<1x16x128xf32, #tpu.memory_space<hbm>>
        %dma_start3A_68 = tpu.memref_squeeze %dma_start3A_67 : memref<1x16x128xf32, #tpu.memory_space<hbm>> -> memref<16x128xf32, #tpu.memory_space<hbm>>
        %dma_start3A_69 = arith.constant 9984 : i32
        %dma_start3A_70 = arith.constant 0 : i32
        %dma_start3A_71 = tpu.memref_slice %arg11[%dma_start3A_69, %dma_start3A_70] : memref<10016x128xf32, #tpu.memory_space<vmem_shared>> -> memref<16x128xf32, #tpu.memory_space<vmem_shared>>
        tpu.enqueue_dma source(%dma_start3A_71 : memref<16x128xf32, #tpu.memory_space<vmem_shared>>) target(%dma_start3A_68 : memref<16x128xf32, #tpu.memory_space<hbm>>) target_semaphore(%run_scoped3A : memref<!tpu.dma_semaphore, #tpu.memory_space<semaphore_mem>>)
        %dma_wait3A = arith.constant 9984 : i32
        %dma_wait3A_72 = arith.constant 0 : i32
        %dma_wait3A_73 = tpu.memref_slice %arg7[%arg0, %dma_wait3A, %dma_wait3A_72] : memref<2x10000x128xf32, #tpu.memory_space<hbm>> -> memref<1x16x128xf32, #tpu.memory_space<hbm>>
        %dma_wait3A_74 = tpu.memref_squeeze %dma_wait3A_73 : memref<1x16x128xf32, #tpu.memory_space<hbm>> -> memref<16x128xf32, #tpu.memory_space<hbm>>
        %dma_wait3A_75 = arith.constant 9984 : i32
        %dma_wait3A_76 = arith.constant 0 : i32
        %dma_wait3A_77 = tpu.memref_slice %arg11[%dma_wait3A_75, %dma_wait3A_76] : memref<10016x128xf32, #tpu.memory_space<vmem_shared>> -> memref<16x128xf32, #tpu.memory_space<vmem_shared>>
        tpu.wait_dma2 semaphore(%run_scoped3A : memref<!tpu.dma_semaphore, #tpu.memory_space<semaphore_mem>>) src(%dma_wait3A_77 : memref<16x128xf32, #tpu.memory_space<vmem_shared>>) dst(%dma_wait3A_74 : memref<16x128xf32, #tpu.memory_space<hbm>>)
        tpu.yield
      }) : () -> ()
    } else {
    }
    %barrier3A_64 = arith.constant 0 : index
    tpu.barrier barrier_id(%barrier3A_64)
    return
  }
}

#map = affine_map<(d0, d1) -> (0, 0)>
#map1 = affine_map<(d0, d1) -> (0, 0, 0)>
module attributes {stable_mosaic.version = 14 : i64} {
  func.func @gather_kernel(%arg0: i32, %arg1: i32, %arg2: memref<10000x128xf32, #tpu.memory_space<hbm>>, %arg3: memref<32x80x128xi32, #tpu.memory_space<hbm>>, %arg4: memref<327680x128xf32, #tpu.memory_space<hbm>>, %arg5: memref<80x128xi32, #tpu.memory_space<vmem>>, %arg6: memref<128x128xf32, #tpu.memory_space<vmem>>, %arg7: memref<128x128xf32, #tpu.memory_space<vmem>>, %arg8: memref<10000x128xf32, #tpu.memory_space<vmem_shared>>, %arg9: memref<!tpu.dma_semaphore, #tpu.memory_space<semaphore_mem>>, %arg10: memref<!tpu.dma_semaphore, #tpu.memory_space<semaphore_mem>>) attributes {dimension_semantics = [#tpu.dimension_semantics<core_parallel>, #tpu.dimension_semantics<subcore_parallel>], iteration_bounds = array<i64: 2, 16>, scalar_prefetch = 0 : i64, scratch_operands = 6 : i64, tpu.core_type = #tpu.core_type<sc_vector_subcore>, window_params = [{transform_indices = #map}, {transform_indices = #map1}, {transform_indices = #map}]} {
    %mul3A = arith.constant 16 : i32
    %mul3A_0 = arith.muli %arg0, %mul3A : i32
    %add3A = arith.addi %mul3A_0, %arg1 : i32
    "tpu.region"() ({
      %run_scoped3A = tpu.sem_alloc : memref<!tpu.dma_semaphore, #tpu.memory_space<semaphore_mem>>
      %dma_start3A_22 = arith.constant 0 : i32
      %dma_start3A_23 = arith.constant 0 : i32
      %dma_start3A_24 = tpu.memref_slice %arg3[%add3A, %dma_start3A_22, %dma_start3A_23] : memref<32x80x128xi32, #tpu.memory_space<hbm>> -> memref<1x80x128xi32, #tpu.memory_space<hbm>>
      %dma_start3A_25 = tpu.memref_squeeze %dma_start3A_24 : memref<1x80x128xi32, #tpu.memory_space<hbm>> -> memref<80x128xi32, #tpu.memory_space<hbm>>
      %dma_start3A_26 = arith.constant 0 : i32
      %dma_start3A_27 = arith.constant 0 : i32
      %dma_start3A_28 = tpu.memref_slice %arg3[%add3A, %dma_start3A_26, %dma_start3A_27] : memref<32x80x128xi32, #tpu.memory_space<hbm>> -> memref<1x80x128xi32, #tpu.memory_space<hbm>>
      %dma_start3A_29 = tpu.memref_squeeze %dma_start3A_28 : memref<1x80x128xi32, #tpu.memory_space<hbm>> -> memref<80x128xi32, #tpu.memory_space<hbm>>
      tpu.enqueue_dma source(%dma_start3A_29 : memref<80x128xi32, #tpu.memory_space<hbm>>) target(%arg5 : memref<80x128xi32, #tpu.memory_space<vmem>>) target_semaphore(%run_scoped3A : memref<!tpu.dma_semaphore, #tpu.memory_space<semaphore_mem>>)
      %dma_wait3A = arith.constant 0 : i32
      %dma_wait3A_30 = arith.constant 0 : i32
      %dma_wait3A_31 = tpu.memref_slice %arg3[%add3A, %dma_wait3A, %dma_wait3A_30] : memref<32x80x128xi32, #tpu.memory_space<hbm>> -> memref<1x80x128xi32, #tpu.memory_space<hbm>>
      %dma_wait3A_32 = tpu.memref_squeeze %dma_wait3A_31 : memref<1x80x128xi32, #tpu.memory_space<hbm>> -> memref<80x128xi32, #tpu.memory_space<hbm>>
      %dma_wait3A_33 = arith.constant 0 : i32
      %dma_wait3A_34 = arith.constant 0 : i32
      %dma_wait3A_35 = tpu.memref_slice %arg3[%add3A, %dma_wait3A_33, %dma_wait3A_34] : memref<32x80x128xi32, #tpu.memory_space<hbm>> -> memref<1x80x128xi32, #tpu.memory_space<hbm>>
      %dma_wait3A_36 = tpu.memref_squeeze %dma_wait3A_35 : memref<1x80x128xi32, #tpu.memory_space<hbm>> -> memref<80x128xi32, #tpu.memory_space<hbm>>
      tpu.wait_dma2 semaphore(%run_scoped3A : memref<!tpu.dma_semaphore, #tpu.memory_space<semaphore_mem>>) src(%dma_wait3A_36 : memref<80x128xi32, #tpu.memory_space<hbm>>) dst(%arg5 : memref<80x128xi32, #tpu.memory_space<vmem>>)
      tpu.yield
    }) : () -> ()
    %eq3A = arith.constant 0 : i32
    %eq3A_1 = arith.cmpi eq, %arg1, %eq3A : i32
    %convert_element_type3A = arith.extui %eq3A_1 : i1 to i32
    %cond3A = arith.constant 0 : i32
    %cond3A_2 = arith.cmpi ne, %convert_element_type3A, %cond3A : i32
    scf.if %cond3A_2 {
      "tpu.region"() ({
        %run_scoped3A = tpu.sem_alloc : memref<!tpu.dma_semaphore, #tpu.memory_space<semaphore_mem>>
        tpu.enqueue_dma source(%arg2 : memref<10000x128xf32, #tpu.memory_space<hbm>>) target(%arg8 : memref<10000x128xf32, #tpu.memory_space<vmem_shared>>) target_semaphore(%run_scoped3A : memref<!tpu.dma_semaphore, #tpu.memory_space<semaphore_mem>>)
        tpu.wait_dma2 semaphore(%run_scoped3A : memref<!tpu.dma_semaphore, #tpu.memory_space<semaphore_mem>>) src(%arg2 : memref<10000x128xf32, #tpu.memory_space<hbm>>) dst(%arg8 : memref<10000x128xf32, #tpu.memory_space<vmem_shared>>)
        tpu.yield
      }) : () -> ()
    } else {
    }
    %barrier3A = arith.constant 0 : index
    tpu.barrier barrier_id(%barrier3A)
    %mul3A_3 = arith.constant 10240 : i32
    %mul3A_4 = arith.muli %add3A, %mul3A_3 : i32
    %dma_start3A = arith.constant 0 : i32
    %dma_start3A_5 = arith.constant 0 : i32
    %dma_start3A_6 = tpu.memref_slice %arg5[%dma_start3A, %dma_start3A_5] : memref<80x128xi32, #tpu.memory_space<vmem>> -> memref<1x128xi32, #tpu.memory_space<vmem>>
    %dma_start3A_7 = tpu.memref_squeeze %dma_start3A_6 : memref<1x128xi32, #tpu.memory_space<vmem>> -> memref<128xi32, #tpu.memory_space<vmem>>
    %dma_start3A_8 = arith.constant 0 : i32
    %dma_start3A_9 = arith.constant 0 : i32
    %dma_start3A_10 = tpu.memref_slice %arg8[%dma_start3A_8, %dma_start3A_9] : memref<10000x128xf32, #tpu.memory_space<vmem_shared>> -> memref<10000x128xf32, #tpu.memory_space<vmem_shared>>
    tpu.enqueue_indirect_dma source(%dma_start3A_10 : memref<10000x128xf32, #tpu.memory_space<vmem_shared>>) target(%arg6 : memref<128x128xf32, #tpu.memory_space<vmem>>) offsets(%dma_start3A_7 : memref<128xi32, #tpu.memory_space<vmem>>) semaphore(%arg9 : memref<!tpu.dma_semaphore, #tpu.memory_space<semaphore_mem>>)
    %dma_start3A_11 = arith.constant 1 : i32
    %dma_start3A_12 = arith.constant 0 : i32
    %dma_start3A_13 = tpu.memref_slice %arg5[%dma_start3A_11, %dma_start3A_12] : memref<80x128xi32, #tpu.memory_space<vmem>> -> memref<1x128xi32, #tpu.memory_space<vmem>>
    %dma_start3A_14 = tpu.memref_squeeze %dma_start3A_13 : memref<1x128xi32, #tpu.memory_space<vmem>> -> memref<128xi32, #tpu.memory_space<vmem>>
    %dma_start3A_15 = arith.constant 0 : i32
    %dma_start3A_16 = arith.constant 0 : i32
    %dma_start3A_17 = tpu.memref_slice %arg8[%dma_start3A_15, %dma_start3A_16] : memref<10000x128xf32, #tpu.memory_space<vmem_shared>> -> memref<10000x128xf32, #tpu.memory_space<vmem_shared>>
    tpu.enqueue_indirect_dma source(%dma_start3A_17 : memref<10000x128xf32, #tpu.memory_space<vmem_shared>>) target(%arg7 : memref<128x128xf32, #tpu.memory_space<vmem>>) offsets(%dma_start3A_14 : memref<128xi32, #tpu.memory_space<vmem>>) semaphore(%arg10 : memref<!tpu.dma_semaphore, #tpu.memory_space<semaphore_mem>>)
    %scan3A = arith.constant 0 : i32
    %scan3A_18 = arith.constant 40 : i32
    %scan3A_19 = arith.addi %scan3A, %scan3A_18 : i32
    %scan3A_20 = arith.constant 1 : i32
    scf.for %scan3A_22 = %scan3A to %scan3A_19 step %scan3A_20  : i32 {
      %mul3A_23 = arith.constant 2 : i32
      %mul3A_24 = arith.muli %scan3A_22, %mul3A_23 : i32
      %add3A_25 = arith.constant 0 : i32
      %add3A_26 = arith.addi %add3A_25, %mul3A_24 : i32
      %dma_wait3A = arith.constant 0 : i32
      %dma_wait3A_27 = arith.constant 0 : i32
      %dma_wait3A_28 = tpu.memref_slice %arg5[%dma_wait3A, %dma_wait3A_27] : memref<80x128xi32, #tpu.memory_space<vmem>> -> memref<1x128xi32, #tpu.memory_space<vmem>>
      %dma_wait3A_29 = tpu.memref_squeeze %dma_wait3A_28 : memref<1x128xi32, #tpu.memory_space<vmem>> -> memref<128xi32, #tpu.memory_space<vmem>>
      %dma_wait3A_30 = arith.constant 0 : i32
      %dma_wait3A_31 = arith.constant 0 : i32
      %dma_wait3A_32 = tpu.memref_slice %arg8[%dma_wait3A_30, %dma_wait3A_31] : memref<10000x128xf32, #tpu.memory_space<vmem_shared>> -> memref<10000x128xf32, #tpu.memory_space<vmem_shared>>
      tpu.wait_indirect_dma semaphore(%arg9 : memref<!tpu.dma_semaphore, #tpu.memory_space<semaphore_mem>>) src(%dma_wait3A_32 : memref<10000x128xf32, #tpu.memory_space<vmem_shared>>) dst(%arg6 : memref<128x128xf32, #tpu.memory_space<vmem>>)
      %add3A_33 = arith.constant 0 : i32
      %add3A_34 = arith.addi %add3A_26, %add3A_33 : i32
      %mul3A_35 = arith.constant 128 : i32
      %mul3A_36 = arith.muli %add3A_34, %mul3A_35 : i32
      %add3A_37 = arith.addi %mul3A_4, %mul3A_36 : i32
      "tpu.region"() ({
        %run_scoped3A = tpu.sem_alloc : memref<!tpu.dma_semaphore, #tpu.memory_space<semaphore_mem>>
        %dma_start3A_67 = arith.constant 0 : i32
        %dma_start3A_68 = tpu.memref_slice %arg4[%add3A_37, %dma_start3A_67] : memref<327680x128xf32, #tpu.memory_space<hbm>> -> memref<128x128xf32, #tpu.memory_space<hbm>>
        %dma_start3A_69 = arith.constant 0 : i32
        %dma_start3A_70 = tpu.memref_slice %arg4[%add3A_37, %dma_start3A_69] : memref<327680x128xf32, #tpu.memory_space<hbm>> -> memref<128x128xf32, #tpu.memory_space<hbm>>
        tpu.enqueue_dma source(%arg6 : memref<128x128xf32, #tpu.memory_space<vmem>>) target(%dma_start3A_70 : memref<128x128xf32, #tpu.memory_space<hbm>>) target_semaphore(%run_scoped3A : memref<!tpu.dma_semaphore, #tpu.memory_space<semaphore_mem>>)
        %dma_wait3A_71 = arith.constant 0 : i32
        %dma_wait3A_72 = tpu.memref_slice %arg4[%add3A_37, %dma_wait3A_71] : memref<327680x128xf32, #tpu.memory_space<hbm>> -> memref<128x128xf32, #tpu.memory_space<hbm>>
        %dma_wait3A_73 = arith.constant 0 : i32
        %dma_wait3A_74 = tpu.memref_slice %arg4[%add3A_37, %dma_wait3A_73] : memref<327680x128xf32, #tpu.memory_space<hbm>> -> memref<128x128xf32, #tpu.memory_space<hbm>>
        tpu.wait_dma2 semaphore(%run_scoped3A : memref<!tpu.dma_semaphore, #tpu.memory_space<semaphore_mem>>) src(%arg6 : memref<128x128xf32, #tpu.memory_space<vmem>>) dst(%dma_wait3A_74 : memref<128x128xf32, #tpu.memory_space<hbm>>)
        tpu.yield
      }) : () -> ()
      %add3A_38 = arith.constant 0 : i32
      %add3A_39 = arith.addi %add3A_26, %add3A_38 : i32
      %add3A_40 = arith.constant 2 : i32
      %add3A_41 = arith.addi %add3A_39, %add3A_40 : i32
      %lt3A = arith.constant 80 : i32
      %lt3A_42 = arith.cmpi slt, %add3A_41, %lt3A : i32
      %convert_element_type3A_43 = arith.extui %lt3A_42 : i1 to i32
      %cond3A_44 = arith.constant 0 : i32
      %cond3A_45 = arith.cmpi ne, %convert_element_type3A_43, %cond3A_44 : i32
      scf.if %cond3A_45 {
        %add3A_67 = arith.constant 0 : i32
        %add3A_68 = arith.addi %add3A_26, %add3A_67 : i32
        %add3A_69 = arith.constant 2 : i32
        %add3A_70 = arith.addi %add3A_68, %add3A_69 : i32
        %dma_start3A_71 = arith.constant 0 : i32
        %dma_start3A_72 = tpu.memref_slice %arg5[%add3A_70, %dma_start3A_71] : memref<80x128xi32, #tpu.memory_space<vmem>> -> memref<1x128xi32, #tpu.memory_space<vmem>>
        %dma_start3A_73 = tpu.memref_squeeze %dma_start3A_72 : memref<1x128xi32, #tpu.memory_space<vmem>> -> memref<128xi32, #tpu.memory_space<vmem>>
        %dma_start3A_74 = arith.constant 0 : i32
        %dma_start3A_75 = arith.constant 0 : i32
        %dma_start3A_76 = tpu.memref_slice %arg8[%dma_start3A_74, %dma_start3A_75] : memref<10000x128xf32, #tpu.memory_space<vmem_shared>> -> memref<10000x128xf32, #tpu.memory_space<vmem_shared>>
        tpu.enqueue_indirect_dma source(%dma_start3A_76 : memref<10000x128xf32, #tpu.memory_space<vmem_shared>>) target(%arg6 : memref<128x128xf32, #tpu.memory_space<vmem>>) offsets(%dma_start3A_73 : memref<128xi32, #tpu.memory_space<vmem>>) semaphore(%arg9 : memref<!tpu.dma_semaphore, #tpu.memory_space<semaphore_mem>>)
      } else {
      }
      %dma_wait3A_46 = arith.constant 0 : i32
      %dma_wait3A_47 = arith.constant 0 : i32
      %dma_wait3A_48 = tpu.memref_slice %arg5[%dma_wait3A_46, %dma_wait3A_47] : memref<80x128xi32, #tpu.memory_space<vmem>> -> memref<1x128xi32, #tpu.memory_space<vmem>>
      %dma_wait3A_49 = tpu.memref_squeeze %dma_wait3A_48 : memref<1x128xi32, #tpu.memory_space<vmem>> -> memref<128xi32, #tpu.memory_space<vmem>>
      %dma_wait3A_50 = arith.constant 0 : i32
      %dma_wait3A_51 = arith.constant 0 : i32
      %dma_wait3A_52 = tpu.memref_slice %arg8[%dma_wait3A_50, %dma_wait3A_51] : memref<10000x128xf32, #tpu.memory_space<vmem_shared>> -> memref<10000x128xf32, #tpu.memory_space<vmem_shared>>
      tpu.wait_indirect_dma semaphore(%arg10 : memref<!tpu.dma_semaphore, #tpu.memory_space<semaphore_mem>>) src(%dma_wait3A_52 : memref<10000x128xf32, #tpu.memory_space<vmem_shared>>) dst(%arg7 : memref<128x128xf32, #tpu.memory_space<vmem>>)
      %add3A_53 = arith.constant 1 : i32
      %add3A_54 = arith.addi %add3A_26, %add3A_53 : i32
      %mul3A_55 = arith.constant 128 : i32
      %mul3A_56 = arith.muli %add3A_54, %mul3A_55 : i32
      %add3A_57 = arith.addi %mul3A_4, %mul3A_56 : i32
      "tpu.region"() ({
        %run_scoped3A = tpu.sem_alloc : memref<!tpu.dma_semaphore, #tpu.memory_space<semaphore_mem>>
        %dma_start3A_67 = arith.constant 0 : i32
        %dma_start3A_68 = tpu.memref_slice %arg4[%add3A_57, %dma_start3A_67] : memref<327680x128xf32, #tpu.memory_space<hbm>> -> memref<128x128xf32, #tpu.memory_space<hbm>>
        %dma_start3A_69 = arith.constant 0 : i32
        %dma_start3A_70 = tpu.memref_slice %arg4[%add3A_57, %dma_start3A_69] : memref<327680x128xf32, #tpu.memory_space<hbm>> -> memref<128x128xf32, #tpu.memory_space<hbm>>
        tpu.enqueue_dma source(%arg7 : memref<128x128xf32, #tpu.memory_space<vmem>>) target(%dma_start3A_70 : memref<128x128xf32, #tpu.memory_space<hbm>>) target_semaphore(%run_scoped3A : memref<!tpu.dma_semaphore, #tpu.memory_space<semaphore_mem>>)
        %dma_wait3A_71 = arith.constant 0 : i32
        %dma_wait3A_72 = tpu.memref_slice %arg4[%add3A_57, %dma_wait3A_71] : memref<327680x128xf32, #tpu.memory_space<hbm>> -> memref<128x128xf32, #tpu.memory_space<hbm>>
        %dma_wait3A_73 = arith.constant 0 : i32
        %dma_wait3A_74 = tpu.memref_slice %arg4[%add3A_57, %dma_wait3A_73] : memref<327680x128xf32, #tpu.memory_space<hbm>> -> memref<128x128xf32, #tpu.memory_space<hbm>>
        tpu.wait_dma2 semaphore(%run_scoped3A : memref<!tpu.dma_semaphore, #tpu.memory_space<semaphore_mem>>) src(%arg7 : memref<128x128xf32, #tpu.memory_space<vmem>>) dst(%dma_wait3A_74 : memref<128x128xf32, #tpu.memory_space<hbm>>)
        tpu.yield
      }) : () -> ()
      %add3A_58 = arith.constant 1 : i32
      %add3A_59 = arith.addi %add3A_26, %add3A_58 : i32
      %add3A_60 = arith.constant 2 : i32
      %add3A_61 = arith.addi %add3A_59, %add3A_60 : i32
      %lt3A_62 = arith.constant 80 : i32
      %lt3A_63 = arith.cmpi slt, %add3A_61, %lt3A_62 : i32
      %convert_element_type3A_64 = arith.extui %lt3A_63 : i1 to i32
      %cond3A_65 = arith.constant 0 : i32
      %cond3A_66 = arith.cmpi ne, %convert_element_type3A_64, %cond3A_65 : i32
      scf.if %cond3A_66 {
        %add3A_67 = arith.constant 1 : i32
        %add3A_68 = arith.addi %add3A_26, %add3A_67 : i32
        %add3A_69 = arith.constant 2 : i32
        %add3A_70 = arith.addi %add3A_68, %add3A_69 : i32
        %dma_start3A_71 = arith.constant 0 : i32
        %dma_start3A_72 = tpu.memref_slice %arg5[%add3A_70, %dma_start3A_71] : memref<80x128xi32, #tpu.memory_space<vmem>> -> memref<1x128xi32, #tpu.memory_space<vmem>>
        %dma_start3A_73 = tpu.memref_squeeze %dma_start3A_72 : memref<1x128xi32, #tpu.memory_space<vmem>> -> memref<128xi32, #tpu.memory_space<vmem>>
        %dma_start3A_74 = arith.constant 0 : i32
        %dma_start3A_75 = arith.constant 0 : i32
        %dma_start3A_76 = tpu.memref_slice %arg8[%dma_start3A_74, %dma_start3A_75] : memref<10000x128xf32, #tpu.memory_space<vmem_shared>> -> memref<10000x128xf32, #tpu.memory_space<vmem_shared>>
        tpu.enqueue_indirect_dma source(%dma_start3A_76 : memref<10000x128xf32, #tpu.memory_space<vmem_shared>>) target(%arg7 : memref<128x128xf32, #tpu.memory_space<vmem>>) offsets(%dma_start3A_73 : memref<128xi32, #tpu.memory_space<vmem>>) semaphore(%arg10 : memref<!tpu.dma_semaphore, #tpu.memory_space<semaphore_mem>>)
      } else {
      }
    }
    %scan3A_21 = arith.constant 40 : i32
    return
  }
}

#map = affine_map<(d0, d1) -> (0, 0)>
#map1 = affine_map<(d0, d1) -> (0, 0, 0)>
module attributes {stable_mosaic.version = 14 : i64} {
  func.func @scatter_kernel(%arg0: i32, %arg1: i32, %arg2: memref<327680x128xf32, #tpu.memory_space<hbm>>, %arg3: memref<327680x128xf32, #tpu.memory_space<hbm>>, %arg4: memref<32x80x128xi32, #tpu.memory_space<hbm>>, %arg5: memref<10016x128xf32, #tpu.memory_space<hbm>>, %arg6: memref<2x10000x128xf32, #tpu.memory_space<hbm>>, %arg7: memref<2x10000x128xf32, #tpu.memory_space<hbm>>, %arg8: memref<80x128xi32, #tpu.memory_space<vmem>>, %arg9: memref<128x128xf32, #tpu.memory_space<vmem>>, %arg10: memref<128x128xf32, #tpu.memory_space<vmem>>, %arg11: memref<10016x128xf32, #tpu.memory_space<vmem_shared>>, %arg12: memref<!tpu.dma_semaphore, #tpu.memory_space<semaphore_mem>>, %arg13: memref<!tpu.dma_semaphore, #tpu.memory_space<semaphore_mem>>) attributes {dimension_semantics = [#tpu.dimension_semantics<core_parallel>, #tpu.dimension_semantics<subcore_parallel>], iteration_bounds = array<i64: 2, 16>, scalar_prefetch = 0 : i64, scratch_operands = 6 : i64, tpu.core_type = #tpu.core_type<sc_vector_subcore>, window_params = [{transform_indices = #map}, {transform_indices = #map}, {transform_indices = #map1}, {transform_indices = #map}, {transform_indices = #map1}, {transform_indices = #map1}]} {
    %mul3A = arith.constant 16 : i32
    %mul3A_0 = arith.muli %arg0, %mul3A : i32
    %add3A = arith.addi %mul3A_0, %arg1 : i32
    "tpu.region"() ({
      %run_scoped3A = tpu.sem_alloc : memref<!tpu.dma_semaphore, #tpu.memory_space<semaphore_mem>>
      %dma_start3A_65 = arith.constant 0 : i32
      %dma_start3A_66 = arith.constant 0 : i32
      %dma_start3A_67 = tpu.memref_slice %arg4[%add3A, %dma_start3A_65, %dma_start3A_66] : memref<32x80x128xi32, #tpu.memory_space<hbm>> -> memref<1x80x128xi32, #tpu.memory_space<hbm>>
      %dma_start3A_68 = tpu.memref_squeeze %dma_start3A_67 : memref<1x80x128xi32, #tpu.memory_space<hbm>> -> memref<80x128xi32, #tpu.memory_space<hbm>>
      %dma_start3A_69 = arith.constant 0 : i32
      %dma_start3A_70 = arith.constant 0 : i32
      %dma_start3A_71 = tpu.memref_slice %arg4[%add3A, %dma_start3A_69, %dma_start3A_70] : memref<32x80x128xi32, #tpu.memory_space<hbm>> -> memref<1x80x128xi32, #tpu.memory_space<hbm>>
      %dma_start3A_72 = tpu.memref_squeeze %dma_start3A_71 : memref<1x80x128xi32, #tpu.memory_space<hbm>> -> memref<80x128xi32, #tpu.memory_space<hbm>>
      tpu.enqueue_dma source(%dma_start3A_72 : memref<80x128xi32, #tpu.memory_space<hbm>>) target(%arg8 : memref<80x128xi32, #tpu.memory_space<vmem>>) target_semaphore(%run_scoped3A : memref<!tpu.dma_semaphore, #tpu.memory_space<semaphore_mem>>)
      %dma_wait3A = arith.constant 0 : i32
      %dma_wait3A_73 = arith.constant 0 : i32
      %dma_wait3A_74 = tpu.memref_slice %arg4[%add3A, %dma_wait3A, %dma_wait3A_73] : memref<32x80x128xi32, #tpu.memory_space<hbm>> -> memref<1x80x128xi32, #tpu.memory_space<hbm>>
      %dma_wait3A_75 = tpu.memref_squeeze %dma_wait3A_74 : memref<1x80x128xi32, #tpu.memory_space<hbm>> -> memref<80x128xi32, #tpu.memory_space<hbm>>
      %dma_wait3A_76 = arith.constant 0 : i32
      %dma_wait3A_77 = arith.constant 0 : i32
      %dma_wait3A_78 = tpu.memref_slice %arg4[%add3A, %dma_wait3A_76, %dma_wait3A_77] : memref<32x80x128xi32, #tpu.memory_space<hbm>> -> memref<1x80x128xi32, #tpu.memory_space<hbm>>
      %dma_wait3A_79 = tpu.memref_squeeze %dma_wait3A_78 : memref<1x80x128xi32, #tpu.memory_space<hbm>> -> memref<80x128xi32, #tpu.memory_space<hbm>>
      tpu.wait_dma2 semaphore(%run_scoped3A : memref<!tpu.dma_semaphore, #tpu.memory_space<semaphore_mem>>) src(%dma_wait3A_79 : memref<80x128xi32, #tpu.memory_space<hbm>>) dst(%arg8 : memref<80x128xi32, #tpu.memory_space<vmem>>)
      tpu.yield
    }) : () -> ()
    %mul3A_1 = arith.constant 10240 : i32
    %mul3A_2 = arith.muli %add3A, %mul3A_1 : i32
    %eq3A = arith.constant 0 : i32
    %eq3A_3 = arith.cmpi eq, %arg1, %eq3A : i32
    %convert_element_type3A = arith.extui %eq3A_3 : i1 to i32
    %cond3A = arith.constant 0 : i32
    %cond3A_4 = arith.cmpi ne, %convert_element_type3A, %cond3A : i32
    scf.if %cond3A_4 {
      "tpu.region"() ({
        %run_scoped3A = tpu.sem_alloc : memref<!tpu.dma_semaphore, #tpu.memory_space<semaphore_mem>>
        tpu.enqueue_dma source(%arg5 : memref<10016x128xf32, #tpu.memory_space<hbm>>) target(%arg11 : memref<10016x128xf32, #tpu.memory_space<vmem_shared>>) target_semaphore(%run_scoped3A : memref<!tpu.dma_semaphore, #tpu.memory_space<semaphore_mem>>)
        tpu.wait_dma2 semaphore(%run_scoped3A : memref<!tpu.dma_semaphore, #tpu.memory_space<semaphore_mem>>) src(%arg5 : memref<10016x128xf32, #tpu.memory_space<hbm>>) dst(%arg11 : memref<10016x128xf32, #tpu.memory_space<vmem_shared>>)
        tpu.yield
      }) : () -> ()
    } else {
    }
    %barrier3A = arith.constant 0 : index
    tpu.barrier barrier_id(%barrier3A)
    %add3A_5 = arith.constant 0 : i32
    %add3A_6 = arith.addi %mul3A_2, %add3A_5 : i32
    %dma_start3A = arith.constant 0 : i32
    %dma_start3A_7 = tpu.memref_slice %arg2[%add3A_6, %dma_start3A] : memref<327680x128xf32, #tpu.memory_space<hbm>> -> memref<128x128xf32, #tpu.memory_space<hbm>>
    %dma_start3A_8 = arith.constant 0 : i32
    %dma_start3A_9 = tpu.memref_slice %arg2[%add3A_6, %dma_start3A_8] : memref<327680x128xf32, #tpu.memory_space<hbm>> -> memref<128x128xf32, #tpu.memory_space<hbm>>
    tpu.enqueue_dma source(%dma_start3A_9 : memref<128x128xf32, #tpu.memory_space<hbm>>) target(%arg9 : memref<128x128xf32, #tpu.memory_space<vmem>>) target_semaphore(%arg12 : memref<!tpu.dma_semaphore, #tpu.memory_space<semaphore_mem>>)
    %add3A_10 = arith.constant 128 : i32
    %add3A_11 = arith.addi %mul3A_2, %add3A_10 : i32
    %dma_start3A_12 = arith.constant 0 : i32
    %dma_start3A_13 = tpu.memref_slice %arg2[%add3A_11, %dma_start3A_12] : memref<327680x128xf32, #tpu.memory_space<hbm>> -> memref<128x128xf32, #tpu.memory_space<hbm>>
    %dma_start3A_14 = arith.constant 0 : i32
    %dma_start3A_15 = tpu.memref_slice %arg2[%add3A_11, %dma_start3A_14] : memref<327680x128xf32, #tpu.memory_space<hbm>> -> memref<128x128xf32, #tpu.memory_space<hbm>>
    tpu.enqueue_dma source(%dma_start3A_15 : memref<128x128xf32, #tpu.memory_space<hbm>>) target(%arg10 : memref<128x128xf32, #tpu.memory_space<vmem>>) target_semaphore(%arg13 : memref<!tpu.dma_semaphore, #tpu.memory_space<semaphore_mem>>)
    %scan3A = arith.constant 0 : i32
    %scan3A_16 = arith.constant 40 : i32
    %scan3A_17 = arith.addi %scan3A, %scan3A_16 : i32
    %scan3A_18 = arith.constant 1 : i32
    scf.for %scan3A_65 = %scan3A to %scan3A_17 step %scan3A_18  : i32 {
      %mul3A_66 = arith.constant 2 : i32
      %mul3A_67 = arith.muli %scan3A_65, %mul3A_66 : i32
      %add3A_68 = arith.constant 0 : i32
      %add3A_69 = arith.addi %add3A_68, %mul3A_67 : i32
      %dma_wait3A = arith.constant 0 : i32
      %dma_wait3A_70 = tpu.memref_slice %arg2[%mul3A_2, %dma_wait3A] : memref<327680x128xf32, #tpu.memory_space<hbm>> -> memref<128x128xf32, #tpu.memory_space<hbm>>
      %dma_wait3A_71 = arith.constant 0 : i32
      %dma_wait3A_72 = tpu.memref_slice %arg2[%mul3A_2, %dma_wait3A_71] : memref<327680x128xf32, #tpu.memory_space<hbm>> -> memref<128x128xf32, #tpu.memory_space<hbm>>
      tpu.wait_dma2 semaphore(%arg12 : memref<!tpu.dma_semaphore, #tpu.memory_space<semaphore_mem>>) src(%dma_wait3A_72 : memref<128x128xf32, #tpu.memory_space<hbm>>) dst(%arg9 : memref<128x128xf32, #tpu.memory_space<vmem>>)
      "tpu.region"() ({
        %run_scoped3A = tpu.sem_alloc : memref<!tpu.dma_semaphore, #tpu.memory_space<semaphore_mem>>
        %dma_start3A_92 = arith.constant 0 : i32
        %dma_start3A_93 = tpu.memref_slice %arg8[%add3A_69, %dma_start3A_92] : memref<80x128xi32, #tpu.memory_space<vmem>> -> memref<1x128xi32, #tpu.memory_space<vmem>>
        %dma_start3A_94 = tpu.memref_squeeze %dma_start3A_93 : memref<1x128xi32, #tpu.memory_space<vmem>> -> memref<128xi32, #tpu.memory_space<vmem>>
        %dma_start3A_95 = arith.constant 0 : i32
        %dma_start3A_96 = arith.constant 0 : i32
        %dma_start3A_97 = tpu.memref_slice %arg11[%dma_start3A_95, %dma_start3A_96] : memref<10016x128xf32, #tpu.memory_space<vmem_shared>> -> memref<10016x128xf32, #tpu.memory_space<vmem_shared>>
        tpu.enqueue_indirect_dma source(%arg9 : memref<128x128xf32, #tpu.memory_space<vmem>>) target(%dma_start3A_97 : memref<10016x128xf32, #tpu.memory_space<vmem_shared>>) offsets(%dma_start3A_94 : memref<128xi32, #tpu.memory_space<vmem>>) semaphore(%run_scoped3A : memref<!tpu.dma_semaphore, #tpu.memory_space<semaphore_mem>>) {add = true}
        %dma_wait3A_98 = arith.constant 0 : i32
        %dma_wait3A_99 = tpu.memref_slice %arg8[%add3A_69, %dma_wait3A_98] : memref<80x128xi32, #tpu.memory_space<vmem>> -> memref<1x128xi32, #tpu.memory_space<vmem>>
        %dma_wait3A_100 = tpu.memref_squeeze %dma_wait3A_99 : memref<1x128xi32, #tpu.memory_space<vmem>> -> memref<128xi32, #tpu.memory_space<vmem>>
        %dma_wait3A_101 = arith.constant 0 : i32
        %dma_wait3A_102 = arith.constant 0 : i32
        %dma_wait3A_103 = tpu.memref_slice %arg11[%dma_wait3A_101, %dma_wait3A_102] : memref<10016x128xf32, #tpu.memory_space<vmem_shared>> -> memref<10016x128xf32, #tpu.memory_space<vmem_shared>>
        tpu.wait_indirect_dma semaphore(%run_scoped3A : memref<!tpu.dma_semaphore, #tpu.memory_space<semaphore_mem>>) src(%arg9 : memref<128x128xf32, #tpu.memory_space<vmem>>) dst(%dma_wait3A_103 : memref<10016x128xf32, #tpu.memory_space<vmem_shared>>)
        tpu.yield
      }) : () -> ()
      %add3A_73 = arith.constant 2 : i32
      %add3A_74 = arith.addi %add3A_69, %add3A_73 : i32
      %lt3A = arith.constant 80 : i32
      %lt3A_75 = arith.cmpi slt, %add3A_74, %lt3A : i32
      %convert_element_type3A_76 = arith.extui %lt3A_75 : i1 to i32
      %cond3A_77 = arith.constant 0 : i32
      %cond3A_78 = arith.cmpi ne, %convert_element_type3A_76, %cond3A_77 : i32
      scf.if %cond3A_78 {
        %add3A_92 = arith.constant 2 : i32
        %add3A_93 = arith.addi %add3A_69, %add3A_92 : i32
        %mul3A_94 = arith.constant 128 : i32
        %mul3A_95 = arith.muli %add3A_93, %mul3A_94 : i32
        %add3A_96 = arith.addi %mul3A_2, %mul3A_95 : i32
        %dma_start3A_97 = arith.constant 0 : i32
        %dma_start3A_98 = tpu.memref_slice %arg2[%add3A_96, %dma_start3A_97] : memref<327680x128xf32, #tpu.memory_space<hbm>> -> memref<128x128xf32, #tpu.memory_space<hbm>>
        %dma_start3A_99 = arith.constant 0 : i32
        %dma_start3A_100 = tpu.memref_slice %arg2[%add3A_96, %dma_start3A_99] : memref<327680x128xf32, #tpu.memory_space<hbm>> -> memref<128x128xf32, #tpu.memory_space<hbm>>
        tpu.enqueue_dma source(%dma_start3A_100 : memref<128x128xf32, #tpu.memory_space<hbm>>) target(%arg9 : memref<128x128xf32, #tpu.memory_space<vmem>>) target_semaphore(%arg12 : memref<!tpu.dma_semaphore, #tpu.memory_space<semaphore_mem>>)
      } else {
      }
      %dma_wait3A_79 = arith.constant 0 : i32
      %dma_wait3A_80 = tpu.memref_slice %arg2[%mul3A_2, %dma_wait3A_79] : memref<327680x128xf32, #tpu.memory_space<hbm>> -> memref<128x128xf32, #tpu.memory_space<hbm>>
      %dma_wait3A_81 = arith.constant 0 : i32
      %dma_wait3A_82 = tpu.memref_slice %arg2[%mul3A_2, %dma_wait3A_81] : memref<327680x128xf32, #tpu.memory_space<hbm>> -> memref<128x128xf32, #tpu.memory_space<hbm>>
      tpu.wait_dma2 semaphore(%arg13 : memref<!tpu.dma_semaphore, #tpu.memory_space<semaphore_mem>>) src(%dma_wait3A_82 : memref<128x128xf32, #tpu.memory_space<hbm>>) dst(%arg10 : memref<128x128xf32, #tpu.memory_space<vmem>>)
      %add3A_83 = arith.constant 1 : i32
      %add3A_84 = arith.addi %add3A_69, %add3A_83 : i32
      "tpu.region"() ({
        %run_scoped3A = tpu.sem_alloc : memref<!tpu.dma_semaphore, #tpu.memory_space<semaphore_mem>>
        %dma_start3A_92 = arith.constant 0 : i32
        %dma_start3A_93 = tpu.memref_slice %arg8[%add3A_84, %dma_start3A_92] : memref<80x128xi32, #tpu.memory_space<vmem>> -> memref<1x128xi32, #tpu.memory_space<vmem>>
        %dma_start3A_94 = tpu.memref_squeeze %dma_start3A_93 : memref<1x128xi32, #tpu.memory_space<vmem>> -> memref<128xi32, #tpu.memory_space<vmem>>
        %dma_start3A_95 = arith.constant 0 : i32
        %dma_start3A_96 = arith.constant 0 : i32
        %dma_start3A_97 = tpu.memref_slice %arg11[%dma_start3A_95, %dma_start3A_96] : memref<10016x128xf32, #tpu.memory_space<vmem_shared>> -> memref<10016x128xf32, #tpu.memory_space<vmem_shared>>
        tpu.enqueue_indirect_dma source(%arg10 : memref<128x128xf32, #tpu.memory_space<vmem>>) target(%dma_start3A_97 : memref<10016x128xf32, #tpu.memory_space<vmem_shared>>) offsets(%dma_start3A_94 : memref<128xi32, #tpu.memory_space<vmem>>) semaphore(%run_scoped3A : memref<!tpu.dma_semaphore, #tpu.memory_space<semaphore_mem>>) {add = true}
        %dma_wait3A_98 = arith.constant 0 : i32
        %dma_wait3A_99 = tpu.memref_slice %arg8[%add3A_84, %dma_wait3A_98] : memref<80x128xi32, #tpu.memory_space<vmem>> -> memref<1x128xi32, #tpu.memory_space<vmem>>
        %dma_wait3A_100 = tpu.memref_squeeze %dma_wait3A_99 : memref<1x128xi32, #tpu.memory_space<vmem>> -> memref<128xi32, #tpu.memory_space<vmem>>
        %dma_wait3A_101 = arith.constant 0 : i32
        %dma_wait3A_102 = arith.constant 0 : i32
        %dma_wait3A_103 = tpu.memref_slice %arg11[%dma_wait3A_101, %dma_wait3A_102] : memref<10016x128xf32, #tpu.memory_space<vmem_shared>> -> memref<10016x128xf32, #tpu.memory_space<vmem_shared>>
        tpu.wait_indirect_dma semaphore(%run_scoped3A : memref<!tpu.dma_semaphore, #tpu.memory_space<semaphore_mem>>) src(%arg10 : memref<128x128xf32, #tpu.memory_space<vmem>>) dst(%dma_wait3A_103 : memref<10016x128xf32, #tpu.memory_space<vmem_shared>>)
        tpu.yield
      }) : () -> ()
      %add3A_85 = arith.constant 3 : i32
      %add3A_86 = arith.addi %add3A_69, %add3A_85 : i32
      %lt3A_87 = arith.constant 80 : i32
      %lt3A_88 = arith.cmpi slt, %add3A_86, %lt3A_87 : i32
      %convert_element_type3A_89 = arith.extui %lt3A_88 : i1 to i32
      %cond3A_90 = arith.constant 0 : i32
      %cond3A_91 = arith.cmpi ne, %convert_element_type3A_89, %cond3A_90 : i32
      scf.if %cond3A_91 {
        %add3A_92 = arith.constant 3 : i32
        %add3A_93 = arith.addi %add3A_69, %add3A_92 : i32
        %mul3A_94 = arith.constant 128 : i32
        %mul3A_95 = arith.muli %add3A_93, %mul3A_94 : i32
        %add3A_96 = arith.addi %mul3A_2, %mul3A_95 : i32
        %dma_start3A_97 = arith.constant 0 : i32
        %dma_start3A_98 = tpu.memref_slice %arg2[%add3A_96, %dma_start3A_97] : memref<327680x128xf32, #tpu.memory_space<hbm>> -> memref<128x128xf32, #tpu.memory_space<hbm>>
        %dma_start3A_99 = arith.constant 0 : i32
        %dma_start3A_100 = tpu.memref_slice %arg2[%add3A_96, %dma_start3A_99] : memref<327680x128xf32, #tpu.memory_space<hbm>> -> memref<128x128xf32, #tpu.memory_space<hbm>>
        tpu.enqueue_dma source(%dma_start3A_100 : memref<128x128xf32, #tpu.memory_space<hbm>>) target(%arg10 : memref<128x128xf32, #tpu.memory_space<vmem>>) target_semaphore(%arg13 : memref<!tpu.dma_semaphore, #tpu.memory_space<semaphore_mem>>)
      } else {
      }
    }
    %scan3A_19 = arith.constant 40 : i32
    %barrier3A_20 = arith.constant 0 : index
    tpu.barrier barrier_id(%barrier3A_20)
    %mul3A_21 = arith.constant 624 : i32
    %mul3A_22 = arith.muli %arg1, %mul3A_21 : i32
    %mul3A_23 = arith.constant 624 : i32
    %mul3A_24 = arith.muli %arg1, %mul3A_23 : i32
    "tpu.region"() ({
      %run_scoped3A = tpu.sem_alloc : memref<!tpu.dma_semaphore, #tpu.memory_space<semaphore_mem>>
      %dma_start3A_65 = arith.constant 0 : i32
      %dma_start3A_66 = tpu.memref_slice %arg6[%arg0, %mul3A_24, %dma_start3A_65] : memref<2x10000x128xf32, #tpu.memory_space<hbm>> -> memref<1x624x128xf32, #tpu.memory_space<hbm>>
      %dma_start3A_67 = tpu.memref_squeeze %dma_start3A_66 : memref<1x624x128xf32, #tpu.memory_space<hbm>> -> memref<624x128xf32, #tpu.memory_space<hbm>>
      %dma_start3A_68 = arith.constant 0 : i32
      %dma_start3A_69 = tpu.memref_slice %arg11[%mul3A_22, %dma_start3A_68] : memref<10016x128xf32, #tpu.memory_space<vmem_shared>> -> memref<624x128xf32, #tpu.memory_space<vmem_shared>>
      tpu.enqueue_dma source(%dma_start3A_69 : memref<624x128xf32, #tpu.memory_space<vmem_shared>>) target(%dma_start3A_67 : memref<624x128xf32, #tpu.memory_space<hbm>>) target_semaphore(%run_scoped3A : memref<!tpu.dma_semaphore, #tpu.memory_space<semaphore_mem>>)
      %dma_wait3A = arith.constant 0 : i32
      %dma_wait3A_70 = tpu.memref_slice %arg6[%arg0, %mul3A_24, %dma_wait3A] : memref<2x10000x128xf32, #tpu.memory_space<hbm>> -> memref<1x624x128xf32, #tpu.memory_space<hbm>>
      %dma_wait3A_71 = tpu.memref_squeeze %dma_wait3A_70 : memref<1x624x128xf32, #tpu.memory_space<hbm>> -> memref<624x128xf32, #tpu.memory_space<hbm>>
      %dma_wait3A_72 = arith.constant 0 : i32
      %dma_wait3A_73 = tpu.memref_slice %arg11[%mul3A_22, %dma_wait3A_72] : memref<10016x128xf32, #tpu.memory_space<vmem_shared>> -> memref<624x128xf32, #tpu.memory_space<vmem_shared>>
      tpu.wait_dma2 semaphore(%run_scoped3A : memref<!tpu.dma_semaphore, #tpu.memory_space<semaphore_mem>>) src(%dma_wait3A_73 : memref<624x128xf32, #tpu.memory_space<vmem_shared>>) dst(%dma_wait3A_71 : memref<624x128xf32, #tpu.memory_space<hbm>>)
      tpu.yield
    }) : () -> ()
    %eq3A_25 = arith.constant 15 : i32
    %eq3A_26 = arith.cmpi eq, %arg1, %eq3A_25 : i32
    %convert_element_type3A_27 = arith.extui %eq3A_26 : i1 to i32
    %cond3A_28 = arith.constant 0 : i32
    %cond3A_29 = arith.cmpi ne, %convert_element_type3A_27, %cond3A_28 : i32
    scf.if %cond3A_29 {
      "tpu.region"() ({
        %run_scoped3A = tpu.sem_alloc : memref<!tpu.dma_semaphore, #tpu.memory_space<semaphore_mem>>
        %dma_start3A_65 = arith.constant 9984 : i32
        %dma_start3A_66 = arith.constant 0 : i32
        %dma_start3A_67 = tpu.memref_slice %arg6[%arg0, %dma_start3A_65, %dma_start3A_66] : memref<2x10000x128xf32, #tpu.memory_space<hbm>> -> memref<1x16x128xf32, #tpu.memory_space<hbm>>
        %dma_start3A_68 = tpu.memref_squeeze %dma_start3A_67 : memref<1x16x128xf32, #tpu.memory_space<hbm>> -> memref<16x128xf32, #tpu.memory_space<hbm>>
        %dma_start3A_69 = arith.constant 9984 : i32
        %dma_start3A_70 = arith.constant 0 : i32
        %dma_start3A_71 = tpu.memref_slice %arg11[%dma_start3A_69, %dma_start3A_70] : memref<10016x128xf32, #tpu.memory_space<vmem_shared>> -> memref<16x128xf32, #tpu.memory_space<vmem_shared>>
        tpu.enqueue_dma source(%dma_start3A_71 : memref<16x128xf32, #tpu.memory_space<vmem_shared>>) target(%dma_start3A_68 : memref<16x128xf32, #tpu.memory_space<hbm>>) target_semaphore(%run_scoped3A : memref<!tpu.dma_semaphore, #tpu.memory_space<semaphore_mem>>)
        %dma_wait3A = arith.constant 9984 : i32
        %dma_wait3A_72 = arith.constant 0 : i32
        %dma_wait3A_73 = tpu.memref_slice %arg6[%arg0, %dma_wait3A, %dma_wait3A_72] : memref<2x10000x128xf32, #tpu.memory_space<hbm>> -> memref<1x16x128xf32, #tpu.memory_space<hbm>>
        %dma_wait3A_74 = tpu.memref_squeeze %dma_wait3A_73 : memref<1x16x128xf32, #tpu.memory_space<hbm>> -> memref<16x128xf32, #tpu.memory_space<hbm>>
        %dma_wait3A_75 = arith.constant 9984 : i32
        %dma_wait3A_76 = arith.constant 0 : i32
        %dma_wait3A_77 = tpu.memref_slice %arg11[%dma_wait3A_75, %dma_wait3A_76] : memref<10016x128xf32, #tpu.memory_space<vmem_shared>> -> memref<16x128xf32, #tpu.memory_space<vmem_shared>>
        tpu.wait_dma2 semaphore(%run_scoped3A : memref<!tpu.dma_semaphore, #tpu.memory_space<semaphore_mem>>) src(%dma_wait3A_77 : memref<16x128xf32, #tpu.memory_space<vmem_shared>>) dst(%dma_wait3A_74 : memref<16x128xf32, #tpu.memory_space<hbm>>)
        tpu.yield
      }) : () -> ()
    } else {
    }
    %barrier3A_30 = arith.constant 0 : index
    tpu.barrier barrier_id(%barrier3A_30)
    %eq3A_31 = arith.constant 0 : i32
    %eq3A_32 = arith.cmpi eq, %arg1, %eq3A_31 : i32
    %convert_element_type3A_33 = arith.extui %eq3A_32 : i1 to i32
    %cond3A_34 = arith.constant 0 : i32
    %cond3A_35 = arith.cmpi ne, %convert_element_type3A_33, %cond3A_34 : i32
    scf.if %cond3A_35 {
      "tpu.region"() ({
        %run_scoped3A = tpu.sem_alloc : memref<!tpu.dma_semaphore, #tpu.memory_space<semaphore_mem>>
        tpu.enqueue_dma source(%arg5 : memref<10016x128xf32, #tpu.memory_space<hbm>>) target(%arg11 : memref<10016x128xf32, #tpu.memory_space<vmem_shared>>) target_semaphore(%run_scoped3A : memref<!tpu.dma_semaphore, #tpu.memory_space<semaphore_mem>>)
        tpu.wait_dma2 semaphore(%run_scoped3A : memref<!tpu.dma_semaphore, #tpu.memory_space<semaphore_mem>>) src(%arg5 : memref<10016x128xf32, #tpu.memory_space<hbm>>) dst(%arg11 : memref<10016x128xf32, #tpu.memory_space<vmem_shared>>)
        tpu.yield
      }) : () -> ()
    } else {
    }
    %barrier3A_36 = arith.constant 0 : index
    tpu.barrier barrier_id(%barrier3A_36)
    %add3A_37 = arith.constant 0 : i32
    %add3A_38 = arith.addi %mul3A_2, %add3A_37 : i32
    %dma_start3A_39 = arith.constant 0 : i32
    %dma_start3A_40 = tpu.memref_slice %arg3[%add3A_38, %dma_start3A_39] : memref<327680x128xf32, #tpu.memory_space<hbm>> -> memref<128x128xf32, #tpu.memory_space<hbm>>
    %dma_start3A_41 = arith.constant 0 : i32
    %dma_start3A_42 = tpu.memref_slice %arg3[%add3A_38, %dma_start3A_41] : memref<327680x128xf32, #tpu.memory_space<hbm>> -> memref<128x128xf32, #tpu.memory_space<hbm>>
    tpu.enqueue_dma source(%dma_start3A_42 : memref<128x128xf32, #tpu.memory_space<hbm>>) target(%arg9 : memref<128x128xf32, #tpu.memory_space<vmem>>) target_semaphore(%arg12 : memref<!tpu.dma_semaphore, #tpu.memory_space<semaphore_mem>>)
    %add3A_43 = arith.constant 128 : i32
    %add3A_44 = arith.addi %mul3A_2, %add3A_43 : i32
    %dma_start3A_45 = arith.constant 0 : i32
    %dma_start3A_46 = tpu.memref_slice %arg3[%add3A_44, %dma_start3A_45] : memref<327680x128xf32, #tpu.memory_space<hbm>> -> memref<128x128xf32, #tpu.memory_space<hbm>>
    %dma_start3A_47 = arith.constant 0 : i32
    %dma_start3A_48 = tpu.memref_slice %arg3[%add3A_44, %dma_start3A_47] : memref<327680x128xf32, #tpu.memory_space<hbm>> -> memref<128x128xf32, #tpu.memory_space<hbm>>
    tpu.enqueue_dma source(%dma_start3A_48 : memref<128x128xf32, #tpu.memory_space<hbm>>) target(%arg10 : memref<128x128xf32, #tpu.memory_space<vmem>>) target_semaphore(%arg13 : memref<!tpu.dma_semaphore, #tpu.memory_space<semaphore_mem>>)
    %scan3A_49 = arith.constant 0 : i32
    %scan3A_50 = arith.constant 40 : i32
    %scan3A_51 = arith.addi %scan3A_49, %scan3A_50 : i32
    %scan3A_52 = arith.constant 1 : i32
    scf.for %scan3A_65 = %scan3A_49 to %scan3A_51 step %scan3A_52  : i32 {
      %mul3A_66 = arith.constant 2 : i32
      %mul3A_67 = arith.muli %scan3A_65, %mul3A_66 : i32
      %add3A_68 = arith.constant 0 : i32
      %add3A_69 = arith.addi %add3A_68, %mul3A_67 : i32
      %dma_wait3A = arith.constant 0 : i32
      %dma_wait3A_70 = tpu.memref_slice %arg3[%mul3A_2, %dma_wait3A] : memref<327680x128xf32, #tpu.memory_space<hbm>> -> memref<128x128xf32, #tpu.memory_space<hbm>>
      %dma_wait3A_71 = arith.constant 0 : i32
      %dma_wait3A_72 = tpu.memref_slice %arg3[%mul3A_2, %dma_wait3A_71] : memref<327680x128xf32, #tpu.memory_space<hbm>> -> memref<128x128xf32, #tpu.memory_space<hbm>>
      tpu.wait_dma2 semaphore(%arg12 : memref<!tpu.dma_semaphore, #tpu.memory_space<semaphore_mem>>) src(%dma_wait3A_72 : memref<128x128xf32, #tpu.memory_space<hbm>>) dst(%arg9 : memref<128x128xf32, #tpu.memory_space<vmem>>)
      "tpu.region"() ({
        %run_scoped3A = tpu.sem_alloc : memref<!tpu.dma_semaphore, #tpu.memory_space<semaphore_mem>>
        %dma_start3A_92 = arith.constant 0 : i32
        %dma_start3A_93 = tpu.memref_slice %arg8[%add3A_69, %dma_start3A_92] : memref<80x128xi32, #tpu.memory_space<vmem>> -> memref<1x128xi32, #tpu.memory_space<vmem>>
        %dma_start3A_94 = tpu.memref_squeeze %dma_start3A_93 : memref<1x128xi32, #tpu.memory_space<vmem>> -> memref<128xi32, #tpu.memory_space<vmem>>
        %dma_start3A_95 = arith.constant 0 : i32
        %dma_start3A_96 = arith.constant 0 : i32
        %dma_start3A_97 = tpu.memref_slice %arg11[%dma_start3A_95, %dma_start3A_96] : memref<10016x128xf32, #tpu.memory_space<vmem_shared>> -> memref<10016x128xf32, #tpu.memory_space<vmem_shared>>
        tpu.enqueue_indirect_dma source(%arg9 : memref<128x128xf32, #tpu.memory_space<vmem>>) target(%dma_start3A_97 : memref<10016x128xf32, #tpu.memory_space<vmem_shared>>) offsets(%dma_start3A_94 : memref<128xi32, #tpu.memory_space<vmem>>) semaphore(%run_scoped3A : memref<!tpu.dma_semaphore, #tpu.memory_space<semaphore_mem>>) {add = true}
        %dma_wait3A_98 = arith.constant 0 : i32
        %dma_wait3A_99 = tpu.memref_slice %arg8[%add3A_69, %dma_wait3A_98] : memref<80x128xi32, #tpu.memory_space<vmem>> -> memref<1x128xi32, #tpu.memory_space<vmem>>
        %dma_wait3A_100 = tpu.memref_squeeze %dma_wait3A_99 : memref<1x128xi32, #tpu.memory_space<vmem>> -> memref<128xi32, #tpu.memory_space<vmem>>
        %dma_wait3A_101 = arith.constant 0 : i32
        %dma_wait3A_102 = arith.constant 0 : i32
        %dma_wait3A_103 = tpu.memref_slice %arg11[%dma_wait3A_101, %dma_wait3A_102] : memref<10016x128xf32, #tpu.memory_space<vmem_shared>> -> memref<10016x128xf32, #tpu.memory_space<vmem_shared>>
        tpu.wait_indirect_dma semaphore(%run_scoped3A : memref<!tpu.dma_semaphore, #tpu.memory_space<semaphore_mem>>) src(%arg9 : memref<128x128xf32, #tpu.memory_space<vmem>>) dst(%dma_wait3A_103 : memref<10016x128xf32, #tpu.memory_space<vmem_shared>>)
        tpu.yield
      }) : () -> ()
      %add3A_73 = arith.constant 2 : i32
      %add3A_74 = arith.addi %add3A_69, %add3A_73 : i32
      %lt3A = arith.constant 80 : i32
      %lt3A_75 = arith.cmpi slt, %add3A_74, %lt3A : i32
      %convert_element_type3A_76 = arith.extui %lt3A_75 : i1 to i32
      %cond3A_77 = arith.constant 0 : i32
      %cond3A_78 = arith.cmpi ne, %convert_element_type3A_76, %cond3A_77 : i32
      scf.if %cond3A_78 {
        %add3A_92 = arith.constant 2 : i32
        %add3A_93 = arith.addi %add3A_69, %add3A_92 : i32
        %mul3A_94 = arith.constant 128 : i32
        %mul3A_95 = arith.muli %add3A_93, %mul3A_94 : i32
        %add3A_96 = arith.addi %mul3A_2, %mul3A_95 : i32
        %dma_start3A_97 = arith.constant 0 : i32
        %dma_start3A_98 = tpu.memref_slice %arg3[%add3A_96, %dma_start3A_97] : memref<327680x128xf32, #tpu.memory_space<hbm>> -> memref<128x128xf32, #tpu.memory_space<hbm>>
        %dma_start3A_99 = arith.constant 0 : i32
        %dma_start3A_100 = tpu.memref_slice %arg3[%add3A_96, %dma_start3A_99] : memref<327680x128xf32, #tpu.memory_space<hbm>> -> memref<128x128xf32, #tpu.memory_space<hbm>>
        tpu.enqueue_dma source(%dma_start3A_100 : memref<128x128xf32, #tpu.memory_space<hbm>>) target(%arg9 : memref<128x128xf32, #tpu.memory_space<vmem>>) target_semaphore(%arg12 : memref<!tpu.dma_semaphore, #tpu.memory_space<semaphore_mem>>)
      } else {
      }
      %dma_wait3A_79 = arith.constant 0 : i32
      %dma_wait3A_80 = tpu.memref_slice %arg3[%mul3A_2, %dma_wait3A_79] : memref<327680x128xf32, #tpu.memory_space<hbm>> -> memref<128x128xf32, #tpu.memory_space<hbm>>
      %dma_wait3A_81 = arith.constant 0 : i32
      %dma_wait3A_82 = tpu.memref_slice %arg3[%mul3A_2, %dma_wait3A_81] : memref<327680x128xf32, #tpu.memory_space<hbm>> -> memref<128x128xf32, #tpu.memory_space<hbm>>
      tpu.wait_dma2 semaphore(%arg13 : memref<!tpu.dma_semaphore, #tpu.memory_space<semaphore_mem>>) src(%dma_wait3A_82 : memref<128x128xf32, #tpu.memory_space<hbm>>) dst(%arg10 : memref<128x128xf32, #tpu.memory_space<vmem>>)
      %add3A_83 = arith.constant 1 : i32
      %add3A_84 = arith.addi %add3A_69, %add3A_83 : i32
      "tpu.region"() ({
        %run_scoped3A = tpu.sem_alloc : memref<!tpu.dma_semaphore, #tpu.memory_space<semaphore_mem>>
        %dma_start3A_92 = arith.constant 0 : i32
        %dma_start3A_93 = tpu.memref_slice %arg8[%add3A_84, %dma_start3A_92] : memref<80x128xi32, #tpu.memory_space<vmem>> -> memref<1x128xi32, #tpu.memory_space<vmem>>
        %dma_start3A_94 = tpu.memref_squeeze %dma_start3A_93 : memref<1x128xi32, #tpu.memory_space<vmem>> -> memref<128xi32, #tpu.memory_space<vmem>>
        %dma_start3A_95 = arith.constant 0 : i32
        %dma_start3A_96 = arith.constant 0 : i32
        %dma_start3A_97 = tpu.memref_slice %arg11[%dma_start3A_95, %dma_start3A_96] : memref<10016x128xf32, #tpu.memory_space<vmem_shared>> -> memref<10016x128xf32, #tpu.memory_space<vmem_shared>>
        tpu.enqueue_indirect_dma source(%arg10 : memref<128x128xf32, #tpu.memory_space<vmem>>) target(%dma_start3A_97 : memref<10016x128xf32, #tpu.memory_space<vmem_shared>>) offsets(%dma_start3A_94 : memref<128xi32, #tpu.memory_space<vmem>>) semaphore(%run_scoped3A : memref<!tpu.dma_semaphore, #tpu.memory_space<semaphore_mem>>) {add = true}
        %dma_wait3A_98 = arith.constant 0 : i32
        %dma_wait3A_99 = tpu.memref_slice %arg8[%add3A_84, %dma_wait3A_98] : memref<80x128xi32, #tpu.memory_space<vmem>> -> memref<1x128xi32, #tpu.memory_space<vmem>>
        %dma_wait3A_100 = tpu.memref_squeeze %dma_wait3A_99 : memref<1x128xi32, #tpu.memory_space<vmem>> -> memref<128xi32, #tpu.memory_space<vmem>>
        %dma_wait3A_101 = arith.constant 0 : i32
        %dma_wait3A_102 = arith.constant 0 : i32
        %dma_wait3A_103 = tpu.memref_slice %arg11[%dma_wait3A_101, %dma_wait3A_102] : memref<10016x128xf32, #tpu.memory_space<vmem_shared>> -> memref<10016x128xf32, #tpu.memory_space<vmem_shared>>
        tpu.wait_indirect_dma semaphore(%run_scoped3A : memref<!tpu.dma_semaphore, #tpu.memory_space<semaphore_mem>>) src(%arg10 : memref<128x128xf32, #tpu.memory_space<vmem>>) dst(%dma_wait3A_103 : memref<10016x128xf32, #tpu.memory_space<vmem_shared>>)
        tpu.yield
      }) : () -> ()
      %add3A_85 = arith.constant 3 : i32
      %add3A_86 = arith.addi %add3A_69, %add3A_85 : i32
      %lt3A_87 = arith.constant 80 : i32
      %lt3A_88 = arith.cmpi slt, %add3A_86, %lt3A_87 : i32
      %convert_element_type3A_89 = arith.extui %lt3A_88 : i1 to i32
      %cond3A_90 = arith.constant 0 : i32
      %cond3A_91 = arith.cmpi ne, %convert_element_type3A_89, %cond3A_90 : i32
      scf.if %cond3A_91 {
        %add3A_92 = arith.constant 3 : i32
        %add3A_93 = arith.addi %add3A_69, %add3A_92 : i32
        %mul3A_94 = arith.constant 128 : i32
        %mul3A_95 = arith.muli %add3A_93, %mul3A_94 : i32
        %add3A_96 = arith.addi %mul3A_2, %mul3A_95 : i32
        %dma_start3A_97 = arith.constant 0 : i32
        %dma_start3A_98 = tpu.memref_slice %arg3[%add3A_96, %dma_start3A_97] : memref<327680x128xf32, #tpu.memory_space<hbm>> -> memref<128x128xf32, #tpu.memory_space<hbm>>
        %dma_start3A_99 = arith.constant 0 : i32
        %dma_start3A_100 = tpu.memref_slice %arg3[%add3A_96, %dma_start3A_99] : memref<327680x128xf32, #tpu.memory_space<hbm>> -> memref<128x128xf32, #tpu.memory_space<hbm>>
        tpu.enqueue_dma source(%dma_start3A_100 : memref<128x128xf32, #tpu.memory_space<hbm>>) target(%arg10 : memref<128x128xf32, #tpu.memory_space<vmem>>) target_semaphore(%arg13 : memref<!tpu.dma_semaphore, #tpu.memory_space<semaphore_mem>>)
      } else {
      }
    }
    %scan3A_53 = arith.constant 40 : i32
    %barrier3A_54 = arith.constant 0 : index
    tpu.barrier barrier_id(%barrier3A_54)
    %mul3A_55 = arith.constant 624 : i32
    %mul3A_56 = arith.muli %arg1, %mul3A_55 : i32
    %mul3A_57 = arith.constant 624 : i32
    %mul3A_58 = arith.muli %arg1, %mul3A_57 : i32
    "tpu.region"() ({
      %run_scoped3A = tpu.sem_alloc : memref<!tpu.dma_semaphore, #tpu.memory_space<semaphore_mem>>
      %dma_start3A_65 = arith.constant 0 : i32
      %dma_start3A_66 = tpu.memref_slice %arg7[%arg0, %mul3A_58, %dma_start3A_65] : memref<2x10000x128xf32, #tpu.memory_space<hbm>> -> memref<1x624x128xf32, #tpu.memory_space<hbm>>
      %dma_start3A_67 = tpu.memref_squeeze %dma_start3A_66 : memref<1x624x128xf32, #tpu.memory_space<hbm>> -> memref<624x128xf32, #tpu.memory_space<hbm>>
      %dma_start3A_68 = arith.constant 0 : i32
      %dma_start3A_69 = tpu.memref_slice %arg11[%mul3A_56, %dma_start3A_68] : memref<10016x128xf32, #tpu.memory_space<vmem_shared>> -> memref<624x128xf32, #tpu.memory_space<vmem_shared>>
      tpu.enqueue_dma source(%dma_start3A_69 : memref<624x128xf32, #tpu.memory_space<vmem_shared>>) target(%dma_start3A_67 : memref<624x128xf32, #tpu.memory_space<hbm>>) target_semaphore(%run_scoped3A : memref<!tpu.dma_semaphore, #tpu.memory_space<semaphore_mem>>)
      %dma_wait3A = arith.constant 0 : i32
      %dma_wait3A_70 = tpu.memref_slice %arg7[%arg0, %mul3A_58, %dma_wait3A] : memref<2x10000x128xf32, #tpu.memory_space<hbm>> -> memref<1x624x128xf32, #tpu.memory_space<hbm>>
      %dma_wait3A_71 = tpu.memref_squeeze %dma_wait3A_70 : memref<1x624x128xf32, #tpu.memory_space<hbm>> -> memref<624x128xf32, #tpu.memory_space<hbm>>
      %dma_wait3A_72 = arith.constant 0 : i32
      %dma_wait3A_73 = tpu.memref_slice %arg11[%mul3A_56, %dma_wait3A_72] : memref<10016x128xf32, #tpu.memory_space<vmem_shared>> -> memref<624x128xf32, #tpu.memory_space<vmem_shared>>
      tpu.wait_dma2 semaphore(%run_scoped3A : memref<!tpu.dma_semaphore, #tpu.memory_space<semaphore_mem>>) src(%dma_wait3A_73 : memref<624x128xf32, #tpu.memory_space<vmem_shared>>) dst(%dma_wait3A_71 : memref<624x128xf32, #tpu.memory_space<hbm>>)
      tpu.yield
    }) : () -> ()
    %eq3A_59 = arith.constant 15 : i32
    %eq3A_60 = arith.cmpi eq, %arg1, %eq3A_59 : i32
    %convert_element_type3A_61 = arith.extui %eq3A_60 : i1 to i32
    %cond3A_62 = arith.constant 0 : i32
    %cond3A_63 = arith.cmpi ne, %convert_element_type3A_61, %cond3A_62 : i32
    scf.if %cond3A_63 {
      "tpu.region"() ({
        %run_scoped3A = tpu.sem_alloc : memref<!tpu.dma_semaphore, #tpu.memory_space<semaphore_mem>>
        %dma_start3A_65 = arith.constant 9984 : i32
        %dma_start3A_66 = arith.constant 0 : i32
        %dma_start3A_67 = tpu.memref_slice %arg7[%arg0, %dma_start3A_65, %dma_start3A_66] : memref<2x10000x128xf32, #tpu.memory_space<hbm>> -> memref<1x16x128xf32, #tpu.memory_space<hbm>>
        %dma_start3A_68 = tpu.memref_squeeze %dma_start3A_67 : memref<1x16x128xf32, #tpu.memory_space<hbm>> -> memref<16x128xf32, #tpu.memory_space<hbm>>
        %dma_start3A_69 = arith.constant 9984 : i32
        %dma_start3A_70 = arith.constant 0 : i32
        %dma_start3A_71 = tpu.memref_slice %arg11[%dma_start3A_69, %dma_start3A_70] : memref<10016x128xf32, #tpu.memory_space<vmem_shared>> -> memref<16x128xf32, #tpu.memory_space<vmem_shared>>
        tpu.enqueue_dma source(%dma_start3A_71 : memref<16x128xf32, #tpu.memory_space<vmem_shared>>) target(%dma_start3A_68 : memref<16x128xf32, #tpu.memory_space<hbm>>) target_semaphore(%run_scoped3A : memref<!tpu.dma_semaphore, #tpu.memory_space<semaphore_mem>>)
        %dma_wait3A = arith.constant 9984 : i32
        %dma_wait3A_72 = arith.constant 0 : i32
        %dma_wait3A_73 = tpu.memref_slice %arg7[%arg0, %dma_wait3A, %dma_wait3A_72] : memref<2x10000x128xf32, #tpu.memory_space<hbm>> -> memref<1x16x128xf32, #tpu.memory_space<hbm>>
        %dma_wait3A_74 = tpu.memref_squeeze %dma_wait3A_73 : memref<1x16x128xf32, #tpu.memory_space<hbm>> -> memref<16x128xf32, #tpu.memory_space<hbm>>
        %dma_wait3A_75 = arith.constant 9984 : i32
        %dma_wait3A_76 = arith.constant 0 : i32
        %dma_wait3A_77 = tpu.memref_slice %arg11[%dma_wait3A_75, %dma_wait3A_76] : memref<10016x128xf32, #tpu.memory_space<vmem_shared>> -> memref<16x128xf32, #tpu.memory_space<vmem_shared>>
        tpu.wait_dma2 semaphore(%run_scoped3A : memref<!tpu.dma_semaphore, #tpu.memory_space<semaphore_mem>>) src(%dma_wait3A_77 : memref<16x128xf32, #tpu.memory_space<vmem_shared>>) dst(%dma_wait3A_74 : memref<16x128xf32, #tpu.memory_space<hbm>>)
        tpu.yield
      }) : () -> ()
    } else {
    }
    %barrier3A_64 = arith.constant 0 : index
    tpu.barrier barrier_id(%barrier3A_64)
    return
  }
}

module attributes {stable_mosaic.version = 14 : i64} {
  func.func @body(%arg0: memref<10000x1xf32, #tpu.memory_space<vmem>>, %arg1: memref<128x128xf32, #tpu.memory_space<vmem>>, %arg2: memref<10000x128xf32, #tpu.memory_space<vmem>>) attributes {dimension_semantics = [], scalar_prefetch = 0 : i64, scratch_operands = 0 : i64, tpu.core_type = #tpu.core_type<tc>} {
    %iota3A = tpu.iota {dimensions = array<i32: 1>} : vector<10000x128xi32>
    %convert_element_type3A = arith.sitofp %iota3A : vector<10000x128xi32> to vector<10000x128xf32>
    %get3A = arith.constant 0 : index
    %get3A_0 = arith.constant 0 : index
    %get3A_1 = vector.load %arg0[%get3A, %get3A_0] : memref<10000x1xf32, #tpu.memory_space<vmem>>, vector<10000x1xf32>
    %eq3A = vector.broadcast %get3A_1 : vector<10000x1xf32> to vector<10000x128xf32>
    %eq3A_2 = arith.cmpf oeq, %eq3A, %convert_element_type3A : vector<10000x128xf32>
    %convert_element_type3A_3 = arith.extui %eq3A_2 : vector<10000x128xi1> to vector<10000x128xi32>
    %convert_element_type3A_4 = arith.sitofp %convert_element_type3A_3 : vector<10000x128xi32> to vector<10000x128xf32>
    %get3A_5 = arith.constant 0 : index
    %get3A_6 = arith.constant 0 : index
    %get3A_7 = vector.load %arg1[%get3A_5, %get3A_6] : memref<128x128xf32, #tpu.memory_space<vmem>>, vector<128x128xf32>
    %dot_general3A = arith.constant dense<0.000000e+00> : vector<10000x128xf32>
    %dot_general3A_8 = tpu.matmul %convert_element_type3A_4, %get3A_7, %dot_general3A {dimension_numbers = #tpu.dot_dimension_numbers<[1], [0], [0], [1], [0, 0, 1, 1], [], []>, transpose_lhs_hint = false} : vector<10000x128xf32>, vector<128x128xf32>, vector<10000x128xf32> -> vector<10000x128xf32>
    %swap3A = arith.constant 0 : index
    %swap3A_9 = arith.constant 0 : index
    %swap3A_10 = vector.load %arg2[%swap3A, %swap3A_9] : memref<10000x128xf32, #tpu.memory_space<vmem>>, vector<10000x128xf32>
    tpu.vector_store %arg2[%swap3A, %swap3A_9], %dot_general3A_8 {strides = array<i32>} : memref<10000x128xf32, #tpu.memory_space<vmem>>, vector<10000x128xf32>,
    return
  }
}

module attributes {stable_mosaic.version = 14 : i64} {
  func.func @body(%arg0: memref<10000x128xf32, #tpu.memory_space<vmem>>, %arg1: memref<128x128xf32, #tpu.memory_space<vmem>>, %arg2: memref<16x128xf32, #tpu.memory_space<vmem>>, %arg3: memref<1x128xf32, #tpu.memory_space<vmem>>, %arg4: memref<1x128xf32, #tpu.memory_space<vmem>>, %arg5: memref<1x128xf32, #tpu.memory_space<vmem>>, %arg6: memref<10000x128xf32, #tpu.memory_space<vmem>>, %arg7: memref<1600x128xf32, #tpu.memory_space<vmem>>, %arg8: memref<1600x128xf32, #tpu.memory_space<vmem>>) attributes {dimension_semantics = [], scalar_prefetch = 0 : i64, scratch_operands = 0 : i64, tpu.core_type = #tpu.core_type<tc>} {
    %get3A = arith.constant 0 : index
    %get3A_0 = arith.constant 0 : index
    %get3A_1 = vector.load %arg0[%get3A, %get3A_0] : memref<10000x128xf32, #tpu.memory_space<vmem>>, vector<10000x128xf32>
    %reduce_sum3A = arith.constant dense<0.000000e+00> : vector<128xf32>
    %reduce_sum3A_2 = vector.multi_reduction <add>, %get3A_1, %reduce_sum3A [0] : vector<10000x128xf32> to vector<128xf32>
    %broadcast_in_dim3A = vector.shape_cast %reduce_sum3A_2 : vector<128xf32> to vector<1x128xf32>
    %div3A = arith.constant 1.000000e+04 : f32
    %div3A_3 = vector.broadcast %div3A : f32 to vector<1x128xf32>
    %div3A_4 = arith.divf %broadcast_in_dim3A, %div3A_3 : vector<1x128xf32>
    %sub3A = vector.broadcast %div3A_4 : vector<1x128xf32> to vector<10000x128xf32>
    %sub3A_5 = arith.subf %get3A_1, %sub3A : vector<10000x128xf32>
    %mul3A = arith.mulf %sub3A_5, %sub3A_5 : vector<10000x128xf32>
    %reduce_sum3A_6 = arith.constant dense<0.000000e+00> : vector<128xf32>
    %reduce_sum3A_7 = vector.multi_reduction <add>, %mul3A, %reduce_sum3A_6 [0] : vector<10000x128xf32> to vector<128xf32>
    %broadcast_in_dim3A_8 = vector.shape_cast %reduce_sum3A_7 : vector<128xf32> to vector<1x128xf32>
    %div3A_9 = arith.constant 1.000000e+04 : f32
    %div3A_10 = vector.broadcast %div3A_9 : f32 to vector<1x128xf32>
    %div3A_11 = arith.divf %broadcast_in_dim3A_8, %div3A_10 : vector<1x128xf32>
    %add3A = arith.constant 9.99999974E-6 : f32
    %add3A_12 = vector.broadcast %add3A : f32 to vector<1x128xf32>
    %add3A_13 = arith.addf %div3A_11, %add3A_12 : vector<1x128xf32>
    %rsqrt3A = math.rsqrt %add3A_13 : vector<1x128xf32>
    %mul3A_14 = vector.broadcast %rsqrt3A : vector<1x128xf32> to vector<10000x128xf32>
    %mul3A_15 = arith.mulf %sub3A_5, %mul3A_14 : vector<10000x128xf32>
    %get3A_16 = arith.constant 0 : index
    %get3A_17 = arith.constant 0 : index
    %get3A_18 = vector.load %arg3[%get3A_16, %get3A_17] : memref<1x128xf32, #tpu.memory_space<vmem>>, vector<1x128xf32>
    %mul3A_19 = vector.broadcast %get3A_18 : vector<1x128xf32> to vector<10000x128xf32>
    %mul3A_20 = arith.mulf %mul3A_15, %mul3A_19 : vector<10000x128xf32>
    %get3A_21 = arith.constant 0 : index
    %get3A_22 = arith.constant 0 : index
    %get3A_23 = vector.load %arg4[%get3A_21, %get3A_22] : memref<1x128xf32, #tpu.memory_space<vmem>>, vector<1x128xf32>
    %add3A_24 = vector.broadcast %get3A_23 : vector<1x128xf32> to vector<10000x128xf32>
    %add3A_25 = arith.addf %mul3A_20, %add3A_24 : vector<10000x128xf32>
    %max3A = arith.constant 0.000000e+00 : f32
    %max3A_26 = vector.broadcast %max3A : f32 to vector<10000x128xf32>
    %max3A_27 = arith.maximumf %add3A_25, %max3A_26 : vector<10000x128xf32>
    %swap3A = arith.constant 0 : index
    %swap3A_28 = arith.constant 0 : index
    %swap3A_29 = vector.load %arg6[%swap3A, %swap3A_28] : memref<10000x128xf32, #tpu.memory_space<vmem>>, vector<10000x128xf32>
    tpu.vector_store %arg6[%swap3A, %swap3A_28], %max3A_27 {strides = array<i32>} : memref<10000x128xf32, #tpu.memory_space<vmem>>, vector<10000x128xf32>,
    %get3A_30 = arith.constant 0 : index
    %get3A_31 = arith.constant 0 : index
    %get3A_32 = vector.load %arg1[%get3A_30, %get3A_31] : memref<128x128xf32, #tpu.memory_space<vmem>>, vector<128x128xf32>
    %sub3A_33 = vector.broadcast %div3A_4 : vector<1x128xf32> to vector<128x128xf32>
    %sub3A_34 = arith.subf %get3A_32, %sub3A_33 : vector<128x128xf32>
    %mul3A_35 = vector.broadcast %rsqrt3A : vector<1x128xf32> to vector<128x128xf32>
    %mul3A_36 = arith.mulf %sub3A_34, %mul3A_35 : vector<128x128xf32>
    %get3A_37 = arith.constant 0 : index
    %get3A_38 = arith.constant 0 : index
    %get3A_39 = vector.load %arg3[%get3A_37, %get3A_38] : memref<1x128xf32, #tpu.memory_space<vmem>>, vector<1x128xf32>
    %mul3A_40 = vector.broadcast %get3A_39 : vector<1x128xf32> to vector<128x128xf32>
    %mul3A_41 = arith.mulf %mul3A_36, %mul3A_40 : vector<128x128xf32>
    %get3A_42 = arith.constant 0 : index
    %get3A_43 = arith.constant 0 : index
    %get3A_44 = vector.load %arg4[%get3A_42, %get3A_43] : memref<1x128xf32, #tpu.memory_space<vmem>>, vector<1x128xf32>
    %add3A_45 = vector.broadcast %get3A_44 : vector<1x128xf32> to vector<128x128xf32>
    %add3A_46 = arith.addf %mul3A_41, %add3A_45 : vector<128x128xf32>
    %max3A_47 = arith.constant 0.000000e+00 : f32
    %max3A_48 = vector.broadcast %max3A_47 : f32 to vector<128x128xf32>
    %max3A_49 = arith.maximumf %add3A_46, %max3A_48 : vector<128x128xf32>
    %get3A_50 = arith.constant 0 : index
    %get3A_51 = arith.constant 0 : index
    %get3A_52 = vector.load %arg2[%get3A_50, %get3A_51] : memref<16x128xf32, #tpu.memory_space<vmem>>, vector<16x128xf32>
    %reduce_max3A = arith.constant dense<0xFF800000> : vector<128xf32>
    %reduce_max3A_53 = vector.multi_reduction <maximumf>, %get3A_52, %reduce_max3A [0] : vector<16x128xf32> to vector<128xf32>
    %broadcast_in_dim3A_54 = vector.shape_cast %reduce_max3A_53 : vector<128xf32> to vector<1x128xf32>
    %reduce_max3A_55 = arith.constant dense<0xFF800000> : vector<128xf32>
    %reduce_max3A_56 = vector.multi_reduction <maximumf>, %max3A_49, %reduce_max3A_55 [0] : vector<128x128xf32> to vector<128xf32>
    %broadcast_in_dim3A_57 = vector.shape_cast %reduce_max3A_56 : vector<128xf32> to vector<1x128xf32>
    %add3A_58 = arith.addf %broadcast_in_dim3A_57, %broadcast_in_dim3A_54 : vector<1x128xf32>
    %add3A_59 = arith.constant 1.000000e-07 : f32
    %add3A_60 = vector.broadcast %add3A_59 : f32 to vector<1x128xf32>
    %add3A_61 = arith.addf %add3A_58, %add3A_60 : vector<1x128xf32>
    %get3A_62 = arith.constant 0 : index
    %get3A_63 = arith.constant 0 : index
    %get3A_64 = vector.load %arg5[%get3A_62, %get3A_63] : memref<1x128xf32, #tpu.memory_space<vmem>>, vector<1x128xf32>
    %mul3A_65 = arith.mulf %get3A_64, %add3A_61 : vector<1x128xf32>
    %max3A_66 = arith.constant 0.000000e+00 : f32
    %max3A_67 = vector.broadcast %max3A_66 : f32 to vector<1x128xf32>
    %max3A_68 = arith.maximumf %mul3A_65, %max3A_67 : vector<1x128xf32>
    %slice3A = vector.extract_strided_slice %max3A_49 {offsets = [0, 0], sizes = [100, 128], strides = [1, 1]} : vector<128x128xf32> to vector<100x128xf32>
    %broadcast_in_dim3A_69 = vector.shape_cast %slice3A : vector<100x128xf32> to vector<100x1x128xf32>
    %get3A_70 = arith.constant 0 : index
    %get3A_71 = arith.constant 0 : index
    %get3A_72 = vector.load %arg2[%get3A_70, %get3A_71] : memref<16x128xf32, #tpu.memory_space<vmem>>, vector<16x128xf32>
    %broadcast_in_dim3A_73 = vector.shape_cast %get3A_72 : vector<16x128xf32> to vector<1x16x128xf32>
    %add3A_74 = vector.broadcast %broadcast_in_dim3A_69 : vector<100x1x128xf32> to vector<100x16x128xf32>
    %add3A_75 = vector.broadcast %broadcast_in_dim3A_73 : vector<1x16x128xf32> to vector<100x16x128xf32>
    %add3A_76 = arith.addf %add3A_74, %add3A_75 : vector<100x16x128xf32>
    %max3A_77 = arith.constant 0.000000e+00 : f32
    %max3A_78 = vector.broadcast %max3A_77 : f32 to vector<100x16x128xf32>
    %max3A_79 = arith.maximumf %add3A_76, %max3A_78 : vector<100x16x128xf32>
    %add3A_80 = arith.constant 1.000000e-07 : f32
    %add3A_81 = vector.broadcast %add3A_80 : f32 to vector<100x16x128xf32>
    %add3A_82 = arith.addf %max3A_79, %add3A_81 : vector<100x16x128xf32>
    %reshape3A = vector.shape_cast %add3A_82 : vector<100x16x128xf32> to vector<1600x128xf32>
    %get3A_83 = arith.constant 0 : index
    %get3A_84 = arith.constant 0 : index
    %get3A_85 = vector.load %arg5[%get3A_83, %get3A_84] : memref<1x128xf32, #tpu.memory_space<vmem>>, vector<1x128xf32>
    %mul3A_86 = vector.broadcast %get3A_85 : vector<1x128xf32> to vector<1600x128xf32>
    %mul3A_87 = arith.mulf %reshape3A, %mul3A_86 : vector<1600x128xf32>
    %sub3A_88 = vector.broadcast %max3A_68 : vector<1x128xf32> to vector<1600x128xf32>
    %sub3A_89 = arith.subf %mul3A_87, %sub3A_88 : vector<1600x128xf32>
    %exp3A = math.exp %sub3A_89 : vector<1600x128xf32>
    %swap3A_90 = arith.constant 0 : index
    %swap3A_91 = arith.constant 0 : index
    %swap3A_92 = vector.load %arg7[%swap3A_90, %swap3A_91] : memref<1600x128xf32, #tpu.memory_space<vmem>>, vector<1600x128xf32>
    tpu.vector_store %arg7[%swap3A_90, %swap3A_91], %exp3A {strides = array<i32>} : memref<1600x128xf32, #tpu.memory_space<vmem>>, vector<1600x128xf32>,
    %mul3A_93 = arith.mulf %reshape3A, %exp3A : vector<1600x128xf32>
    %swap3A_94 = arith.constant 0 : index
    %swap3A_95 = arith.constant 0 : index
    %swap3A_96 = vector.load %arg8[%swap3A_94, %swap3A_95] : memref<1600x128xf32, #tpu.memory_space<vmem>>, vector<1600x128xf32>
    tpu.vector_store %arg8[%swap3A_94, %swap3A_95], %mul3A_93 {strides = array<i32>} : memref<1600x128xf32, #tpu.memory_space<vmem>>, vector<1600x128xf32>,
    return
  }
}

module attributes {stable_mosaic.version = 14 : i64} {
  func.func @body(%arg0: memref<2x10000x128xf32, #tpu.memory_space<vmem>>, %arg1: memref<2x10000x128xf32, #tpu.memory_space<vmem>>, %arg2: memref<10000x128xf32, #tpu.memory_space<vmem>>, %arg3: memref<10000x128xf32, #tpu.memory_space<vmem>>, %arg4: memref<128x128xf32, #tpu.memory_space<vmem>>, %arg5: memref<1x128xf32, #tpu.memory_space<vmem>>, %arg6: memref<10000x128xf32, #tpu.memory_space<vmem>>) attributes {dimension_semantics = [], scalar_prefetch = 0 : i64, scratch_operands = 0 : i64, tpu.core_type = #tpu.core_type<tc>} {
    %get3A = arith.constant 0 : index
    %get3A_0 = arith.constant 0 : index
    %get3A_1 = arith.constant 0 : index
    %get3A_2 = vector.load %arg0[%get3A, %get3A_0, %get3A_1] : memref<2x10000x128xf32, #tpu.memory_space<vmem>>, vector<1x10000x128xf32>
    %get3A_3 = vector.shape_cast %get3A_2 : vector<1x10000x128xf32> to vector<10000x128xf32>
    %get3A_4 = arith.constant 1 : index
    %get3A_5 = arith.constant 0 : index
    %get3A_6 = arith.constant 0 : index
    %get3A_7 = vector.load %arg0[%get3A_4, %get3A_5, %get3A_6] : memref<2x10000x128xf32, #tpu.memory_space<vmem>>, vector<1x10000x128xf32>
    %get3A_8 = vector.shape_cast %get3A_7 : vector<1x10000x128xf32> to vector<10000x128xf32>
    %add3A = arith.addf %get3A_3, %get3A_8 : vector<10000x128xf32>
    %get3A_9 = arith.constant 0 : index
    %get3A_10 = arith.constant 0 : index
    %get3A_11 = arith.constant 0 : index
    %get3A_12 = vector.load %arg1[%get3A_9, %get3A_10, %get3A_11] : memref<2x10000x128xf32, #tpu.memory_space<vmem>>, vector<1x10000x128xf32>
    %get3A_13 = vector.shape_cast %get3A_12 : vector<1x10000x128xf32> to vector<10000x128xf32>
    %get3A_14 = arith.constant 1 : index
    %get3A_15 = arith.constant 0 : index
    %get3A_16 = arith.constant 0 : index
    %get3A_17 = vector.load %arg1[%get3A_14, %get3A_15, %get3A_16] : memref<2x10000x128xf32, #tpu.memory_space<vmem>>, vector<1x10000x128xf32>
    %get3A_18 = vector.shape_cast %get3A_17 : vector<1x10000x128xf32> to vector<10000x128xf32>
    %add3A_19 = arith.addf %get3A_13, %get3A_18 : vector<10000x128xf32>
    %add3A_20 = arith.constant 1.000000e-16 : f32
    %add3A_21 = vector.broadcast %add3A_20 : f32 to vector<10000x128xf32>
    %add3A_22 = arith.addf %add3A, %add3A_21 : vector<10000x128xf32>
    %div3A = arith.divf %add3A_19, %add3A_22 : vector<10000x128xf32>
    %get3A_23 = arith.constant 0 : index
    %get3A_24 = arith.constant 0 : index
    %get3A_25 = vector.load %arg2[%get3A_23, %get3A_24] : memref<10000x128xf32, #tpu.memory_space<vmem>>, vector<10000x128xf32>
    %add3A_26 = arith.addf %get3A_25, %div3A : vector<10000x128xf32>
    %get3A_27 = arith.constant 0 : index
    %get3A_28 = arith.constant 0 : index
    %get3A_29 = vector.load %arg4[%get3A_27, %get3A_28] : memref<128x128xf32, #tpu.memory_space<vmem>>, vector<128x128xf32>
    %dot_general3A = arith.constant dense<0.000000e+00> : vector<10000x128xf32>
    %dot_general3A_30 = tpu.matmul %add3A_26, %get3A_29, %dot_general3A {dimension_numbers = #tpu.dot_dimension_numbers<[1], [0], [0], [1], [0, 0, 1, 1], [], []>, transpose_lhs_hint = false} : vector<10000x128xf32>, vector<128x128xf32>, vector<10000x128xf32> -> vector<10000x128xf32>
    %get3A_31 = arith.constant 0 : index
    %get3A_32 = arith.constant 0 : index
    %get3A_33 = vector.load %arg5[%get3A_31, %get3A_32] : memref<1x128xf32, #tpu.memory_space<vmem>>, vector<1x128xf32>
    %add3A_34 = vector.broadcast %get3A_33 : vector<1x128xf32> to vector<10000x128xf32>
    %add3A_35 = arith.addf %dot_general3A_30, %add3A_34 : vector<10000x128xf32>
    %get3A_36 = arith.constant 0 : index
    %get3A_37 = arith.constant 0 : index
    %get3A_38 = vector.load %arg3[%get3A_36, %get3A_37] : memref<10000x128xf32, #tpu.memory_space<vmem>>, vector<10000x128xf32>
    %add3A_39 = arith.addf %add3A_35, %get3A_38 : vector<10000x128xf32>
    %swap3A = arith.constant 0 : index
    %swap3A_40 = arith.constant 0 : index
    %swap3A_41 = vector.load %arg6[%swap3A, %swap3A_40] : memref<10000x128xf32, #tpu.memory_space<vmem>>, vector<10000x128xf32>
    tpu.vector_store %arg6[%swap3A, %swap3A_40], %add3A_39 {strides = array<i32>} : memref<10000x128xf32, #tpu.memory_space<vmem>>, vector<10000x128xf32>,
    return
  }
}

module attributes {stable_mosaic.version = 14 : i64} {
  func.func @body(%arg0: memref<10000x128xf32, #tpu.memory_space<vmem>>, %arg1: memref<1x128xf32, #tpu.memory_space<vmem>>, %arg2: memref<1x128xf32, #tpu.memory_space<vmem>>, %arg3: memref<1x128xf32, #tpu.memory_space<vmem>>, %arg4: memref<10x128xf32, #tpu.memory_space<vmem>>, %arg5: memref<10000x128xf32, #tpu.memory_space<vmem>>, %arg6: memref<1x128xf32, #tpu.memory_space<vmem>>) attributes {dimension_semantics = [], scalar_prefetch = 0 : i64, scratch_operands = 0 : i64, tpu.core_type = #tpu.core_type<tc>} {
    %get3A = arith.constant 0 : index
    %get3A_0 = arith.constant 0 : index
    %get3A_1 = vector.load %arg0[%get3A, %get3A_0] : memref<10000x128xf32, #tpu.memory_space<vmem>>, vector<10000x128xf32>
    %reduce_sum3A = arith.constant dense<0.000000e+00> : vector<128xf32>
    %reduce_sum3A_2 = vector.multi_reduction <add>, %get3A_1, %reduce_sum3A [0] : vector<10000x128xf32> to vector<128xf32>
    %broadcast_in_dim3A = vector.shape_cast %reduce_sum3A_2 : vector<128xf32> to vector<1x128xf32>
    %div3A = arith.constant 1.000000e+04 : f32
    %div3A_3 = vector.broadcast %div3A : f32 to vector<1x128xf32>
    %div3A_4 = arith.divf %broadcast_in_dim3A, %div3A_3 : vector<1x128xf32>
    %sub3A = vector.broadcast %div3A_4 : vector<1x128xf32> to vector<10000x128xf32>
    %sub3A_5 = arith.subf %get3A_1, %sub3A : vector<10000x128xf32>
    %mul3A = arith.mulf %sub3A_5, %sub3A_5 : vector<10000x128xf32>
    %reduce_sum3A_6 = arith.constant dense<0.000000e+00> : vector<128xf32>
    %reduce_sum3A_7 = vector.multi_reduction <add>, %mul3A, %reduce_sum3A_6 [0] : vector<10000x128xf32> to vector<128xf32>
    %broadcast_in_dim3A_8 = vector.shape_cast %reduce_sum3A_7 : vector<128xf32> to vector<1x128xf32>
    %div3A_9 = arith.constant 1.000000e+04 : f32
    %div3A_10 = vector.broadcast %div3A_9 : f32 to vector<1x128xf32>
    %div3A_11 = arith.divf %broadcast_in_dim3A_8, %div3A_10 : vector<1x128xf32>
    %add3A = arith.constant 9.99999974E-6 : f32
    %add3A_12 = vector.broadcast %add3A : f32 to vector<1x128xf32>
    %add3A_13 = arith.addf %div3A_11, %add3A_12 : vector<1x128xf32>
    %rsqrt3A = math.rsqrt %add3A_13 : vector<1x128xf32>
    %mul3A_14 = vector.broadcast %rsqrt3A : vector<1x128xf32> to vector<10000x128xf32>
    %mul3A_15 = arith.mulf %sub3A_5, %mul3A_14 : vector<10000x128xf32>
    %get3A_16 = arith.constant 0 : index
    %get3A_17 = arith.constant 0 : index
    %get3A_18 = vector.load %arg1[%get3A_16, %get3A_17] : memref<1x128xf32, #tpu.memory_space<vmem>>, vector<1x128xf32>
    %mul3A_19 = vector.broadcast %get3A_18 : vector<1x128xf32> to vector<10000x128xf32>
    %mul3A_20 = arith.mulf %mul3A_15, %mul3A_19 : vector<10000x128xf32>
    %get3A_21 = arith.constant 0 : index
    %get3A_22 = arith.constant 0 : index
    %get3A_23 = vector.load %arg2[%get3A_21, %get3A_22] : memref<1x128xf32, #tpu.memory_space<vmem>>, vector<1x128xf32>
    %add3A_24 = vector.broadcast %get3A_23 : vector<1x128xf32> to vector<10000x128xf32>
    %add3A_25 = arith.addf %mul3A_20, %add3A_24 : vector<10000x128xf32>
    %max3A = arith.constant 0.000000e+00 : f32
    %max3A_26 = vector.broadcast %max3A : f32 to vector<10000x128xf32>
    %max3A_27 = arith.maximumf %add3A_25, %max3A_26 : vector<10000x128xf32>
    %swap3A = arith.constant 0 : index
    %swap3A_28 = arith.constant 0 : index
    %swap3A_29 = vector.load %arg5[%swap3A, %swap3A_28] : memref<10000x128xf32, #tpu.memory_space<vmem>>, vector<10000x128xf32>
    tpu.vector_store %arg5[%swap3A, %swap3A_28], %max3A_27 {strides = array<i32>} : memref<10000x128xf32, #tpu.memory_space<vmem>>, vector<10000x128xf32>,
    %get3A_30 = arith.constant 0 : index
    %get3A_31 = arith.constant 0 : index
    %get3A_32 = vector.load %arg4[%get3A_30, %get3A_31] : memref<10x128xf32, #tpu.memory_space<vmem>>, vector<10x128xf32>
    %reduce_max3A = arith.constant dense<0xFF800000> : vector<128xf32>
    %reduce_max3A_33 = vector.multi_reduction <maximumf>, %get3A_32, %reduce_max3A [0] : vector<10x128xf32> to vector<128xf32>
    %broadcast_in_dim3A_34 = vector.shape_cast %reduce_max3A_33 : vector<128xf32> to vector<1x128xf32>
    %reduce_max3A_35 = arith.constant dense<0xFF800000> : vector<128xf32>
    %reduce_max3A_36 = vector.multi_reduction <maximumf>, %max3A_27, %reduce_max3A_35 [0] : vector<10000x128xf32> to vector<128xf32>
    %broadcast_in_dim3A_37 = vector.shape_cast %reduce_max3A_36 : vector<128xf32> to vector<1x128xf32>
    %add3A_38 = arith.addf %broadcast_in_dim3A_37, %broadcast_in_dim3A_34 : vector<1x128xf32>
    %add3A_39 = arith.constant 1.000000e-07 : f32
    %add3A_40 = vector.broadcast %add3A_39 : f32 to vector<1x128xf32>
    %add3A_41 = arith.addf %add3A_38, %add3A_40 : vector<1x128xf32>
    %get3A_42 = arith.constant 0 : index
    %get3A_43 = arith.constant 0 : index
    %get3A_44 = vector.load %arg3[%get3A_42, %get3A_43] : memref<1x128xf32, #tpu.memory_space<vmem>>, vector<1x128xf32>
    %mul3A_45 = arith.mulf %get3A_44, %add3A_41 : vector<1x128xf32>
    %max3A_46 = arith.constant 0.000000e+00 : f32
    %max3A_47 = vector.broadcast %max3A_46 : f32 to vector<1x128xf32>
    %max3A_48 = arith.maximumf %mul3A_45, %max3A_47 : vector<1x128xf32>
    %swap3A_49 = arith.constant 0 : index
    %swap3A_50 = arith.constant 0 : index
    %swap3A_51 = vector.load %arg6[%swap3A_49, %swap3A_50] : memref<1x128xf32, #tpu.memory_space<vmem>>, vector<1x128xf32>
    tpu.vector_store %arg6[%swap3A_49, %swap3A_50], %max3A_48 {strides = array<i32>} : memref<1x128xf32, #tpu.memory_space<vmem>>, vector<1x128xf32>,
    return
  }
}

module attributes {stable_mosaic.version = 14 : i64} {
  func.func @body(%arg0: i32, %arg1: memref<4096x128xf32, #tpu.memory_space<vmem>>, %arg2: memref<4096x1xf32, #tpu.memory_space<vmem>>, %arg3: memref<1x128xf32, #tpu.memory_space<vmem>>, %arg4: memref<1x128xf32, #tpu.memory_space<vmem>>, %arg5: memref<16x128xf32, #tpu.memory_space<vmem>>, %arg6: memref<4096x128xf32, #tpu.memory_space<vmem>>, %arg7: memref<4096x128xf32, #tpu.memory_space<vmem>>) attributes {dimension_semantics = [#tpu.dimension_semantics<arbitrary>], iteration_bounds = array<i64: 80>, scalar_prefetch = 0 : i64, scratch_operands = 0 : i64, tpu.core_type = #tpu.core_type<tc>, window_params = [{transform_indices = @transform_0, window_bounds = array<i64: 4096, 128>}, {transform_indices = @transform_1, window_bounds = array<i64: 4096, 1>}, {pipeline_mode = #tpu.pipeline_mode<synchronous>, transform_indices = @transform_2, window_bounds = array<i64: 1, 128>}, {pipeline_mode = #tpu.pipeline_mode<synchronous>, transform_indices = @transform_3, window_bounds = array<i64: 1, 128>}, {pipeline_mode = #tpu.pipeline_mode<synchronous>, transform_indices = @transform_4, window_bounds = array<i64: 16, 128>}, {transform_indices = @transform_5, window_bounds = array<i64: 4096, 128>}, {transform_indices = @transform_6, window_bounds = array<i64: 4096, 128>}]} {
    %iota3A = tpu.iota {dimensions = array<i32: 1>} : vector<4096x16xi32>
    %convert_element_type3A = arith.sitofp %iota3A : vector<4096x16xi32> to vector<4096x16xf32>
    %get3A = arith.constant 0 : index
    %get3A_0 = arith.constant 0 : index
    %get3A_1 = vector.load %arg2[%get3A, %get3A_0] : memref<4096x1xf32, #tpu.memory_space<vmem>>, vector<4096x1xf32>
    %eq3A = vector.broadcast %get3A_1 : vector<4096x1xf32> to vector<4096x16xf32>
    %eq3A_2 = arith.cmpf oeq, %eq3A, %convert_element_type3A : vector<4096x16xf32>
    %convert_element_type3A_3 = arith.extui %eq3A_2 : vector<4096x16xi1> to vector<4096x16xi32>
    %convert_element_type3A_4 = arith.sitofp %convert_element_type3A_3 : vector<4096x16xi32> to vector<4096x16xf32>
    %get3A_5 = arith.constant 0 : index
    %get3A_6 = arith.constant 0 : index
    %get3A_7 = vector.load %arg5[%get3A_5, %get3A_6] : memref<16x128xf32, #tpu.memory_space<vmem>>, vector<16x128xf32>
    %dot_general3A = arith.constant dense<0.000000e+00> : vector<4096x128xf32>
    %dot_general3A_8 = tpu.matmul %convert_element_type3A_4, %get3A_7, %dot_general3A {dimension_numbers = #tpu.dot_dimension_numbers<[1], [0], [0], [1], [0, 0, 1, 1], [], []>, transpose_lhs_hint = false} : vector<4096x16xf32>, vector<16x128xf32>, vector<4096x128xf32> -> vector<4096x128xf32>
    %get3A_9 = arith.constant 0 : index
    %get3A_10 = arith.constant 0 : index
    %get3A_11 = vector.load %arg1[%get3A_9, %get3A_10] : memref<4096x128xf32, #tpu.memory_space<vmem>>, vector<4096x128xf32>
    %add3A = arith.addf %get3A_11, %dot_general3A_8 : vector<4096x128xf32>
    %max3A = arith.constant 0.000000e+00 : f32
    %max3A_12 = vector.broadcast %max3A : f32 to vector<4096x128xf32>
    %max3A_13 = arith.maximumf %add3A, %max3A_12 : vector<4096x128xf32>
    %add3A_14 = arith.constant 1.000000e-07 : f32
    %add3A_15 = vector.broadcast %add3A_14 : f32 to vector<4096x128xf32>
    %add3A_16 = arith.addf %max3A_13, %add3A_15 : vector<4096x128xf32>
    %get3A_17 = arith.constant 0 : index
    %get3A_18 = arith.constant 0 : index
    %get3A_19 = vector.load %arg4[%get3A_17, %get3A_18] : memref<1x128xf32, #tpu.memory_space<vmem>>, vector<1x128xf32>
    %mul3A = vector.broadcast %get3A_19 : vector<1x128xf32> to vector<4096x128xf32>
    %mul3A_20 = arith.mulf %add3A_16, %mul3A : vector<4096x128xf32>
    %get3A_21 = arith.constant 0 : index
    %get3A_22 = arith.constant 0 : index
    %get3A_23 = vector.load %arg3[%get3A_21, %get3A_22] : memref<1x128xf32, #tpu.memory_space<vmem>>, vector<1x128xf32>
    %sub3A = vector.broadcast %get3A_23 : vector<1x128xf32> to vector<4096x128xf32>
    %sub3A_24 = arith.subf %mul3A_20, %sub3A : vector<4096x128xf32>
    %exp3A = math.exp %sub3A_24 : vector<4096x128xf32>
    %swap3A = arith.constant 0 : index
    %swap3A_25 = arith.constant 0 : index
    %swap3A_26 = vector.load %arg6[%swap3A, %swap3A_25] : memref<4096x128xf32, #tpu.memory_space<vmem>>, vector<4096x128xf32>
    tpu.vector_store %arg6[%swap3A, %swap3A_25], %exp3A {strides = array<i32>} : memref<4096x128xf32, #tpu.memory_space<vmem>>, vector<4096x128xf32>,
    %mul3A_27 = arith.mulf %add3A_16, %exp3A : vector<4096x128xf32>
    %swap3A_28 = arith.constant 0 : index
    %swap3A_29 = arith.constant 0 : index
    %swap3A_30 = vector.load %arg7[%swap3A_28, %swap3A_29] : memref<4096x128xf32, #tpu.memory_space<vmem>>, vector<4096x128xf32>
    tpu.vector_store %arg7[%swap3A_28, %swap3A_29], %mul3A_27 {strides = array<i32>} : memref<4096x128xf32, #tpu.memory_space<vmem>>, vector<4096x128xf32>,
    return
  }
  func.func @transform_0(%arg0: i32) -> (i32, i32) {
    %c0_i32 = arith.constant 0 : i32
    %c0_i32_0 = arith.constant 0 : i32
    return %arg0, %c0_i32 : i32, i32
  }
  func.func @transform_1(%arg0: i32) -> (i32, i32) {
    %c0_i32 = arith.constant 0 : i32
    %c0_i32_0 = arith.constant 0 : i32
    return %arg0, %c0_i32 : i32, i32
  }
  func.func @transform_2(%arg0: i32) -> (i32, i32) {
    %c0_i32 = arith.constant 0 : i32
    %c0_i32_0 = arith.constant 0 : i32
    %c0_i32_1 = arith.constant 0 : i32
    return %c0_i32, %c0_i32_0 : i32, i32
  }
  func.func @transform_3(%arg0: i32) -> (i32, i32) {
    %c0_i32 = arith.constant 0 : i32
    %c0_i32_0 = arith.constant 0 : i32
    %c0_i32_1 = arith.constant 0 : i32
    return %c0_i32, %c0_i32_0 : i32, i32
  }
  func.func @transform_4(%arg0: i32) -> (i32, i32) {
    %c0_i32 = arith.constant 0 : i32
    %c0_i32_0 = arith.constant 0 : i32
    %c0_i32_1 = arith.constant 0 : i32
    return %c0_i32, %c0_i32_0 : i32, i32
  }
  func.func @transform_5(%arg0: i32) -> (i32, i32) {
    %c0_i32 = arith.constant 0 : i32
    %c0_i32_0 = arith.constant 0 : i32
    return %arg0, %c0_i32 : i32, i32
  }
  func.func @transform_6(%arg0: i32) -> (i32, i32) {
    %c0_i32 = arith.constant 0 : i32
    %c0_i32_0 = arith.constant 0 : i32
    return %arg0, %c0_i32 : i32, i32
  }
}

module attributes {stable_mosaic.version = 14 : i64} {
  func.func @body(%arg0: memref<10000x128xf32, #tpu.memory_space<vmem>>, %arg1: memref<1x10000xi32, #tpu.memory_space<vmem>>, %arg2: memref<1x10000xi32, #tpu.memory_space<vmem>>, %arg3: memref<128x128xf32, #tpu.memory_space<vmem>>, %arg4: memref<128x128xf32, #tpu.memory_space<vmem>>, %arg5: memref<1x128xf32, #tpu.memory_space<vmem>>, %arg6: memref<128x128xf32, #tpu.memory_space<vmem>>, %arg7: memref<128x128xf32, #tpu.memory_space<vmem>>, %arg8: memref<1x128xf32, #tpu.memory_space<vmem>>, %arg9: memref<128x128xf32, #tpu.memory_space<vmem>>, %arg10: memref<128x128xf32, #tpu.memory_space<vmem>>, %arg11: memref<1x128xf32, #tpu.memory_space<vmem>>, %arg12: memref<16x128xf32, #tpu.memory_space<vmem>>) attributes {dimension_semantics = [], scalar_prefetch = 0 : i64, scratch_operands = 0 : i64, tpu.core_type = #tpu.core_type<tc>} {
    %get3A = arith.constant 0 : index
    %get3A_0 = arith.constant 0 : index
    %get3A_1 = vector.load %arg0[%get3A, %get3A_0] : memref<10000x128xf32, #tpu.memory_space<vmem>>, vector<10000x128xf32>
    %get3A_2 = arith.constant 0 : index
    %get3A_3 = arith.constant 0 : index
    %get3A_4 = vector.load %arg1[%get3A_2, %get3A_3] : memref<1x10000xi32, #tpu.memory_space<vmem>>, vector<1x10000xi32>
    %mul3A = arith.constant 8 : i32
    %mul3A_5 = vector.broadcast %mul3A : i32 to vector<1x10000xi32>
    %mul3A_6 = arith.muli %get3A_4, %mul3A_5 : vector<1x10000xi32>
    %get3A_7 = arith.constant 0 : index
    %get3A_8 = arith.constant 0 : index
    %get3A_9 = vector.load %arg2[%get3A_7, %get3A_8] : memref<1x10000xi32, #tpu.memory_space<vmem>>, vector<1x10000xi32>
    %add3A = arith.addi %mul3A_6, %get3A_9 : vector<1x10000xi32>
    %iota3A = tpu.iota {dimensions = array<i32: 0>} : vector<128x10000xi32>
    %eq3A = vector.broadcast %add3A : vector<1x10000xi32> to vector<128x10000xi32>
    %eq3A_10 = arith.cmpi eq, %iota3A, %eq3A : vector<128x10000xi32>
    %convert_element_type3A = arith.extui %eq3A_10 : vector<128x10000xi1> to vector<128x10000xi32>
    %convert_element_type3A_11 = arith.sitofp %convert_element_type3A : vector<128x10000xi32> to vector<128x10000xf32>
    %dot_general3A = arith.constant dense<0.000000e+00> : vector<128x128xf32>
    %dot_general3A_12 = tpu.matmul %convert_element_type3A_11, %get3A_1, %dot_general3A {dimension_numbers = #tpu.dot_dimension_numbers<[1], [0], [0], [1], [0, 0, 1, 1], [], []>, transpose_lhs_hint = false} : vector<128x10000xf32>, vector<10000x128xf32>, vector<128x128xf32> -> vector<128x128xf32>
    %reduce_sum3A = arith.constant dense<0.000000e+00> : vector<128xf32>
    %reduce_sum3A_13 = vector.multi_reduction <add>, %convert_element_type3A_11, %reduce_sum3A [1] : vector<128x10000xf32> to vector<128xf32>
    %broadcast_in_dim3A = vector.shape_cast %reduce_sum3A_13 : vector<128xf32> to vector<128x1xf32>
    %gt3A = arith.constant 0.000000e+00 : f32
    %gt3A_14 = vector.broadcast %gt3A : f32 to vector<128x1xf32>
    %gt3A_15 = arith.cmpf ogt, %broadcast_in_dim3A, %gt3A_14 : vector<128x1xf32>
    %max3A = arith.constant 1.000000e+00 : f32
    %max3A_16 = vector.broadcast %max3A : f32 to vector<128x1xf32>
    %max3A_17 = arith.maximumf %broadcast_in_dim3A, %max3A_16 : vector<128x1xf32>
    %div3A = vector.broadcast %max3A_17 : vector<128x1xf32> to vector<128x128xf32>
    %div3A_18 = arith.divf %dot_general3A_12, %div3A : vector<128x128xf32>
    %jit3A = arith.constant 0.000000e+00 : f32
    %broadcast_in_dim3A_19 = vector.shape_cast %gt3A_15 : vector<128x1xi1> to vector<128x1xi1>
    %broadcast_in_dim3A_20 = vector.broadcast %broadcast_in_dim3A_19 : vector<128x1xi1> to vector<128x128xi1>
    %broadcast_in_dim3A_21 = vector.broadcast %jit3A : f32 to vector<128x128xf32>
    %select_n3A = arith.select %broadcast_in_dim3A_20, %div3A_18, %broadcast_in_dim3A_21 : vector<128x128xi1>, vector<128x128xf32>
    %gt3A_22 = arith.constant 0.000000e+00 : f32
    %gt3A_23 = vector.broadcast %gt3A_22 : f32 to vector<128x1xf32>
    %gt3A_24 = arith.cmpf ogt, %broadcast_in_dim3A, %gt3A_23 : vector<128x1xf32>
    %convert_element_type3A_25 = arith.extui %gt3A_24 : vector<128x1xi1> to vector<128x1xi32>
    %convert_element_type3A_26 = arith.sitofp %convert_element_type3A_25 : vector<128x1xi32> to vector<128x1xf32>
    %iota3A_27 = tpu.iota {dimensions = array<i32: 0>} : vector<16x128xi32>
    %iota3A_28 = tpu.iota {dimensions = array<i32: 1>} : vector<16x128xi32>
    %broadcast_in_dim3A_29 = arith.constant 0.000000e+00 : f32
    %broadcast_in_dim3A_30 = vector.broadcast %broadcast_in_dim3A_29 : f32 to vector<16x128xf32>
    %broadcast_in_dim3A_31 = arith.constant 0.000000e+00 : f32
    %broadcast_in_dim3A_32 = vector.broadcast %broadcast_in_dim3A_31 : f32 to vector<16x128xf32>
    %mul3A_33 = arith.constant 8 : i32
    %mul3A_34 = vector.broadcast %mul3A_33 : i32 to vector<16x128xi32>
    %mul3A_35 = arith.muli %iota3A_27, %mul3A_34 : vector<16x128xi32>
    %add3A_36 = arith.constant 0 : i32
    %add3A_37 = vector.broadcast %add3A_36 : i32 to vector<16x128xi32>
    %add3A_38 = arith.addi %mul3A_35, %add3A_37 : vector<16x128xi32>
    %eq3A_39 = arith.cmpi eq, %iota3A_28, %add3A_38 : vector<16x128xi32>
    %convert_element_type3A_40 = arith.extui %eq3A_39 : vector<16x128xi1> to vector<16x128xi32>
    %convert_element_type3A_41 = arith.sitofp %convert_element_type3A_40 : vector<16x128xi32> to vector<16x128xf32>
    %dot_general3A_42 = arith.constant dense<0.000000e+00> : vector<16x128xf32>
    %dot_general3A_43 = tpu.matmul %convert_element_type3A_41, %select_n3A, %dot_general3A_42 {dimension_numbers = #tpu.dot_dimension_numbers<[1], [0], [0], [1], [0, 0, 1, 1], [], []>, transpose_lhs_hint = false} : vector<16x128xf32>, vector<128x128xf32>, vector<16x128xf32> -> vector<16x128xf32>
    %get3A_44 = arith.constant 0 : index
    %get3A_45 = arith.constant 0 : index
    %get3A_46 = vector.load %arg3[%get3A_44, %get3A_45] : memref<128x128xf32, #tpu.memory_space<vmem>>, vector<128x128xf32>
    %dot_general3A_47 = arith.constant dense<0.000000e+00> : vector<16x128xf32>
    %dot_general3A_48 = tpu.matmul %dot_general3A_43, %get3A_46, %dot_general3A_47 {dimension_numbers = #tpu.dot_dimension_numbers<[1], [0], [0], [1], [0, 0, 1, 1], [], []>, transpose_lhs_hint = false} : vector<16x128xf32>, vector<128x128xf32>, vector<16x128xf32> -> vector<16x128xf32>
    %get3A_49 = arith.constant 0 : index
    %get3A_50 = arith.constant 0 : index
    %get3A_51 = vector.load %arg4[%get3A_49, %get3A_50] : memref<128x128xf32, #tpu.memory_space<vmem>>, vector<128x128xf32>
    %dot_general3A_52 = arith.constant dense<0.000000e+00> : vector<16x128xf32>
    %dot_general3A_53 = tpu.matmul %broadcast_in_dim3A_32, %get3A_51, %dot_general3A_52 {dimension_numbers = #tpu.dot_dimension_numbers<[1], [0], [0], [1], [0, 0, 1, 1], [], []>, transpose_lhs_hint = false} : vector<16x128xf32>, vector<128x128xf32>, vector<16x128xf32> -> vector<16x128xf32>
    %add3A_54 = arith.addf %dot_general3A_48, %dot_general3A_53 : vector<16x128xf32>
    %get3A_55 = arith.constant 0 : index
    %get3A_56 = arith.constant 0 : index
    %get3A_57 = vector.load %arg5[%get3A_55, %get3A_56] : memref<1x128xf32, #tpu.memory_space<vmem>>, vector<1x128xf32>
    %add3A_58 = vector.broadcast %get3A_57 : vector<1x128xf32> to vector<16x128xf32>
    %add3A_59 = arith.addf %add3A_54, %add3A_58 : vector<16x128xf32>
    %tanh3A = math.tanh %add3A_59 : vector<16x128xf32>
    %dot_general3A_60 = arith.constant dense<0.000000e+00> : vector<16x1xf32>
    %dot_general3A_61 = tpu.matmul %convert_element_type3A_41, %convert_element_type3A_26, %dot_general3A_60 {dimension_numbers = #tpu.dot_dimension_numbers<[1], [0], [0], [1], [0, 0, 1, 1], [], []>, transpose_lhs_hint = false} : vector<16x128xf32>, vector<128x1xf32>, vector<16x1xf32> -> vector<16x1xf32>
    %mul3A_62 = arith.constant 5.000000e-01 : f32
    %mul3A_63 = vector.broadcast %mul3A_62 : f32 to vector<16x128xf32>
    %mul3A_64 = arith.mulf %mul3A_63, %tanh3A : vector<16x128xf32>
    %mul3A_65 = vector.broadcast %dot_general3A_61 : vector<16x1xf32> to vector<16x128xf32>
    %mul3A_66 = arith.mulf %mul3A_64, %mul3A_65 : vector<16x128xf32>
    %add3A_67 = arith.addf %broadcast_in_dim3A_30, %mul3A_66 : vector<16x128xf32>
    %mul3A_68 = arith.constant 8 : i32
    %mul3A_69 = vector.broadcast %mul3A_68 : i32 to vector<16x128xi32>
    %mul3A_70 = arith.muli %iota3A_27, %mul3A_69 : vector<16x128xi32>
    %add3A_71 = arith.constant 1 : i32
    %add3A_72 = vector.broadcast %add3A_71 : i32 to vector<16x128xi32>
    %add3A_73 = arith.addi %mul3A_70, %add3A_72 : vector<16x128xi32>
    %eq3A_74 = arith.cmpi eq, %iota3A_28, %add3A_73 : vector<16x128xi32>
    %convert_element_type3A_75 = arith.extui %eq3A_74 : vector<16x128xi1> to vector<16x128xi32>
    %convert_element_type3A_76 = arith.sitofp %convert_element_type3A_75 : vector<16x128xi32> to vector<16x128xf32>
    %dot_general3A_77 = arith.constant dense<0.000000e+00> : vector<16x128xf32>
    %dot_general3A_78 = tpu.matmul %convert_element_type3A_76, %select_n3A, %dot_general3A_77 {dimension_numbers = #tpu.dot_dimension_numbers<[1], [0], [0], [1], [0, 0, 1, 1], [], []>, transpose_lhs_hint = false} : vector<16x128xf32>, vector<128x128xf32>, vector<16x128xf32> -> vector<16x128xf32>
    %get3A_79 = arith.constant 0 : index
    %get3A_80 = arith.constant 0 : index
    %get3A_81 = vector.load %arg3[%get3A_79, %get3A_80] : memref<128x128xf32, #tpu.memory_space<vmem>>, vector<128x128xf32>
    %dot_general3A_82 = arith.constant dense<0.000000e+00> : vector<16x128xf32>
    %dot_general3A_83 = tpu.matmul %dot_general3A_78, %get3A_81, %dot_general3A_82 {dimension_numbers = #tpu.dot_dimension_numbers<[1], [0], [0], [1], [0, 0, 1, 1], [], []>, transpose_lhs_hint = false} : vector<16x128xf32>, vector<128x128xf32>, vector<16x128xf32> -> vector<16x128xf32>
    %get3A_84 = arith.constant 0 : index
    %get3A_85 = arith.constant 0 : index
    %get3A_86 = vector.load %arg4[%get3A_84, %get3A_85] : memref<128x128xf32, #tpu.memory_space<vmem>>, vector<128x128xf32>
    %dot_general3A_87 = arith.constant dense<0.000000e+00> : vector<16x128xf32>
    %dot_general3A_88 = tpu.matmul %tanh3A, %get3A_86, %dot_general3A_87 {dimension_numbers = #tpu.dot_dimension_numbers<[1], [0], [0], [1], [0, 0, 1, 1], [], []>, transpose_lhs_hint = false} : vector<16x128xf32>, vector<128x128xf32>, vector<16x128xf32> -> vector<16x128xf32>
    %add3A_89 = arith.addf %dot_general3A_83, %dot_general3A_88 : vector<16x128xf32>
    %get3A_90 = arith.constant 0 : index
    %get3A_91 = arith.constant 0 : index
    %get3A_92 = vector.load %arg5[%get3A_90, %get3A_91] : memref<1x128xf32, #tpu.memory_space<vmem>>, vector<1x128xf32>
    %add3A_93 = vector.broadcast %get3A_92 : vector<1x128xf32> to vector<16x128xf32>
    %add3A_94 = arith.addf %add3A_89, %add3A_93 : vector<16x128xf32>
    %tanh3A_95 = math.tanh %add3A_94 : vector<16x128xf32>
    %dot_general3A_96 = arith.constant dense<0.000000e+00> : vector<16x1xf32>
    %dot_general3A_97 = tpu.matmul %convert_element_type3A_76, %convert_element_type3A_26, %dot_general3A_96 {dimension_numbers = #tpu.dot_dimension_numbers<[1], [0], [0], [1], [0, 0, 1, 1], [], []>, transpose_lhs_hint = false} : vector<16x128xf32>, vector<128x1xf32>, vector<16x1xf32> -> vector<16x1xf32>
    %mul3A_98 = arith.constant 5.000000e-01 : f32
    %mul3A_99 = vector.broadcast %mul3A_98 : f32 to vector<16x128xf32>
    %mul3A_100 = arith.mulf %mul3A_99, %tanh3A_95 : vector<16x128xf32>
    %mul3A_101 = vector.broadcast %dot_general3A_97 : vector<16x1xf32> to vector<16x128xf32>
    %mul3A_102 = arith.mulf %mul3A_100, %mul3A_101 : vector<16x128xf32>
    %add3A_103 = arith.addf %add3A_67, %mul3A_102 : vector<16x128xf32>
    %mul3A_104 = arith.constant 8 : i32
    %mul3A_105 = vector.broadcast %mul3A_104 : i32 to vector<16x128xi32>
    %mul3A_106 = arith.muli %iota3A_27, %mul3A_105 : vector<16x128xi32>
    %add3A_107 = arith.constant 2 : i32
    %add3A_108 = vector.broadcast %add3A_107 : i32 to vector<16x128xi32>
    %add3A_109 = arith.addi %mul3A_106, %add3A_108 : vector<16x128xi32>
    %eq3A_110 = arith.cmpi eq, %iota3A_28, %add3A_109 : vector<16x128xi32>
    %convert_element_type3A_111 = arith.extui %eq3A_110 : vector<16x128xi1> to vector<16x128xi32>
    %convert_element_type3A_112 = arith.sitofp %convert_element_type3A_111 : vector<16x128xi32> to vector<16x128xf32>
    %dot_general3A_113 = arith.constant dense<0.000000e+00> : vector<16x128xf32>
    %dot_general3A_114 = tpu.matmul %convert_element_type3A_112, %select_n3A, %dot_general3A_113 {dimension_numbers = #tpu.dot_dimension_numbers<[1], [0], [0], [1], [0, 0, 1, 1], [], []>, transpose_lhs_hint = false} : vector<16x128xf32>, vector<128x128xf32>, vector<16x128xf32> -> vector<16x128xf32>
    %get3A_115 = arith.constant 0 : index
    %get3A_116 = arith.constant 0 : index
    %get3A_117 = vector.load %arg3[%get3A_115, %get3A_116] : memref<128x128xf32, #tpu.memory_space<vmem>>, vector<128x128xf32>
    %dot_general3A_118 = arith.constant dense<0.000000e+00> : vector<16x128xf32>
    %dot_general3A_119 = tpu.matmul %dot_general3A_114, %get3A_117, %dot_general3A_118 {dimension_numbers = #tpu.dot_dimension_numbers<[1], [0], [0], [1], [0, 0, 1, 1], [], []>, transpose_lhs_hint = false} : vector<16x128xf32>, vector<128x128xf32>, vector<16x128xf32> -> vector<16x128xf32>
    %get3A_120 = arith.constant 0 : index
    %get3A_121 = arith.constant 0 : index
    %get3A_122 = vector.load %arg4[%get3A_120, %get3A_121] : memref<128x128xf32, #tpu.memory_space<vmem>>, vector<128x128xf32>
    %dot_general3A_123 = arith.constant dense<0.000000e+00> : vector<16x128xf32>
    %dot_general3A_124 = tpu.matmul %tanh3A_95, %get3A_122, %dot_general3A_123 {dimension_numbers = #tpu.dot_dimension_numbers<[1], [0], [0], [1], [0, 0, 1, 1], [], []>, transpose_lhs_hint = false} : vector<16x128xf32>, vector<128x128xf32>, vector<16x128xf32> -> vector<16x128xf32>
    %add3A_125 = arith.addf %dot_general3A_119, %dot_general3A_124 : vector<16x128xf32>
    %get3A_126 = arith.constant 0 : index
    %get3A_127 = arith.constant 0 : index
    %get3A_128 = vector.load %arg5[%get3A_126, %get3A_127] : memref<1x128xf32, #tpu.memory_space<vmem>>, vector<1x128xf32>
    %add3A_129 = vector.broadcast %get3A_128 : vector<1x128xf32> to vector<16x128xf32>
    %add3A_130 = arith.addf %add3A_125, %add3A_129 : vector<16x128xf32>
    %tanh3A_131 = math.tanh %add3A_130 : vector<16x128xf32>
    %dot_general3A_132 = arith.constant dense<0.000000e+00> : vector<16x1xf32>
    %dot_general3A_133 = tpu.matmul %convert_element_type3A_112, %convert_element_type3A_26, %dot_general3A_132 {dimension_numbers = #tpu.dot_dimension_numbers<[1], [0], [0], [1], [0, 0, 1, 1], [], []>, transpose_lhs_hint = false} : vector<16x128xf32>, vector<128x1xf32>, vector<16x1xf32> -> vector<16x1xf32>
    %mul3A_134 = arith.constant 5.000000e-01 : f32
    %mul3A_135 = vector.broadcast %mul3A_134 : f32 to vector<16x128xf32>
    %mul3A_136 = arith.mulf %mul3A_135, %tanh3A_131 : vector<16x128xf32>
    %mul3A_137 = vector.broadcast %dot_general3A_133 : vector<16x1xf32> to vector<16x128xf32>
    %mul3A_138 = arith.mulf %mul3A_136, %mul3A_137 : vector<16x128xf32>
    %add3A_139 = arith.addf %add3A_103, %mul3A_138 : vector<16x128xf32>
    %mul3A_140 = arith.constant 8 : i32
    %mul3A_141 = vector.broadcast %mul3A_140 : i32 to vector<16x128xi32>
    %mul3A_142 = arith.muli %iota3A_27, %mul3A_141 : vector<16x128xi32>
    %add3A_143 = arith.constant 3 : i32
    %add3A_144 = vector.broadcast %add3A_143 : i32 to vector<16x128xi32>
    %add3A_145 = arith.addi %mul3A_142, %add3A_144 : vector<16x128xi32>
    %eq3A_146 = arith.cmpi eq, %iota3A_28, %add3A_145 : vector<16x128xi32>
    %convert_element_type3A_147 = arith.extui %eq3A_146 : vector<16x128xi1> to vector<16x128xi32>
    %convert_element_type3A_148 = arith.sitofp %convert_element_type3A_147 : vector<16x128xi32> to vector<16x128xf32>
    %dot_general3A_149 = arith.constant dense<0.000000e+00> : vector<16x128xf32>
    %dot_general3A_150 = tpu.matmul %convert_element_type3A_148, %select_n3A, %dot_general3A_149 {dimension_numbers = #tpu.dot_dimension_numbers<[1], [0], [0], [1], [0, 0, 1, 1], [], []>, transpose_lhs_hint = false} : vector<16x128xf32>, vector<128x128xf32>, vector<16x128xf32> -> vector<16x128xf32>
    %get3A_151 = arith.constant 0 : index
    %get3A_152 = arith.constant 0 : index
    %get3A_153 = vector.load %arg3[%get3A_151, %get3A_152] : memref<128x128xf32, #tpu.memory_space<vmem>>, vector<128x128xf32>
    %dot_general3A_154 = arith.constant dense<0.000000e+00> : vector<16x128xf32>
    %dot_general3A_155 = tpu.matmul %dot_general3A_150, %get3A_153, %dot_general3A_154 {dimension_numbers = #tpu.dot_dimension_numbers<[1], [0], [0], [1], [0, 0, 1, 1], [], []>, transpose_lhs_hint = false} : vector<16x128xf32>, vector<128x128xf32>, vector<16x128xf32> -> vector<16x128xf32>
    %get3A_156 = arith.constant 0 : index
    %get3A_157 = arith.constant 0 : index
    %get3A_158 = vector.load %arg4[%get3A_156, %get3A_157] : memref<128x128xf32, #tpu.memory_space<vmem>>, vector<128x128xf32>
    %dot_general3A_159 = arith.constant dense<0.000000e+00> : vector<16x128xf32>
    %dot_general3A_160 = tpu.matmul %tanh3A_131, %get3A_158, %dot_general3A_159 {dimension_numbers = #tpu.dot_dimension_numbers<[1], [0], [0], [1], [0, 0, 1, 1], [], []>, transpose_lhs_hint = false} : vector<16x128xf32>, vector<128x128xf32>, vector<16x128xf32> -> vector<16x128xf32>
    %add3A_161 = arith.addf %dot_general3A_155, %dot_general3A_160 : vector<16x128xf32>
    %get3A_162 = arith.constant 0 : index
    %get3A_163 = arith.constant 0 : index
    %get3A_164 = vector.load %arg5[%get3A_162, %get3A_163] : memref<1x128xf32, #tpu.memory_space<vmem>>, vector<1x128xf32>
    %add3A_165 = vector.broadcast %get3A_164 : vector<1x128xf32> to vector<16x128xf32>
    %add3A_166 = arith.addf %add3A_161, %add3A_165 : vector<16x128xf32>
    %tanh3A_167 = math.tanh %add3A_166 : vector<16x128xf32>
    %dot_general3A_168 = arith.constant dense<0.000000e+00> : vector<16x1xf32>
    %dot_general3A_169 = tpu.matmul %convert_element_type3A_148, %convert_element_type3A_26, %dot_general3A_168 {dimension_numbers = #tpu.dot_dimension_numbers<[1], [0], [0], [1], [0, 0, 1, 1], [], []>, transpose_lhs_hint = false} : vector<16x128xf32>, vector<128x1xf32>, vector<16x1xf32> -> vector<16x1xf32>
    %mul3A_170 = arith.constant 5.000000e-01 : f32
    %mul3A_171 = vector.broadcast %mul3A_170 : f32 to vector<16x128xf32>
    %mul3A_172 = arith.mulf %mul3A_171, %tanh3A_167 : vector<16x128xf32>
    %mul3A_173 = vector.broadcast %dot_general3A_169 : vector<16x1xf32> to vector<16x128xf32>
    %mul3A_174 = arith.mulf %mul3A_172, %mul3A_173 : vector<16x128xf32>
    %add3A_175 = arith.addf %add3A_139, %mul3A_174 : vector<16x128xf32>
    %mul3A_176 = arith.constant 8 : i32
    %mul3A_177 = vector.broadcast %mul3A_176 : i32 to vector<16x128xi32>
    %mul3A_178 = arith.muli %iota3A_27, %mul3A_177 : vector<16x128xi32>
    %add3A_179 = arith.constant 4 : i32
    %add3A_180 = vector.broadcast %add3A_179 : i32 to vector<16x128xi32>
    %add3A_181 = arith.addi %mul3A_178, %add3A_180 : vector<16x128xi32>
    %eq3A_182 = arith.cmpi eq, %iota3A_28, %add3A_181 : vector<16x128xi32>
    %convert_element_type3A_183 = arith.extui %eq3A_182 : vector<16x128xi1> to vector<16x128xi32>
    %convert_element_type3A_184 = arith.sitofp %convert_element_type3A_183 : vector<16x128xi32> to vector<16x128xf32>
    %dot_general3A_185 = arith.constant dense<0.000000e+00> : vector<16x128xf32>
    %dot_general3A_186 = tpu.matmul %convert_element_type3A_184, %select_n3A, %dot_general3A_185 {dimension_numbers = #tpu.dot_dimension_numbers<[1], [0], [0], [1], [0, 0, 1, 1], [], []>, transpose_lhs_hint = false} : vector<16x128xf32>, vector<128x128xf32>, vector<16x128xf32> -> vector<16x128xf32>
    %get3A_187 = arith.constant 0 : index
    %get3A_188 = arith.constant 0 : index
    %get3A_189 = vector.load %arg3[%get3A_187, %get3A_188] : memref<128x128xf32, #tpu.memory_space<vmem>>, vector<128x128xf32>
    %dot_general3A_190 = arith.constant dense<0.000000e+00> : vector<16x128xf32>
    %dot_general3A_191 = tpu.matmul %dot_general3A_186, %get3A_189, %dot_general3A_190 {dimension_numbers = #tpu.dot_dimension_numbers<[1], [0], [0], [1], [0, 0, 1, 1], [], []>, transpose_lhs_hint = false} : vector<16x128xf32>, vector<128x128xf32>, vector<16x128xf32> -> vector<16x128xf32>
    %get3A_192 = arith.constant 0 : index
    %get3A_193 = arith.constant 0 : index
    %get3A_194 = vector.load %arg4[%get3A_192, %get3A_193] : memref<128x128xf32, #tpu.memory_space<vmem>>, vector<128x128xf32>
    %dot_general3A_195 = arith.constant dense<0.000000e+00> : vector<16x128xf32>
    %dot_general3A_196 = tpu.matmul %tanh3A_167, %get3A_194, %dot_general3A_195 {dimension_numbers = #tpu.dot_dimension_numbers<[1], [0], [0], [1], [0, 0, 1, 1], [], []>, transpose_lhs_hint = false} : vector<16x128xf32>, vector<128x128xf32>, vector<16x128xf32> -> vector<16x128xf32>
    %add3A_197 = arith.addf %dot_general3A_191, %dot_general3A_196 : vector<16x128xf32>
    %get3A_198 = arith.constant 0 : index
    %get3A_199 = arith.constant 0 : index
    %get3A_200 = vector.load %arg5[%get3A_198, %get3A_199] : memref<1x128xf32, #tpu.memory_space<vmem>>, vector<1x128xf32>
    %add3A_201 = vector.broadcast %get3A_200 : vector<1x128xf32> to vector<16x128xf32>
    %add3A_202 = arith.addf %add3A_197, %add3A_201 : vector<16x128xf32>
    %tanh3A_203 = math.tanh %add3A_202 : vector<16x128xf32>
    %dot_general3A_204 = arith.constant dense<0.000000e+00> : vector<16x1xf32>
    %dot_general3A_205 = tpu.matmul %convert_element_type3A_184, %convert_element_type3A_26, %dot_general3A_204 {dimension_numbers = #tpu.dot_dimension_numbers<[1], [0], [0], [1], [0, 0, 1, 1], [], []>, transpose_lhs_hint = false} : vector<16x128xf32>, vector<128x1xf32>, vector<16x1xf32> -> vector<16x1xf32>
    %mul3A_206 = arith.constant 5.000000e-01 : f32
    %mul3A_207 = vector.broadcast %mul3A_206 : f32 to vector<16x128xf32>
    %mul3A_208 = arith.mulf %mul3A_207, %tanh3A_203 : vector<16x128xf32>
    %mul3A_209 = vector.broadcast %dot_general3A_205 : vector<16x1xf32> to vector<16x128xf32>
    %mul3A_210 = arith.mulf %mul3A_208, %mul3A_209 : vector<16x128xf32>
    %add3A_211 = arith.addf %add3A_175, %mul3A_210 : vector<16x128xf32>
    %mul3A_212 = arith.constant 8 : i32
    %mul3A_213 = vector.broadcast %mul3A_212 : i32 to vector<16x128xi32>
    %mul3A_214 = arith.muli %iota3A_27, %mul3A_213 : vector<16x128xi32>
    %add3A_215 = arith.constant 5 : i32
    %add3A_216 = vector.broadcast %add3A_215 : i32 to vector<16x128xi32>
    %add3A_217 = arith.addi %mul3A_214, %add3A_216 : vector<16x128xi32>
    %eq3A_218 = arith.cmpi eq, %iota3A_28, %add3A_217 : vector<16x128xi32>
    %convert_element_type3A_219 = arith.extui %eq3A_218 : vector<16x128xi1> to vector<16x128xi32>
    %convert_element_type3A_220 = arith.sitofp %convert_element_type3A_219 : vector<16x128xi32> to vector<16x128xf32>
    %dot_general3A_221 = arith.constant dense<0.000000e+00> : vector<16x128xf32>
    %dot_general3A_222 = tpu.matmul %convert_element_type3A_220, %select_n3A, %dot_general3A_221 {dimension_numbers = #tpu.dot_dimension_numbers<[1], [0], [0], [1], [0, 0, 1, 1], [], []>, transpose_lhs_hint = false} : vector<16x128xf32>, vector<128x128xf32>, vector<16x128xf32> -> vector<16x128xf32>
    %get3A_223 = arith.constant 0 : index
    %get3A_224 = arith.constant 0 : index
    %get3A_225 = vector.load %arg3[%get3A_223, %get3A_224] : memref<128x128xf32, #tpu.memory_space<vmem>>, vector<128x128xf32>
    %dot_general3A_226 = arith.constant dense<0.000000e+00> : vector<16x128xf32>
    %dot_general3A_227 = tpu.matmul %dot_general3A_222, %get3A_225, %dot_general3A_226 {dimension_numbers = #tpu.dot_dimension_numbers<[1], [0], [0], [1], [0, 0, 1, 1], [], []>, transpose_lhs_hint = false} : vector<16x128xf32>, vector<128x128xf32>, vector<16x128xf32> -> vector<16x128xf32>
    %get3A_228 = arith.constant 0 : index
    %get3A_229 = arith.constant 0 : index
    %get3A_230 = vector.load %arg4[%get3A_228, %get3A_229] : memref<128x128xf32, #tpu.memory_space<vmem>>, vector<128x128xf32>
    %dot_general3A_231 = arith.constant dense<0.000000e+00> : vector<16x128xf32>
    %dot_general3A_232 = tpu.matmul %tanh3A_203, %get3A_230, %dot_general3A_231 {dimension_numbers = #tpu.dot_dimension_numbers<[1], [0], [0], [1], [0, 0, 1, 1], [], []>, transpose_lhs_hint = false} : vector<16x128xf32>, vector<128x128xf32>, vector<16x128xf32> -> vector<16x128xf32>
    %add3A_233 = arith.addf %dot_general3A_227, %dot_general3A_232 : vector<16x128xf32>
    %get3A_234 = arith.constant 0 : index
    %get3A_235 = arith.constant 0 : index
    %get3A_236 = vector.load %arg5[%get3A_234, %get3A_235] : memref<1x128xf32, #tpu.memory_space<vmem>>, vector<1x128xf32>
    %add3A_237 = vector.broadcast %get3A_236 : vector<1x128xf32> to vector<16x128xf32>
    %add3A_238 = arith.addf %add3A_233, %add3A_237 : vector<16x128xf32>
    %tanh3A_239 = math.tanh %add3A_238 : vector<16x128xf32>
    %dot_general3A_240 = arith.constant dense<0.000000e+00> : vector<16x1xf32>
    %dot_general3A_241 = tpu.matmul %convert_element_type3A_220, %convert_element_type3A_26, %dot_general3A_240 {dimension_numbers = #tpu.dot_dimension_numbers<[1], [0], [0], [1], [0, 0, 1, 1], [], []>, transpose_lhs_hint = false} : vector<16x128xf32>, vector<128x1xf32>, vector<16x1xf32> -> vector<16x1xf32>
    %mul3A_242 = arith.constant 5.000000e-01 : f32
    %mul3A_243 = vector.broadcast %mul3A_242 : f32 to vector<16x128xf32>
    %mul3A_244 = arith.mulf %mul3A_243, %tanh3A_239 : vector<16x128xf32>
    %mul3A_245 = vector.broadcast %dot_general3A_241 : vector<16x1xf32> to vector<16x128xf32>
    %mul3A_246 = arith.mulf %mul3A_244, %mul3A_245 : vector<16x128xf32>
    %add3A_247 = arith.addf %add3A_211, %mul3A_246 : vector<16x128xf32>
    %mul3A_248 = arith.constant 8 : i32
    %mul3A_249 = vector.broadcast %mul3A_248 : i32 to vector<16x128xi32>
    %mul3A_250 = arith.muli %iota3A_27, %mul3A_249 : vector<16x128xi32>
    %add3A_251 = arith.constant 6 : i32
    %add3A_252 = vector.broadcast %add3A_251 : i32 to vector<16x128xi32>
    %add3A_253 = arith.addi %mul3A_250, %add3A_252 : vector<16x128xi32>
    %eq3A_254 = arith.cmpi eq, %iota3A_28, %add3A_253 : vector<16x128xi32>
    %convert_element_type3A_255 = arith.extui %eq3A_254 : vector<16x128xi1> to vector<16x128xi32>
    %convert_element_type3A_256 = arith.sitofp %convert_element_type3A_255 : vector<16x128xi32> to vector<16x128xf32>
    %dot_general3A_257 = arith.constant dense<0.000000e+00> : vector<16x128xf32>
    %dot_general3A_258 = tpu.matmul %convert_element_type3A_256, %select_n3A, %dot_general3A_257 {dimension_numbers = #tpu.dot_dimension_numbers<[1], [0], [0], [1], [0, 0, 1, 1], [], []>, transpose_lhs_hint = false} : vector<16x128xf32>, vector<128x128xf32>, vector<16x128xf32> -> vector<16x128xf32>
    %get3A_259 = arith.constant 0 : index
    %get3A_260 = arith.constant 0 : index
    %get3A_261 = vector.load %arg3[%get3A_259, %get3A_260] : memref<128x128xf32, #tpu.memory_space<vmem>>, vector<128x128xf32>
    %dot_general3A_262 = arith.constant dense<0.000000e+00> : vector<16x128xf32>
    %dot_general3A_263 = tpu.matmul %dot_general3A_258, %get3A_261, %dot_general3A_262 {dimension_numbers = #tpu.dot_dimension_numbers<[1], [0], [0], [1], [0, 0, 1, 1], [], []>, transpose_lhs_hint = false} : vector<16x128xf32>, vector<128x128xf32>, vector<16x128xf32> -> vector<16x128xf32>
    %get3A_264 = arith.constant 0 : index
    %get3A_265 = arith.constant 0 : index
    %get3A_266 = vector.load %arg4[%get3A_264, %get3A_265] : memref<128x128xf32, #tpu.memory_space<vmem>>, vector<128x128xf32>
    %dot_general3A_267 = arith.constant dense<0.000000e+00> : vector<16x128xf32>
    %dot_general3A_268 = tpu.matmul %tanh3A_239, %get3A_266, %dot_general3A_267 {dimension_numbers = #tpu.dot_dimension_numbers<[1], [0], [0], [1], [0, 0, 1, 1], [], []>, transpose_lhs_hint = false} : vector<16x128xf32>, vector<128x128xf32>, vector<16x128xf32> -> vector<16x128xf32>
    %add3A_269 = arith.addf %dot_general3A_263, %dot_general3A_268 : vector<16x128xf32>
    %get3A_270 = arith.constant 0 : index
    %get3A_271 = arith.constant 0 : index
    %get3A_272 = vector.load %arg5[%get3A_270, %get3A_271] : memref<1x128xf32, #tpu.memory_space<vmem>>, vector<1x128xf32>
    %add3A_273 = vector.broadcast %get3A_272 : vector<1x128xf32> to vector<16x128xf32>
    %add3A_274 = arith.addf %add3A_269, %add3A_273 : vector<16x128xf32>
    %tanh3A_275 = math.tanh %add3A_274 : vector<16x128xf32>
    %dot_general3A_276 = arith.constant dense<0.000000e+00> : vector<16x1xf32>
    %dot_general3A_277 = tpu.matmul %convert_element_type3A_256, %convert_element_type3A_26, %dot_general3A_276 {dimension_numbers = #tpu.dot_dimension_numbers<[1], [0], [0], [1], [0, 0, 1, 1], [], []>, transpose_lhs_hint = false} : vector<16x128xf32>, vector<128x1xf32>, vector<16x1xf32> -> vector<16x1xf32>
    %mul3A_278 = arith.constant 5.000000e-01 : f32
    %mul3A_279 = vector.broadcast %mul3A_278 : f32 to vector<16x128xf32>
    %mul3A_280 = arith.mulf %mul3A_279, %tanh3A_275 : vector<16x128xf32>
    %mul3A_281 = vector.broadcast %dot_general3A_277 : vector<16x1xf32> to vector<16x128xf32>
    %mul3A_282 = arith.mulf %mul3A_280, %mul3A_281 : vector<16x128xf32>
    %add3A_283 = arith.addf %add3A_247, %mul3A_282 : vector<16x128xf32>
    %mul3A_284 = arith.constant 8 : i32
    %mul3A_285 = vector.broadcast %mul3A_284 : i32 to vector<16x128xi32>
    %mul3A_286 = arith.muli %iota3A_27, %mul3A_285 : vector<16x128xi32>
    %add3A_287 = arith.constant 7 : i32
    %add3A_288 = vector.broadcast %add3A_287 : i32 to vector<16x128xi32>
    %add3A_289 = arith.addi %mul3A_286, %add3A_288 : vector<16x128xi32>
    %eq3A_290 = arith.cmpi eq, %iota3A_28, %add3A_289 : vector<16x128xi32>
    %convert_element_type3A_291 = arith.extui %eq3A_290 : vector<16x128xi1> to vector<16x128xi32>
    %convert_element_type3A_292 = arith.sitofp %convert_element_type3A_291 : vector<16x128xi32> to vector<16x128xf32>
    %dot_general3A_293 = arith.constant dense<0.000000e+00> : vector<16x128xf32>
    %dot_general3A_294 = tpu.matmul %convert_element_type3A_292, %select_n3A, %dot_general3A_293 {dimension_numbers = #tpu.dot_dimension_numbers<[1], [0], [0], [1], [0, 0, 1, 1], [], []>, transpose_lhs_hint = false} : vector<16x128xf32>, vector<128x128xf32>, vector<16x128xf32> -> vector<16x128xf32>
    %get3A_295 = arith.constant 0 : index
    %get3A_296 = arith.constant 0 : index
    %get3A_297 = vector.load %arg3[%get3A_295, %get3A_296] : memref<128x128xf32, #tpu.memory_space<vmem>>, vector<128x128xf32>
    %dot_general3A_298 = arith.constant dense<0.000000e+00> : vector<16x128xf32>
    %dot_general3A_299 = tpu.matmul %dot_general3A_294, %get3A_297, %dot_general3A_298 {dimension_numbers = #tpu.dot_dimension_numbers<[1], [0], [0], [1], [0, 0, 1, 1], [], []>, transpose_lhs_hint = false} : vector<16x128xf32>, vector<128x128xf32>, vector<16x128xf32> -> vector<16x128xf32>
    %get3A_300 = arith.constant 0 : index
    %get3A_301 = arith.constant 0 : index
    %get3A_302 = vector.load %arg4[%get3A_300, %get3A_301] : memref<128x128xf32, #tpu.memory_space<vmem>>, vector<128x128xf32>
    %dot_general3A_303 = arith.constant dense<0.000000e+00> : vector<16x128xf32>
    %dot_general3A_304 = tpu.matmul %tanh3A_275, %get3A_302, %dot_general3A_303 {dimension_numbers = #tpu.dot_dimension_numbers<[1], [0], [0], [1], [0, 0, 1, 1], [], []>, transpose_lhs_hint = false} : vector<16x128xf32>, vector<128x128xf32>, vector<16x128xf32> -> vector<16x128xf32>
    %add3A_305 = arith.addf %dot_general3A_299, %dot_general3A_304 : vector<16x128xf32>
    %get3A_306 = arith.constant 0 : index
    %get3A_307 = arith.constant 0 : index
    %get3A_308 = vector.load %arg5[%get3A_306, %get3A_307] : memref<1x128xf32, #tpu.memory_space<vmem>>, vector<1x128xf32>
    %add3A_309 = vector.broadcast %get3A_308 : vector<1x128xf32> to vector<16x128xf32>
    %add3A_310 = arith.addf %add3A_305, %add3A_309 : vector<16x128xf32>
    %tanh3A_311 = math.tanh %add3A_310 : vector<16x128xf32>
    %dot_general3A_312 = arith.constant dense<0.000000e+00> : vector<16x1xf32>
    %dot_general3A_313 = tpu.matmul %convert_element_type3A_292, %convert_element_type3A_26, %dot_general3A_312 {dimension_numbers = #tpu.dot_dimension_numbers<[1], [0], [0], [1], [0, 0, 1, 1], [], []>, transpose_lhs_hint = false} : vector<16x128xf32>, vector<128x1xf32>, vector<16x1xf32> -> vector<16x1xf32>
    %mul3A_314 = arith.constant 5.000000e-01 : f32
    %mul3A_315 = vector.broadcast %mul3A_314 : f32 to vector<16x128xf32>
    %mul3A_316 = arith.mulf %mul3A_315, %tanh3A_311 : vector<16x128xf32>
    %mul3A_317 = vector.broadcast %dot_general3A_313 : vector<16x1xf32> to vector<16x128xf32>
    %mul3A_318 = arith.mulf %mul3A_316, %mul3A_317 : vector<16x128xf32>
    %add3A_319 = arith.addf %add3A_283, %mul3A_318 : vector<16x128xf32>
    %broadcast_in_dim3A_320 = arith.constant 0.000000e+00 : f32
    %broadcast_in_dim3A_321 = vector.broadcast %broadcast_in_dim3A_320 : f32 to vector<16x128xf32>
    %mul3A_322 = arith.constant 8 : i32
    %mul3A_323 = vector.broadcast %mul3A_322 : i32 to vector<16x128xi32>
    %mul3A_324 = arith.muli %iota3A_27, %mul3A_323 : vector<16x128xi32>
    %add3A_325 = arith.constant 7 : i32
    %add3A_326 = vector.broadcast %add3A_325 : i32 to vector<16x128xi32>
    %add3A_327 = arith.addi %mul3A_324, %add3A_326 : vector<16x128xi32>
    %eq3A_328 = arith.cmpi eq, %iota3A_28, %add3A_327 : vector<16x128xi32>
    %convert_element_type3A_329 = arith.extui %eq3A_328 : vector<16x128xi1> to vector<16x128xi32>
    %convert_element_type3A_330 = arith.sitofp %convert_element_type3A_329 : vector<16x128xi32> to vector<16x128xf32>
    %dot_general3A_331 = arith.constant dense<0.000000e+00> : vector<16x128xf32>
    %dot_general3A_332 = tpu.matmul %convert_element_type3A_330, %select_n3A, %dot_general3A_331 {dimension_numbers = #tpu.dot_dimension_numbers<[1], [0], [0], [1], [0, 0, 1, 1], [], []>, transpose_lhs_hint = false} : vector<16x128xf32>, vector<128x128xf32>, vector<16x128xf32> -> vector<16x128xf32>
    %get3A_333 = arith.constant 0 : index
    %get3A_334 = arith.constant 0 : index
    %get3A_335 = vector.load %arg6[%get3A_333, %get3A_334] : memref<128x128xf32, #tpu.memory_space<vmem>>, vector<128x128xf32>
    %dot_general3A_336 = arith.constant dense<0.000000e+00> : vector<16x128xf32>
    %dot_general3A_337 = tpu.matmul %dot_general3A_332, %get3A_335, %dot_general3A_336 {dimension_numbers = #tpu.dot_dimension_numbers<[1], [0], [0], [1], [0, 0, 1, 1], [], []>, transpose_lhs_hint = false} : vector<16x128xf32>, vector<128x128xf32>, vector<16x128xf32> -> vector<16x128xf32>
    %get3A_338 = arith.constant 0 : index
    %get3A_339 = arith.constant 0 : index
    %get3A_340 = vector.load %arg7[%get3A_338, %get3A_339] : memref<128x128xf32, #tpu.memory_space<vmem>>, vector<128x128xf32>
    %dot_general3A_341 = arith.constant dense<0.000000e+00> : vector<16x128xf32>
    %dot_general3A_342 = tpu.matmul %broadcast_in_dim3A_321, %get3A_340, %dot_general3A_341 {dimension_numbers = #tpu.dot_dimension_numbers<[1], [0], [0], [1], [0, 0, 1, 1], [], []>, transpose_lhs_hint = false} : vector<16x128xf32>, vector<128x128xf32>, vector<16x128xf32> -> vector<16x128xf32>
    %add3A_343 = arith.addf %dot_general3A_337, %dot_general3A_342 : vector<16x128xf32>
    %get3A_344 = arith.constant 0 : index
    %get3A_345 = arith.constant 0 : index
    %get3A_346 = vector.load %arg8[%get3A_344, %get3A_345] : memref<1x128xf32, #tpu.memory_space<vmem>>, vector<1x128xf32>
    %add3A_347 = vector.broadcast %get3A_346 : vector<1x128xf32> to vector<16x128xf32>
    %add3A_348 = arith.addf %add3A_343, %add3A_347 : vector<16x128xf32>
    %tanh3A_349 = math.tanh %add3A_348 : vector<16x128xf32>
    %dot_general3A_350 = arith.constant dense<0.000000e+00> : vector<16x1xf32>
    %dot_general3A_351 = tpu.matmul %convert_element_type3A_330, %convert_element_type3A_26, %dot_general3A_350 {dimension_numbers = #tpu.dot_dimension_numbers<[1], [0], [0], [1], [0, 0, 1, 1], [], []>, transpose_lhs_hint = false} : vector<16x128xf32>, vector<128x1xf32>, vector<16x1xf32> -> vector<16x1xf32>
    %mul3A_352 = arith.constant 5.000000e-01 : f32
    %mul3A_353 = vector.broadcast %mul3A_352 : f32 to vector<16x128xf32>
    %mul3A_354 = arith.mulf %mul3A_353, %tanh3A_349 : vector<16x128xf32>
    %mul3A_355 = vector.broadcast %dot_general3A_351 : vector<16x1xf32> to vector<16x128xf32>
    %mul3A_356 = arith.mulf %mul3A_354, %mul3A_355 : vector<16x128xf32>
    %add3A_357 = arith.addf %add3A_319, %mul3A_356 : vector<16x128xf32>
    %mul3A_358 = arith.constant 8 : i32
    %mul3A_359 = vector.broadcast %mul3A_358 : i32 to vector<16x128xi32>
    %mul3A_360 = arith.muli %iota3A_27, %mul3A_359 : vector<16x128xi32>
    %add3A_361 = arith.constant 6 : i32
    %add3A_362 = vector.broadcast %add3A_361 : i32 to vector<16x128xi32>
    %add3A_363 = arith.addi %mul3A_360, %add3A_362 : vector<16x128xi32>
    %eq3A_364 = arith.cmpi eq, %iota3A_28, %add3A_363 : vector<16x128xi32>
    %convert_element_type3A_365 = arith.extui %eq3A_364 : vector<16x128xi1> to vector<16x128xi32>
    %convert_element_type3A_366 = arith.sitofp %convert_element_type3A_365 : vector<16x128xi32> to vector<16x128xf32>
    %dot_general3A_367 = arith.constant dense<0.000000e+00> : vector<16x128xf32>
    %dot_general3A_368 = tpu.matmul %convert_element_type3A_366, %select_n3A, %dot_general3A_367 {dimension_numbers = #tpu.dot_dimension_numbers<[1], [0], [0], [1], [0, 0, 1, 1], [], []>, transpose_lhs_hint = false} : vector<16x128xf32>, vector<128x128xf32>, vector<16x128xf32> -> vector<16x128xf32>
    %get3A_369 = arith.constant 0 : index
    %get3A_370 = arith.constant 0 : index
    %get3A_371 = vector.load %arg6[%get3A_369, %get3A_370] : memref<128x128xf32, #tpu.memory_space<vmem>>, vector<128x128xf32>
    %dot_general3A_372 = arith.constant dense<0.000000e+00> : vector<16x128xf32>
    %dot_general3A_373 = tpu.matmul %dot_general3A_368, %get3A_371, %dot_general3A_372 {dimension_numbers = #tpu.dot_dimension_numbers<[1], [0], [0], [1], [0, 0, 1, 1], [], []>, transpose_lhs_hint = false} : vector<16x128xf32>, vector<128x128xf32>, vector<16x128xf32> -> vector<16x128xf32>
    %get3A_374 = arith.constant 0 : index
    %get3A_375 = arith.constant 0 : index
    %get3A_376 = vector.load %arg7[%get3A_374, %get3A_375] : memref<128x128xf32, #tpu.memory_space<vmem>>, vector<128x128xf32>
    %dot_general3A_377 = arith.constant dense<0.000000e+00> : vector<16x128xf32>
    %dot_general3A_378 = tpu.matmul %tanh3A_349, %get3A_376, %dot_general3A_377 {dimension_numbers = #tpu.dot_dimension_numbers<[1], [0], [0], [1], [0, 0, 1, 1], [], []>, transpose_lhs_hint = false} : vector<16x128xf32>, vector<128x128xf32>, vector<16x128xf32> -> vector<16x128xf32>
    %add3A_379 = arith.addf %dot_general3A_373, %dot_general3A_378 : vector<16x128xf32>
    %get3A_380 = arith.constant 0 : index
    %get3A_381 = arith.constant 0 : index
    %get3A_382 = vector.load %arg8[%get3A_380, %get3A_381] : memref<1x128xf32, #tpu.memory_space<vmem>>, vector<1x128xf32>
    %add3A_383 = vector.broadcast %get3A_382 : vector<1x128xf32> to vector<16x128xf32>
    %add3A_384 = arith.addf %add3A_379, %add3A_383 : vector<16x128xf32>
    %tanh3A_385 = math.tanh %add3A_384 : vector<16x128xf32>
    %dot_general3A_386 = arith.constant dense<0.000000e+00> : vector<16x1xf32>
    %dot_general3A_387 = tpu.matmul %convert_element_type3A_366, %convert_element_type3A_26, %dot_general3A_386 {dimension_numbers = #tpu.dot_dimension_numbers<[1], [0], [0], [1], [0, 0, 1, 1], [], []>, transpose_lhs_hint = false} : vector<16x128xf32>, vector<128x1xf32>, vector<16x1xf32> -> vector<16x1xf32>
    %mul3A_388 = arith.constant 5.000000e-01 : f32
    %mul3A_389 = vector.broadcast %mul3A_388 : f32 to vector<16x128xf32>
    %mul3A_390 = arith.mulf %mul3A_389, %tanh3A_385 : vector<16x128xf32>
    %mul3A_391 = vector.broadcast %dot_general3A_387 : vector<16x1xf32> to vector<16x128xf32>
    %mul3A_392 = arith.mulf %mul3A_390, %mul3A_391 : vector<16x128xf32>
    %add3A_393 = arith.addf %add3A_357, %mul3A_392 : vector<16x128xf32>
    %mul3A_394 = arith.constant 8 : i32
    %mul3A_395 = vector.broadcast %mul3A_394 : i32 to vector<16x128xi32>
    %mul3A_396 = arith.muli %iota3A_27, %mul3A_395 : vector<16x128xi32>
    %add3A_397 = arith.constant 5 : i32
    %add3A_398 = vector.broadcast %add3A_397 : i32 to vector<16x128xi32>
    %add3A_399 = arith.addi %mul3A_396, %add3A_398 : vector<16x128xi32>
    %eq3A_400 = arith.cmpi eq, %iota3A_28, %add3A_399 : vector<16x128xi32>
    %convert_element_type3A_401 = arith.extui %eq3A_400 : vector<16x128xi1> to vector<16x128xi32>
    %convert_element_type3A_402 = arith.sitofp %convert_element_type3A_401 : vector<16x128xi32> to vector<16x128xf32>
    %dot_general3A_403 = arith.constant dense<0.000000e+00> : vector<16x128xf32>
    %dot_general3A_404 = tpu.matmul %convert_element_type3A_402, %select_n3A, %dot_general3A_403 {dimension_numbers = #tpu.dot_dimension_numbers<[1], [0], [0], [1], [0, 0, 1, 1], [], []>, transpose_lhs_hint = false} : vector<16x128xf32>, vector<128x128xf32>, vector<16x128xf32> -> vector<16x128xf32>
    %get3A_405 = arith.constant 0 : index
    %get3A_406 = arith.constant 0 : index
    %get3A_407 = vector.load %arg6[%get3A_405, %get3A_406] : memref<128x128xf32, #tpu.memory_space<vmem>>, vector<128x128xf32>
    %dot_general3A_408 = arith.constant dense<0.000000e+00> : vector<16x128xf32>
    %dot_general3A_409 = tpu.matmul %dot_general3A_404, %get3A_407, %dot_general3A_408 {dimension_numbers = #tpu.dot_dimension_numbers<[1], [0], [0], [1], [0, 0, 1, 1], [], []>, transpose_lhs_hint = false} : vector<16x128xf32>, vector<128x128xf32>, vector<16x128xf32> -> vector<16x128xf32>
    %get3A_410 = arith.constant 0 : index
    %get3A_411 = arith.constant 0 : index
    %get3A_412 = vector.load %arg7[%get3A_410, %get3A_411] : memref<128x128xf32, #tpu.memory_space<vmem>>, vector<128x128xf32>
    %dot_general3A_413 = arith.constant dense<0.000000e+00> : vector<16x128xf32>
    %dot_general3A_414 = tpu.matmul %tanh3A_385, %get3A_412, %dot_general3A_413 {dimension_numbers = #tpu.dot_dimension_numbers<[1], [0], [0], [1], [0, 0, 1, 1], [], []>, transpose_lhs_hint = false} : vector<16x128xf32>, vector<128x128xf32>, vector<16x128xf32> -> vector<16x128xf32>
    %add3A_415 = arith.addf %dot_general3A_409, %dot_general3A_414 : vector<16x128xf32>
    %get3A_416 = arith.constant 0 : index
    %get3A_417 = arith.constant 0 : index
    %get3A_418 = vector.load %arg8[%get3A_416, %get3A_417] : memref<1x128xf32, #tpu.memory_space<vmem>>, vector<1x128xf32>
    %add3A_419 = vector.broadcast %get3A_418 : vector<1x128xf32> to vector<16x128xf32>
    %add3A_420 = arith.addf %add3A_415, %add3A_419 : vector<16x128xf32>
    %tanh3A_421 = math.tanh %add3A_420 : vector<16x128xf32>
    %dot_general3A_422 = arith.constant dense<0.000000e+00> : vector<16x1xf32>
    %dot_general3A_423 = tpu.matmul %convert_element_type3A_402, %convert_element_type3A_26, %dot_general3A_422 {dimension_numbers = #tpu.dot_dimension_numbers<[1], [0], [0], [1], [0, 0, 1, 1], [], []>, transpose_lhs_hint = false} : vector<16x128xf32>, vector<128x1xf32>, vector<16x1xf32> -> vector<16x1xf32>
    %mul3A_424 = arith.constant 5.000000e-01 : f32
    %mul3A_425 = vector.broadcast %mul3A_424 : f32 to vector<16x128xf32>
    %mul3A_426 = arith.mulf %mul3A_425, %tanh3A_421 : vector<16x128xf32>
    %mul3A_427 = vector.broadcast %dot_general3A_423 : vector<16x1xf32> to vector<16x128xf32>
    %mul3A_428 = arith.mulf %mul3A_426, %mul3A_427 : vector<16x128xf32>
    %add3A_429 = arith.addf %add3A_393, %mul3A_428 : vector<16x128xf32>
    %mul3A_430 = arith.constant 8 : i32
    %mul3A_431 = vector.broadcast %mul3A_430 : i32 to vector<16x128xi32>
    %mul3A_432 = arith.muli %iota3A_27, %mul3A_431 : vector<16x128xi32>
    %add3A_433 = arith.constant 4 : i32
    %add3A_434 = vector.broadcast %add3A_433 : i32 to vector<16x128xi32>
    %add3A_435 = arith.addi %mul3A_432, %add3A_434 : vector<16x128xi32>
    %eq3A_436 = arith.cmpi eq, %iota3A_28, %add3A_435 : vector<16x128xi32>
    %convert_element_type3A_437 = arith.extui %eq3A_436 : vector<16x128xi1> to vector<16x128xi32>
    %convert_element_type3A_438 = arith.sitofp %convert_element_type3A_437 : vector<16x128xi32> to vector<16x128xf32>
    %dot_general3A_439 = arith.constant dense<0.000000e+00> : vector<16x128xf32>
    %dot_general3A_440 = tpu.matmul %convert_element_type3A_438, %select_n3A, %dot_general3A_439 {dimension_numbers = #tpu.dot_dimension_numbers<[1], [0], [0], [1], [0, 0, 1, 1], [], []>, transpose_lhs_hint = false} : vector<16x128xf32>, vector<128x128xf32>, vector<16x128xf32> -> vector<16x128xf32>
    %get3A_441 = arith.constant 0 : index
    %get3A_442 = arith.constant 0 : index
    %get3A_443 = vector.load %arg6[%get3A_441, %get3A_442] : memref<128x128xf32, #tpu.memory_space<vmem>>, vector<128x128xf32>
    %dot_general3A_444 = arith.constant dense<0.000000e+00> : vector<16x128xf32>
    %dot_general3A_445 = tpu.matmul %dot_general3A_440, %get3A_443, %dot_general3A_444 {dimension_numbers = #tpu.dot_dimension_numbers<[1], [0], [0], [1], [0, 0, 1, 1], [], []>, transpose_lhs_hint = false} : vector<16x128xf32>, vector<128x128xf32>, vector<16x128xf32> -> vector<16x128xf32>
    %get3A_446 = arith.constant 0 : index
    %get3A_447 = arith.constant 0 : index
    %get3A_448 = vector.load %arg7[%get3A_446, %get3A_447] : memref<128x128xf32, #tpu.memory_space<vmem>>, vector<128x128xf32>
    %dot_general3A_449 = arith.constant dense<0.000000e+00> : vector<16x128xf32>
    %dot_general3A_450 = tpu.matmul %tanh3A_421, %get3A_448, %dot_general3A_449 {dimension_numbers = #tpu.dot_dimension_numbers<[1], [0], [0], [1], [0, 0, 1, 1], [], []>, transpose_lhs_hint = false} : vector<16x128xf32>, vector<128x128xf32>, vector<16x128xf32> -> vector<16x128xf32>
    %add3A_451 = arith.addf %dot_general3A_445, %dot_general3A_450 : vector<16x128xf32>
    %get3A_452 = arith.constant 0 : index
    %get3A_453 = arith.constant 0 : index
    %get3A_454 = vector.load %arg8[%get3A_452, %get3A_453] : memref<1x128xf32, #tpu.memory_space<vmem>>, vector<1x128xf32>
    %add3A_455 = vector.broadcast %get3A_454 : vector<1x128xf32> to vector<16x128xf32>
    %add3A_456 = arith.addf %add3A_451, %add3A_455 : vector<16x128xf32>
    %tanh3A_457 = math.tanh %add3A_456 : vector<16x128xf32>
    %dot_general3A_458 = arith.constant dense<0.000000e+00> : vector<16x1xf32>
    %dot_general3A_459 = tpu.matmul %convert_element_type3A_438, %convert_element_type3A_26, %dot_general3A_458 {dimension_numbers = #tpu.dot_dimension_numbers<[1], [0], [0], [1], [0, 0, 1, 1], [], []>, transpose_lhs_hint = false} : vector<16x128xf32>, vector<128x1xf32>, vector<16x1xf32> -> vector<16x1xf32>
    %mul3A_460 = arith.constant 5.000000e-01 : f32
    %mul3A_461 = vector.broadcast %mul3A_460 : f32 to vector<16x128xf32>
    %mul3A_462 = arith.mulf %mul3A_461, %tanh3A_457 : vector<16x128xf32>
    %mul3A_463 = vector.broadcast %dot_general3A_459 : vector<16x1xf32> to vector<16x128xf32>
    %mul3A_464 = arith.mulf %mul3A_462, %mul3A_463 : vector<16x128xf32>
    %add3A_465 = arith.addf %add3A_429, %mul3A_464 : vector<16x128xf32>
    %mul3A_466 = arith.constant 8 : i32
    %mul3A_467 = vector.broadcast %mul3A_466 : i32 to vector<16x128xi32>
    %mul3A_468 = arith.muli %iota3A_27, %mul3A_467 : vector<16x128xi32>
    %add3A_469 = arith.constant 3 : i32
    %add3A_470 = vector.broadcast %add3A_469 : i32 to vector<16x128xi32>
    %add3A_471 = arith.addi %mul3A_468, %add3A_470 : vector<16x128xi32>
    %eq3A_472 = arith.cmpi eq, %iota3A_28, %add3A_471 : vector<16x128xi32>
    %convert_element_type3A_473 = arith.extui %eq3A_472 : vector<16x128xi1> to vector<16x128xi32>
    %convert_element_type3A_474 = arith.sitofp %convert_element_type3A_473 : vector<16x128xi32> to vector<16x128xf32>
    %dot_general3A_475 = arith.constant dense<0.000000e+00> : vector<16x128xf32>
    %dot_general3A_476 = tpu.matmul %convert_element_type3A_474, %select_n3A, %dot_general3A_475 {dimension_numbers = #tpu.dot_dimension_numbers<[1], [0], [0], [1], [0, 0, 1, 1], [], []>, transpose_lhs_hint = false} : vector<16x128xf32>, vector<128x128xf32>, vector<16x128xf32> -> vector<16x128xf32>
    %get3A_477 = arith.constant 0 : index
    %get3A_478 = arith.constant 0 : index
    %get3A_479 = vector.load %arg6[%get3A_477, %get3A_478] : memref<128x128xf32, #tpu.memory_space<vmem>>, vector<128x128xf32>
    %dot_general3A_480 = arith.constant dense<0.000000e+00> : vector<16x128xf32>
    %dot_general3A_481 = tpu.matmul %dot_general3A_476, %get3A_479, %dot_general3A_480 {dimension_numbers = #tpu.dot_dimension_numbers<[1], [0], [0], [1], [0, 0, 1, 1], [], []>, transpose_lhs_hint = false} : vector<16x128xf32>, vector<128x128xf32>, vector<16x128xf32> -> vector<16x128xf32>
    %get3A_482 = arith.constant 0 : index
    %get3A_483 = arith.constant 0 : index
    %get3A_484 = vector.load %arg7[%get3A_482, %get3A_483] : memref<128x128xf32, #tpu.memory_space<vmem>>, vector<128x128xf32>
    %dot_general3A_485 = arith.constant dense<0.000000e+00> : vector<16x128xf32>
    %dot_general3A_486 = tpu.matmul %tanh3A_457, %get3A_484, %dot_general3A_485 {dimension_numbers = #tpu.dot_dimension_numbers<[1], [0], [0], [1], [0, 0, 1, 1], [], []>, transpose_lhs_hint = false} : vector<16x128xf32>, vector<128x128xf32>, vector<16x128xf32> -> vector<16x128xf32>
    %add3A_487 = arith.addf %dot_general3A_481, %dot_general3A_486 : vector<16x128xf32>
    %get3A_488 = arith.constant 0 : index
    %get3A_489 = arith.constant 0 : index
    %get3A_490 = vector.load %arg8[%get3A_488, %get3A_489] : memref<1x128xf32, #tpu.memory_space<vmem>>, vector<1x128xf32>
    %add3A_491 = vector.broadcast %get3A_490 : vector<1x128xf32> to vector<16x128xf32>
    %add3A_492 = arith.addf %add3A_487, %add3A_491 : vector<16x128xf32>
    %tanh3A_493 = math.tanh %add3A_492 : vector<16x128xf32>
    %dot_general3A_494 = arith.constant dense<0.000000e+00> : vector<16x1xf32>
    %dot_general3A_495 = tpu.matmul %convert_element_type3A_474, %convert_element_type3A_26, %dot_general3A_494 {dimension_numbers = #tpu.dot_dimension_numbers<[1], [0], [0], [1], [0, 0, 1, 1], [], []>, transpose_lhs_hint = false} : vector<16x128xf32>, vector<128x1xf32>, vector<16x1xf32> -> vector<16x1xf32>
    %mul3A_496 = arith.constant 5.000000e-01 : f32
    %mul3A_497 = vector.broadcast %mul3A_496 : f32 to vector<16x128xf32>
    %mul3A_498 = arith.mulf %mul3A_497, %tanh3A_493 : vector<16x128xf32>
    %mul3A_499 = vector.broadcast %dot_general3A_495 : vector<16x1xf32> to vector<16x128xf32>
    %mul3A_500 = arith.mulf %mul3A_498, %mul3A_499 : vector<16x128xf32>
    %add3A_501 = arith.addf %add3A_465, %mul3A_500 : vector<16x128xf32>
    %mul3A_502 = arith.constant 8 : i32
    %mul3A_503 = vector.broadcast %mul3A_502 : i32 to vector<16x128xi32>
    %mul3A_504 = arith.muli %iota3A_27, %mul3A_503 : vector<16x128xi32>
    %add3A_505 = arith.constant 2 : i32
    %add3A_506 = vector.broadcast %add3A_505 : i32 to vector<16x128xi32>
    %add3A_507 = arith.addi %mul3A_504, %add3A_506 : vector<16x128xi32>
    %eq3A_508 = arith.cmpi eq, %iota3A_28, %add3A_507 : vector<16x128xi32>
    %convert_element_type3A_509 = arith.extui %eq3A_508 : vector<16x128xi1> to vector<16x128xi32>
    %convert_element_type3A_510 = arith.sitofp %convert_element_type3A_509 : vector<16x128xi32> to vector<16x128xf32>
    %dot_general3A_511 = arith.constant dense<0.000000e+00> : vector<16x128xf32>
    %dot_general3A_512 = tpu.matmul %convert_element_type3A_510, %select_n3A, %dot_general3A_511 {dimension_numbers = #tpu.dot_dimension_numbers<[1], [0], [0], [1], [0, 0, 1, 1], [], []>, transpose_lhs_hint = false} : vector<16x128xf32>, vector<128x128xf32>, vector<16x128xf32> -> vector<16x128xf32>
    %get3A_513 = arith.constant 0 : index
    %get3A_514 = arith.constant 0 : index
    %get3A_515 = vector.load %arg6[%get3A_513, %get3A_514] : memref<128x128xf32, #tpu.memory_space<vmem>>, vector<128x128xf32>
    %dot_general3A_516 = arith.constant dense<0.000000e+00> : vector<16x128xf32>
    %dot_general3A_517 = tpu.matmul %dot_general3A_512, %get3A_515, %dot_general3A_516 {dimension_numbers = #tpu.dot_dimension_numbers<[1], [0], [0], [1], [0, 0, 1, 1], [], []>, transpose_lhs_hint = false} : vector<16x128xf32>, vector<128x128xf32>, vector<16x128xf32> -> vector<16x128xf32>
    %get3A_518 = arith.constant 0 : index
    %get3A_519 = arith.constant 0 : index
    %get3A_520 = vector.load %arg7[%get3A_518, %get3A_519] : memref<128x128xf32, #tpu.memory_space<vmem>>, vector<128x128xf32>
    %dot_general3A_521 = arith.constant dense<0.000000e+00> : vector<16x128xf32>
    %dot_general3A_522 = tpu.matmul %tanh3A_493, %get3A_520, %dot_general3A_521 {dimension_numbers = #tpu.dot_dimension_numbers<[1], [0], [0], [1], [0, 0, 1, 1], [], []>, transpose_lhs_hint = false} : vector<16x128xf32>, vector<128x128xf32>, vector<16x128xf32> -> vector<16x128xf32>
    %add3A_523 = arith.addf %dot_general3A_517, %dot_general3A_522 : vector<16x128xf32>
    %get3A_524 = arith.constant 0 : index
    %get3A_525 = arith.constant 0 : index
    %get3A_526 = vector.load %arg8[%get3A_524, %get3A_525] : memref<1x128xf32, #tpu.memory_space<vmem>>, vector<1x128xf32>
    %add3A_527 = vector.broadcast %get3A_526 : vector<1x128xf32> to vector<16x128xf32>
    %add3A_528 = arith.addf %add3A_523, %add3A_527 : vector<16x128xf32>
    %tanh3A_529 = math.tanh %add3A_528 : vector<16x128xf32>
    %dot_general3A_530 = arith.constant dense<0.000000e+00> : vector<16x1xf32>
    %dot_general3A_531 = tpu.matmul %convert_element_type3A_510, %convert_element_type3A_26, %dot_general3A_530 {dimension_numbers = #tpu.dot_dimension_numbers<[1], [0], [0], [1], [0, 0, 1, 1], [], []>, transpose_lhs_hint = false} : vector<16x128xf32>, vector<128x1xf32>, vector<16x1xf32> -> vector<16x1xf32>
    %mul3A_532 = arith.constant 5.000000e-01 : f32
    %mul3A_533 = vector.broadcast %mul3A_532 : f32 to vector<16x128xf32>
    %mul3A_534 = arith.mulf %mul3A_533, %tanh3A_529 : vector<16x128xf32>
    %mul3A_535 = vector.broadcast %dot_general3A_531 : vector<16x1xf32> to vector<16x128xf32>
    %mul3A_536 = arith.mulf %mul3A_534, %mul3A_535 : vector<16x128xf32>
    %add3A_537 = arith.addf %add3A_501, %mul3A_536 : vector<16x128xf32>
    %mul3A_538 = arith.constant 8 : i32
    %mul3A_539 = vector.broadcast %mul3A_538 : i32 to vector<16x128xi32>
    %mul3A_540 = arith.muli %iota3A_27, %mul3A_539 : vector<16x128xi32>
    %add3A_541 = arith.constant 1 : i32
    %add3A_542 = vector.broadcast %add3A_541 : i32 to vector<16x128xi32>
    %add3A_543 = arith.addi %mul3A_540, %add3A_542 : vector<16x128xi32>
    %eq3A_544 = arith.cmpi eq, %iota3A_28, %add3A_543 : vector<16x128xi32>
    %convert_element_type3A_545 = arith.extui %eq3A_544 : vector<16x128xi1> to vector<16x128xi32>
    %convert_element_type3A_546 = arith.sitofp %convert_element_type3A_545 : vector<16x128xi32> to vector<16x128xf32>
    %dot_general3A_547 = arith.constant dense<0.000000e+00> : vector<16x128xf32>
    %dot_general3A_548 = tpu.matmul %convert_element_type3A_546, %select_n3A, %dot_general3A_547 {dimension_numbers = #tpu.dot_dimension_numbers<[1], [0], [0], [1], [0, 0, 1, 1], [], []>, transpose_lhs_hint = false} : vector<16x128xf32>, vector<128x128xf32>, vector<16x128xf32> -> vector<16x128xf32>
    %get3A_549 = arith.constant 0 : index
    %get3A_550 = arith.constant 0 : index
    %get3A_551 = vector.load %arg6[%get3A_549, %get3A_550] : memref<128x128xf32, #tpu.memory_space<vmem>>, vector<128x128xf32>
    %dot_general3A_552 = arith.constant dense<0.000000e+00> : vector<16x128xf32>
    %dot_general3A_553 = tpu.matmul %dot_general3A_548, %get3A_551, %dot_general3A_552 {dimension_numbers = #tpu.dot_dimension_numbers<[1], [0], [0], [1], [0, 0, 1, 1], [], []>, transpose_lhs_hint = false} : vector<16x128xf32>, vector<128x128xf32>, vector<16x128xf32> -> vector<16x128xf32>
    %get3A_554 = arith.constant 0 : index
    %get3A_555 = arith.constant 0 : index
    %get3A_556 = vector.load %arg7[%get3A_554, %get3A_555] : memref<128x128xf32, #tpu.memory_space<vmem>>, vector<128x128xf32>
    %dot_general3A_557 = arith.constant dense<0.000000e+00> : vector<16x128xf32>
    %dot_general3A_558 = tpu.matmul %tanh3A_529, %get3A_556, %dot_general3A_557 {dimension_numbers = #tpu.dot_dimension_numbers<[1], [0], [0], [1], [0, 0, 1, 1], [], []>, transpose_lhs_hint = false} : vector<16x128xf32>, vector<128x128xf32>, vector<16x128xf32> -> vector<16x128xf32>
    %add3A_559 = arith.addf %dot_general3A_553, %dot_general3A_558 : vector<16x128xf32>
    %get3A_560 = arith.constant 0 : index
    %get3A_561 = arith.constant 0 : index
    %get3A_562 = vector.load %arg8[%get3A_560, %get3A_561] : memref<1x128xf32, #tpu.memory_space<vmem>>, vector<1x128xf32>
    %add3A_563 = vector.broadcast %get3A_562 : vector<1x128xf32> to vector<16x128xf32>
    %add3A_564 = arith.addf %add3A_559, %add3A_563 : vector<16x128xf32>
    %tanh3A_565 = math.tanh %add3A_564 : vector<16x128xf32>
    %dot_general3A_566 = arith.constant dense<0.000000e+00> : vector<16x1xf32>
    %dot_general3A_567 = tpu.matmul %convert_element_type3A_546, %convert_element_type3A_26, %dot_general3A_566 {dimension_numbers = #tpu.dot_dimension_numbers<[1], [0], [0], [1], [0, 0, 1, 1], [], []>, transpose_lhs_hint = false} : vector<16x128xf32>, vector<128x1xf32>, vector<16x1xf32> -> vector<16x1xf32>
    %mul3A_568 = arith.constant 5.000000e-01 : f32
    %mul3A_569 = vector.broadcast %mul3A_568 : f32 to vector<16x128xf32>
    %mul3A_570 = arith.mulf %mul3A_569, %tanh3A_565 : vector<16x128xf32>
    %mul3A_571 = vector.broadcast %dot_general3A_567 : vector<16x1xf32> to vector<16x128xf32>
    %mul3A_572 = arith.mulf %mul3A_570, %mul3A_571 : vector<16x128xf32>
    %add3A_573 = arith.addf %add3A_537, %mul3A_572 : vector<16x128xf32>
    %mul3A_574 = arith.constant 8 : i32
    %mul3A_575 = vector.broadcast %mul3A_574 : i32 to vector<16x128xi32>
    %mul3A_576 = arith.muli %iota3A_27, %mul3A_575 : vector<16x128xi32>
    %add3A_577 = arith.constant 0 : i32
    %add3A_578 = vector.broadcast %add3A_577 : i32 to vector<16x128xi32>
    %add3A_579 = arith.addi %mul3A_576, %add3A_578 : vector<16x128xi32>
    %eq3A_580 = arith.cmpi eq, %iota3A_28, %add3A_579 : vector<16x128xi32>
    %convert_element_type3A_581 = arith.extui %eq3A_580 : vector<16x128xi1> to vector<16x128xi32>
    %convert_element_type3A_582 = arith.sitofp %convert_element_type3A_581 : vector<16x128xi32> to vector<16x128xf32>
    %dot_general3A_583 = arith.constant dense<0.000000e+00> : vector<16x128xf32>
    %dot_general3A_584 = tpu.matmul %convert_element_type3A_582, %select_n3A, %dot_general3A_583 {dimension_numbers = #tpu.dot_dimension_numbers<[1], [0], [0], [1], [0, 0, 1, 1], [], []>, transpose_lhs_hint = false} : vector<16x128xf32>, vector<128x128xf32>, vector<16x128xf32> -> vector<16x128xf32>
    %get3A_585 = arith.constant 0 : index
    %get3A_586 = arith.constant 0 : index
    %get3A_587 = vector.load %arg6[%get3A_585, %get3A_586] : memref<128x128xf32, #tpu.memory_space<vmem>>, vector<128x128xf32>
    %dot_general3A_588 = arith.constant dense<0.000000e+00> : vector<16x128xf32>
    %dot_general3A_589 = tpu.matmul %dot_general3A_584, %get3A_587, %dot_general3A_588 {dimension_numbers = #tpu.dot_dimension_numbers<[1], [0], [0], [1], [0, 0, 1, 1], [], []>, transpose_lhs_hint = false} : vector<16x128xf32>, vector<128x128xf32>, vector<16x128xf32> -> vector<16x128xf32>
    %get3A_590 = arith.constant 0 : index
    %get3A_591 = arith.constant 0 : index
    %get3A_592 = vector.load %arg7[%get3A_590, %get3A_591] : memref<128x128xf32, #tpu.memory_space<vmem>>, vector<128x128xf32>
    %dot_general3A_593 = arith.constant dense<0.000000e+00> : vector<16x128xf32>
    %dot_general3A_594 = tpu.matmul %tanh3A_565, %get3A_592, %dot_general3A_593 {dimension_numbers = #tpu.dot_dimension_numbers<[1], [0], [0], [1], [0, 0, 1, 1], [], []>, transpose_lhs_hint = false} : vector<16x128xf32>, vector<128x128xf32>, vector<16x128xf32> -> vector<16x128xf32>
    %add3A_595 = arith.addf %dot_general3A_589, %dot_general3A_594 : vector<16x128xf32>
    %get3A_596 = arith.constant 0 : index
    %get3A_597 = arith.constant 0 : index
    %get3A_598 = vector.load %arg8[%get3A_596, %get3A_597] : memref<1x128xf32, #tpu.memory_space<vmem>>, vector<1x128xf32>
    %add3A_599 = vector.broadcast %get3A_598 : vector<1x128xf32> to vector<16x128xf32>
    %add3A_600 = arith.addf %add3A_595, %add3A_599 : vector<16x128xf32>
    %tanh3A_601 = math.tanh %add3A_600 : vector<16x128xf32>
    %dot_general3A_602 = arith.constant dense<0.000000e+00> : vector<16x1xf32>
    %dot_general3A_603 = tpu.matmul %convert_element_type3A_582, %convert_element_type3A_26, %dot_general3A_602 {dimension_numbers = #tpu.dot_dimension_numbers<[1], [0], [0], [1], [0, 0, 1, 1], [], []>, transpose_lhs_hint = false} : vector<16x128xf32>, vector<128x1xf32>, vector<16x1xf32> -> vector<16x1xf32>
    %mul3A_604 = arith.constant 5.000000e-01 : f32
    %mul3A_605 = vector.broadcast %mul3A_604 : f32 to vector<16x128xf32>
    %mul3A_606 = arith.mulf %mul3A_605, %tanh3A_601 : vector<16x128xf32>
    %mul3A_607 = vector.broadcast %dot_general3A_603 : vector<16x1xf32> to vector<16x128xf32>
    %mul3A_608 = arith.mulf %mul3A_606, %mul3A_607 : vector<16x128xf32>
    %add3A_609 = arith.addf %add3A_573, %mul3A_608 : vector<16x128xf32>
    %iota3A_610 = tpu.iota {dimensions = array<i32: 0>} : vector<16x10000xi32>
    %get3A_611 = arith.constant 0 : index
    %get3A_612 = arith.constant 0 : index
    %get3A_613 = vector.load %arg1[%get3A_611, %get3A_612] : memref<1x10000xi32, #tpu.memory_space<vmem>>, vector<1x10000xi32>
    %eq3A_614 = vector.broadcast %get3A_613 : vector<1x10000xi32> to vector<16x10000xi32>
    %eq3A_615 = arith.cmpi eq, %iota3A_610, %eq3A_614 : vector<16x10000xi32>
    %convert_element_type3A_616 = arith.extui %eq3A_615 : vector<16x10000xi1> to vector<16x10000xi32>
    %convert_element_type3A_617 = arith.sitofp %convert_element_type3A_616 : vector<16x10000xi32> to vector<16x10000xf32>
    %dot_general3A_618 = arith.constant dense<0.000000e+00> : vector<16x128xf32>
    %dot_general3A_619 = tpu.matmul %convert_element_type3A_617, %get3A_1, %dot_general3A_618 {dimension_numbers = #tpu.dot_dimension_numbers<[1], [0], [0], [1], [0, 0, 1, 1], [], []>, transpose_lhs_hint = false} : vector<16x10000xf32>, vector<10000x128xf32>, vector<16x128xf32> -> vector<16x128xf32>
    %reduce_sum3A_620 = arith.constant dense<0.000000e+00> : vector<16xf32>
    %reduce_sum3A_621 = vector.multi_reduction <add>, %convert_element_type3A_617, %reduce_sum3A_620 [1] : vector<16x10000xf32> to vector<16xf32>
    %broadcast_in_dim3A_622 = vector.shape_cast %reduce_sum3A_621 : vector<16xf32> to vector<16x1xf32>
    %max3A_623 = arith.constant 1.000000e+00 : f32
    %max3A_624 = vector.broadcast %max3A_623 : f32 to vector<16x1xf32>
    %max3A_625 = arith.maximumf %broadcast_in_dim3A_622, %max3A_624 : vector<16x1xf32>
    %div3A_626 = vector.broadcast %max3A_625 : vector<16x1xf32> to vector<16x128xf32>
    %div3A_627 = arith.divf %dot_general3A_619, %div3A_626 : vector<16x128xf32>
    %get3A_628 = arith.constant 0 : index
    %get3A_629 = arith.constant 0 : index
    %get3A_630 = vector.load %arg9[%get3A_628, %get3A_629] : memref<128x128xf32, #tpu.memory_space<vmem>>, vector<128x128xf32>
    %dot_general3A_631 = arith.constant dense<0.000000e+00> : vector<16x128xf32>
    %dot_general3A_632 = tpu.matmul %add3A_609, %get3A_630, %dot_general3A_631 {dimension_numbers = #tpu.dot_dimension_numbers<[1], [0], [0], [1], [0, 0, 1, 1], [], []>, transpose_lhs_hint = false} : vector<16x128xf32>, vector<128x128xf32>, vector<16x128xf32> -> vector<16x128xf32>
    %get3A_633 = arith.constant 0 : index
    %get3A_634 = arith.constant 0 : index
    %get3A_635 = vector.load %arg10[%get3A_633, %get3A_634] : memref<128x128xf32, #tpu.memory_space<vmem>>, vector<128x128xf32>
    %dot_general3A_636 = arith.constant dense<0.000000e+00> : vector<16x128xf32>
    %dot_general3A_637 = tpu.matmul %div3A_627, %get3A_635, %dot_general3A_636 {dimension_numbers = #tpu.dot_dimension_numbers<[1], [0], [0], [1], [0, 0, 1, 1], [], []>, transpose_lhs_hint = false} : vector<16x128xf32>, vector<128x128xf32>, vector<16x128xf32> -> vector<16x128xf32>
    %add3A_638 = arith.addf %dot_general3A_632, %dot_general3A_637 : vector<16x128xf32>
    %get3A_639 = arith.constant 0 : index
    %get3A_640 = arith.constant 0 : index
    %get3A_641 = vector.load %arg11[%get3A_639, %get3A_640] : memref<1x128xf32, #tpu.memory_space<vmem>>, vector<1x128xf32>
    %add3A_642 = vector.broadcast %get3A_641 : vector<1x128xf32> to vector<16x128xf32>
    %add3A_643 = arith.addf %add3A_638, %add3A_642 : vector<16x128xf32>
    %swap3A = arith.constant 0 : index
    %swap3A_644 = arith.constant 0 : index
    %swap3A_645 = vector.load %arg12[%swap3A, %swap3A_644] : memref<16x128xf32, #tpu.memory_space<vmem>>, vector<16x128xf32>
    tpu.vector_store %arg12[%swap3A, %swap3A_644], %add3A_643 {strides = array<i32>} : memref<16x128xf32, #tpu.memory_space<vmem>>, vector<16x128xf32>,
    return
  }
}

</mosaic_0001>

<sc_bundles>
// kernel: kernel.18.cloned.1.call-start
scs
__scs_entry_jumppad:
0x0: {  	(pc) =	sbr.rel $0x88, $3  }
0x1: {  	(tag) =	ssettag $0x0;
	lr =	simm.s32 $0x1  }
0x2: {  	[smem:$0x3F8F] =	sst lr;
	_ =	strace $0xD0000000  }
0x3: {  	_ = 	snop  }
0x4: {  	_ = 	snop  }
0x5: {  	_ = 	snop  }
0x6: {  	_ = 	snop  }
0x7: {  	_ = 	snop  }
__scs_overlays_trampoline_lowered:
0x8: {  	[smem:$0x3F9E] =	sst s0  }
0x9: {  	[smem:$0x3F9F] =	sst s1  }
0xa: {  	[smem:$0x3FA0] =	sst s2  }
0xb: {  	[smem:$0x3FA1] =	sst s3  }
0xc: {  	[smem:$0x3FA2] =	sst s4  }
0xd: {  	[smem:$0x3FA3] =	sst s5  }
0xe: {  	[smem:$0x3FA4] =	sst s6  }
0xf: {  	[smem:$0x3FA5] =	sst s7  }
0x10: {  	[smem:$0x3FA6] =	sst s8  }
0x11: {  	[smem:$0x3FA7] =	sst s9;
	s0 =	simm.s32 @!p0 $0x0  }
0x12: {  	s1 =	sld [smem:$0x3F8D];
	s0 =	simm.s32 @p0 $0x1  }
0x13: {  	[smem:$0x3FA8] =	sst s0;
	s0 =	simm.s32 @!p1 $0x0  }
0x14: {  	s2 =	sld [smem:$0x3F8C];
	s0 =	simm.s32 @p1 $0x1  }
0x15: {  	[smem:$0x3FA9] =	sst s0;
	s0 =	simm.s32 @!p2 $0x0  }
0x16: {  	s3 =	sld [smem:$0x3FDB];
	s0 =	simm.s32 @p2 $0x1  }
0x17: {  	s4 =	simm.s32 $0x1BF5;
	[smem:$0x3FAB] =	sst s0  }
0x18: {  	s0 =	sld [smem:$0x3F8E];
	_ =	swait.ge [sflag:s4], $0x0  }
0x19: {  	s7 =	sld [smem:$0x3F8F]  }
0x1a: {  	s8 =	sadd.s32 $0xFFFFE003, lr  }
0x1b: {  	s9 =	sadd.s32 $0xFFFFFEF7, lr;
	s5 =	simm.s32 $0xFFFFFFFF;
	p2 =	slt.u32 s8, $0xFFFFF086  }
0x1c: {  	p1 =	slt.u32 s9, $0xF7A;
	s5 =	simm.s32 @!p2 $0x0  }
0x1d: {  	s5 =	simm.s32 @p1 $0x1;
	p0 =	seq.s32 s7, s2  }
0x1e: {  	s7 =	smul.u32 @!p0 $0xF7A, s2;
	p2 =	seq.s32 @!p0 s5, $0x0  }
0x1f: {  	s9 =	smul.u32 $0xF7A, s1;
	s8 =	simm.s32 @!p0 $0x1BF5;
	p2 =	por !p2, p0  }
0x20: {  	[sflag:s8] =	ssyncset.s32 @!p0 $0xFFFFF086;
	s6 =	sadd.s32 @!p0 s3, s7;
	s7 =	simm.s32 @!p0 $0x108  }
0x21: {  	s3 =	sadd.s32 s3, s9;
	s6 =	sadd.s32 @!p0 $0x88, s6;
	s7 =	simm.s32 @p2 $0x1082  }
0x22: {  	[simem:s7], [sflag:s8] =	dma.local @!p0 [hbm:s6], $0xF7A  }
0x23: {  	s9 =	sor.u32 $0xD0000000, s2;
	s6 =	simm.s32 $0x108;
	_ =	swait.ge @!p0 [sflag:s8], $0x0  }
0x24: {  	s3 =	sadd.s32 $0x88, s3;
	s6 =	simm.s32 @!p1 $0x1082;
	[sflag:s4] =	ssyncset.s32 $0xFFFFF086  }
0x25: {  	[simem:s6], [sflag:s4] =	dma.local [hbm:s3], $0xF7A  }
0x26: {  	[smem:$0x3F8F] =	sst s1;
	(tag) =	ssettag s2;
	_ =	strace s9  }
0x27: {  	s1 =	sld [smem:$0x3F9F]  }
0x28: {  	s2 =	sld [smem:$0x3FA0]  }
0x29: {  	s4 =	sld [smem:$0x3FA2]  }
0x2a: {  	p0 =	seq.s32 s5, $0x0;
	s5 =	sld [smem:$0x3FA3]  }
0x2b: {  	s6 =	sld [smem:$0x3FA4]  }
0x2c: {  	s7 =	sld [smem:$0x3FA5]  }
0x2d: {  	s3 =	simm.s32 $0x108;
	s8 =	sld [smem:$0x3FA6]  }
0x2e: {  	s3 =	simm.s32 @!p0 $0x1082;
	s9 =	sld [smem:$0x3FA7]  }
0x2f: {  	lr =	sadd.s32 s0, s3;
	s0 =	sld [smem:$0x3F9E]  }
0x30: {  	s3 =	sld [smem:$0x3FA1]  }
0x31: {  	[smem:$0x3FAA] =	sst s10  }
0x32: {  	s10 =	sld [smem:$0x3FA8];
	_ =	sdelay $0x3  }
0x33: {  	p0 =	seq.s32 s10, $0x1;
	s10 =	sld [smem:$0x3FAA];
	_ =	sdelay $0x3  }
0x34: {  	[smem:$0x3FAA] =	sst s10  }
0x35: {  	s10 =	sld [smem:$0x3FA9];
	_ =	sdelay $0x3  }
0x36: {  	p1 =	seq.s32 s10, $0x1;
	s10 =	sld [smem:$0x3FAA];
	_ =	sdelay $0x3  }
0x37: {  	[smem:$0x3FAA] =	sst s10  }
0x38: {  	s10 =	sld [smem:$0x3FAB]  }
0x39: {  	_ = 	snop;
	(pc) =	sbr.ind lr, $3  }
0x3a: {  	_ = 	snop  }
0x3b: {  	_ = 	snop  }
0x3c: {  	p2 =	seq.s32 s10, $0x1;
	s10 =	sld [smem:$0x3FAA]  }
0x3d: {  	_ =	shalt  }
0x3e: {  	_ =	shalt  }
0x3f: {  	_ =	shalt  }
0x40: {  	_ =	shalt  }
0x41: {  	_ =	shalt  }
0x42: {  	_ =	shalt  }
0x43: {  	_ =	shalt  }
0x44: {  	_ =	shalt  }
0x45: {  	_ =	shalt  }
0x46: {  	_ =	shalt  }
0x47: {  	_ =	shalt  }
0x48: {  	_ =	shalt  }
0x49: {  	_ =	shalt  }
0x4a: {  	_ =	shalt  }
0x4b: {  	_ =	shalt  }
0x4c: {  	_ =	shalt  }
0x4d: {  	_ =	shalt  }
0x4e: {  	_ =	shalt  }
0x4f: {  	_ =	shalt  }
0x50: {  	_ =	shalt  }
0x51: {  	_ =	shalt  }
0x52: {  	_ =	shalt  }
0x53: {  	_ =	shalt  }
0x54: {  	_ =	shalt  }
0x55: {  	_ =	shalt  }
0x56: {  	_ =	shalt  }
0x57: {  	_ =	shalt  }
0x58: {  	_ =	shalt  }
0x59: {  	_ =	shalt  }
0x5a: {  	_ =	shalt  }
0x5b: {  	_ =	shalt  }
0x5c: {  	_ =	shalt  }
0x5d: {  	_ =	shalt  }
0x5e: {  	_ =	shalt  }
0x5f: {  	_ =	shalt  }
0x60: {  	_ =	shalt  }
0x61: {  	_ =	shalt  }
0x62: {  	_ =	shalt  }
0x63: {  	_ =	shalt  }
0x64: {  	_ =	shalt  }
0x65: {  	_ =	shalt  }
0x66: {  	_ =	shalt  }
0x67: {  	_ =	shalt  }
0x68: {  	_ =	shalt  }
0x69: {  	_ =	shalt  }
0x6a: {  	_ =	shalt  }
0x6b: {  	_ =	shalt  }
0x6c: {  	_ =	shalt  }
0x6d: {  	_ =	shalt  }
0x6e: {  	_ =	shalt  }
0x6f: {  	_ =	shalt  }
0x70: {  	_ =	shalt  }
0x71: {  	_ =	shalt  }
0x72: {  	_ =	shalt  }
0x73: {  	_ =	shalt  }
0x74: {  	_ =	shalt  }
0x75: {  	_ =	shalt  }
0x76: {  	_ =	shalt  }
0x77: {  	_ =	shalt  }
0x78: {  	_ =	shalt  }
0x79: {  	_ =	shalt  }
0x7a: {  	_ =	shalt  }
0x7b: {  	_ =	shalt  }
0x7c: {  	_ =	shalt  }
0x7d: {  	_ =	shalt  }
0x7e: {  	_ =	shalt  }
0x7f: {  	_ =	shalt  }
0x80: {  	_ =	shalt  }
0x81: {  	_ =	shalt  }
0x82: {  	_ =	shalt  }
0x83: {  	_ =	shalt  }
0x84: {  	_ =	shalt  }
0x85: {  	_ =	shalt  }
0x86: {  	_ =	shalt  }
0x87: {  	_ =	shalt  }
.Lfunc_end0:
.L_simem_size_0:
called_computation_lowered:
.L_overlay_start_0:
0x88: {  	s2 =	sld [smem:$0x3FD9]  }
0x89: {  	s3 =	sld [smem:$0x3FFE];
	_ =	sdelay $0x1  }
0x8a: {  	s1 =	srdreg.scid  }
0x8b: {  	s0 =	sand.u32 $0x1, s1  }
0x8c: {  	s17 =	sshll.u32 s0, $0xA;
	s2 =	sadd.s32 s3, s2  }
0x8d: {  	s2 =	sadd.s32 s2, s17  }
0x8e: {  	[smem:$0x3FB6] =	sst s2  }
0x8f: {  	_ = 	snop  }
0x90: {  	s2 =	sld [smem:$0x3FC8];
	(tm) =	ssettm $0x1  }
0x91: {  	s18 =	sld [smem:$0x3FFB];
	_ =	sdelay $0x3  }
0x92: {  	_ =	strace s18  }
0x93: {  	s3 =	sld [smem:$0x3FFC];
	_ =	sdelay $0x3  }
0x94: {  	_ =	strace s3  }
0x95: {  	s3 =	sld [smem:$0x3FFD];
	_ =	sdelay $0x3  }
0x96: {  	_ =	strace s3  }
0x97: {  	_ =	strace $0x8FFFFFFF  }
0x98: {  	s19 =	sld [smem:$0x3FDB];
	_ =	sdelay $0x1  }
0x99: {  	s4 =	simm.s32 $_scs_section_size  }
0x9a: {  	s5 =	simm.s32 $_size__tile_overlayer_lowered;
	s6 =	simm.s32 $_tile_overlayer_lowered  }
0x9b: {  	s22 =	simm.s32 $0x1BFF;
	s21 =	sshll.u32 s6, $0x1;
	s3 =	sadd.s32 s4, s19  }
0x9c: {  	s7 =	simm.s32 $0x0;
	s20 =	sshll.u32 s5, $0x1;
	s5 =	sadd.s32 s21, s3  }
0x9d: {  	[timem:s7], [sflag:s22] =	dma.local [hbm:s5], s20  }
0x9e: {  	_ =	swait.ge [sflag:s22], s20  }
0x9f: {  	s4 =	ssub.s32 $0x0, s20;
	[sflag:s22] =	ssyncset.done $0x0  }
0xa0: {  	[sflag:s22] =	ssyncadd.s32 s4;
	_ =	sdelay $0x1  }
0xa1: {  	s23 =	simm.s32 $0x1B8B  }
0xa2: {  	_ =	swait.ge [sflag:s23], $0x1  }
0xa3: {  	[sflag:s23] =	ssyncset.done $0x0  }
0xa4: {  	s25 =	simm.s32 $0x1B8E;
	s24 =	sld [smem:$0x3FFE];
	[sflag:s23] =	ssyncadd.s32 $0xFFFFFFFF  }
0xa5: {  	s26 =	simm.s32 $execute0_lowered;
	[smem:$0x3FD2] =	sst s25  }
0xa6: {  	s5 =	sshll.u32 s26, $0x1;
	_ =	strace $0x80000046;
	[dreg:$0x1] =	wrdreg $0xFFFFFFFF  }
0xa7: {  	s28 =	simm.s32 $_size_execute0_lowered;
	s3 =	sadd.s32 s3, s5;
	[dreg:$0x0] =	wrdreg $0x0  }
0xa8: {  	s5 =	sshll.u32 s28, $0x1;
	[dreg:$0x2] =	wrdreg s3  }
0xa9: {  	[dreg:$0x3] =	wrdreg s5  }
0xaa: {  	[dreg:$0x4] =	wrdreg $0xC0  }
0xab: {  	_ =	task [dreg:s7], $0x5FFFF  }
0xac: {  	[dreg:$0x1] =	wrdreg $0xFFFFFFFF  }
0xad: {  	[dreg:$0x0] =	wrdreg $0x60  }
0xae: {  	[dreg:$0x2] =	wrdreg s2  }
0xaf: {  	[dreg:$0x3] =	wrdreg s24  }
0xb0: {  	[dreg:$0x4] =	wrdreg $0x9  }
0xb1: {  	_ =	task.clear_ibuf [dreg:s7], $0x5FFFF;
	_ =	strace $0x90000046  }
0xb2: {  	s29 =	simm.s32 $0x9;
	_ =	strace $0x80000048  }
0xb3: {  	_ =	swait.ge [sflag:s29], $0x1  }
0xb4: {  	[sflag:s29] =	ssyncadd.s32 $0xFFFFFFFF  }
0xb5: {  	_ =	strace $0x90000048  }
0xb6: {  	_ =	sfence  }
0xb7: {  	s30 =	sld [smem:$0x0];
	_ =	sdelay $0x2  }
0xb8: {  	s31 =	sshll.u32 s1, $0xD;
	s1 =	sshrl.u32 s1, $0x2  }
0xb9: {  	s3 =	sand.u32 $0x4000, s31;
	s1 =	sadd.s32 s1, s30  }
0xba: {  	s0 =	sor.u32 s3, s0;
	s1 =	sshll.u32 s1, $0x11  }
0xbb: {  	s0 =	sor.u32 s1, s0  }
0xbc: {  	s0 =	sadd.s32 $0x8F2B, s0  }
0xbd: {  	[sflag:s0] =	ssyncadd.remote.s32 $0x1  }
0xbe: {  	_ =	sfence.sel $0xFFFF  }
0xbf: {  	[dreg:$0x0] =	wrdreg $0xFFFFFFFF;
	(pc) =	sbr.abs _section_cstart, $3  }
0xc0: {  	[dreg:$0x1] =	wrdreg $0xFFFFFFFF  }
0xc1: {  	_ =	task.clear_ibuf [dreg:s7], $0x2FFFF;
	_ =	strace $0x9FFFFFFF  }
0xc2: {  	(tm) =	ssettm $0x7FFFFFFF  }
0xc3: {  	_ =	shalt  }
tec
execute0_lowered:
.L_overlay_start_1:
0x0: {  	(tag) =	ssettag $0x1  }
0x1: {  	s0 =	srdreg.scid;
	s2 =	rddreg [dreg:$0x0]  }
0x2: {  	s5 =	rddreg [dreg:$0x1];
	s1 =	stileid.u32  }
0x3: {  	s8 =	simm.s32 $0x1;
	s9 =	simm.s32 $0x2780;
	s4 =	sand.u32 $0x1, s0  }
0x4: {  	s10 =	simm.s32 $0x4F80;
	s11 =	simm.s32 $0x7780;
	s3 =	sshll.u32 s4, $0x4  }
0x5: {  	s0 =	rddreg [dreg:$0x2];
	s4 =	ssub.s32 $0x2, s4;
	s6 =	sor.u32 s1, s3  }
0x6: {  	s3 =	simm.s32 $0x0;
	s7 =	sshrl.u32 s4, $0x1;
	s6 =	smul.u32 $0x500, s6  }
0x7: {  	s12 =	simm.s32 $0x0;
	[smem:$0x7FF] =	sst s3;
	s7 =	ssub.s32 s4, s7  }
0x8: {  	_ =	strace $0x80000047;
	s7 =	smax.u32 s7, $0x1;
	s6 =	sadd.s32 s6, s5  }
0x9: {  	s4 =	sadd.s32 $0x1D400, s6;
	s5 =	sadd.s32 $0x9400, s6;
	s6 =	sadd.s32 $0x27400, s6  }
.LBB2_1:
0xa: {  	[tilespmem:s3], [sflag:$0x1] =	stream.linear.gather [hbm4b:s2+s3], $0x2780, $0x38;
	[tilespmem:$0x9F80] =	vst v63  }
0xb: {  	_ =	swait.ge [sflag:s8], $0x2780  }
0xc: {  	[sflag:s8] =	ssyncset.done $0x0  }
0xd: {  	[sflag:s8] =	ssyncadd.s32 $0xFFFFD880  }
0xe: {  	[tilespmem:s9], [sflag:$0x1] =	stream.linear.gather [hbm4b:s4+s3], $0x2800, $0x38;
	[tilespmem:$0x9F80] =	vst v63  }
0xf: {  	_ =	swait.ge [sflag:s8], $0x2800  }
0x10: {  	[sflag:s8] =	ssyncset.done $0x0  }
0x11: {  	[sflag:s8] =	ssyncadd.s32 $0xFFFFD800  }
0x12: {  	[tilespmem:s10], [sflag:$0x1] =	stream.linear.gather [hbm4b:s5+s3], $0x2800, $0x38;
	[tilespmem:$0x9F80] =	vst v63  }
0x13: {  	_ =	swait.ge [sflag:s8], $0x2800  }
0x14: {  	[sflag:s8] =	ssyncset.done $0x0  }
0x15: {  	s14 =	simm.s32 $0x0;
	[sflag:s8] =	ssyncadd.s32 $0xFFFFD800  }
0x16: {  	v0 =	vld [tilespmem:s14+$0x2780];
	_ =	sdelay $0x7  }
0x17: {  	s13 =	simm.s32 $0x10;
	s15 =	simm.s32 $0x80;
	v0 =	vld.idx.msk [tilespmem:v0+s3+$0x0], $0xffff  }
.LBB2_2:
0x18: {  	p0 =	sne.s32 s15, $0x9FC0;
	v1 =	vld [tilespmem:s13+$0x2780]  }
0x19: {  	v2 =	vld [tilespmem:s14+$0x4F80];
	_ =	sdelay $0x2  }
.Ltmp0:
0x1a: {  	(pc) =	sbr.rel @p0 .LBB2_2-.Ltmp0, $4  }
0x1b: {  	v0 =	vshll.u32 v0, $0x4  }
0x1c: {  	v0 =	vadd.s32 v2, v0  }
0x1d: {  	[tilespmem:s14+$0x7780] =	vst v0;
	s14 =	smov.u32 s13  }
0x1e: {  	s13 =	sshra.s32 s15, $0x2;
	s15 =	sadd.s32 $0x40, s15;
	v0 =	vld.idx.msk [tilespmem:v1+s3+$0x0], $0xffff  }
0x1f: {  	v1 =	vld [tilespmem:s13+$0x2780]  }
0x20: {  	v2 =	vld [tilespmem:s14+$0x4F80];
	_ =	sdelay $0x3  }
0x21: {  	v0 =	vshll.u32 v0, $0x4  }
0x22: {  	v0 =	vadd.s32 v2, v0  }
0x23: {  	[tilespmem:s14+$0x7780] =	vst v0  }
0x24: {  	v0 =	vld.idx.msk [tilespmem:v1+s3+$0x0], $0xffff  }
0x25: {  	v63 =	vld [tilespmem:s13+$0x4F80];
	_ =	sdelay $0x3  }
0x26: {  	s12 =	sadd.s32 $0x1, s12;
	v0 =	vshll.u32 v0, $0x4  }
0x27: {  	p0 =	sne.s32 s12, s7;
	v0 =	vadd.s32 v63, v0  }
.Ltmp1:
0x28: {  	[tilespmem:s13+$0x7780] =	vst v0;
	(pc) =	sbr.rel @p0 .LBB2_1-.Ltmp1, $4  }
0x29: {  	[hbm4b:s6+s3] =	stream.linear.scatter [tilespmem:s11], [sflag:$0x1], $0x2800, $0x38;
	[tilespmem:$0x9F80] =	vst v63  }
0x2a: {  	_ =	swait.ge [sflag:s8], $0x2800  }
0x2b: {  	[sflag:s8] =	ssyncset.done $0x0  }
0x2c: {  	[sflag:s8] =	ssyncadd.s32 $0xFFFFD800  }
0x2d: {  	_ =	sfence.sel $0x180000  }
0x2e: {  	[bflag:$0x0] =	sbarrier.arrive $0xFFFF  }
0x2f: {  	p0 =	sne.s32 s1, $0x0;
	_ =	strace $0x90000047  }
0x30: {  	s0 =	sadd.s32 @!p0 $0x100000, s0;
	[bflag:$0x2] =	sbarrier.arrive $0xFFFF  }
0x31: {  	[sflag:s0] =	ssyncadd.tile.s32 @!p0 $0x1;
	_ =	shalt  }
.Lfunc_end2:
_tile_overlayer_lowered:
.L_overlay_start_2:
0x32: {  	(tag) =	ssettag $0x2  }
0x33: {  	s0 =	rddreg [dreg:$0x0];
	s2 =	stileid.u32  }
0x34: {  	s1 =	rddreg [dreg:$0x1];
	p0 =	sne.s32 s2, $0x0  }
0x35: {  	s3 =	rddreg [dreg:$0x2];
	[bflag:$0x3] =	sbarrier.arrive $0xFFFF;
	s2 =	simm.s32 @!p0 $0x1C01  }
0x36: {  	[timem:s3], [sflag:s2] =	dma.local @!p0 [hbm:s0], s1  }
0x37: {  	s0 =	simm.s32 @!p0 $0x1  }
0x38: {  	_ =	swait.ge @!p0 [sflag:s0], s1  }
0x39: {  	s1 =	ssub.s32 @!p0 $0x0, s1;
	[sflag:s0] =	ssyncset.done @!p0 $0x0  }
0x3a: {  	[sflag:s0] =	ssyncadd.s32 @!p0 s1  }
0x3b: {  	[bflag:$0x3] =	sbarrier.arrive $0xFFFF  }
0x3c: {  	_ =	shalt  }

// kernel: kernel.21.cloned.1.call-start
scs
__scs_entry_jumppad:
0x0: {  	(pc) =	sbr.rel $0x88, $3  }
0x1: {  	(tag) =	ssettag $0x0;
	lr =	simm.s32 $0x1  }
0x2: {  	[smem:$0x3F8F] =	sst lr;
	_ =	strace $0xD0000000  }
0x3: {  	_ = 	snop  }
0x4: {  	_ = 	snop  }
0x5: {  	_ = 	snop  }
0x6: {  	_ = 	snop  }
0x7: {  	_ = 	snop  }
__scs_overlays_trampoline_lowered:
0x8: {  	[smem:$0x3F9E] =	sst s0  }
0x9: {  	[smem:$0x3F9F] =	sst s1  }
0xa: {  	[smem:$0x3FA0] =	sst s2  }
0xb: {  	[smem:$0x3FA1] =	sst s3  }
0xc: {  	[smem:$0x3FA2] =	sst s4  }
0xd: {  	[smem:$0x3FA3] =	sst s5  }
0xe: {  	[smem:$0x3FA4] =	sst s6  }
0xf: {  	[smem:$0x3FA5] =	sst s7  }
0x10: {  	[smem:$0x3FA6] =	sst s8  }
0x11: {  	[smem:$0x3FA7] =	sst s9;
	s0 =	simm.s32 @!p0 $0x0  }
0x12: {  	s1 =	sld [smem:$0x3F8D];
	s0 =	simm.s32 @p0 $0x1  }
0x13: {  	[smem:$0x3FA8] =	sst s0;
	s0 =	simm.s32 @!p1 $0x0  }
0x14: {  	s2 =	sld [smem:$0x3F8C];
	s0 =	simm.s32 @p1 $0x1  }
0x15: {  	[smem:$0x3FA9] =	sst s0;
	s0 =	simm.s32 @!p2 $0x0  }
0x16: {  	s3 =	sld [smem:$0x3FDB];
	s0 =	simm.s32 @p2 $0x1  }
0x17: {  	s4 =	simm.s32 $0x1BF5;
	[smem:$0x3FAB] =	sst s0  }
0x18: {  	s0 =	sld [smem:$0x3F8E];
	_ =	swait.ge [sflag:s4], $0x0  }
0x19: {  	s7 =	sld [smem:$0x3F8F]  }
0x1a: {  	s8 =	sadd.s32 $0xFFFFE003, lr  }
0x1b: {  	s9 =	sadd.s32 $0xFFFFFEF7, lr;
	s5 =	simm.s32 $0xFFFFFFFF;
	p2 =	slt.u32 s8, $0xFFFFF086  }
0x1c: {  	p1 =	slt.u32 s9, $0xF7A;
	s5 =	simm.s32 @!p2 $0x0  }
0x1d: {  	s5 =	simm.s32 @p1 $0x1;
	p0 =	seq.s32 s7, s2  }
0x1e: {  	s7 =	smul.u32 @!p0 $0xF7A, s2;
	p2 =	seq.s32 @!p0 s5, $0x0  }
0x1f: {  	s9 =	smul.u32 $0xF7A, s1;
	s8 =	simm.s32 @!p0 $0x1BF5;
	p2 =	por !p2, p0  }
0x20: {  	[sflag:s8] =	ssyncset.s32 @!p0 $0xFFFFF086;
	s6 =	sadd.s32 @!p0 s3, s7;
	s7 =	simm.s32 @!p0 $0x108  }
0x21: {  	s3 =	sadd.s32 s3, s9;
	s6 =	sadd.s32 @!p0 $0x88, s6;
	s7 =	simm.s32 @p2 $0x1082  }
0x22: {  	[simem:s7], [sflag:s8] =	dma.local @!p0 [hbm:s6], $0xF7A  }
0x23: {  	s9 =	sor.u32 $0xD0000000, s2;
	s6 =	simm.s32 $0x108;
	_ =	swait.ge @!p0 [sflag:s8], $0x0  }
0x24: {  	s3 =	sadd.s32 $0x88, s3;
	s6 =	simm.s32 @!p1 $0x1082;
	[sflag:s4] =	ssyncset.s32 $0xFFFFF086  }
0x25: {  	[simem:s6], [sflag:s4] =	dma.local [hbm:s3], $0xF7A  }
0x26: {  	[smem:$0x3F8F] =	sst s1;
	(tag) =	ssettag s2;
	_ =	strace s9  }
0x27: {  	s1 =	sld [smem:$0x3F9F]  }
0x28: {  	s2 =	sld [smem:$0x3FA0]  }
0x29: {  	s4 =	sld [smem:$0x3FA2]  }
0x2a: {  	p0 =	seq.s32 s5, $0x0;
	s5 =	sld [smem:$0x3FA3]  }
0x2b: {  	s6 =	sld [smem:$0x3FA4]  }
0x2c: {  	s7 =	sld [smem:$0x3FA5]  }
0x2d: {  	s3 =	simm.s32 $0x108;
	s8 =	sld [smem:$0x3FA6]  }
0x2e: {  	s3 =	simm.s32 @!p0 $0x1082;
	s9 =	sld [smem:$0x3FA7]  }
0x2f: {  	lr =	sadd.s32 s0, s3;
	s0 =	sld [smem:$0x3F9E]  }
0x30: {  	s3 =	sld [smem:$0x3FA1]  }
0x31: {  	[smem:$0x3FAA] =	sst s10  }
0x32: {  	s10 =	sld [smem:$0x3FA8];
	_ =	sdelay $0x3  }
0x33: {  	p0 =	seq.s32 s10, $0x1;
	s10 =	sld [smem:$0x3FAA];
	_ =	sdelay $0x3  }
0x34: {  	[smem:$0x3FAA] =	sst s10  }
0x35: {  	s10 =	sld [smem:$0x3FA9];
	_ =	sdelay $0x3  }
0x36: {  	p1 =	seq.s32 s10, $0x1;
	s10 =	sld [smem:$0x3FAA];
	_ =	sdelay $0x3  }
0x37: {  	[smem:$0x3FAA] =	sst s10  }
0x38: {  	s10 =	sld [smem:$0x3FAB]  }
0x39: {  	_ = 	snop;
	(pc) =	sbr.ind lr, $3  }
0x3a: {  	_ = 	snop  }
0x3b: {  	_ = 	snop  }
0x3c: {  	p2 =	seq.s32 s10, $0x1;
	s10 =	sld [smem:$0x3FAA]  }
0x3d: {  	_ =	shalt  }
0x3e: {  	_ =	shalt  }
0x3f: {  	_ =	shalt  }
0x40: {  	_ =	shalt  }
0x41: {  	_ =	shalt  }
0x42: {  	_ =	shalt  }
0x43: {  	_ =	shalt  }
0x44: {  	_ =	shalt  }
0x45: {  	_ =	shalt  }
0x46: {  	_ =	shalt  }
0x47: {  	_ =	shalt  }
0x48: {  	_ =	shalt  }
0x49: {  	_ =	shalt  }
0x4a: {  	_ =	shalt  }
0x4b: {  	_ =	shalt  }
0x4c: {  	_ =	shalt  }
0x4d: {  	_ =	shalt  }
0x4e: {  	_ =	shalt  }
0x4f: {  	_ =	shalt  }
0x50: {  	_ =	shalt  }
0x51: {  	_ =	shalt  }
0x52: {  	_ =	shalt  }
0x53: {  	_ =	shalt  }
0x54: {  	_ =	shalt  }
0x55: {  	_ =	shalt  }
0x56: {  	_ =	shalt  }
0x57: {  	_ =	shalt  }
0x58: {  	_ =	shalt  }
0x59: {  	_ =	shalt  }
0x5a: {  	_ =	shalt  }
0x5b: {  	_ =	shalt  }
0x5c: {  	_ =	shalt  }
0x5d: {  	_ =	shalt  }
0x5e: {  	_ =	shalt  }
0x5f: {  	_ =	shalt  }
0x60: {  	_ =	shalt  }
0x61: {  	_ =	shalt  }
0x62: {  	_ =	shalt  }
0x63: {  	_ =	shalt  }
0x64: {  	_ =	shalt  }
0x65: {  	_ =	shalt  }
0x66: {  	_ =	shalt  }
0x67: {  	_ =	shalt  }
0x68: {  	_ =	shalt  }
0x69: {  	_ =	shalt  }
0x6a: {  	_ =	shalt  }
0x6b: {  	_ =	shalt  }
0x6c: {  	_ =	shalt  }
0x6d: {  	_ =	shalt  }
0x6e: {  	_ =	shalt  }
0x6f: {  	_ =	shalt  }
0x70: {  	_ =	shalt  }
0x71: {  	_ =	shalt  }
0x72: {  	_ =	shalt  }
0x73: {  	_ =	shalt  }
0x74: {  	_ =	shalt  }
0x75: {  	_ =	shalt  }
0x76: {  	_ =	shalt  }
0x77: {  	_ =	shalt  }
0x78: {  	_ =	shalt  }
0x79: {  	_ =	shalt  }
0x7a: {  	_ =	shalt  }
0x7b: {  	_ =	shalt  }
0x7c: {  	_ =	shalt  }
0x7d: {  	_ =	shalt  }
0x7e: {  	_ =	shalt  }
0x7f: {  	_ =	shalt  }
0x80: {  	_ =	shalt  }
0x81: {  	_ =	shalt  }
0x82: {  	_ =	shalt  }
0x83: {  	_ =	shalt  }
0x84: {  	_ =	shalt  }
0x85: {  	_ =	shalt  }
0x86: {  	_ =	shalt  }
0x87: {  	_ =	shalt  }
.Lfunc_end0:
.L_simem_size_0:
called_computation.1_lowered:
.L_overlay_start_0:
0x88: {  	s2 =	sld [smem:$0x3FD9]  }
0x89: {  	s3 =	sld [smem:$0x3FFE];
	_ =	sdelay $0x1  }
0x8a: {  	s1 =	srdreg.scid  }
0x8b: {  	s0 =	sand.u32 $0x1, s1  }
0x8c: {  	s16 =	sshll.u32 s0, $0xA;
	s2 =	sadd.s32 s3, s2  }
0x8d: {  	s2 =	sadd.s32 s2, s16  }
0x8e: {  	[smem:$0x3FB6] =	sst s2  }
0x8f: {  	_ = 	snop  }
0x90: {  	(tm) =	ssettm $0x1  }
0x91: {  	s17 =	sld [smem:$0x3FFB];
	_ =	sdelay $0x3  }
0x92: {  	_ =	strace s17  }
0x93: {  	s2 =	sld [smem:$0x3FFC];
	_ =	sdelay $0x3  }
0x94: {  	_ =	strace s2  }
0x95: {  	s2 =	sld [smem:$0x3FFD];
	_ =	sdelay $0x3  }
0x96: {  	_ =	strace s2  }
0x97: {  	_ =	strace $0x8FFFFFFF  }
0x98: {  	s18 =	sld [smem:$0x3FDB];
	_ =	sdelay $0x1  }
0x99: {  	s19 =	simm.s32 $_scs_section_size  }
0x9a: {  	s4 =	simm.s32 $_size__tile_overlayer_lowered;
	s5 =	simm.s32 $_tile_overlayer_lowered  }
0x9b: {  	s22 =	simm.s32 $0x1BFF;
	s21 =	sshll.u32 s5, $0x1;
	s2 =	sadd.s32 s19, s18  }
0x9c: {  	s6 =	simm.s32 $0x0;
	s20 =	sshll.u32 s4, $0x1;
	s4 =	sadd.s32 s21, s2  }
0x9d: {  	[timem:s6], [sflag:s22] =	dma.local [hbm:s4], s20  }
0x9e: {  	_ =	swait.ge [sflag:s22], s20  }
0x9f: {  	s3 =	ssub.s32 $0x0, s20;
	[sflag:s22] =	ssyncset.done $0x0  }
0xa0: {  	[sflag:s22] =	ssyncadd.s32 s3;
	_ =	sdelay $0x1  }
0xa1: {  	s23 =	simm.s32 $0x1B8B  }
0xa2: {  	_ =	swait.ge [sflag:s23], $0x1  }
0xa3: {  	[sflag:s23] =	ssyncset.done $0x0  }
0xa4: {  	s25 =	simm.s32 $0x1B8E;
	s24 =	sld [smem:$0x3FFE];
	[sflag:s23] =	ssyncadd.s32 $0xFFFFFFFF  }
0xa5: {  	s26 =	simm.s32 $execute0_lowered;
	[smem:$0x3FD2] =	sst s25  }
0xa6: {  	s4 =	sshll.u32 s26, $0x1;
	_ =	strace $0x80000049;
	[dreg:$0x1] =	wrdreg $0xFFFFFFFF  }
0xa7: {  	s28 =	simm.s32 $_size_execute0_lowered;
	s2 =	sadd.s32 s2, s4;
	[dreg:$0x0] =	wrdreg $0x0  }
0xa8: {  	s4 =	sshll.u32 s28, $0x1;
	[dreg:$0x2] =	wrdreg s2  }
0xa9: {  	[dreg:$0x3] =	wrdreg s4  }
0xaa: {  	[dreg:$0x4] =	wrdreg $0xC0  }
0xab: {  	_ =	task [dreg:s6], $0x5FFFF  }
0xac: {  	[dreg:$0x1] =	wrdreg $0xFFFFFFFF  }
0xad: {  	[dreg:$0x0] =	wrdreg $0x60  }
0xae: {  	[dreg:$0x2] =	wrdreg s24  }
0xaf: {  	[dreg:$0x3] =	wrdreg $0x84000  }
0xb0: {  	[dreg:$0x4] =	wrdreg $0x1BD000  }
0xb1: {  	[dreg:$0x5] =	wrdreg $0x9  }
0xb2: {  	_ =	task.clear_ibuf [dreg:s6], $0x6FFFF;
	_ =	strace $0x90000049  }
0xb3: {  	s29 =	simm.s32 $0x9;
	_ =	strace $0x8000004B  }
0xb4: {  	_ =	swait.ge [sflag:s29], $0x1  }
0xb5: {  	[sflag:s29] =	ssyncadd.s32 $0xFFFFFFFF  }
0xb6: {  	_ =	strace $0x9000004B  }
0xb7: {  	_ =	sfence  }
0xb8: {  	s30 =	sld [smem:$0x0];
	_ =	sdelay $0x2  }
0xb9: {  	s31 =	sshll.u32 s1, $0xD;
	s1 =	sshrl.u32 s1, $0x2  }
0xba: {  	s3 =	sand.u32 $0x4000, s31;
	s1 =	sadd.s32 s1, s30  }
0xbb: {  	s0 =	sor.u32 s3, s0;
	s1 =	sshll.u32 s1, $0x11  }
0xbc: {  	s0 =	sor.u32 s1, s0  }
0xbd: {  	s0 =	sadd.s32 $0x8F2B, s0  }
0xbe: {  	[sflag:s0] =	ssyncadd.remote.s32 $0x1  }
0xbf: {  	_ =	sfence.sel $0xFFFF  }
0xc0: {  	[dreg:$0x0] =	wrdreg $0xFFFFFFFF;
	(pc) =	sbr.abs _section_cstart, $3  }
0xc1: {  	[dreg:$0x1] =	wrdreg $0xFFFFFFFF  }
0xc2: {  	_ =	task.clear_ibuf [dreg:s6], $0x2FFFF;
	_ =	strace $0x9FFFFFFF  }
0xc3: {  	(tm) =	ssettm $0x7FFFFFFF  }
tec
execute0_lowered:
.L_overlay_start_1:
0x0: {  	(tag) =	ssettag $0x1  }
0x1: {  	s0 =	srdreg.scid  }
0x2: {  	s14 =	stileid.u32;
	s1 =	rddreg [dreg:$0x1];
	s2 =	simm.s32 $0x0  }
0x3: {  	s29 =	simm.s32 $0x400;
	s30 =	simm.s32 $0x2;
	s31 =	simm.s32 $0x4400  }
0x4: {  	p4 =	por $0x0, $0x0;
	s3 =	sand.u32 $0x1, s0;
	s0 =	rddreg [dreg:$0x0]  }
0x5: {  	[smem:$0x7FF] =	sst s2;
	s19 =	smul.u32 $0x2800, s14;
	p0 =	seq.s32 s14, $0x1  }
0x6: {  	p1 =	sne.s32 s14, $0xF;
	s4 =	sshll.u32 s3, $0x4;
	s5 =	sadd.s32 $0x27400, s0  }
0x7: {  	s6 =	sadd.s32 $0x31400, s0;
	s7 =	ssub.s32 $0x2, s3;
	s11 =	smul.u32 $0x138800, s3  }
0x8: {  	s8 =	sadd.s32 $0x6F800, s0;
	s3 =	smul.u32 $0x28000, s3;
	s4 =	sor.u32 s14, s4  }
0x9: {  	s10 =	sadd.s32 $0xBDA00, s0;
	p2 =	sne.s32 @!p0 s14, $0x0;
	s4 =	smul.u32 $0x2800, s4  }
0xa: {  	p5 =	sne.s32 @p1 s14, $0x0;
	s9 =	sshrl.u32 s7, $0x1;
	p3 =	por p2, p0  }
0xb: {  	p2 =	por !p2, p0;
	s3 =	sadd.s32 s19, s3;
	s4 =	sshrl.u32 s4, $0x3  }
0xc: {  	s7 =	ssub.s32 s7, s9;
	s24 =	sor.u32 $0x380, s3;
	s12 =	sadd.s32 s5, s4  }
0xd: {  	s13 =	sadd.s32 s6, s4;
	s15 =	sor.u32 $0x10, s4;
	[dreg:$0x4] =	wrdreg s12  }
0xe: {  	s28 =	sor.u32 $0x300, s3;
	[dreg:$0x5] =	wrdreg s13;
	s12 =	sadd.s32 s5, s15  }
0xf: {  	s16 =	sor.u32 $0x20, s4;
	s9 =	sadd.s32 s6, s15;
	[dreg:$0x6] =	wrdreg s12  }
0x10: {  	s25 =	sshrl.u32 s24, $0x3;
	s17 =	sadd.s32 s5, s16;
	[dreg:$0x7] =	wrdreg s9  }
0x11: {  	s4 =	sor.u32 $0x30, s4;
	s18 =	sadd.s32 s6, s16;
	[dreg:$0x8] =	wrdreg s17  }
0x12: {  	s13 =	smul.u32 $0x13800, s14;
	s20 =	sadd.s32 s5, s4;
	[dreg:$0x9] =	wrdreg s18  }
0x13: {  	s4 =	sadd.s32 s6, s4;
	s15 =	sadd.s32 s25, s6;
	[dreg:$0xa] =	wrdreg s20  }
0x14: {  	s16 =	sadd.s32 s25, s5;
	[dreg:$0xb] =	wrdreg s4;
	s9 =	sor.u32 $0x280, s3  }
0x15: {  	s3 =	sor.u32 $0x200, s3;
	s21 =	sadd.s32 s13, s11;
	s11 =	sshrl.u32 s11, $0x3  }
0x16: {  	s3 =	sshrl.u32 s3, $0x3;
	s13 =	sadd.s32 $0x3BE00, s0;
	s4 =	sshrl.u32 s21, $0x3  }
0x17: {  	s23 =	sadd.s32 $0x27000, s11;
	s11 =	smul.u32 $0x4E000, s14;
	s24 =	sadd.s32 s3, s5  }
0x18: {  	s21 =	sadd.s32 $0x42200, s0;
	s0 =	sadd.s32 $0x48600, s0;
	s22 =	sadd.s32 s8, s4  }
0x19: {  	s14 =	simm.s32 $0x300;
	s8 =	sadd.s32 s8, s23;
	[dreg:$0xc] =	wrdreg s22  }
0x1a: {  	s4 =	sadd.s32 s10, s4;
	s26 =	sadd.s32 s10, s23;
	[dreg:$0xd] =	wrdreg s8  }
0x1b: {  	s10 =	sshrl.u32 s9, $0x3;
	s23 =	sadd.s32 s3, s6;
	[dreg:$0xe] =	wrdreg s4  }
0x1c: {  	s3 =	simm.s32 $0x5;
	s9 =	simm.s32 $0x0;
	[dreg:$0xf] =	wrdreg s26  }
0x1d: {  	s8 =	sshrl.u32 s28, $0x3;
	s19 =	sadd.s32 s10, s6;
	s20 =	sadd.s32 s10, s5  }
0x1e: {  	s22 =	rddreg [dreg:$0x2];
	s12 =	sshrl.u32 s11, $0x2;
	s26 =	smax.u32 s7, $0x1  }
0x1f: {  	s28 =	sadd.s32 $0x138000, s1;
	_ =	strace $0x8000004A;
	[dreg:$0x10] =	wrdreg s13  }
0x20: {  	s11 =	simm.s32 $0x180;
	s4 =	simm.s32 $0x7;
	[dreg:$0x11] =	wrdreg s21  }
0x21: {  	s7 =	simm.s32 $0x4;
	s17 =	sadd.s32 s8, s6;
	[dreg:$0x12] =	wrdreg s0  }
0x22: {  	s18 =	sadd.s32 s8, s5;
	s25 =	sadd.s32 s12, s1;
	[dreg:$0x14] =	wrdreg s26  }
0x23: {  	s0 =	simm.s32 @!p2 $0x0;
	[dreg:$0x15] =	wrdreg s28;
	s21 =	simm.s32 $0x80  }
.Ltmp0:
0x24: {  	s12 =	simm.s32 $0x200;
	s13 =	simm.s32 $0x280;
	(pc) =	sbr.rel .LBB2_1-.Ltmp0, $4  }
0x25: {  	s26 =	simm.s32 $0x1;
	s0 =	simm.s32 @p2 $0x1;
	p2 =	por p5, !p1  }
0x26: {  	s5 =	simm.s32 $0x3;
	[smem:$0x7FC] =	sst s0;
	s0 =	simm.s32 @!p2 $0x0  }
0x27: {  	s6 =	simm.s32 $0x6;
	[dreg:$0x13] =	wrdreg s25;
	s0 =	simm.s32 @p2 $0x1  }
0x28: {  	s25 =	simm.s32 $0x380;
	[smem:$0x7FD] =	sst s0;
	s0 =	simm.s32 $0x100  }
.LBB2_7:
0x29: {  	_ =	swait.ge [sflag:s6], $0x4000  }
0x2a: {  	[sflag:s6] =	ssyncset.done $0x0  }
0x2b: {  	[sflag:s6] =	ssyncadd.s32 $0xFFFFC000  }
0x2c: {  	[spmem:s1] =	stream.indirect.scatter.add.f32 [tilespmem:s31], [sflag:$0x7], $0x80, s25, s21, $0xb8;
	[tilespmem:$0x1EF00] =	vst v63  }
0x2d: {  	_ =	swait.ge [sflag:s4], $0x4000  }
0x2e: {  	[sflag:s4] =	ssyncset.done $0x0  }
0x2f: {  	[sflag:s4] =	ssyncadd.s32 $0xFFFFC000  }
0x30: {  	[bflag:$0x0] =	sbarrier.arrive $0xFFFF  }
0x31: {  	s8 =	rddreg [dreg:$0xe]  }
0x32: {  	s9 =	rddreg [dreg:$0x17]  }
0x33: {  	s10 =	rddreg [dreg:$0x18]  }
0x34: {  	[hbm:s8], [sflag:s9] =	dma.local [spmem:s10], $0x2700  }
0x35: {  	_ =	swait.ge [sflag:s4], $0x2700  }
0x36: {  	[sflag:s4] =	ssyncset.done $0x0;
	s8 =	rddreg [dreg:$0xf]  }
0x37: {  	s10 =	rddreg [dreg:$0x19];
	[sflag:s4] =	ssyncadd.s32 $0xFFFFD900  }
0x38: {  	[hbm:s8], [sflag:s9] =	dma.local @!p1 [spmem:s10], $0x100  }
0x39: {  	s8 =	simm.s32 @!p1 $0x7  }
0x3a: {  	_ =	swait.ge @!p1 [sflag:s8], $0x100  }
0x3b: {  	s10 =	rddreg [dreg:$0x16]  }
0x3c: {  	s28 =	rddreg [dreg:$0x14];
	s9 =	sadd.s32 $0x1, s10  }
0x3d: {  	p2 =	sne.s32 s9, s28  }
.Ltmp1:
0x3e: {  	_ = 	snop;
	(pc) =	sbr.rel @!p2 .LBB2_8-.Ltmp1, $3  }
0x3f: {  	[sflag:s8] =	ssyncset.done @!p1 $0x0  }
0x40: {  	[sflag:s8] =	ssyncadd.s32 @!p1 $0xFFFFFF00  }
0x41: {  	[bflag:$0x0] =	sbarrier.arrive $0xFFFF;
	_ =	sdelay $0x1  }
.LBB2_1:
0x42: {  	[dreg:$0x16] =	wrdreg s9  }
0x43: {  	s9 =	sshrl.u32 @p0 s22, $0x3;
	s10 =	simm.s32 @p0 $0x1C47;
	s8 =	rddreg [dreg:$0x10]  }
0x44: {  	[spmem:s9], [sflag:s10] =	dma.local @p0 [hbm:s8], $0x6400  }
0x45: {  	s9 =	simm.s32 @p0 $0x7  }
0x46: {  	_ =	swait.ge @p0 [sflag:s9], $0x6400  }
0x47: {  	s10 =	simm.s32 @!p3 $0x1C07;
	[sflag:s9] =	ssyncset.done @p0 $0x0  }
0x48: {  	s8 =	rddreg [dreg:$0x12];
	[sflag:s9] =	ssyncadd.s32 @p0 $0xFFFF9C00;
	s9 =	sshrl.u32 @!p3 s1, $0x3  }
0x49: {  	[spmem:s9], [sflag:s10] =	dma.local @!p3 [hbm:s8], $0x27200  }
0x4a: {  	s9 =	simm.s32 @!p3 $0x7  }
0x4b: {  	_ =	swait.ge @!p3 [sflag:s9], $0x27200  }
0x4c: {  	[sflag:s9] =	ssyncset.done @!p3 $0x0  }
0x4d: {  	[sflag:s9] =	ssyncadd.s32 @!p3 $0xFFFD8E00  }
0x4e: {  	[bflag:$0x0] =	sbarrier.arrive $0xFFFF  }
0x4f: {  	s9 =	rddreg [dreg:$0x4]  }
0x50: {  	[tilespmem:s2], [sflag:$0x1] =	stream.linear.gather [hbm4b:s9+s2], $0x80, $0x38;
	[tilespmem:$0x1EF00] =	vst v63  }
0x51: {  	s10 =	rddreg [dreg:$0x5]  }
0x52: {  	[tilespmem:s21], [sflag:$0x1] =	stream.linear.gather [hbm4b:s10+s2], $0x80, $0x38;
	[tilespmem:$0x1EF00] =	vst v63  }
0x53: {  	s28 =	rddreg [dreg:$0x6]  }
0x54: {  	[tilespmem:s0], [sflag:$0x2] =	stream.linear.gather [hbm4b:s28+s2], $0x80, $0x38;
	[tilespmem:$0x1EF00] =	vst v63  }
0x55: {  	s9 =	rddreg [dreg:$0x7]  }
0x56: {  	[tilespmem:s11], [sflag:$0x2] =	stream.linear.gather [hbm4b:s9+s2], $0x80, $0x38;
	[tilespmem:$0x1EF00] =	vst v63  }
0x57: {  	s10 =	rddreg [dreg:$0x8]  }
0x58: {  	[tilespmem:s12], [sflag:$0x3] =	stream.linear.gather [hbm4b:s10+s2], $0x80, $0x38;
	[tilespmem:$0x1EF00] =	vst v63  }
0x59: {  	s28 =	rddreg [dreg:$0x9]  }
0x5a: {  	[tilespmem:s13], [sflag:$0x3] =	stream.linear.gather [hbm4b:s28+s2], $0x80, $0x38;
	[tilespmem:$0x1EF00] =	vst v63  }
0x5b: {  	s9 =	rddreg [dreg:$0xa]  }
0x5c: {  	[tilespmem:s14], [sflag:$0x4] =	stream.linear.gather [hbm4b:s9+s2], $0x80, $0x38;
	[tilespmem:$0x1EF00] =	vst v63  }
0x5d: {  	s10 =	rddreg [dreg:$0xb]  }
0x5e: {  	[tilespmem:s25], [sflag:$0x4] =	stream.linear.gather [hbm4b:s10+s2], $0x80, $0x38;
	[tilespmem:$0x1EF00] =	vst v63  }
0x5f: {  	_ =	swait.ge [sflag:s26], $0x80  }
0x60: {  	[sflag:s26] =	ssyncset.done $0x0  }
0x61: {  	[sflag:s26] =	ssyncadd.s32 $0xFFFFFF80  }
0x62: {  	_ =	swait.ge [sflag:s26], $0x80  }
0x63: {  	[sflag:s26] =	ssyncset.done $0x0;
	s28 =	sld [smem:$0x7FC]  }
0x64: {  	[sflag:s26] =	ssyncadd.s32 $0xFFFFFF80  }
0x65: {  	[tilespmem:s29], [sflag:$0x5] =	stream.indirect.gather [spmem:s22], $0x80, s2, s21, $0xb8;
	[tilespmem:$0x1EF00] =	vst v63  }
0x66: {  	p2 =	por @!p3 $0x0, $0x0;
	p5 =	seq.s32 s28, $0x1  }
0x67: {  	p6 =	por @p0 $0x1, $0x1;
	p2 =	por @!p5 p4, p4  }
0x68: {  	s9 =	simm.s32 $0x0;
	p6 =	por @!p0 p2, p2  }
.LBB2_2:
0x69: {  	_ =	swait.ge [sflag:s30], $0x80  }
0x6a: {  	[sflag:s30] =	ssyncset.done $0x0  }
0x6b: {  	[sflag:s30] =	ssyncadd.s32 $0xFFFFFF80  }
0x6c: {  	_ =	swait.ge [sflag:s30], $0x80  }
0x6d: {  	[sflag:s30] =	ssyncset.done $0x0  }
0x6e: {  	[sflag:s30] =	ssyncadd.s32 $0xFFFFFF80  }
0x6f: {  	[tilespmem:s31], [sflag:$0x6] =	stream.indirect.gather [spmem:s22], $0x80, s0, s21, $0xb8;
	[tilespmem:$0x1EF00] =	vst v63  }
0x70: {  	_ =	swait.ge [sflag:s3], $0x4000  }
0x71: {  	[sflag:s3] =	ssyncset.done $0x0  }
0x72: {  	[sflag:s3] =	ssyncadd.s32 $0xFFFFC000  }
0x73: {  	[spmem:s1] =	stream.indirect.scatter.add.f32 [tilespmem:s29], [sflag:$0x7], $0x80, s21, s21, $0xb8;
	[tilespmem:$0x1EF00] =	vst v63  }
0x74: {  	_ =	swait.ge [sflag:s4], $0x4000  }
0x75: {  	p2 =	seq.s32 s9, $0x4C0;
	[sflag:s4] =	ssyncset.done $0x0  }
0x76: {  	s10 =	sadd.s32 @!p2 s9, s24;
	s28 =	simm.s32 @!p2 $0x0;
	[sflag:s4] =	ssyncadd.s32 $0xFFFFC000  }
0x77: {  	[tilespmem:s28], [sflag:$0x1] =	stream.linear.gather @!p2 [hbm4b:s10+s28], $0x80, $0x38;
	[tilespmem:$0x1EF00] =	vst v63  }
0x78: {  	s8 =	simm.s32 @!p2 $0x80;
	s10 =	sadd.s32 @!p2 s9, s23  }
0x79: {  	[tilespmem:s8], [sflag:$0x1] =	stream.linear.gather @!p2 [hbm4b:s10+s28], $0x80, $0x38;
	[tilespmem:$0x1EF00] =	vst v63  }
0x7a: {  	_ =	swait.ge [sflag:s5], $0x80  }
0x7b: {  	[sflag:s5] =	ssyncset.done $0x0  }
0x7c: {  	[sflag:s5] =	ssyncadd.s32 $0xFFFFFF80  }
0x7d: {  	_ =	swait.ge [sflag:s5], $0x80  }
0x7e: {  	[sflag:s5] =	ssyncset.done $0x0  }
0x7f: {  	[sflag:s5] =	ssyncadd.s32 $0xFFFFFF80  }
0x80: {  	[tilespmem:s29], [sflag:$0x5] =	stream.indirect.gather [spmem:s22], $0x80, s12, s21, $0xb8;
	[tilespmem:$0x1EF00] =	vst v63  }
0x81: {  	_ =	swait.ge [sflag:s6], $0x4000  }
0x82: {  	[sflag:s6] =	ssyncset.done $0x0  }
0x83: {  	[sflag:s6] =	ssyncadd.s32 $0xFFFFC000  }
0x84: {  	[spmem:s1] =	stream.indirect.scatter.add.f32 [tilespmem:s31], [sflag:$0x7], $0x80, s11, s21, $0xb8;
	[tilespmem:$0x1EF00] =	vst v63  }
0x85: {  	_ =	swait.ge [sflag:s4], $0x4000  }
0x86: {  	[sflag:s4] =	ssyncset.done $0x0  }
0x87: {  	s8 =	sadd.s32 @!p2 s9, s20;
	s10 =	simm.s32 @!p2 $0x100;
	[sflag:s4] =	ssyncadd.s32 $0xFFFFC000  }
0x88: {  	[tilespmem:s10], [sflag:$0x2] =	stream.linear.gather @!p2 [hbm4b:s8+s28], $0x80, $0x38;
	[tilespmem:$0x1EF00] =	vst v63  }
0x89: {  	s8 =	sadd.s32 @!p2 s9, s19;
	s10 =	simm.s32 @!p2 $0x180  }
0x8a: {  	[tilespmem:s10], [sflag:$0x2] =	stream.linear.gather @!p2 [hbm4b:s8+s28], $0x80, $0x38;
	[tilespmem:$0x1EF00] =	vst v63  }
0x8b: {  	_ =	swait.ge [sflag:s7], $0x80  }
0x8c: {  	[sflag:s7] =	ssyncset.done $0x0  }
0x8d: {  	[sflag:s7] =	ssyncadd.s32 $0xFFFFFF80  }
0x8e: {  	_ =	swait.ge [sflag:s7], $0x80  }
0x8f: {  	[sflag:s7] =	ssyncset.done $0x0  }
0x90: {  	[sflag:s7] =	ssyncadd.s32 $0xFFFFFF80  }
0x91: {  	[tilespmem:s31], [sflag:$0x6] =	stream.indirect.gather [spmem:s22], $0x80, s14, s21, $0xb8;
	[tilespmem:$0x1EF00] =	vst v63  }
0x92: {  	_ =	swait.ge [sflag:s3], $0x4000  }
0x93: {  	[sflag:s3] =	ssyncset.done $0x0  }
.Ltmp2:
0x94: {  	[sflag:s3] =	ssyncadd.s32 $0xFFFFC000;
	(pc) =	sbr.rel @p2 .LBB2_4-.Ltmp2, $4  }
0x95: {  	[spmem:s1] =	stream.indirect.scatter.add.f32 [tilespmem:s29], [sflag:$0x7], $0x80, s13, s21, $0xb8;
	[tilespmem:$0x1EF00] =	vst v63  }
0x96: {  	_ =	swait.ge [sflag:s4], $0x4000  }
0x97: {  	[sflag:s4] =	ssyncset.done $0x0  }
0x98: {  	[sflag:s4] =	ssyncadd.s32 $0xFFFFC000  }
0x99: {  	s8 =	sadd.s32 s9, s18  }
0x9a: {  	[tilespmem:s12], [sflag:$0x3] =	stream.linear.gather [hbm4b:s8+s2], $0x80, $0x38;
	[tilespmem:$0x1EF00] =	vst v63  }
0x9b: {  	s28 =	sadd.s32 s9, s17  }
0x9c: {  	[tilespmem:s13], [sflag:$0x3] =	stream.linear.gather [hbm4b:s28+s2], $0x80, $0x38;
	[tilespmem:$0x1EF00] =	vst v63  }
0x9d: {  	_ =	swait.ge [sflag:s26], $0x80  }
0x9e: {  	[sflag:s26] =	ssyncset.done $0x0  }
0x9f: {  	[sflag:s26] =	ssyncadd.s32 $0xFFFFFF80  }
0xa0: {  	_ =	swait.ge [sflag:s26], $0x80  }
0xa1: {  	[sflag:s26] =	ssyncset.done $0x0  }
0xa2: {  	[sflag:s26] =	ssyncadd.s32 $0xFFFFFF80  }
0xa3: {  	[tilespmem:s29], [sflag:$0x5] =	stream.indirect.gather [spmem:s22], $0x80, s2, s21, $0xb8;
	[tilespmem:$0x1EF00] =	vst v63  }
0xa4: {  	_ =	swait.ge [sflag:s6], $0x4000  }
0xa5: {  	[sflag:s6] =	ssyncset.done $0x0  }
0xa6: {  	[sflag:s6] =	ssyncadd.s32 $0xFFFFC000  }
0xa7: {  	[spmem:s1] =	stream.indirect.scatter.add.f32 [tilespmem:s31], [sflag:$0x7], $0x80, s25, s21, $0xb8;
	[tilespmem:$0x1EF00] =	vst v63  }
0xa8: {  	_ =	swait.ge [sflag:s4], $0x4000  }
.Ltmp3:
0xa9: {  	[sflag:s4] =	ssyncset.done $0x0;
	(pc) =	sbr.rel .LBB2_2-.Ltmp3, $4  }
0xaa: {  	s10 =	sadd.s32 s9, s16;
	[sflag:s4] =	ssyncadd.s32 $0xFFFFC000  }
0xab: {  	[tilespmem:s14], [sflag:$0x4] =	stream.linear.gather [hbm4b:s10+s2], $0x80, $0x38;
	[tilespmem:$0x1EF00] =	vst v63  }
0xac: {  	s28 =	sadd.s32 s9, s15;
	s9 =	sadd.s32 $0x40, s9  }
0xad: {  	[tilespmem:s25], [sflag:$0x4] =	stream.linear.gather [hbm4b:s28+s2], $0x80, $0x38;
	[tilespmem:$0x1EF00] =	vst v63  }
.LBB2_4:
0xae: {  	_ =	swait.ge [sflag:s6], $0x4000  }
0xaf: {  	[sflag:s6] =	ssyncset.done $0x0  }
0xb0: {  	[sflag:s6] =	ssyncadd.s32 $0xFFFFC000  }
0xb1: {  	[spmem:s1] =	stream.indirect.scatter.add.f32 [tilespmem:s31], [sflag:$0x7], $0x80, s25, s21, $0xb8;
	[tilespmem:$0x1EF00] =	vst v63  }
0xb2: {  	_ =	swait.ge [sflag:s4], $0x4000  }
0xb3: {  	[sflag:s4] =	ssyncset.done $0x0  }
0xb4: {  	[sflag:s4] =	ssyncadd.s32 $0xFFFFC000  }
0xb5: {  	[bflag:$0x0] =	sbarrier.arrive $0xFFFF  }
0xb6: {  	s8 =	stileid.u32;
	s9 =	rddreg [dreg:$0x13]  }
0xb7: {  	s8 =	sshll.u32 s8, $0x6;
	s28 =	rddreg [dreg:$0xc];
	s9 =	sshrl.u32 s9, $0x3  }
0xb8: {  	s10 =	sor.u32 $0x1C07, s8;
	[dreg:$0x18] =	wrdreg s9  }
0xb9: {  	[hbm:s28], [sflag:s10] =	dma.local [spmem:s9], $0x2700  }
0xba: {  	_ =	swait.ge [sflag:s4], $0x2700  }
0xbb: {  	[sflag:s4] =	ssyncset.done $0x0  }
0xbc: {  	[sflag:s4] =	ssyncadd.s32 $0xFFFFD900  }
0xbd: {  	[bflag:$0x0] =	sbarrier.arrive @p1 $0xFFFF  }
0xbe: {  	s28 =	sld [smem:$0x7FD];
	_ =	sdelay $0x2  }
0xbf: {  	p2 =	seq.s32 s28, $0x1  }
0xc0: {  	s9 =	rddreg [dreg:$0x12];
	s8 =	sshrl.u32 @!p2 s1, $0x3  }
0xc1: {  	[spmem:s8], [sflag:s10] =	dma.local @!p2 [hbm:s9], $0x27200  }
0xc2: {  	s8 =	simm.s32 @!p2 $0x7  }
0xc3: {  	_ =	swait.ge @!p2 [sflag:s8], $0x27200  }
0xc4: {  	[sflag:s8] =	ssyncset.done @!p2 $0x0  }
0xc5: {  	[sflag:s8] =	ssyncadd.s32 @!p2 $0xFFFD8E00;
	s8 =	rddreg [dreg:$0x15]  }
0xc6: {  	s9 =	sshrl.u32 @!p1 s8, $0x3;
	s8 =	rddreg [dreg:$0xd]  }
0xc7: {  	[dreg:$0x19] =	wrdreg s9  }
0xc8: {  	[hbm:s8], [sflag:s10] =	dma.local @!p1 [spmem:s9], $0x100  }
0xc9: {  	s8 =	simm.s32 @!p1 $0x7  }
0xca: {  	_ =	swait.ge @!p1 [sflag:s8], $0x100  }
0xcb: {  	[sflag:s8] =	ssyncset.done @!p1 $0x0  }
0xcc: {  	[sflag:s8] =	ssyncadd.s32 @!p1 $0xFFFFFF00  }
0xcd: {  	[bflag:$0x0] =	sbarrier.arrive @!p1 $0xFFFF  }
0xce: {  	s9 =	rddreg [dreg:$0x11]  }
0xcf: {  	s8 =	sshrl.u32 @p6 s22, $0x3;
	[dreg:$0x17] =	wrdreg s10  }
0xd0: {  	[spmem:s8], [sflag:s10] =	dma.local @p6 [hbm:s9], $0x6400  }
0xd1: {  	s8 =	simm.s32 @p6 $0x7  }
0xd2: {  	_ =	swait.ge @p6 [sflag:s8], $0x6400  }
0xd3: {  	[sflag:s8] =	ssyncset.done @p6 $0x0  }
0xd4: {  	[sflag:s8] =	ssyncadd.s32 @p6 $0xFFFF9C00  }
0xd5: {  	[bflag:$0x0] =	sbarrier.arrive $0xFFFF  }
0xd6: {  	s10 =	simm.s32 $0x0;
	s9 =	rddreg [dreg:$0x4]  }
0xd7: {  	[tilespmem:s10], [sflag:$0x1] =	stream.linear.gather [hbm4b:s9+s10], $0x80, $0x38;
	[tilespmem:$0x1EF00] =	vst v63  }
0xd8: {  	s28 =	rddreg [dreg:$0x5]  }
0xd9: {  	[tilespmem:s21], [sflag:$0x1] =	stream.linear.gather [hbm4b:s28+s10], $0x80, $0x38;
	[tilespmem:$0x1EF00] =	vst v63  }
0xda: {  	s9 =	rddreg [dreg:$0x6]  }
0xdb: {  	[tilespmem:s0], [sflag:$0x2] =	stream.linear.gather [hbm4b:s9+s10], $0x80, $0x38;
	[tilespmem:$0x1EF00] =	vst v63  }
0xdc: {  	s28 =	rddreg [dreg:$0x7]  }
0xdd: {  	[tilespmem:s11], [sflag:$0x2] =	stream.linear.gather [hbm4b:s28+s10], $0x80, $0x38;
	[tilespmem:$0x1EF00] =	vst v63  }
0xde: {  	s9 =	rddreg [dreg:$0x8]  }
0xdf: {  	[tilespmem:s12], [sflag:$0x3] =	stream.linear.gather [hbm4b:s9+s10], $0x80, $0x38;
	[tilespmem:$0x1EF00] =	vst v63  }
0xe0: {  	s28 =	rddreg [dreg:$0x9]  }
0xe1: {  	[tilespmem:s13], [sflag:$0x3] =	stream.linear.gather [hbm4b:s28+s10], $0x80, $0x38;
	[tilespmem:$0x1EF00] =	vst v63  }
0xe2: {  	s9 =	rddreg [dreg:$0xa]  }
0xe3: {  	[tilespmem:s14], [sflag:$0x4] =	stream.linear.gather [hbm4b:s9+s10], $0x80, $0x38;
	[tilespmem:$0x1EF00] =	vst v63  }
0xe4: {  	s28 =	rddreg [dreg:$0xb]  }
0xe5: {  	[tilespmem:s25], [sflag:$0x4] =	stream.linear.gather [hbm4b:s28+s10], $0x80, $0x38;
	[tilespmem:$0x1EF00] =	vst v63  }
0xe6: {  	_ =	swait.ge [sflag:s26], $0x80  }
0xe7: {  	[sflag:s26] =	ssyncset.done $0x0  }
0xe8: {  	[sflag:s26] =	ssyncadd.s32 $0xFFFFFF80  }
0xe9: {  	_ =	swait.ge [sflag:s26], $0x80  }
0xea: {  	[sflag:s26] =	ssyncset.done $0x0  }
0xeb: {  	[sflag:s26] =	ssyncadd.s32 $0xFFFFFF80  }
0xec: {  	[tilespmem:s29], [sflag:$0x5] =	stream.indirect.gather [spmem:s22], $0x80, s10, s21, $0xb8;
	[tilespmem:$0x1EF00] =	vst v63  }
.LBB2_5:
0xed: {  	_ =	swait.ge [sflag:s30], $0x80  }
0xee: {  	[sflag:s30] =	ssyncset.done $0x0  }
0xef: {  	[sflag:s30] =	ssyncadd.s32 $0xFFFFFF80  }
0xf0: {  	_ =	swait.ge [sflag:s30], $0x80  }
0xf1: {  	[sflag:s30] =	ssyncset.done $0x0  }
0xf2: {  	[sflag:s30] =	ssyncadd.s32 $0xFFFFFF80  }
0xf3: {  	[tilespmem:s31], [sflag:$0x6] =	stream.indirect.gather [spmem:s22], $0x80, s0, s21, $0xb8;
	[tilespmem:$0x1EF00] =	vst v63  }
0xf4: {  	_ =	swait.ge [sflag:s3], $0x4000  }
0xf5: {  	[sflag:s3] =	ssyncset.done $0x0  }
0xf6: {  	[sflag:s3] =	ssyncadd.s32 $0xFFFFC000  }
0xf7: {  	[spmem:s1] =	stream.indirect.scatter.add.f32 [tilespmem:s29], [sflag:$0x7], $0x80, s21, s21, $0xb8;
	[tilespmem:$0x1EF00] =	vst v63  }
0xf8: {  	_ =	swait.ge [sflag:s4], $0x4000  }
0xf9: {  	p2 =	seq.s32 s10, $0x4C0;
	[sflag:s4] =	ssyncset.done $0x0  }
0xfa: {  	s8 =	sadd.s32 @!p2 s10, s24;
	s28 =	simm.s32 @!p2 $0x0;
	[sflag:s4] =	ssyncadd.s32 $0xFFFFC000  }
0xfb: {  	[tilespmem:s28], [sflag:$0x1] =	stream.linear.gather @!p2 [hbm4b:s8+s28], $0x80, $0x38;
	[tilespmem:$0x1EF00] =	vst v63  }
0xfc: {  	s9 =	simm.s32 @!p2 $0x80;
	s8 =	sadd.s32 @!p2 s10, s23  }
0xfd: {  	[tilespmem:s9], [sflag:$0x1] =	stream.linear.gather @!p2 [hbm4b:s8+s28], $0x80, $0x38;
	[tilespmem:$0x1EF00] =	vst v63  }
0xfe: {  	_ =	swait.ge [sflag:s5], $0x80  }
0xff: {  	[sflag:s5] =	ssyncset.done $0x0  }
0x100: {  	[sflag:s5] =	ssyncadd.s32 $0xFFFFFF80  }
0x101: {  	_ =	swait.ge [sflag:s5], $0x80  }
0x102: {  	[sflag:s5] =	ssyncset.done $0x0  }
0x103: {  	[sflag:s5] =	ssyncadd.s32 $0xFFFFFF80  }
0x104: {  	[tilespmem:s29], [sflag:$0x5] =	stream.indirect.gather [spmem:s22], $0x80, s12, s21, $0xb8;
	[tilespmem:$0x1EF00] =	vst v63  }
0x105: {  	_ =	swait.ge [sflag:s6], $0x4000  }
0x106: {  	[sflag:s6] =	ssyncset.done $0x0  }
0x107: {  	[sflag:s6] =	ssyncadd.s32 $0xFFFFC000  }
0x108: {  	[spmem:s1] =	stream.indirect.scatter.add.f32 [tilespmem:s31], [sflag:$0x7], $0x80, s11, s21, $0xb8;
	[tilespmem:$0x1EF00] =	vst v63  }
0x109: {  	_ =	swait.ge [sflag:s4], $0x4000  }
0x10a: {  	[sflag:s4] =	ssyncset.done $0x0  }
0x10b: {  	s8 =	sadd.s32 @!p2 s10, s20;
	s9 =	simm.s32 @!p2 $0x100;
	[sflag:s4] =	ssyncadd.s32 $0xFFFFC000  }
0x10c: {  	[tilespmem:s9], [sflag:$0x2] =	stream.linear.gather @!p2 [hbm4b:s8+s28], $0x80, $0x38;
	[tilespmem:$0x1EF00] =	vst v63  }
0x10d: {  	s8 =	sadd.s32 @!p2 s10, s19;
	s9 =	simm.s32 @!p2 $0x180  }
0x10e: {  	[tilespmem:s9], [sflag:$0x2] =	stream.linear.gather @!p2 [hbm4b:s8+s28], $0x80, $0x38;
	[tilespmem:$0x1EF00] =	vst v63  }
0x10f: {  	_ =	swait.ge [sflag:s7], $0x80  }
0x110: {  	[sflag:s7] =	ssyncset.done $0x0  }
0x111: {  	[sflag:s7] =	ssyncadd.s32 $0xFFFFFF80  }
0x112: {  	_ =	swait.ge [sflag:s7], $0x80  }
0x113: {  	[sflag:s7] =	ssyncset.done $0x0  }
0x114: {  	[sflag:s7] =	ssyncadd.s32 $0xFFFFFF80  }
0x115: {  	[tilespmem:s31], [sflag:$0x6] =	stream.indirect.gather [spmem:s22], $0x80, s14, s21, $0xb8;
	[tilespmem:$0x1EF00] =	vst v63  }
0x116: {  	_ =	swait.ge [sflag:s3], $0x4000  }
0x117: {  	[sflag:s3] =	ssyncset.done $0x0  }
.Ltmp4:
0x118: {  	[sflag:s3] =	ssyncadd.s32 $0xFFFFC000;
	(pc) =	sbr.rel @p2 .LBB2_7-.Ltmp4, $4  }
0x119: {  	[spmem:s1] =	stream.indirect.scatter.add.f32 [tilespmem:s29], [sflag:$0x7], $0x80, s13, s21, $0xb8;
	[tilespmem:$0x1EF00] =	vst v63  }
0x11a: {  	_ =	swait.ge [sflag:s4], $0x4000  }
0x11b: {  	[sflag:s4] =	ssyncset.done $0x0  }
0x11c: {  	[sflag:s4] =	ssyncadd.s32 $0xFFFFC000  }
0x11d: {  	s8 =	sadd.s32 s10, s18  }
0x11e: {  	[tilespmem:s12], [sflag:$0x3] =	stream.linear.gather [hbm4b:s8+s2], $0x80, $0x38;
	[tilespmem:$0x1EF00] =	vst v63  }
0x11f: {  	s28 =	sadd.s32 s10, s17  }
0x120: {  	[tilespmem:s13], [sflag:$0x3] =	stream.linear.gather [hbm4b:s28+s2], $0x80, $0x38;
	[tilespmem:$0x1EF00] =	vst v63  }
0x121: {  	_ =	swait.ge [sflag:s26], $0x80  }
0x122: {  	[sflag:s26] =	ssyncset.done $0x0  }
0x123: {  	[sflag:s26] =	ssyncadd.s32 $0xFFFFFF80  }
0x124: {  	_ =	swait.ge [sflag:s26], $0x80  }
0x125: {  	[sflag:s26] =	ssyncset.done $0x0  }
0x126: {  	[sflag:s26] =	ssyncadd.s32 $0xFFFFFF80  }
0x127: {  	[tilespmem:s29], [sflag:$0x5] =	stream.indirect.gather [spmem:s22], $0x80, s2, s21, $0xb8;
	[tilespmem:$0x1EF00] =	vst v63  }
0x128: {  	_ =	swait.ge [sflag:s6], $0x4000  }
0x129: {  	[sflag:s6] =	ssyncset.done $0x0  }
0x12a: {  	[sflag:s6] =	ssyncadd.s32 $0xFFFFC000  }
0x12b: {  	[spmem:s1] =	stream.indirect.scatter.add.f32 [tilespmem:s31], [sflag:$0x7], $0x80, s25, s21, $0xb8;
	[tilespmem:$0x1EF00] =	vst v63  }
0x12c: {  	_ =	swait.ge [sflag:s4], $0x4000  }
.Ltmp5:
0x12d: {  	[sflag:s4] =	ssyncset.done $0x0;
	(pc) =	sbr.rel .LBB2_5-.Ltmp5, $4  }
0x12e: {  	s9 =	sadd.s32 s10, s16;
	[sflag:s4] =	ssyncadd.s32 $0xFFFFC000  }
0x12f: {  	[tilespmem:s14], [sflag:$0x4] =	stream.linear.gather [hbm4b:s9+s2], $0x80, $0x38;
	[tilespmem:$0x1EF00] =	vst v63  }
0x130: {  	s28 =	sadd.s32 s10, s15;
	s10 =	sadd.s32 $0x40, s10  }
0x131: {  	[tilespmem:s25], [sflag:$0x4] =	stream.linear.gather [hbm4b:s28+s2], $0x80, $0x38;
	[tilespmem:$0x1EF00] =	vst v63  }
.LBB2_8:
0x132: {  	_ =	sfence.sel $0x180000  }
0x133: {  	[bflag:$0x0] =	sbarrier.arrive $0xFFFF  }
0x134: {  	_ =	strace $0x9000004A  }
0x135: {  	s0 =	stileid.u32;
	[bflag:$0x2] =	sbarrier.arrive $0xFFFF  }
0x136: {  	p0 =	sne.s32 s0, $0x0;
	s0 =	rddreg [dreg:$0x3]  }
0x137: {  	s0 =	sadd.s32 @!p0 $0x100000, s0  }
0x138: {  	[sflag:s0] =	ssyncadd.tile.s32 @!p0 $0x1;
	_ =	shalt  }
.Lfunc_end2:
_tile_overlayer_lowered:
.L_overlay_start_2:
0x139: {  	(tag) =	ssettag $0x2  }
0x13a: {  	s0 =	rddreg [dreg:$0x0];
	s2 =	stileid.u32  }
0x13b: {  	s1 =	rddreg [dreg:$0x1];
	p0 =	sne.s32 s2, $0x0  }
0x13c: {  	s3 =	rddreg [dreg:$0x2];
	[bflag:$0x3] =	sbarrier.arrive $0xFFFF;
	s2 =	simm.s32 @!p0 $0x1C07  }
0x13d: {  	[timem:s3], [sflag:s2] =	dma.local @!p0 [hbm:s0], s1  }
0x13e: {  	s0 =	simm.s32 @!p0 $0x7  }
0x13f: {  	_ =	swait.ge @!p0 [sflag:s0], s1  }
0x140: {  	s1 =	ssub.s32 @!p0 $0x0, s1;
	[sflag:s0] =	ssyncset.done @!p0 $0x0  }
0x141: {  	[sflag:s0] =	ssyncadd.s32 @!p0 s1  }
0x142: {  	[bflag:$0x3] =	sbarrier.arrive $0xFFFF  }
0x143: {  	_ =	shalt  }

// kernel: kernel.24.cloned.1.call-start
scs
__scs_entry_jumppad:
0x0: {  	(pc) =	sbr.rel $0x88, $3  }
0x1: {  	(tag) =	ssettag $0x0;
	lr =	simm.s32 $0x1  }
0x2: {  	[smem:$0x3F8F] =	sst lr;
	_ =	strace $0xD0000000  }
0x3: {  	_ = 	snop  }
0x4: {  	_ = 	snop  }
0x5: {  	_ = 	snop  }
0x6: {  	_ = 	snop  }
0x7: {  	_ = 	snop  }
__scs_overlays_trampoline_lowered:
0x8: {  	[smem:$0x3F9E] =	sst s0  }
0x9: {  	[smem:$0x3F9F] =	sst s1  }
0xa: {  	[smem:$0x3FA0] =	sst s2  }
0xb: {  	[smem:$0x3FA1] =	sst s3  }
0xc: {  	[smem:$0x3FA2] =	sst s4  }
0xd: {  	[smem:$0x3FA3] =	sst s5  }
0xe: {  	[smem:$0x3FA4] =	sst s6  }
0xf: {  	[smem:$0x3FA5] =	sst s7  }
0x10: {  	[smem:$0x3FA6] =	sst s8  }
0x11: {  	[smem:$0x3FA7] =	sst s9;
	s0 =	simm.s32 @!p0 $0x0  }
0x12: {  	s1 =	sld [smem:$0x3F8D];
	s0 =	simm.s32 @p0 $0x1  }
0x13: {  	[smem:$0x3FA8] =	sst s0;
	s0 =	simm.s32 @!p1 $0x0  }
0x14: {  	s2 =	sld [smem:$0x3F8C];
	s0 =	simm.s32 @p1 $0x1  }
0x15: {  	[smem:$0x3FA9] =	sst s0;
	s0 =	simm.s32 @!p2 $0x0  }
0x16: {  	s3 =	sld [smem:$0x3FDB];
	s0 =	simm.s32 @p2 $0x1  }
0x17: {  	s4 =	simm.s32 $0x1BF5;
	[smem:$0x3FAB] =	sst s0  }
0x18: {  	s0 =	sld [smem:$0x3F8E];
	_ =	swait.ge [sflag:s4], $0x0  }
0x19: {  	s7 =	sld [smem:$0x3F8F]  }
0x1a: {  	s8 =	sadd.s32 $0xFFFFE003, lr  }
0x1b: {  	s9 =	sadd.s32 $0xFFFFFEF7, lr;
	s5 =	simm.s32 $0xFFFFFFFF;
	p2 =	slt.u32 s8, $0xFFFFF086  }
0x1c: {  	p1 =	slt.u32 s9, $0xF7A;
	s5 =	simm.s32 @!p2 $0x0  }
0x1d: {  	s5 =	simm.s32 @p1 $0x1;
	p0 =	seq.s32 s7, s2  }
0x1e: {  	s7 =	smul.u32 @!p0 $0xF7A, s2;
	p2 =	seq.s32 @!p0 s5, $0x0  }
0x1f: {  	s9 =	smul.u32 $0xF7A, s1;
	s8 =	simm.s32 @!p0 $0x1BF5;
	p2 =	por !p2, p0  }
0x20: {  	[sflag:s8] =	ssyncset.s32 @!p0 $0xFFFFF086;
	s6 =	sadd.s32 @!p0 s3, s7;
	s7 =	simm.s32 @!p0 $0x108  }
0x21: {  	s3 =	sadd.s32 s3, s9;
	s6 =	sadd.s32 @!p0 $0x88, s6;
	s7 =	simm.s32 @p2 $0x1082  }
0x22: {  	[simem:s7], [sflag:s8] =	dma.local @!p0 [hbm:s6], $0xF7A  }
0x23: {  	s9 =	sor.u32 $0xD0000000, s2;
	s6 =	simm.s32 $0x108;
	_ =	swait.ge @!p0 [sflag:s8], $0x0  }
0x24: {  	s3 =	sadd.s32 $0x88, s3;
	s6 =	simm.s32 @!p1 $0x1082;
	[sflag:s4] =	ssyncset.s32 $0xFFFFF086  }
0x25: {  	[simem:s6], [sflag:s4] =	dma.local [hbm:s3], $0xF7A  }
0x26: {  	[smem:$0x3F8F] =	sst s1;
	(tag) =	ssettag s2;
	_ =	strace s9  }
0x27: {  	s1 =	sld [smem:$0x3F9F]  }
0x28: {  	s2 =	sld [smem:$0x3FA0]  }
0x29: {  	s4 =	sld [smem:$0x3FA2]  }
0x2a: {  	p0 =	seq.s32 s5, $0x0;
	s5 =	sld [smem:$0x3FA3]  }
0x2b: {  	s6 =	sld [smem:$0x3FA4]  }
0x2c: {  	s7 =	sld [smem:$0x3FA5]  }
0x2d: {  	s3 =	simm.s32 $0x108;
	s8 =	sld [smem:$0x3FA6]  }
0x2e: {  	s3 =	simm.s32 @!p0 $0x1082;
	s9 =	sld [smem:$0x3FA7]  }
0x2f: {  	lr =	sadd.s32 s0, s3;
	s0 =	sld [smem:$0x3F9E]  }
0x30: {  	s3 =	sld [smem:$0x3FA1]  }
0x31: {  	[smem:$0x3FAA] =	sst s10  }
0x32: {  	s10 =	sld [smem:$0x3FA8];
	_ =	sdelay $0x3  }
0x33: {  	p0 =	seq.s32 s10, $0x1;
	s10 =	sld [smem:$0x3FAA];
	_ =	sdelay $0x3  }
0x34: {  	[smem:$0x3FAA] =	sst s10  }
0x35: {  	s10 =	sld [smem:$0x3FA9];
	_ =	sdelay $0x3  }
0x36: {  	p1 =	seq.s32 s10, $0x1;
	s10 =	sld [smem:$0x3FAA];
	_ =	sdelay $0x3  }
0x37: {  	[smem:$0x3FAA] =	sst s10  }
0x38: {  	s10 =	sld [smem:$0x3FAB]  }
0x39: {  	_ = 	snop;
	(pc) =	sbr.ind lr, $3  }
0x3a: {  	_ = 	snop  }
0x3b: {  	_ = 	snop  }
0x3c: {  	p2 =	seq.s32 s10, $0x1;
	s10 =	sld [smem:$0x3FAA]  }
0x3d: {  	_ =	shalt  }
0x3e: {  	_ =	shalt  }
0x3f: {  	_ =	shalt  }
0x40: {  	_ =	shalt  }
0x41: {  	_ =	shalt  }
0x42: {  	_ =	shalt  }
0x43: {  	_ =	shalt  }
0x44: {  	_ =	shalt  }
0x45: {  	_ =	shalt  }
0x46: {  	_ =	shalt  }
0x47: {  	_ =	shalt  }
0x48: {  	_ =	shalt  }
0x49: {  	_ =	shalt  }
0x4a: {  	_ =	shalt  }
0x4b: {  	_ =	shalt  }
0x4c: {  	_ =	shalt  }
0x4d: {  	_ =	shalt  }
0x4e: {  	_ =	shalt  }
0x4f: {  	_ =	shalt  }
0x50: {  	_ =	shalt  }
0x51: {  	_ =	shalt  }
0x52: {  	_ =	shalt  }
0x53: {  	_ =	shalt  }
0x54: {  	_ =	shalt  }
0x55: {  	_ =	shalt  }
0x56: {  	_ =	shalt  }
0x57: {  	_ =	shalt  }
0x58: {  	_ =	shalt  }
0x59: {  	_ =	shalt  }
0x5a: {  	_ =	shalt  }
0x5b: {  	_ =	shalt  }
0x5c: {  	_ =	shalt  }
0x5d: {  	_ =	shalt  }
0x5e: {  	_ =	shalt  }
0x5f: {  	_ =	shalt  }
0x60: {  	_ =	shalt  }
0x61: {  	_ =	shalt  }
0x62: {  	_ =	shalt  }
0x63: {  	_ =	shalt  }
0x64: {  	_ =	shalt  }
0x65: {  	_ =	shalt  }
0x66: {  	_ =	shalt  }
0x67: {  	_ =	shalt  }
0x68: {  	_ =	shalt  }
0x69: {  	_ =	shalt  }
0x6a: {  	_ =	shalt  }
0x6b: {  	_ =	shalt  }
0x6c: {  	_ =	shalt  }
0x6d: {  	_ =	shalt  }
0x6e: {  	_ =	shalt  }
0x6f: {  	_ =	shalt  }
0x70: {  	_ =	shalt  }
0x71: {  	_ =	shalt  }
0x72: {  	_ =	shalt  }
0x73: {  	_ =	shalt  }
0x74: {  	_ =	shalt  }
0x75: {  	_ =	shalt  }
0x76: {  	_ =	shalt  }
0x77: {  	_ =	shalt  }
0x78: {  	_ =	shalt  }
0x79: {  	_ =	shalt  }
0x7a: {  	_ =	shalt  }
0x7b: {  	_ =	shalt  }
0x7c: {  	_ =	shalt  }
0x7d: {  	_ =	shalt  }
0x7e: {  	_ =	shalt  }
0x7f: {  	_ =	shalt  }
0x80: {  	_ =	shalt  }
0x81: {  	_ =	shalt  }
0x82: {  	_ =	shalt  }
0x83: {  	_ =	shalt  }
0x84: {  	_ =	shalt  }
0x85: {  	_ =	shalt  }
0x86: {  	_ =	shalt  }
0x87: {  	_ =	shalt  }
.Lfunc_end0:
.L_simem_size_0:
called_computation.2_lowered:
.L_overlay_start_0:
0x88: {  	s2 =	sld [smem:$0x3FD9]  }
0x89: {  	s3 =	sld [smem:$0x3FFE];
	_ =	sdelay $0x1  }
0x8a: {  	s1 =	srdreg.scid  }
0x8b: {  	s0 =	sand.u32 $0x1, s1  }
0x8c: {  	s16 =	sshll.u32 s0, $0xA;
	s2 =	sadd.s32 s3, s2  }
0x8d: {  	s2 =	sadd.s32 s2, s16  }
0x8e: {  	[smem:$0x3FB6] =	sst s2  }
0x8f: {  	_ = 	snop  }
0x90: {  	(tm) =	ssettm $0x1  }
0x91: {  	s17 =	sld [smem:$0x3FFB];
	_ =	sdelay $0x3  }
0x92: {  	_ =	strace s17  }
0x93: {  	s2 =	sld [smem:$0x3FFC];
	_ =	sdelay $0x3  }
0x94: {  	_ =	strace s2  }
0x95: {  	s2 =	sld [smem:$0x3FFD];
	_ =	sdelay $0x3  }
0x96: {  	_ =	strace s2  }
0x97: {  	_ =	strace $0x8FFFFFFF  }
0x98: {  	s18 =	sld [smem:$0x3FDB];
	_ =	sdelay $0x1  }
0x99: {  	s19 =	simm.s32 $_scs_section_size  }
0x9a: {  	s4 =	simm.s32 $_size__tile_overlayer_lowered;
	s5 =	simm.s32 $_tile_overlayer_lowered  }
0x9b: {  	s22 =	simm.s32 $0x1BFF;
	s21 =	sshll.u32 s5, $0x1;
	s2 =	sadd.s32 s19, s18  }
0x9c: {  	s6 =	simm.s32 $0x0;
	s20 =	sshll.u32 s4, $0x1;
	s4 =	sadd.s32 s21, s2  }
0x9d: {  	[timem:s6], [sflag:s22] =	dma.local [hbm:s4], s20  }
0x9e: {  	_ =	swait.ge [sflag:s22], s20  }
0x9f: {  	s3 =	ssub.s32 $0x0, s20;
	[sflag:s22] =	ssyncset.done $0x0  }
0xa0: {  	[sflag:s22] =	ssyncadd.s32 s3;
	_ =	sdelay $0x1  }
0xa1: {  	s23 =	simm.s32 $0x1B8B  }
0xa2: {  	_ =	swait.ge [sflag:s23], $0x1  }
0xa3: {  	[sflag:s23] =	ssyncset.done $0x0  }
0xa4: {  	s25 =	simm.s32 $0x1B8E;
	s24 =	sld [smem:$0x3FFE];
	[sflag:s23] =	ssyncadd.s32 $0xFFFFFFFF  }
0xa5: {  	s26 =	simm.s32 $execute0_lowered;
	[smem:$0x3FD2] =	sst s25  }
0xa6: {  	s4 =	sshll.u32 s26, $0x1;
	_ =	strace $0x8000004C;
	[dreg:$0x1] =	wrdreg $0xFFFFFFFF  }
0xa7: {  	s28 =	simm.s32 $_size_execute0_lowered;
	s2 =	sadd.s32 s2, s4;
	[dreg:$0x0] =	wrdreg $0x0  }
0xa8: {  	s4 =	sshll.u32 s28, $0x1;
	[dreg:$0x2] =	wrdreg s2  }
0xa9: {  	[dreg:$0x3] =	wrdreg s4  }
0xaa: {  	[dreg:$0x4] =	wrdreg $0xC0  }
0xab: {  	_ =	task [dreg:s6], $0x5FFFF  }
0xac: {  	[dreg:$0x1] =	wrdreg $0xFFFFFFFF  }
0xad: {  	[dreg:$0x0] =	wrdreg $0x60  }
0xae: {  	[dreg:$0x2] =	wrdreg s24  }
0xaf: {  	[dreg:$0x3] =	wrdreg $0xA8000  }
0xb0: {  	[dreg:$0x4] =	wrdreg $0x9  }
0xb1: {  	_ =	task.clear_ibuf [dreg:s6], $0x5FFFF;
	_ =	strace $0x9000004C  }
0xb2: {  	s29 =	simm.s32 $0x9;
	_ =	strace $0x8000004E  }
0xb3: {  	_ =	swait.ge [sflag:s29], $0x1  }
0xb4: {  	[sflag:s29] =	ssyncadd.s32 $0xFFFFFFFF  }
0xb5: {  	_ =	strace $0x9000004E  }
0xb6: {  	_ =	sfence  }
0xb7: {  	s30 =	sld [smem:$0x0];
	_ =	sdelay $0x2  }
0xb8: {  	s31 =	sshll.u32 s1, $0xD;
	s1 =	sshrl.u32 s1, $0x2  }
0xb9: {  	s3 =	sand.u32 $0x4000, s31;
	s1 =	sadd.s32 s1, s30  }
0xba: {  	s0 =	sor.u32 s3, s0;
	s1 =	sshll.u32 s1, $0x11  }
0xbb: {  	s0 =	sor.u32 s1, s0  }
0xbc: {  	s0 =	sadd.s32 $0x8F2B, s0  }
0xbd: {  	[sflag:s0] =	ssyncadd.remote.s32 $0x1  }
0xbe: {  	_ =	sfence.sel $0xFFFF  }
0xbf: {  	[dreg:$0x0] =	wrdreg $0xFFFFFFFF;
	(pc) =	sbr.abs _section_cstart, $3  }
0xc0: {  	[dreg:$0x1] =	wrdreg $0xFFFFFFFF  }
0xc1: {  	_ =	task.clear_ibuf [dreg:s6], $0x2FFFF;
	_ =	strace $0x9FFFFFFF  }
0xc2: {  	(tm) =	ssettm $0x7FFFFFFF  }
0xc3: {  	_ =	shalt  }
tec
execute0_lowered:
.L_overlay_start_1:
0x0: {  	(tag) =	ssettag $0x1  }
0x1: {  	s0 =	srdreg.scid;
	s4 =	rddreg [dreg:$0x0]  }
0x2: {  	s1 =	rddreg [dreg:$0x1];
	s9 =	stileid.u32  }
0x3: {  	s2 =	simm.s32 $0x0;
	s15 =	simm.s32 $0x1;
	s16 =	simm.s32 $0x2  }
0x4: {  	s5 =	sand.u32 $0x1, s0;
	s0 =	rddreg [dreg:$0x2];
	s24 =	smul.u32 $0x28000, s9  }
0x5: {  	s17 =	simm.s32 $0x0;
	[smem:$0x7FF] =	sst s2;
	s14 =	smul.u32 $0x140000, s9  }
0x6: {  	s13 =	sadd.s32 $0xBDC00, s4;
	s3 =	sshll.u32 s5, $0x4;
	s12 =	smul.u32 $0x280000, s5  }
0x7: {  	p0 =	sne.s32 s9, $0x0;
	s26 =	smul.u32 $0x1400000, s5;
	s6 =	sor.u32 s9, s3  }
0x8: {  	_ =	strace $0x8000004D;
	s10 =	ssub.s32 $0x2, s5;
	s7 =	smul.u32 $0x500, s6  }
0x9: {  	s3 =	sadd.s32 $0x96A00, s4;
	s23 =	sshrl.u32 s10, $0x1;
	s8 =	smul.u32 $0x140000, s6  }
0xa: {  	s11 =	smul.u32 $0x28000, s6;
	s29 =	sadd.s32 s12, s13;
	s30 =	sadd.s32 s14, s26  }
0xb: {  	s12 =	simm.s32 $0x80;
	s14 =	simm.s32 $0x6800;
	s31 =	sshrl.u32 s30, $0x3  }
0xc: {  	s22 =	sadd.s32 s7, s4;
	s7 =	ssub.s32 s10, s23;
	s25 =	sshrl.u32 s8, $0x3  }
0xd: {  	s28 =	sadd.s32 s11, s13;
	s10 =	sadd.s32 s24, s29;
	s9 =	sadd.s32 s31, s13  }
0xe: {  	s11 =	sshrl.u32 @!p0 s1, $0x3;
	s4 =	sadd.s32 $0x1D400, s22;
	s5 =	smax.u32 s7, $0x1  }
0xf: {  	s6 =	sadd.s32 s13, s25;
	s7 =	sadd.s32 $0x27800, s28;
	s8 =	sadd.s32 $0x800, s10  }
0x10: {  	s10 =	simm.s32 $0x3;
	s13 =	simm.s32 $0x2800;
	s6 =	sadd.s32 $0x27000, s6  }
.LBB2_1:
0x11: {  	[tilespmem:s2], [sflag:$0x3] =	stream.linear.gather [hbm4b:s4+s2], $0x2800, $0x38;
	[tilespmem:$0x1E080] =	vst v63  }
0x12: {  	_ =	swait.ge [sflag:s10], $0x2800  }
0x13: {  	[sflag:s10] =	ssyncset.done $0x0  }
0x14: {  	s18 =	simm.s32 @!p0 $0x1C03;
	[sflag:s10] =	ssyncadd.s32 $0xFFFFD800  }
0x15: {  	[spmem:s11], [sflag:s18] =	dma.local @!p0 [hbm:s3], $0x27100  }
0x16: {  	s18 =	simm.s32 @!p0 $0x3  }
0x17: {  	_ =	swait.ge @!p0 [sflag:s18], $0x27100  }
0x18: {  	[sflag:s18] =	ssyncset.done @!p0 $0x0  }
0x19: {  	[sflag:s18] =	ssyncadd.s32 @!p0 $0xFFFD8F00  }
0x1a: {  	[bflag:$0x0] =	sbarrier.arrive $0xFFFF  }
0x1b: {  	[tilespmem:s13], [sflag:$0x1] =	stream.indirect.gather [spmem:s1], $0x80, s2, s12, $0xb8;
	[tilespmem:$0x1E080] =	vst v63  }
0x1c: {  	_ = 	snop  }
0x1d: {  	[tilespmem:s14], [sflag:$0x2] =	stream.indirect.gather [spmem:s1], $0x80, s12, s12, $0xb8;
	[tilespmem:$0x1E080] =	vst v63  }
0x1e: {  	_ =	swait.ge [sflag:s15], $0x4000  }
0x1f: {  	[sflag:s15] =	ssyncset.done $0x0  }
0x20: {  	s29 =	sadd.s32 $0x0, s9;
	[sflag:s15] =	ssyncadd.s32 $0xFFFFC000  }
0x21: {  	[hbm4b:s29+s2] =	stream.linear.scatter [tilespmem:s13], [sflag:$0x3], $0x4000, $0x38;
	[tilespmem:$0x1E080] =	vst v63  }
0x22: {  	_ =	swait.ge [sflag:s10], $0x4000  }
0x23: {  	[sflag:s10] =	ssyncset.done $0x0  }
0x24: {  	s30 =	simm.s32 $0x100;
	[sflag:s10] =	ssyncadd.s32 $0xFFFFC000  }
0x25: {  	[tilespmem:s13], [sflag:$0x1] =	stream.indirect.gather [spmem:s1], $0x80, s30, s12, $0xb8;
	[tilespmem:$0x1E080] =	vst v63  }
0x26: {  	_ =	swait.ge [sflag:s16], $0x4000  }
0x27: {  	[sflag:s16] =	ssyncset.done $0x0  }
0x28: {  	s31 =	sadd.s32 $0x0, s8;
	[sflag:s16] =	ssyncadd.s32 $0xFFFFC000  }
0x29: {  	[hbm4b:s31+s2] =	stream.linear.scatter [tilespmem:s14], [sflag:$0x3], $0x4000, $0x38;
	[tilespmem:$0x1E080] =	vst v63  }
0x2a: {  	_ =	swait.ge [sflag:s10], $0x4000  }
0x2b: {  	s19 =	simm.s32 $0x1000;
	[sflag:s10] =	ssyncset.done $0x0  }
0x2c: {  	s20 =	simm.s32 $0x280;
	s18 =	simm.s32 $0x180;
	[sflag:s10] =	ssyncadd.s32 $0xFFFFC000  }
.LBB2_2:
0x2d: {  	[tilespmem:s14], [sflag:$0x2] =	stream.indirect.gather [spmem:s1], $0x80, s18, s12, $0xb8;
	[tilespmem:$0x1E080] =	vst v63  }
0x2e: {  	s21 =	smov.u32 s19;
	s18 =	smov.u32 s20  }
0x2f: {  	p1 =	sne.s32 s19, $0x26000;
	s19 =	sadd.s32 $0x1000, s19;
	_ =	swait.ge [sflag:s15], $0x4000  }
0x30: {  	[sflag:s15] =	ssyncset.done $0x0  }
0x31: {  	s22 =	sadd.s32 s21, s9;
	[sflag:s15] =	ssyncadd.s32 $0xFFFFC000  }
0x32: {  	[hbm4b:s22+s2] =	stream.linear.scatter [tilespmem:s13], [sflag:$0x3], $0x4000, $0x38;
	[tilespmem:$0x1E080] =	vst v63  }
0x33: {  	_ =	swait.ge [sflag:s10], $0x4000  }
0x34: {  	[sflag:s10] =	ssyncset.done $0x0  }
0x35: {  	s22 =	sadd.s32 $0xFFFFFF80, s20;
	[sflag:s10] =	ssyncadd.s32 $0xFFFFC000  }
0x36: {  	[tilespmem:s13], [sflag:$0x1] =	stream.indirect.gather [spmem:s1], $0x80, s22, s12, $0xb8;
	[tilespmem:$0x1E080] =	vst v63  }
0x37: {  	_ =	swait.ge [sflag:s16], $0x4000  }
0x38: {  	[sflag:s16] =	ssyncset.done $0x0  }
.Ltmp0:
0x39: {  	s21 =	sadd.s32 s21, s8;
	[sflag:s16] =	ssyncadd.s32 $0xFFFFC000;
	(pc) =	sbr.rel @p1 .LBB2_2-.Ltmp0, $4  }
0x3a: {  	[hbm4b:s21+s2] =	stream.linear.scatter [tilespmem:s14], [sflag:$0x3], $0x4000, $0x38;
	[tilespmem:$0x1E080] =	vst v63  }
0x3b: {  	_ =	swait.ge [sflag:s10], $0x4000  }
0x3c: {  	[sflag:s10] =	ssyncset.done $0x0  }
0x3d: {  	s20 =	sadd.s32 $0x100, s20;
	[sflag:s10] =	ssyncadd.s32 $0xFFFFC000  }
0x3e: {  	[tilespmem:s14], [sflag:$0x2] =	stream.indirect.gather [spmem:s1], $0x80, s18, s12, $0xb8;
	[tilespmem:$0x1E080] =	vst v63  }
0x3f: {  	_ =	swait.ge [sflag:s15], $0x4000  }
0x40: {  	[sflag:s15] =	ssyncset.done $0x0  }
0x41: {  	[sflag:s15] =	ssyncadd.s32 $0xFFFFC000  }
0x42: {  	[hbm4b:s6+s2] =	stream.linear.scatter [tilespmem:s13], [sflag:$0x3], $0x4000, $0x38;
	[tilespmem:$0x1E080] =	vst v63  }
0x43: {  	_ =	swait.ge [sflag:s10], $0x4000  }
0x44: {  	[sflag:s10] =	ssyncset.done $0x0  }
0x45: {  	[sflag:s10] =	ssyncadd.s32 $0xFFFFC000  }
0x46: {  	s17 =	sadd.s32 $0x1, s17;
	_ =	swait.ge [sflag:s16], $0x4000  }
0x47: {  	p1 =	sne.s32 s17, s5;
	[sflag:s16] =	ssyncset.done $0x0  }
.Ltmp1:
0x48: {  	[sflag:s16] =	ssyncadd.s32 $0xFFFFC000;
	(pc) =	sbr.rel @p1 .LBB2_1-.Ltmp1, $4  }
0x49: {  	[hbm4b:s7+s2] =	stream.linear.scatter [tilespmem:s14], [sflag:$0x3], $0x4000, $0x38;
	[tilespmem:$0x1E080] =	vst v63  }
0x4a: {  	_ =	swait.ge [sflag:s10], $0x4000  }
0x4b: {  	[sflag:s10] =	ssyncset.done $0x0  }
0x4c: {  	[sflag:s10] =	ssyncadd.s32 $0xFFFFC000  }
0x4d: {  	_ =	sfence.sel $0x180000  }
0x4e: {  	[bflag:$0x0] =	sbarrier.arrive $0xFFFF  }
0x4f: {  	_ =	strace $0x9000004D  }
0x50: {  	s0 =	sadd.s32 @!p0 $0x100000, s0;
	[bflag:$0x2] =	sbarrier.arrive $0xFFFF  }
0x51: {  	[sflag:s0] =	ssyncadd.tile.s32 @!p0 $0x1;
	_ =	shalt  }
.Lfunc_end2:
_tile_overlayer_lowered:
.L_overlay_start_2:
0x52: {  	(tag) =	ssettag $0x2  }
0x53: {  	s0 =	rddreg [dreg:$0x0];
	s2 =	stileid.u32  }
0x54: {  	s1 =	rddreg [dreg:$0x1];
	p0 =	sne.s32 s2, $0x0  }
0x55: {  	s3 =	rddreg [dreg:$0x2];
	[bflag:$0x3] =	sbarrier.arrive $0xFFFF;
	s2 =	simm.s32 @!p0 $0x1C03  }
0x56: {  	[timem:s3], [sflag:s2] =	dma.local @!p0 [hbm:s0], s1  }
0x57: {  	s0 =	simm.s32 @!p0 $0x3  }
0x58: {  	_ =	swait.ge @!p0 [sflag:s0], s1  }
0x59: {  	s1 =	ssub.s32 @!p0 $0x0, s1;
	[sflag:s0] =	ssyncset.done @!p0 $0x0  }
0x5a: {  	[sflag:s0] =	ssyncadd.s32 @!p0 s1  }
0x5b: {  	[bflag:$0x3] =	sbarrier.arrive $0xFFFF  }
0x5c: {  	_ =	shalt  }

// kernel: kernel.27.cloned.1.call-start
scs
__scs_entry_jumppad:
0x0: {  	(pc) =	sbr.rel $0x88, $3  }
0x1: {  	(tag) =	ssettag $0x0;
	lr =	simm.s32 $0x1  }
0x2: {  	[smem:$0x3F8F] =	sst lr;
	_ =	strace $0xD0000000  }
0x3: {  	_ = 	snop  }
0x4: {  	_ = 	snop  }
0x5: {  	_ = 	snop  }
0x6: {  	_ = 	snop  }
0x7: {  	_ = 	snop  }
__scs_overlays_trampoline_lowered:
0x8: {  	[smem:$0x3F9E] =	sst s0  }
0x9: {  	[smem:$0x3F9F] =	sst s1  }
0xa: {  	[smem:$0x3FA0] =	sst s2  }
0xb: {  	[smem:$0x3FA1] =	sst s3  }
0xc: {  	[smem:$0x3FA2] =	sst s4  }
0xd: {  	[smem:$0x3FA3] =	sst s5  }
0xe: {  	[smem:$0x3FA4] =	sst s6  }
0xf: {  	[smem:$0x3FA5] =	sst s7  }
0x10: {  	[smem:$0x3FA6] =	sst s8  }
0x11: {  	[smem:$0x3FA7] =	sst s9;
	s0 =	simm.s32 @!p0 $0x0  }
0x12: {  	s1 =	sld [smem:$0x3F8D];
	s0 =	simm.s32 @p0 $0x1  }
0x13: {  	[smem:$0x3FA8] =	sst s0;
	s0 =	simm.s32 @!p1 $0x0  }
0x14: {  	s2 =	sld [smem:$0x3F8C];
	s0 =	simm.s32 @p1 $0x1  }
0x15: {  	[smem:$0x3FA9] =	sst s0;
	s0 =	simm.s32 @!p2 $0x0  }
0x16: {  	s3 =	sld [smem:$0x3FDB];
	s0 =	simm.s32 @p2 $0x1  }
0x17: {  	s4 =	simm.s32 $0x1BF5;
	[smem:$0x3FAB] =	sst s0  }
0x18: {  	s0 =	sld [smem:$0x3F8E];
	_ =	swait.ge [sflag:s4], $0x0  }
0x19: {  	s7 =	sld [smem:$0x3F8F]  }
0x1a: {  	s8 =	sadd.s32 $0xFFFFE003, lr  }
0x1b: {  	s9 =	sadd.s32 $0xFFFFFEF7, lr;
	s5 =	simm.s32 $0xFFFFFFFF;
	p2 =	slt.u32 s8, $0xFFFFF086  }
0x1c: {  	p1 =	slt.u32 s9, $0xF7A;
	s5 =	simm.s32 @!p2 $0x0  }
0x1d: {  	s5 =	simm.s32 @p1 $0x1;
	p0 =	seq.s32 s7, s2  }
0x1e: {  	s7 =	smul.u32 @!p0 $0xF7A, s2;
	p2 =	seq.s32 @!p0 s5, $0x0  }
0x1f: {  	s9 =	smul.u32 $0xF7A, s1;
	s8 =	simm.s32 @!p0 $0x1BF5;
	p2 =	por !p2, p0  }
0x20: {  	[sflag:s8] =	ssyncset.s32 @!p0 $0xFFFFF086;
	s6 =	sadd.s32 @!p0 s3, s7;
	s7 =	simm.s32 @!p0 $0x108  }
0x21: {  	s3 =	sadd.s32 s3, s9;
	s6 =	sadd.s32 @!p0 $0x88, s6;
	s7 =	simm.s32 @p2 $0x1082  }
0x22: {  	[simem:s7], [sflag:s8] =	dma.local @!p0 [hbm:s6], $0xF7A  }
0x23: {  	s9 =	sor.u32 $0xD0000000, s2;
	s6 =	simm.s32 $0x108;
	_ =	swait.ge @!p0 [sflag:s8], $0x0  }
0x24: {  	s3 =	sadd.s32 $0x88, s3;
	s6 =	simm.s32 @!p1 $0x1082;
	[sflag:s4] =	ssyncset.s32 $0xFFFFF086  }
0x25: {  	[simem:s6], [sflag:s4] =	dma.local [hbm:s3], $0xF7A  }
0x26: {  	[smem:$0x3F8F] =	sst s1;
	(tag) =	ssettag s2;
	_ =	strace s9  }
0x27: {  	s1 =	sld [smem:$0x3F9F]  }
0x28: {  	s2 =	sld [smem:$0x3FA0]  }
0x29: {  	s4 =	sld [smem:$0x3FA2]  }
0x2a: {  	p0 =	seq.s32 s5, $0x0;
	s5 =	sld [smem:$0x3FA3]  }
0x2b: {  	s6 =	sld [smem:$0x3FA4]  }
0x2c: {  	s7 =	sld [smem:$0x3FA5]  }
0x2d: {  	s3 =	simm.s32 $0x108;
	s8 =	sld [smem:$0x3FA6]  }
0x2e: {  	s3 =	simm.s32 @!p0 $0x1082;
	s9 =	sld [smem:$0x3FA7]  }
0x2f: {  	lr =	sadd.s32 s0, s3;
	s0 =	sld [smem:$0x3F9E]  }
0x30: {  	s3 =	sld [smem:$0x3FA1]  }
0x31: {  	[smem:$0x3FAA] =	sst s10  }
0x32: {  	s10 =	sld [smem:$0x3FA8];
	_ =	sdelay $0x3  }
0x33: {  	p0 =	seq.s32 s10, $0x1;
	s10 =	sld [smem:$0x3FAA];
	_ =	sdelay $0x3  }
0x34: {  	[smem:$0x3FAA] =	sst s10  }
0x35: {  	s10 =	sld [smem:$0x3FA9];
	_ =	sdelay $0x3  }
0x36: {  	p1 =	seq.s32 s10, $0x1;
	s10 =	sld [smem:$0x3FAA];
	_ =	sdelay $0x3  }
0x37: {  	[smem:$0x3FAA] =	sst s10  }
0x38: {  	s10 =	sld [smem:$0x3FAB]  }
0x39: {  	_ = 	snop;
	(pc) =	sbr.ind lr, $3  }
0x3a: {  	_ = 	snop  }
0x3b: {  	_ = 	snop  }
0x3c: {  	p2 =	seq.s32 s10, $0x1;
	s10 =	sld [smem:$0x3FAA]  }
0x3d: {  	_ =	shalt  }
0x3e: {  	_ =	shalt  }
0x3f: {  	_ =	shalt  }
0x40: {  	_ =	shalt  }
0x41: {  	_ =	shalt  }
0x42: {  	_ =	shalt  }
0x43: {  	_ =	shalt  }
0x44: {  	_ =	shalt  }
0x45: {  	_ =	shalt  }
0x46: {  	_ =	shalt  }
0x47: {  	_ =	shalt  }
0x48: {  	_ =	shalt  }
0x49: {  	_ =	shalt  }
0x4a: {  	_ =	shalt  }
0x4b: {  	_ =	shalt  }
0x4c: {  	_ =	shalt  }
0x4d: {  	_ =	shalt  }
0x4e: {  	_ =	shalt  }
0x4f: {  	_ =	shalt  }
0x50: {  	_ =	shalt  }
0x51: {  	_ =	shalt  }
0x52: {  	_ =	shalt  }
0x53: {  	_ =	shalt  }
0x54: {  	_ =	shalt  }
0x55: {  	_ =	shalt  }
0x56: {  	_ =	shalt  }
0x57: {  	_ =	shalt  }
0x58: {  	_ =	shalt  }
0x59: {  	_ =	shalt  }
0x5a: {  	_ =	shalt  }
0x5b: {  	_ =	shalt  }
0x5c: {  	_ =	shalt  }
0x5d: {  	_ =	shalt  }
0x5e: {  	_ =	shalt  }
0x5f: {  	_ =	shalt  }
0x60: {  	_ =	shalt  }
0x61: {  	_ =	shalt  }
0x62: {  	_ =	shalt  }
0x63: {  	_ =	shalt  }
0x64: {  	_ =	shalt  }
0x65: {  	_ =	shalt  }
0x66: {  	_ =	shalt  }
0x67: {  	_ =	shalt  }
0x68: {  	_ =	shalt  }
0x69: {  	_ =	shalt  }
0x6a: {  	_ =	shalt  }
0x6b: {  	_ =	shalt  }
0x6c: {  	_ =	shalt  }
0x6d: {  	_ =	shalt  }
0x6e: {  	_ =	shalt  }
0x6f: {  	_ =	shalt  }
0x70: {  	_ =	shalt  }
0x71: {  	_ =	shalt  }
0x72: {  	_ =	shalt  }
0x73: {  	_ =	shalt  }
0x74: {  	_ =	shalt  }
0x75: {  	_ =	shalt  }
0x76: {  	_ =	shalt  }
0x77: {  	_ =	shalt  }
0x78: {  	_ =	shalt  }
0x79: {  	_ =	shalt  }
0x7a: {  	_ =	shalt  }
0x7b: {  	_ =	shalt  }
0x7c: {  	_ =	shalt  }
0x7d: {  	_ =	shalt  }
0x7e: {  	_ =	shalt  }
0x7f: {  	_ =	shalt  }
0x80: {  	_ =	shalt  }
0x81: {  	_ =	shalt  }
0x82: {  	_ =	shalt  }
0x83: {  	_ =	shalt  }
0x84: {  	_ =	shalt  }
0x85: {  	_ =	shalt  }
0x86: {  	_ =	shalt  }
0x87: {  	_ =	shalt  }
.Lfunc_end0:
.L_simem_size_0:
called_computation.3_lowered:
.L_overlay_start_0:
0x88: {  	s2 =	sld [smem:$0x3FD9]  }
0x89: {  	s3 =	sld [smem:$0x3FFE];
	_ =	sdelay $0x1  }
0x8a: {  	s1 =	srdreg.scid  }
0x8b: {  	s0 =	sand.u32 $0x1, s1  }
0x8c: {  	s16 =	sshll.u32 s0, $0xA;
	s2 =	sadd.s32 s3, s2  }
0x8d: {  	s2 =	sadd.s32 s2, s16  }
0x8e: {  	[smem:$0x3FB6] =	sst s2  }
0x8f: {  	_ = 	snop  }
0x90: {  	(tm) =	ssettm $0x1  }
0x91: {  	s17 =	sld [smem:$0x3FFB];
	_ =	sdelay $0x3  }
0x92: {  	_ =	strace s17  }
0x93: {  	s2 =	sld [smem:$0x3FFC];
	_ =	sdelay $0x3  }
0x94: {  	_ =	strace s2  }
0x95: {  	s2 =	sld [smem:$0x3FFD];
	_ =	sdelay $0x3  }
0x96: {  	_ =	strace s2  }
0x97: {  	_ =	strace $0x8FFFFFFF  }
0x98: {  	s18 =	sld [smem:$0x3FDB];
	_ =	sdelay $0x1  }
0x99: {  	s19 =	simm.s32 $_scs_section_size  }
0x9a: {  	s4 =	simm.s32 $_size__tile_overlayer_lowered;
	s5 =	simm.s32 $_tile_overlayer_lowered  }
0x9b: {  	s22 =	simm.s32 $0x1BFF;
	s21 =	sshll.u32 s5, $0x1;
	s2 =	sadd.s32 s19, s18  }
0x9c: {  	s6 =	simm.s32 $0x0;
	s20 =	sshll.u32 s4, $0x1;
	s4 =	sadd.s32 s21, s2  }
0x9d: {  	[timem:s6], [sflag:s22] =	dma.local [hbm:s4], s20  }
0x9e: {  	_ =	swait.ge [sflag:s22], s20  }
0x9f: {  	s3 =	ssub.s32 $0x0, s20;
	[sflag:s22] =	ssyncset.done $0x0  }
0xa0: {  	[sflag:s22] =	ssyncadd.s32 s3;
	_ =	sdelay $0x1  }
0xa1: {  	s23 =	simm.s32 $0x1B8B  }
0xa2: {  	_ =	swait.ge [sflag:s23], $0x1  }
0xa3: {  	[sflag:s23] =	ssyncset.done $0x0  }
0xa4: {  	s25 =	simm.s32 $0x1B8E;
	s24 =	sld [smem:$0x3FFE];
	[sflag:s23] =	ssyncadd.s32 $0xFFFFFFFF  }
0xa5: {  	s26 =	simm.s32 $execute0_lowered;
	[smem:$0x3FD2] =	sst s25  }
0xa6: {  	s4 =	sshll.u32 s26, $0x1;
	_ =	strace $0x8000004F;
	[dreg:$0x1] =	wrdreg $0xFFFFFFFF  }
0xa7: {  	s28 =	simm.s32 $_size_execute0_lowered;
	s2 =	sadd.s32 s2, s4;
	[dreg:$0x0] =	wrdreg $0x0  }
0xa8: {  	s4 =	sshll.u32 s28, $0x1;
	[dreg:$0x2] =	wrdreg s2  }
0xa9: {  	[dreg:$0x3] =	wrdreg s4  }
0xaa: {  	[dreg:$0x4] =	wrdreg $0xC0  }
0xab: {  	_ =	task [dreg:s6], $0x5FFFF  }
0xac: {  	[dreg:$0x1] =	wrdreg $0xFFFFFFFF  }
0xad: {  	[dreg:$0x0] =	wrdreg $0x60  }
0xae: {  	[dreg:$0x2] =	wrdreg s24  }
0xaf: {  	[dreg:$0x3] =	wrdreg $0xA8000  }
0xb0: {  	[dreg:$0x4] =	wrdreg $0x9  }
0xb1: {  	_ =	task.clear_ibuf [dreg:s6], $0x5FFFF;
	_ =	strace $0x9000004F  }
0xb2: {  	s29 =	simm.s32 $0x9;
	_ =	strace $0x80000051  }
0xb3: {  	_ =	swait.ge [sflag:s29], $0x1  }
0xb4: {  	[sflag:s29] =	ssyncadd.s32 $0xFFFFFFFF  }
0xb5: {  	_ =	strace $0x90000051  }
0xb6: {  	_ =	sfence  }
0xb7: {  	s30 =	sld [smem:$0x0];
	_ =	sdelay $0x2  }
0xb8: {  	s31 =	sshll.u32 s1, $0xD;
	s1 =	sshrl.u32 s1, $0x2  }
0xb9: {  	s3 =	sand.u32 $0x4000, s31;
	s1 =	sadd.s32 s1, s30  }
0xba: {  	s0 =	sor.u32 s3, s0;
	s1 =	sshll.u32 s1, $0x11  }
0xbb: {  	s0 =	sor.u32 s1, s0  }
0xbc: {  	s0 =	sadd.s32 $0x8F2B, s0  }
0xbd: {  	[sflag:s0] =	ssyncadd.remote.s32 $0x1  }
0xbe: {  	_ =	sfence.sel $0xFFFF  }
0xbf: {  	[dreg:$0x0] =	wrdreg $0xFFFFFFFF;
	(pc) =	sbr.abs _section_cstart, $3  }
0xc0: {  	[dreg:$0x1] =	wrdreg $0xFFFFFFFF  }
0xc1: {  	_ =	task.clear_ibuf [dreg:s6], $0x2FFFF;
	_ =	strace $0x9FFFFFFF  }
0xc2: {  	(tm) =	ssettm $0x7FFFFFFF  }
0xc3: {  	_ =	shalt  }
tec
execute0_lowered:
.L_overlay_start_1:
0x0: {  	(tag) =	ssettag $0x1  }
0x1: {  	s0 =	srdreg.scid;
	s2 =	rddreg [dreg:$0x0]  }
0x2: {  	s1 =	rddreg [dreg:$0x1];
	s25 =	stileid.u32  }
0x3: {  	s3 =	simm.s32 $0x0;
	s28 =	simm.s32 $0x2700;
	s29 =	simm.s32 $0x2780  }
0x4: {  	s30 =	simm.s32 $0x0;
	s0 =	sand.u32 $0x1, s0;
	s13 =	smul.u32 $0x13800, s25  }
0x5: {  	[smem:$0x7FF] =	sst s3;
	s6 =	sadd.s32 $0xABDC00, s2;
	s24 =	smul.u32 $0x4E000, s25  }
0x6: {  	s7 =	sadd.s32 $0xFBDC00, s2;
	s10 =	sadd.s32 $0xBDC00, s2;
	s17 =	smul.u32 $0x140000, s25  }
0x7: {  	p0 =	sne.s32 s25, $0x0;
	p1 =	sne.s32 s25, $0xF;
	s4 =	sshll.u32 s0, $0x4  }
0x8: {  	_ =	strace $0x80000050;
	s8 =	ssub.s32 $0x2, s0;
	s9 =	smul.u32 $0x138800, s0  }
0x9: {  	s0 =	smul.u32 $0x1400000, s0;
	p2 =	sne.s32 @p1 s25, $0x0;
	s4 =	sor.u32 s25, s4  }
0xa: {  	s11 =	sshrl.u32 s8, $0x1;
	s25 =	simm.s32 $0x80;
	s5 =	smul.u32 $0x500, s4  }
0xb: {  	p2 =	por p2, !p1;
	s12 =	smul.u32 $0x28000, s4;
	s4 =	sadd.s32 $0x48600, s2  }
0xc: {  	s16 =	ssub.s32 s8, s11;
	s22 =	sadd.s32 s13, s9;
	s9 =	sshrl.u32 s9, $0x3  }
0xd: {  	s11 =	sshrl.u32 s24, $0x2;
	s0 =	sadd.s32 s17, s0;
	s24 =	simm.s32 $0x1  }
0xe: {  	s14 =	sshrl.u32 s22, $0x3;
	s15 =	sadd.s32 $0x27000, s9;
	s9 =	sadd.s32 s11, s1  }
0xf: {  	s11 =	sadd.s32 $0x138000, s1;
	s26 =	sor.u32 $0xC000, s0;
	s0 =	sor.u32 $0x8000, s0  }
0x10: {  	s16 =	smax.u32 s16, $0x1;
	s22 =	simm.s32 $0x2800;
	s5 =	sadd.s32 s5, s2  }
0x11: {  	s2 =	sadd.s32 $0x10BE00, s2;
	s20 =	sadd.s32 s6, s12;
	s21 =	sor.u32 $0x800, s12  }
0x12: {  	s8 =	sadd.s32 s10, s14;
	s10 =	sadd.s32 s10, s15;
	s12 =	sadd.s32 s7, s12  }
0x13: {  	s31 =	sshrl.u32 s26, $0x3;
	s0 =	sshrl.u32 s0, $0x3;
	s26 =	simm.s32 $0x2  }
0x14: {  	s5 =	sadd.s32 $0x31400, s5;
	[dreg:$0x4] =	wrdreg s20;
	s23 =	sadd.s32 s6, s21  }
0x15: {  	[dreg:$0x6] =	wrdreg s8;
	s13 =	sadd.s32 s7, s21;
	s14 =	sadd.s32 s2, s14  }
0x16: {  	s15 =	sadd.s32 s2, s15;
	s17 =	sadd.s32 s31, s6;
	s18 =	sadd.s32 s0, s6  }
0x17: {  	s19 =	sadd.s32 s31, s7;
	s20 =	sadd.s32 s0, s7;
	[dreg:$0x3] =	wrdreg s5  }
0x18: {  	s21 =	simm.s32 $0x3;
	[dreg:$0x5] =	wrdreg s23;
	s23 =	simm.s32 $0x6800  }
.LBB2_1:
0x19: {  	s0 =	rddreg [dreg:$0x3]  }
0x1a: {  	[tilespmem:s3], [sflag:$0x3] =	stream.linear.gather [hbm4b:s0+s3], $0x2800, $0x38;
	[tilespmem:$0x1E100] =	vst v63  }
0x1b: {  	_ =	swait.ge [sflag:s21], $0x2800  }
0x1c: {  	[sflag:s21] =	ssyncset.done $0x0  }
0x1d: {  	s2 =	simm.s32 @!p0 $0x1C03;
	s0 =	sshrl.u32 @!p0 s1, $0x3;
	[sflag:s21] =	ssyncadd.s32 $0xFFFFD800  }
0x1e: {  	[spmem:s0], [sflag:s2] =	dma.local @!p0 [hbm:s4], $0x27200  }
0x1f: {  	s0 =	simm.s32 @!p0 $0x3  }
0x20: {  	_ =	swait.ge @!p0 [sflag:s0], $0x27200  }
0x21: {  	[sflag:s0] =	ssyncset.done @!p0 $0x0  }
0x22: {  	[sflag:s0] =	ssyncadd.s32 @!p0 $0xFFFD8E00  }
0x23: {  	[bflag:$0x0] =	sbarrier.arrive $0xFFFF  }
0x24: {  	s6 =	rddreg [dreg:$0x4]  }
0x25: {  	[tilespmem:s22], [sflag:$0x1] =	stream.linear.gather [hbm4b:s6+s3], $0x4000, $0x38;
	[tilespmem:$0x1E100] =	vst v63  }
0x26: {  	s7 =	rddreg [dreg:$0x5]  }
0x27: {  	[tilespmem:s23], [sflag:$0x2] =	stream.linear.gather [hbm4b:s7+s3], $0x4000, $0x38;
	[tilespmem:$0x1E100] =	vst v63  }
0x28: {  	_ =	swait.ge [sflag:s24], $0x4000  }
0x29: {  	[sflag:s24] =	ssyncset.done $0x0  }
0x2a: {  	s8 =	simm.s32 $0x0;
	[sflag:s24] =	ssyncadd.s32 $0xFFFFC000  }
0x2b: {  	[spmem:s1] =	stream.indirect.scatter.add.f32 [tilespmem:s22], [sflag:$0x3], $0x80, s8, s25, $0xb8;
	[tilespmem:$0x1E100] =	vst v63  }
0x2c: {  	_ =	swait.ge [sflag:s21], $0x4000  }
0x2d: {  	[sflag:s21] =	ssyncset.done $0x0  }
0x2e: {  	s31 =	sadd.s32 $0x0, s18;
	[sflag:s21] =	ssyncadd.s32 $0xFFFFC000  }
0x2f: {  	[tilespmem:s22], [sflag:$0x1] =	stream.linear.gather [hbm4b:s31+s3], $0x4000, $0x38;
	[tilespmem:$0x1E100] =	vst v63  }
0x30: {  	_ =	swait.ge [sflag:s26], $0x4000  }
0x31: {  	[sflag:s26] =	ssyncset.done $0x0  }
0x32: {  	[sflag:s26] =	ssyncadd.s32 $0xFFFFC000  }
0x33: {  	[spmem:s1] =	stream.indirect.scatter.add.f32 [tilespmem:s23], [sflag:$0x3], $0x80, s25, s25, $0xb8;
	[tilespmem:$0x1E100] =	vst v63  }
0x34: {  	_ =	swait.ge [sflag:s21], $0x4000  }
0x35: {  	s5 =	sadd.s32 $0x0, s17;
	[sflag:s21] =	ssyncset.done $0x0  }
0x36: {  	s2 =	simm.s32 $0x180;
	s0 =	simm.s32 $0x1000;
	[sflag:s21] =	ssyncadd.s32 $0xFFFFC000  }
.LBB2_2:
0x37: {  	[tilespmem:s23], [sflag:$0x2] =	stream.linear.gather [hbm4b:s5+s3], $0x4000, $0x38;
	[tilespmem:$0x1E100] =	vst v63  }
0x38: {  	s5 =	smov.u32 s0  }
0x39: {  	p3 =	sne.s32 s0, $0x26000;
	s0 =	sadd.s32 $0x1000, s0;
	_ =	swait.ge [sflag:s24], $0x4000  }
0x3a: {  	[sflag:s24] =	ssyncset.done $0x0  }
0x3b: {  	s6 =	sadd.s32 $0xFFFFFF80, s2;
	[sflag:s24] =	ssyncadd.s32 $0xFFFFC000  }
0x3c: {  	[spmem:s1] =	stream.indirect.scatter.add.f32 [tilespmem:s22], [sflag:$0x3], $0x80, s6, s25, $0xb8;
	[tilespmem:$0x1E100] =	vst v63  }
0x3d: {  	_ =	swait.ge [sflag:s21], $0x4000  }
0x3e: {  	[sflag:s21] =	ssyncset.done $0x0  }
0x3f: {  	s6 =	sadd.s32 s5, s18;
	[sflag:s21] =	ssyncadd.s32 $0xFFFFC000  }
0x40: {  	[tilespmem:s22], [sflag:$0x1] =	stream.linear.gather [hbm4b:s6+s3], $0x4000, $0x38;
	[tilespmem:$0x1E100] =	vst v63  }
0x41: {  	_ =	swait.ge [sflag:s26], $0x4000  }
0x42: {  	[sflag:s26] =	ssyncset.done $0x0  }
.Ltmp0:
0x43: {  	[sflag:s26] =	ssyncadd.s32 $0xFFFFC000;
	(pc) =	sbr.rel @p3 .LBB2_2-.Ltmp0, $4  }
0x44: {  	[spmem:s1] =	stream.indirect.scatter.add.f32 [tilespmem:s23], [sflag:$0x3], $0x80, s2, s25, $0xb8;
	[tilespmem:$0x1E100] =	vst v63  }
0x45: {  	_ =	swait.ge [sflag:s21], $0x4000  }
0x46: {  	[sflag:s21] =	ssyncset.done $0x0  }
0x47: {  	s5 =	sadd.s32 s5, s17;
	s2 =	sadd.s32 $0x100, s2;
	[sflag:s21] =	ssyncadd.s32 $0xFFFFC000  }
0x48: {  	[tilespmem:s23], [sflag:$0x2] =	stream.linear.gather [hbm4b:s5+s3], $0x4000, $0x38;
	[tilespmem:$0x1E100] =	vst v63  }
0x49: {  	_ =	swait.ge [sflag:s24], $0x4000  }
0x4a: {  	[sflag:s24] =	ssyncset.done $0x0  }
0x4b: {  	[sflag:s24] =	ssyncadd.s32 $0xFFFFC000  }
0x4c: {  	[spmem:s1] =	stream.indirect.scatter.add.f32 [tilespmem:s22], [sflag:$0x3], $0x80, s28, s25, $0xb8;
	[tilespmem:$0x1E100] =	vst v63  }
0x4d: {  	_ =	swait.ge [sflag:s21], $0x4000  }
0x4e: {  	[sflag:s21] =	ssyncset.done $0x0  }
0x4f: {  	[sflag:s21] =	ssyncadd.s32 $0xFFFFC000  }
0x50: {  	_ =	swait.ge [sflag:s26], $0x4000  }
0x51: {  	[sflag:s26] =	ssyncset.done $0x0  }
0x52: {  	[sflag:s26] =	ssyncadd.s32 $0xFFFFC000  }
0x53: {  	[spmem:s1] =	stream.indirect.scatter.add.f32 [tilespmem:s23], [sflag:$0x3], $0x80, s29, s25, $0xb8;
	[tilespmem:$0x1E100] =	vst v63  }
0x54: {  	_ =	swait.ge [sflag:s21], $0x4000  }
0x55: {  	[sflag:s21] =	ssyncset.done $0x0  }
0x56: {  	s0 =	stileid.u32;
	[sflag:s21] =	ssyncadd.s32 $0xFFFFC000  }
0x57: {  	s0 =	sshll.u32 s0, $0x6;
	[bflag:$0x0] =	sbarrier.arrive $0xFFFF  }
0x58: {  	s31 =	sor.u32 $0x1C03, s0;
	s0 =	sshrl.u32 s9, $0x3;
	s2 =	rddreg [dreg:$0x6]  }
0x59: {  	[hbm:s2], [sflag:s31] =	dma.local [spmem:s0], $0x2700  }
0x5a: {  	_ =	swait.ge [sflag:s21], $0x2700  }
0x5b: {  	[sflag:s21] =	ssyncset.done $0x0  }
0x5c: {  	[sflag:s21] =	ssyncadd.s32 $0xFFFFD900  }
0x5d: {  	s2 =	sshrl.u32 @!p2 s1, $0x3;
	[bflag:$0x0] =	sbarrier.arrive @p1 $0xFFFF  }
0x5e: {  	[spmem:s2], [sflag:s31] =	dma.local @!p2 [hbm:s4], $0x27200  }
0x5f: {  	s2 =	simm.s32 @!p2 $0x3  }
0x60: {  	_ =	swait.ge @!p2 [sflag:s2], $0x27200  }
0x61: {  	[sflag:s2] =	ssyncset.done @!p2 $0x0  }
0x62: {  	s5 =	simm.s32 @!p1 $0x3;
	[sflag:s2] =	ssyncadd.s32 @!p2 $0xFFFD8E00;
	s2 =	sshrl.u32 @!p1 s11, $0x3  }
0x63: {  	[hbm:s10], [sflag:s31] =	dma.local @!p1 [spmem:s2], $0x100  }
0x64: {  	_ =	swait.ge @!p1 [sflag:s5], $0x100  }
0x65: {  	[sflag:s5] =	ssyncset.done @!p1 $0x0  }
0x66: {  	[sflag:s5] =	ssyncadd.s32 @!p1 $0xFFFFFF00  }
0x67: {  	[bflag:$0x0] =	sbarrier.arrive @!p1 $0xFFFF  }
0x68: {  	s8 =	simm.s32 $0x0;
	[bflag:$0x0] =	sbarrier.arrive $0xFFFF  }
0x69: {  	[tilespmem:s22], [sflag:$0x1] =	stream.linear.gather [hbm4b:s12+s8], $0x4000, $0x38;
	[tilespmem:$0x1E100] =	vst v63  }
0x6a: {  	_ = 	snop  }
0x6b: {  	[tilespmem:s23], [sflag:$0x2] =	stream.linear.gather [hbm4b:s13+s8], $0x4000, $0x38;
	[tilespmem:$0x1E100] =	vst v63  }
0x6c: {  	_ =	swait.ge [sflag:s24], $0x4000  }
0x6d: {  	[sflag:s24] =	ssyncset.done $0x0  }
0x6e: {  	s6 =	simm.s32 $0x0;
	[sflag:s24] =	ssyncadd.s32 $0xFFFFC000  }
0x6f: {  	[spmem:s1] =	stream.indirect.scatter.add.f32 [tilespmem:s22], [sflag:$0x3], $0x80, s6, s25, $0xb8;
	[tilespmem:$0x1E100] =	vst v63  }
0x70: {  	_ =	swait.ge [sflag:s21], $0x4000  }
0x71: {  	[sflag:s21] =	ssyncset.done $0x0  }
0x72: {  	s7 =	sadd.s32 $0x0, s20;
	[sflag:s21] =	ssyncadd.s32 $0xFFFFC000  }
0x73: {  	[tilespmem:s22], [sflag:$0x1] =	stream.linear.gather [hbm4b:s7+s3], $0x4000, $0x38;
	[tilespmem:$0x1E100] =	vst v63  }
0x74: {  	_ =	swait.ge [sflag:s26], $0x4000  }
0x75: {  	[sflag:s26] =	ssyncset.done $0x0  }
0x76: {  	s8 =	simm.s32 $0x80;
	[sflag:s26] =	ssyncadd.s32 $0xFFFFC000  }
0x77: {  	[spmem:s1] =	stream.indirect.scatter.add.f32 [tilespmem:s23], [sflag:$0x3], $0x80, s8, s25, $0xb8;
	[tilespmem:$0x1E100] =	vst v63  }
0x78: {  	_ =	swait.ge [sflag:s21], $0x4000  }
0x79: {  	s5 =	simm.s32 $0x1000;
	[sflag:s21] =	ssyncset.done $0x0  }
0x7a: {  	s6 =	simm.s32 $0x180;
	s7 =	sadd.s32 $0x0, s19;
	[sflag:s21] =	ssyncadd.s32 $0xFFFFC000  }
.LBB2_4:
0x7b: {  	[tilespmem:s23], [sflag:$0x2] =	stream.linear.gather [hbm4b:s7+s3], $0x4000, $0x38;
	[tilespmem:$0x1E100] =	vst v63  }
0x7c: {  	s7 =	smov.u32 s5  }
0x7d: {  	p3 =	sne.s32 s5, $0x26000;
	s5 =	sadd.s32 $0x1000, s5;
	_ =	swait.ge [sflag:s24], $0x4000  }
0x7e: {  	[sflag:s24] =	ssyncset.done $0x0  }
0x7f: {  	s8 =	sadd.s32 $0xFFFFFF80, s6;
	[sflag:s24] =	ssyncadd.s32 $0xFFFFC000  }
0x80: {  	[spmem:s1] =	stream.indirect.scatter.add.f32 [tilespmem:s22], [sflag:$0x3], $0x80, s8, s25, $0xb8;
	[tilespmem:$0x1E100] =	vst v63  }
0x81: {  	_ =	swait.ge [sflag:s21], $0x4000  }
0x82: {  	[sflag:s21] =	ssyncset.done $0x0  }
0x83: {  	s8 =	sadd.s32 s7, s20;
	[sflag:s21] =	ssyncadd.s32 $0xFFFFC000  }
0x84: {  	[tilespmem:s22], [sflag:$0x1] =	stream.linear.gather [hbm4b:s8+s3], $0x4000, $0x38;
	[tilespmem:$0x1E100] =	vst v63  }
0x85: {  	_ =	swait.ge [sflag:s26], $0x4000  }
0x86: {  	[sflag:s26] =	ssyncset.done $0x0  }
.Ltmp1:
0x87: {  	[sflag:s26] =	ssyncadd.s32 $0xFFFFC000;
	(pc) =	sbr.rel @p3 .LBB2_4-.Ltmp1, $4  }
0x88: {  	[spmem:s1] =	stream.indirect.scatter.add.f32 [tilespmem:s23], [sflag:$0x3], $0x80, s6, s25, $0xb8;
	[tilespmem:$0x1E100] =	vst v63  }
0x89: {  	_ =	swait.ge [sflag:s21], $0x4000  }
0x8a: {  	[sflag:s21] =	ssyncset.done $0x0  }
0x8b: {  	s7 =	sadd.s32 s7, s19;
	s6 =	sadd.s32 $0x100, s6;
	[sflag:s21] =	ssyncadd.s32 $0xFFFFC000  }
0x8c: {  	[tilespmem:s23], [sflag:$0x2] =	stream.linear.gather [hbm4b:s7+s3], $0x4000, $0x38;
	[tilespmem:$0x1E100] =	vst v63  }
0x8d: {  	_ =	swait.ge [sflag:s24], $0x4000  }
0x8e: {  	[sflag:s24] =	ssyncset.done $0x0  }
0x8f: {  	[sflag:s24] =	ssyncadd.s32 $0xFFFFC000  }
0x90: {  	[spmem:s1] =	stream.indirect.scatter.add.f32 [tilespmem:s22], [sflag:$0x3], $0x80, s28, s25, $0xb8;
	[tilespmem:$0x1E100] =	vst v63  }
0x91: {  	_ =	swait.ge [sflag:s21], $0x4000  }
0x92: {  	[sflag:s21] =	ssyncset.done $0x0  }
0x93: {  	[sflag:s21] =	ssyncadd.s32 $0xFFFFC000  }
0x94: {  	_ =	swait.ge [sflag:s26], $0x4000  }
0x95: {  	[sflag:s26] =	ssyncset.done $0x0  }
0x96: {  	[sflag:s26] =	ssyncadd.s32 $0xFFFFC000  }
0x97: {  	[spmem:s1] =	stream.indirect.scatter.add.f32 [tilespmem:s23], [sflag:$0x3], $0x80, s29, s25, $0xb8;
	[tilespmem:$0x1E100] =	vst v63  }
0x98: {  	_ =	swait.ge [sflag:s21], $0x4000  }
0x99: {  	[sflag:s21] =	ssyncset.done $0x0  }
0x9a: {  	[sflag:s21] =	ssyncadd.s32 $0xFFFFC000  }
0x9b: {  	[bflag:$0x0] =	sbarrier.arrive $0xFFFF  }
0x9c: {  	[hbm:s14], [sflag:s31] =	dma.local [spmem:s0], $0x2700  }
0x9d: {  	_ =	swait.ge [sflag:s21], $0x2700  }
0x9e: {  	s30 =	sadd.s32 $0x1, s30;
	[sflag:s21] =	ssyncset.done $0x0  }
0x9f: {  	p3 =	sne.s32 s30, s16;
	s0 =	simm.s32 @!p1 $0x3;
	[sflag:s21] =	ssyncadd.s32 $0xFFFFD900  }
0xa0: {  	[hbm:s15], [sflag:s31] =	dma.local @!p1 [spmem:s2], $0x100  }
.Ltmp2:
0xa1: {  	_ =	swait.ge @!p1 [sflag:s0], $0x100;
	(pc) =	sbr.rel @p3 .LBB2_1-.Ltmp2, $3  }
0xa2: {  	[sflag:s0] =	ssyncset.done @!p1 $0x0  }
0xa3: {  	[sflag:s0] =	ssyncadd.s32 @!p1 $0xFFFFFF00  }
0xa4: {  	[bflag:$0x0] =	sbarrier.arrive $0xFFFF;
	_ =	sdelay $0x1  }
0xa5: {  	_ =	sfence.sel $0x180000  }
0xa6: {  	[bflag:$0x0] =	sbarrier.arrive $0xFFFF  }
0xa7: {  	_ =	strace $0x90000050  }
0xa8: {  	[bflag:$0x2] =	sbarrier.arrive $0xFFFF  }
0xa9: {  	s0 =	rddreg [dreg:$0x2]  }
0xaa: {  	s0 =	sadd.s32 @!p0 $0x100000, s0  }
0xab: {  	[sflag:s0] =	ssyncadd.tile.s32 @!p0 $0x1;
	_ =	shalt  }
.Lfunc_end2:
_tile_overlayer_lowered:
.L_overlay_start_2:
0xac: {  	(tag) =	ssettag $0x2  }
0xad: {  	s0 =	rddreg [dreg:$0x0];
	s2 =	stileid.u32  }
0xae: {  	s1 =	rddreg [dreg:$0x1];
	p0 =	sne.s32 s2, $0x0  }
0xaf: {  	s3 =	rddreg [dreg:$0x2];
	[bflag:$0x3] =	sbarrier.arrive $0xFFFF;
	s2 =	simm.s32 @!p0 $0x1C03  }
0xb0: {  	[timem:s3], [sflag:s2] =	dma.local @!p0 [hbm:s0], s1  }
0xb1: {  	s0 =	simm.s32 @!p0 $0x3  }
0xb2: {  	_ =	swait.ge @!p0 [sflag:s0], s1  }
0xb3: {  	s1 =	ssub.s32 @!p0 $0x0, s1;
	[sflag:s0] =	ssyncset.done @!p0 $0x0  }
0xb4: {  	[sflag:s0] =	ssyncadd.s32 @!p0 s1  }
0xb5: {  	[bflag:$0x3] =	sbarrier.arrive $0xFFFF  }
0xb6: {  	_ =	shalt  }

// kernel: kernel.30.cloned.1.call-start
scs
__scs_entry_jumppad:
0x0: {  	(pc) =	sbr.rel $0x88, $3  }
0x1: {  	(tag) =	ssettag $0x0;
	lr =	simm.s32 $0x1  }
0x2: {  	[smem:$0x3F8F] =	sst lr;
	_ =	strace $0xD0000000  }
0x3: {  	_ = 	snop  }
0x4: {  	_ = 	snop  }
0x5: {  	_ = 	snop  }
0x6: {  	_ = 	snop  }
0x7: {  	_ = 	snop  }
__scs_overlays_trampoline_lowered:
0x8: {  	[smem:$0x3F9E] =	sst s0  }
0x9: {  	[smem:$0x3F9F] =	sst s1  }
0xa: {  	[smem:$0x3FA0] =	sst s2  }
0xb: {  	[smem:$0x3FA1] =	sst s3  }
0xc: {  	[smem:$0x3FA2] =	sst s4  }
0xd: {  	[smem:$0x3FA3] =	sst s5  }
0xe: {  	[smem:$0x3FA4] =	sst s6  }
0xf: {  	[smem:$0x3FA5] =	sst s7  }
0x10: {  	[smem:$0x3FA6] =	sst s8  }
0x11: {  	[smem:$0x3FA7] =	sst s9;
	s0 =	simm.s32 @!p0 $0x0  }
0x12: {  	s1 =	sld [smem:$0x3F8D];
	s0 =	simm.s32 @p0 $0x1  }
0x13: {  	[smem:$0x3FA8] =	sst s0;
	s0 =	simm.s32 @!p1 $0x0  }
0x14: {  	s2 =	sld [smem:$0x3F8C];
	s0 =	simm.s32 @p1 $0x1  }
0x15: {  	[smem:$0x3FA9] =	sst s0;
	s0 =	simm.s32 @!p2 $0x0  }
0x16: {  	s3 =	sld [smem:$0x3FDB];
	s0 =	simm.s32 @p2 $0x1  }
0x17: {  	s4 =	simm.s32 $0x1BF5;
	[smem:$0x3FAB] =	sst s0  }
0x18: {  	s0 =	sld [smem:$0x3F8E];
	_ =	swait.ge [sflag:s4], $0x0  }
0x19: {  	s7 =	sld [smem:$0x3F8F]  }
0x1a: {  	s8 =	sadd.s32 $0xFFFFE003, lr  }
0x1b: {  	s9 =	sadd.s32 $0xFFFFFEF7, lr;
	s5 =	simm.s32 $0xFFFFFFFF;
	p2 =	slt.u32 s8, $0xFFFFF086  }
0x1c: {  	p1 =	slt.u32 s9, $0xF7A;
	s5 =	simm.s32 @!p2 $0x0  }
0x1d: {  	s5 =	simm.s32 @p1 $0x1;
	p0 =	seq.s32 s7, s2  }
0x1e: {  	s7 =	smul.u32 @!p0 $0xF7A, s2;
	p2 =	seq.s32 @!p0 s5, $0x0  }
0x1f: {  	s9 =	smul.u32 $0xF7A, s1;
	s8 =	simm.s32 @!p0 $0x1BF5;
	p2 =	por !p2, p0  }
0x20: {  	[sflag:s8] =	ssyncset.s32 @!p0 $0xFFFFF086;
	s6 =	sadd.s32 @!p0 s3, s7;
	s7 =	simm.s32 @!p0 $0x108  }
0x21: {  	s3 =	sadd.s32 s3, s9;
	s6 =	sadd.s32 @!p0 $0x88, s6;
	s7 =	simm.s32 @p2 $0x1082  }
0x22: {  	[simem:s7], [sflag:s8] =	dma.local @!p0 [hbm:s6], $0xF7A  }
0x23: {  	s9 =	sor.u32 $0xD0000000, s2;
	s6 =	simm.s32 $0x108;
	_ =	swait.ge @!p0 [sflag:s8], $0x0  }
0x24: {  	s3 =	sadd.s32 $0x88, s3;
	s6 =	simm.s32 @!p1 $0x1082;
	[sflag:s4] =	ssyncset.s32 $0xFFFFF086  }
0x25: {  	[simem:s6], [sflag:s4] =	dma.local [hbm:s3], $0xF7A  }
0x26: {  	[smem:$0x3F8F] =	sst s1;
	(tag) =	ssettag s2;
	_ =	strace s9  }
0x27: {  	s1 =	sld [smem:$0x3F9F]  }
0x28: {  	s2 =	sld [smem:$0x3FA0]  }
0x29: {  	s4 =	sld [smem:$0x3FA2]  }
0x2a: {  	p0 =	seq.s32 s5, $0x0;
	s5 =	sld [smem:$0x3FA3]  }
0x2b: {  	s6 =	sld [smem:$0x3FA4]  }
0x2c: {  	s7 =	sld [smem:$0x3FA5]  }
0x2d: {  	s3 =	simm.s32 $0x108;
	s8 =	sld [smem:$0x3FA6]  }
0x2e: {  	s3 =	simm.s32 @!p0 $0x1082;
	s9 =	sld [smem:$0x3FA7]  }
0x2f: {  	lr =	sadd.s32 s0, s3;
	s0 =	sld [smem:$0x3F9E]  }
0x30: {  	s3 =	sld [smem:$0x3FA1]  }
0x31: {  	[smem:$0x3FAA] =	sst s10  }
0x32: {  	s10 =	sld [smem:$0x3FA8];
	_ =	sdelay $0x3  }
0x33: {  	p0 =	seq.s32 s10, $0x1;
	s10 =	sld [smem:$0x3FAA];
	_ =	sdelay $0x3  }
0x34: {  	[smem:$0x3FAA] =	sst s10  }
0x35: {  	s10 =	sld [smem:$0x3FA9];
	_ =	sdelay $0x3  }
0x36: {  	p1 =	seq.s32 s10, $0x1;
	s10 =	sld [smem:$0x3FAA];
	_ =	sdelay $0x3  }
0x37: {  	[smem:$0x3FAA] =	sst s10  }
0x38: {  	s10 =	sld [smem:$0x3FAB]  }
0x39: {  	_ = 	snop;
	(pc) =	sbr.ind lr, $3  }
0x3a: {  	_ = 	snop  }
0x3b: {  	_ = 	snop  }
0x3c: {  	p2 =	seq.s32 s10, $0x1;
	s10 =	sld [smem:$0x3FAA]  }
0x3d: {  	_ =	shalt  }
0x3e: {  	_ =	shalt  }
0x3f: {  	_ =	shalt  }
0x40: {  	_ =	shalt  }
0x41: {  	_ =	shalt  }
0x42: {  	_ =	shalt  }
0x43: {  	_ =	shalt  }
0x44: {  	_ =	shalt  }
0x45: {  	_ =	shalt  }
0x46: {  	_ =	shalt  }
0x47: {  	_ =	shalt  }
0x48: {  	_ =	shalt  }
0x49: {  	_ =	shalt  }
0x4a: {  	_ =	shalt  }
0x4b: {  	_ =	shalt  }
0x4c: {  	_ =	shalt  }
0x4d: {  	_ =	shalt  }
0x4e: {  	_ =	shalt  }
0x4f: {  	_ =	shalt  }
0x50: {  	_ =	shalt  }
0x51: {  	_ =	shalt  }
0x52: {  	_ =	shalt  }
0x53: {  	_ =	shalt  }
0x54: {  	_ =	shalt  }
0x55: {  	_ =	shalt  }
0x56: {  	_ =	shalt  }
0x57: {  	_ =	shalt  }
0x58: {  	_ =	shalt  }
0x59: {  	_ =	shalt  }
0x5a: {  	_ =	shalt  }
0x5b: {  	_ =	shalt  }
0x5c: {  	_ =	shalt  }
0x5d: {  	_ =	shalt  }
0x5e: {  	_ =	shalt  }
0x5f: {  	_ =	shalt  }
0x60: {  	_ =	shalt  }
0x61: {  	_ =	shalt  }
0x62: {  	_ =	shalt  }
0x63: {  	_ =	shalt  }
0x64: {  	_ =	shalt  }
0x65: {  	_ =	shalt  }
0x66: {  	_ =	shalt  }
0x67: {  	_ =	shalt  }
0x68: {  	_ =	shalt  }
0x69: {  	_ =	shalt  }
0x6a: {  	_ =	shalt  }
0x6b: {  	_ =	shalt  }
0x6c: {  	_ =	shalt  }
0x6d: {  	_ =	shalt  }
0x6e: {  	_ =	shalt  }
0x6f: {  	_ =	shalt  }
0x70: {  	_ =	shalt  }
0x71: {  	_ =	shalt  }
0x72: {  	_ =	shalt  }
0x73: {  	_ =	shalt  }
0x74: {  	_ =	shalt  }
0x75: {  	_ =	shalt  }
0x76: {  	_ =	shalt  }
0x77: {  	_ =	shalt  }
0x78: {  	_ =	shalt  }
0x79: {  	_ =	shalt  }
0x7a: {  	_ =	shalt  }
0x7b: {  	_ =	shalt  }
0x7c: {  	_ =	shalt  }
0x7d: {  	_ =	shalt  }
0x7e: {  	_ =	shalt  }
0x7f: {  	_ =	shalt  }
0x80: {  	_ =	shalt  }
0x81: {  	_ =	shalt  }
0x82: {  	_ =	shalt  }
0x83: {  	_ =	shalt  }
0x84: {  	_ =	shalt  }
0x85: {  	_ =	shalt  }
0x86: {  	_ =	shalt  }
0x87: {  	_ =	shalt  }
.Lfunc_end0:
.L_simem_size_0:
called_computation.4_lowered:
.L_overlay_start_0:
0x88: {  	s2 =	sld [smem:$0x3FD9]  }
0x89: {  	s3 =	sld [smem:$0x3FFE];
	_ =	sdelay $0x1  }
0x8a: {  	s1 =	srdreg.scid  }
0x8b: {  	s0 =	sand.u32 $0x1, s1  }
0x8c: {  	s16 =	sshll.u32 s0, $0xA;
	s2 =	sadd.s32 s3, s2  }
0x8d: {  	s2 =	sadd.s32 s2, s16  }
0x8e: {  	[smem:$0x3FB6] =	sst s2  }
0x8f: {  	_ = 	snop  }
0x90: {  	(tm) =	ssettm $0x1  }
0x91: {  	s17 =	sld [smem:$0x3FFB];
	_ =	sdelay $0x3  }
0x92: {  	_ =	strace s17  }
0x93: {  	s2 =	sld [smem:$0x3FFC];
	_ =	sdelay $0x3  }
0x94: {  	_ =	strace s2  }
0x95: {  	s2 =	sld [smem:$0x3FFD];
	_ =	sdelay $0x3  }
0x96: {  	_ =	strace s2  }
0x97: {  	_ =	strace $0x8FFFFFFF  }
0x98: {  	s18 =	sld [smem:$0x3FDB];
	_ =	sdelay $0x1  }
0x99: {  	s19 =	simm.s32 $_scs_section_size  }
0x9a: {  	s4 =	simm.s32 $_size__tile_overlayer_lowered;
	s5 =	simm.s32 $_tile_overlayer_lowered  }
0x9b: {  	s22 =	simm.s32 $0x1BFF;
	s21 =	sshll.u32 s5, $0x1;
	s2 =	sadd.s32 s19, s18  }
0x9c: {  	s6 =	simm.s32 $0x0;
	s20 =	sshll.u32 s4, $0x1;
	s4 =	sadd.s32 s21, s2  }
0x9d: {  	[timem:s6], [sflag:s22] =	dma.local [hbm:s4], s20  }
0x9e: {  	_ =	swait.ge [sflag:s22], s20  }
0x9f: {  	s3 =	ssub.s32 $0x0, s20;
	[sflag:s22] =	ssyncset.done $0x0  }
0xa0: {  	[sflag:s22] =	ssyncadd.s32 s3;
	_ =	sdelay $0x1  }
0xa1: {  	s23 =	simm.s32 $0x1B8B  }
0xa2: {  	_ =	swait.ge [sflag:s23], $0x1  }
0xa3: {  	[sflag:s23] =	ssyncset.done $0x0  }
0xa4: {  	s25 =	simm.s32 $0x1B8E;
	s24 =	sld [smem:$0x3FFE];
	[sflag:s23] =	ssyncadd.s32 $0xFFFFFFFF  }
0xa5: {  	s26 =	simm.s32 $execute0_lowered;
	[smem:$0x3FD2] =	sst s25  }
0xa6: {  	s4 =	sshll.u32 s26, $0x1;
	_ =	strace $0x80000052;
	[dreg:$0x1] =	wrdreg $0xFFFFFFFF  }
0xa7: {  	s28 =	simm.s32 $_size_execute0_lowered;
	s2 =	sadd.s32 s2, s4;
	[dreg:$0x0] =	wrdreg $0x0  }
0xa8: {  	s4 =	sshll.u32 s28, $0x1;
	[dreg:$0x2] =	wrdreg s2  }
0xa9: {  	[dreg:$0x3] =	wrdreg s4  }
0xaa: {  	[dreg:$0x4] =	wrdreg $0xC0  }
0xab: {  	_ =	task [dreg:s6], $0x5FFFF  }
0xac: {  	[dreg:$0x1] =	wrdreg $0xFFFFFFFF  }
0xad: {  	[dreg:$0x0] =	wrdreg $0x60  }
0xae: {  	[dreg:$0x2] =	wrdreg s24  }
0xaf: {  	[dreg:$0x3] =	wrdreg $0xA8000  }
0xb0: {  	[dreg:$0x4] =	wrdreg $0x9  }
0xb1: {  	_ =	task.clear_ibuf [dreg:s6], $0x5FFFF;
	_ =	strace $0x90000052  }
0xb2: {  	s29 =	simm.s32 $0x9;
	_ =	strace $0x80000054  }
0xb3: {  	_ =	swait.ge [sflag:s29], $0x1  }
0xb4: {  	[sflag:s29] =	ssyncadd.s32 $0xFFFFFFFF  }
0xb5: {  	_ =	strace $0x90000054  }
0xb6: {  	_ =	sfence  }
0xb7: {  	s30 =	sld [smem:$0x0];
	_ =	sdelay $0x2  }
0xb8: {  	s31 =	sshll.u32 s1, $0xD;
	s1 =	sshrl.u32 s1, $0x2  }
0xb9: {  	s3 =	sand.u32 $0x4000, s31;
	s1 =	sadd.s32 s1, s30  }
0xba: {  	s0 =	sor.u32 s3, s0;
	s1 =	sshll.u32 s1, $0x11  }
0xbb: {  	s0 =	sor.u32 s1, s0  }
0xbc: {  	s0 =	sadd.s32 $0x8F2B, s0  }
0xbd: {  	[sflag:s0] =	ssyncadd.remote.s32 $0x1  }
0xbe: {  	_ =	sfence.sel $0xFFFF  }
0xbf: {  	[dreg:$0x0] =	wrdreg $0xFFFFFFFF;
	(pc) =	sbr.abs _section_cstart, $3  }
0xc0: {  	[dreg:$0x1] =	wrdreg $0xFFFFFFFF  }
0xc1: {  	_ =	task.clear_ibuf [dreg:s6], $0x2FFFF;
	_ =	strace $0x9FFFFFFF  }
0xc2: {  	(tm) =	ssettm $0x7FFFFFFF  }
0xc3: {  	_ =	shalt  }
tec
execute0_lowered:
.L_overlay_start_1:
0x0: {  	(tag) =	ssettag $0x1  }
0x1: {  	s0 =	srdreg.scid;
	s4 =	rddreg [dreg:$0x0]  }
0x2: {  	s1 =	rddreg [dreg:$0x1];
	s9 =	stileid.u32  }
0x3: {  	s2 =	simm.s32 $0x0;
	s15 =	simm.s32 $0x1;
	s16 =	simm.s32 $0x2  }
0x4: {  	s5 =	sand.u32 $0x1, s0;
	s0 =	rddreg [dreg:$0x2];
	s24 =	smul.u32 $0x28000, s9  }
0x5: {  	s17 =	simm.s32 $0x0;
	[smem:$0x7FF] =	sst s2;
	s14 =	smul.u32 $0x140000, s9  }
0x6: {  	s13 =	sadd.s32 $0xBDC00, s4;
	s3 =	sshll.u32 s5, $0x4;
	s12 =	smul.u32 $0x280000, s5  }
0x7: {  	p0 =	sne.s32 s9, $0x0;
	s26 =	smul.u32 $0x1400000, s5;
	s6 =	sor.u32 s9, s3  }
0x8: {  	_ =	strace $0x80000053;
	s10 =	ssub.s32 $0x2, s5;
	s7 =	smul.u32 $0x500, s6  }
0x9: {  	s3 =	sadd.s32 $0x96A00, s4;
	s23 =	sshrl.u32 s10, $0x1;
	s8 =	smul.u32 $0x140000, s6  }
0xa: {  	s11 =	smul.u32 $0x28000, s6;
	s29 =	sadd.s32 s12, s13;
	s30 =	sadd.s32 s14, s26  }
0xb: {  	s12 =	simm.s32 $0x80;
	s14 =	simm.s32 $0x6800;
	s31 =	sshrl.u32 s30, $0x3  }
0xc: {  	s22 =	sadd.s32 s7, s4;
	s7 =	ssub.s32 s10, s23;
	s25 =	sshrl.u32 s8, $0x3  }
0xd: {  	s28 =	sadd.s32 s11, s13;
	s10 =	sadd.s32 s24, s29;
	s9 =	sadd.s32 s31, s13  }
0xe: {  	s11 =	sshrl.u32 @!p0 s1, $0x3;
	s4 =	sadd.s32 $0x1D400, s22;
	s5 =	smax.u32 s7, $0x1  }
0xf: {  	s6 =	sadd.s32 s13, s25;
	s7 =	sadd.s32 $0x27800, s28;
	s8 =	sadd.s32 $0x800, s10  }
0x10: {  	s10 =	simm.s32 $0x3;
	s13 =	simm.s32 $0x2800;
	s6 =	sadd.s32 $0x27000, s6  }
.LBB2_1:
0x11: {  	[tilespmem:s2], [sflag:$0x3] =	stream.linear.gather [hbm4b:s4+s2], $0x2800, $0x38;
	[tilespmem:$0x1E080] =	vst v63  }
0x12: {  	_ =	swait.ge [sflag:s10], $0x2800  }
0x13: {  	[sflag:s10] =	ssyncset.done $0x0  }
0x14: {  	s18 =	simm.s32 @!p0 $0x1C03;
	[sflag:s10] =	ssyncadd.s32 $0xFFFFD800  }
0x15: {  	[spmem:s11], [sflag:s18] =	dma.local @!p0 [hbm:s3], $0x27100  }
0x16: {  	s18 =	simm.s32 @!p0 $0x3  }
0x17: {  	_ =	swait.ge @!p0 [sflag:s18], $0x27100  }
0x18: {  	[sflag:s18] =	ssyncset.done @!p0 $0x0  }
0x19: {  	[sflag:s18] =	ssyncadd.s32 @!p0 $0xFFFD8F00  }
0x1a: {  	[bflag:$0x0] =	sbarrier.arrive $0xFFFF  }
0x1b: {  	[tilespmem:s13], [sflag:$0x1] =	stream.indirect.gather [spmem:s1], $0x80, s2, s12, $0xb8;
	[tilespmem:$0x1E080] =	vst v63  }
0x1c: {  	_ = 	snop  }
0x1d: {  	[tilespmem:s14], [sflag:$0x2] =	stream.indirect.gather [spmem:s1], $0x80, s12, s12, $0xb8;
	[tilespmem:$0x1E080] =	vst v63  }
0x1e: {  	_ =	swait.ge [sflag:s15], $0x4000  }
0x1f: {  	[sflag:s15] =	ssyncset.done $0x0  }
0x20: {  	s29 =	sadd.s32 $0x0, s9;
	[sflag:s15] =	ssyncadd.s32 $0xFFFFC000  }
0x21: {  	[hbm4b:s29+s2] =	stream.linear.scatter [tilespmem:s13], [sflag:$0x3], $0x4000, $0x38;
	[tilespmem:$0x1E080] =	vst v63  }
0x22: {  	_ =	swait.ge [sflag:s10], $0x4000  }
0x23: {  	[sflag:s10] =	ssyncset.done $0x0  }
0x24: {  	s30 =	simm.s32 $0x100;
	[sflag:s10] =	ssyncadd.s32 $0xFFFFC000  }
0x25: {  	[tilespmem:s13], [sflag:$0x1] =	stream.indirect.gather [spmem:s1], $0x80, s30, s12, $0xb8;
	[tilespmem:$0x1E080] =	vst v63  }
0x26: {  	_ =	swait.ge [sflag:s16], $0x4000  }
0x27: {  	[sflag:s16] =	ssyncset.done $0x0  }
0x28: {  	s31 =	sadd.s32 $0x0, s8;
	[sflag:s16] =	ssyncadd.s32 $0xFFFFC000  }
0x29: {  	[hbm4b:s31+s2] =	stream.linear.scatter [tilespmem:s14], [sflag:$0x3], $0x4000, $0x38;
	[tilespmem:$0x1E080] =	vst v63  }
0x2a: {  	_ =	swait.ge [sflag:s10], $0x4000  }
0x2b: {  	s19 =	simm.s32 $0x1000;
	[sflag:s10] =	ssyncset.done $0x0  }
0x2c: {  	s20 =	simm.s32 $0x280;
	s18 =	simm.s32 $0x180;
	[sflag:s10] =	ssyncadd.s32 $0xFFFFC000  }
.LBB2_2:
0x2d: {  	[tilespmem:s14], [sflag:$0x2] =	stream.indirect.gather [spmem:s1], $0x80, s18, s12, $0xb8;
	[tilespmem:$0x1E080] =	vst v63  }
0x2e: {  	s21 =	smov.u32 s19;
	s18 =	smov.u32 s20  }
0x2f: {  	p1 =	sne.s32 s19, $0x26000;
	s19 =	sadd.s32 $0x1000, s19;
	_ =	swait.ge [sflag:s15], $0x4000  }
0x30: {  	[sflag:s15] =	ssyncset.done $0x0  }
0x31: {  	s22 =	sadd.s32 s21, s9;
	[sflag:s15] =	ssyncadd.s32 $0xFFFFC000  }
0x32: {  	[hbm4b:s22+s2] =	stream.linear.scatter [tilespmem:s13], [sflag:$0x3], $0x4000, $0x38;
	[tilespmem:$0x1E080] =	vst v63  }
0x33: {  	_ =	swait.ge [sflag:s10], $0x4000  }
0x34: {  	[sflag:s10] =	ssyncset.done $0x0  }
0x35: {  	s22 =	sadd.s32 $0xFFFFFF80, s20;
	[sflag:s10] =	ssyncadd.s32 $0xFFFFC000  }
0x36: {  	[tilespmem:s13], [sflag:$0x1] =	stream.indirect.gather [spmem:s1], $0x80, s22, s12, $0xb8;
	[tilespmem:$0x1E080] =	vst v63  }
0x37: {  	_ =	swait.ge [sflag:s16], $0x4000  }
0x38: {  	[sflag:s16] =	ssyncset.done $0x0  }
.Ltmp0:
0x39: {  	s21 =	sadd.s32 s21, s8;
	[sflag:s16] =	ssyncadd.s32 $0xFFFFC000;
	(pc) =	sbr.rel @p1 .LBB2_2-.Ltmp0, $4  }
0x3a: {  	[hbm4b:s21+s2] =	stream.linear.scatter [tilespmem:s14], [sflag:$0x3], $0x4000, $0x38;
	[tilespmem:$0x1E080] =	vst v63  }
0x3b: {  	_ =	swait.ge [sflag:s10], $0x4000  }
0x3c: {  	[sflag:s10] =	ssyncset.done $0x0  }
0x3d: {  	s20 =	sadd.s32 $0x100, s20;
	[sflag:s10] =	ssyncadd.s32 $0xFFFFC000  }
0x3e: {  	[tilespmem:s14], [sflag:$0x2] =	stream.indirect.gather [spmem:s1], $0x80, s18, s12, $0xb8;
	[tilespmem:$0x1E080] =	vst v63  }
0x3f: {  	_ =	swait.ge [sflag:s15], $0x4000  }
0x40: {  	[sflag:s15] =	ssyncset.done $0x0  }
0x41: {  	[sflag:s15] =	ssyncadd.s32 $0xFFFFC000  }
0x42: {  	[hbm4b:s6+s2] =	stream.linear.scatter [tilespmem:s13], [sflag:$0x3], $0x4000, $0x38;
	[tilespmem:$0x1E080] =	vst v63  }
0x43: {  	_ =	swait.ge [sflag:s10], $0x4000  }
0x44: {  	[sflag:s10] =	ssyncset.done $0x0  }
0x45: {  	[sflag:s10] =	ssyncadd.s32 $0xFFFFC000  }
0x46: {  	s17 =	sadd.s32 $0x1, s17;
	_ =	swait.ge [sflag:s16], $0x4000  }
0x47: {  	p1 =	sne.s32 s17, s5;
	[sflag:s16] =	ssyncset.done $0x0  }
.Ltmp1:
0x48: {  	[sflag:s16] =	ssyncadd.s32 $0xFFFFC000;
	(pc) =	sbr.rel @p1 .LBB2_1-.Ltmp1, $4  }
0x49: {  	[hbm4b:s7+s2] =	stream.linear.scatter [tilespmem:s14], [sflag:$0x3], $0x4000, $0x38;
	[tilespmem:$0x1E080] =	vst v63  }
0x4a: {  	_ =	swait.ge [sflag:s10], $0x4000  }
0x4b: {  	[sflag:s10] =	ssyncset.done $0x0  }
0x4c: {  	[sflag:s10] =	ssyncadd.s32 $0xFFFFC000  }
0x4d: {  	_ =	sfence.sel $0x180000  }
0x4e: {  	[bflag:$0x0] =	sbarrier.arrive $0xFFFF  }
0x4f: {  	_ =	strace $0x90000053  }
0x50: {  	s0 =	sadd.s32 @!p0 $0x100000, s0;
	[bflag:$0x2] =	sbarrier.arrive $0xFFFF  }
0x51: {  	[sflag:s0] =	ssyncadd.tile.s32 @!p0 $0x1;
	_ =	shalt  }
.Lfunc_end2:
_tile_overlayer_lowered:
.L_overlay_start_2:
0x52: {  	(tag) =	ssettag $0x2  }
0x53: {  	s0 =	rddreg [dreg:$0x0];
	s2 =	stileid.u32  }
0x54: {  	s1 =	rddreg [dreg:$0x1];
	p0 =	sne.s32 s2, $0x0  }
0x55: {  	s3 =	rddreg [dreg:$0x2];
	[bflag:$0x3] =	sbarrier.arrive $0xFFFF;
	s2 =	simm.s32 @!p0 $0x1C03  }
0x56: {  	[timem:s3], [sflag:s2] =	dma.local @!p0 [hbm:s0], s1  }
0x57: {  	s0 =	simm.s32 @!p0 $0x3  }
0x58: {  	_ =	swait.ge @!p0 [sflag:s0], s1  }
0x59: {  	s1 =	ssub.s32 @!p0 $0x0, s1;
	[sflag:s0] =	ssyncset.done @!p0 $0x0  }
0x5a: {  	[sflag:s0] =	ssyncadd.s32 @!p0 s1  }
0x5b: {  	[bflag:$0x3] =	sbarrier.arrive $0xFFFF  }
0x5c: {  	_ =	shalt  }

// kernel: kernel.33.cloned.1.call-start
scs
__scs_entry_jumppad:
0x0: {  	(pc) =	sbr.rel $0x88, $3  }
0x1: {  	(tag) =	ssettag $0x0;
	lr =	simm.s32 $0x1  }
0x2: {  	[smem:$0x3F8F] =	sst lr;
	_ =	strace $0xD0000000  }
0x3: {  	_ = 	snop  }
0x4: {  	_ = 	snop  }
0x5: {  	_ = 	snop  }
0x6: {  	_ = 	snop  }
0x7: {  	_ = 	snop  }
__scs_overlays_trampoline_lowered:
0x8: {  	[smem:$0x3F9E] =	sst s0  }
0x9: {  	[smem:$0x3F9F] =	sst s1  }
0xa: {  	[smem:$0x3FA0] =	sst s2  }
0xb: {  	[smem:$0x3FA1] =	sst s3  }
0xc: {  	[smem:$0x3FA2] =	sst s4  }
0xd: {  	[smem:$0x3FA3] =	sst s5  }
0xe: {  	[smem:$0x3FA4] =	sst s6  }
0xf: {  	[smem:$0x3FA5] =	sst s7  }
0x10: {  	[smem:$0x3FA6] =	sst s8  }
0x11: {  	[smem:$0x3FA7] =	sst s9;
	s0 =	simm.s32 @!p0 $0x0  }
0x12: {  	s1 =	sld [smem:$0x3F8D];
	s0 =	simm.s32 @p0 $0x1  }
0x13: {  	[smem:$0x3FA8] =	sst s0;
	s0 =	simm.s32 @!p1 $0x0  }
0x14: {  	s2 =	sld [smem:$0x3F8C];
	s0 =	simm.s32 @p1 $0x1  }
0x15: {  	[smem:$0x3FA9] =	sst s0;
	s0 =	simm.s32 @!p2 $0x0  }
0x16: {  	s3 =	sld [smem:$0x3FDB];
	s0 =	simm.s32 @p2 $0x1  }
0x17: {  	s4 =	simm.s32 $0x1BF5;
	[smem:$0x3FAB] =	sst s0  }
0x18: {  	s0 =	sld [smem:$0x3F8E];
	_ =	swait.ge [sflag:s4], $0x0  }
0x19: {  	s7 =	sld [smem:$0x3F8F]  }
0x1a: {  	s8 =	sadd.s32 $0xFFFFE003, lr  }
0x1b: {  	s9 =	sadd.s32 $0xFFFFFEF7, lr;
	s5 =	simm.s32 $0xFFFFFFFF;
	p2 =	slt.u32 s8, $0xFFFFF086  }
0x1c: {  	p1 =	slt.u32 s9, $0xF7A;
	s5 =	simm.s32 @!p2 $0x0  }
0x1d: {  	s5 =	simm.s32 @p1 $0x1;
	p0 =	seq.s32 s7, s2  }
0x1e: {  	s7 =	smul.u32 @!p0 $0xF7A, s2;
	p2 =	seq.s32 @!p0 s5, $0x0  }
0x1f: {  	s9 =	smul.u32 $0xF7A, s1;
	s8 =	simm.s32 @!p0 $0x1BF5;
	p2 =	por !p2, p0  }
0x20: {  	[sflag:s8] =	ssyncset.s32 @!p0 $0xFFFFF086;
	s6 =	sadd.s32 @!p0 s3, s7;
	s7 =	simm.s32 @!p0 $0x108  }
0x21: {  	s3 =	sadd.s32 s3, s9;
	s6 =	sadd.s32 @!p0 $0x88, s6;
	s7 =	simm.s32 @p2 $0x1082  }
0x22: {  	[simem:s7], [sflag:s8] =	dma.local @!p0 [hbm:s6], $0xF7A  }
0x23: {  	s9 =	sor.u32 $0xD0000000, s2;
	s6 =	simm.s32 $0x108;
	_ =	swait.ge @!p0 [sflag:s8], $0x0  }
0x24: {  	s3 =	sadd.s32 $0x88, s3;
	s6 =	simm.s32 @!p1 $0x1082;
	[sflag:s4] =	ssyncset.s32 $0xFFFFF086  }
0x25: {  	[simem:s6], [sflag:s4] =	dma.local [hbm:s3], $0xF7A  }
0x26: {  	[smem:$0x3F8F] =	sst s1;
	(tag) =	ssettag s2;
	_ =	strace s9  }
0x27: {  	s1 =	sld [smem:$0x3F9F]  }
0x28: {  	s2 =	sld [smem:$0x3FA0]  }
0x29: {  	s4 =	sld [smem:$0x3FA2]  }
0x2a: {  	p0 =	seq.s32 s5, $0x0;
	s5 =	sld [smem:$0x3FA3]  }
0x2b: {  	s6 =	sld [smem:$0x3FA4]  }
0x2c: {  	s7 =	sld [smem:$0x3FA5]  }
0x2d: {  	s3 =	simm.s32 $0x108;
	s8 =	sld [smem:$0x3FA6]  }
0x2e: {  	s3 =	simm.s32 @!p0 $0x1082;
	s9 =	sld [smem:$0x3FA7]  }
0x2f: {  	lr =	sadd.s32 s0, s3;
	s0 =	sld [smem:$0x3F9E]  }
0x30: {  	s3 =	sld [smem:$0x3FA1]  }
0x31: {  	[smem:$0x3FAA] =	sst s10  }
0x32: {  	s10 =	sld [smem:$0x3FA8];
	_ =	sdelay $0x3  }
0x33: {  	p0 =	seq.s32 s10, $0x1;
	s10 =	sld [smem:$0x3FAA];
	_ =	sdelay $0x3  }
0x34: {  	[smem:$0x3FAA] =	sst s10  }
0x35: {  	s10 =	sld [smem:$0x3FA9];
	_ =	sdelay $0x3  }
0x36: {  	p1 =	seq.s32 s10, $0x1;
	s10 =	sld [smem:$0x3FAA];
	_ =	sdelay $0x3  }
0x37: {  	[smem:$0x3FAA] =	sst s10  }
0x38: {  	s10 =	sld [smem:$0x3FAB]  }
0x39: {  	_ = 	snop;
	(pc) =	sbr.ind lr, $3  }
0x3a: {  	_ = 	snop  }
0x3b: {  	_ = 	snop  }
0x3c: {  	p2 =	seq.s32 s10, $0x1;
	s10 =	sld [smem:$0x3FAA]  }
0x3d: {  	_ =	shalt  }
0x3e: {  	_ =	shalt  }
0x3f: {  	_ =	shalt  }
0x40: {  	_ =	shalt  }
0x41: {  	_ =	shalt  }
0x42: {  	_ =	shalt  }
0x43: {  	_ =	shalt  }
0x44: {  	_ =	shalt  }
0x45: {  	_ =	shalt  }
0x46: {  	_ =	shalt  }
0x47: {  	_ =	shalt  }
0x48: {  	_ =	shalt  }
0x49: {  	_ =	shalt  }
0x4a: {  	_ =	shalt  }
0x4b: {  	_ =	shalt  }
0x4c: {  	_ =	shalt  }
0x4d: {  	_ =	shalt  }
0x4e: {  	_ =	shalt  }
0x4f: {  	_ =	shalt  }
0x50: {  	_ =	shalt  }
0x51: {  	_ =	shalt  }
0x52: {  	_ =	shalt  }
0x53: {  	_ =	shalt  }
0x54: {  	_ =	shalt  }
0x55: {  	_ =	shalt  }
0x56: {  	_ =	shalt  }
0x57: {  	_ =	shalt  }
0x58: {  	_ =	shalt  }
0x59: {  	_ =	shalt  }
0x5a: {  	_ =	shalt  }
0x5b: {  	_ =	shalt  }
0x5c: {  	_ =	shalt  }
0x5d: {  	_ =	shalt  }
0x5e: {  	_ =	shalt  }
0x5f: {  	_ =	shalt  }
0x60: {  	_ =	shalt  }
0x61: {  	_ =	shalt  }
0x62: {  	_ =	shalt  }
0x63: {  	_ =	shalt  }
0x64: {  	_ =	shalt  }
0x65: {  	_ =	shalt  }
0x66: {  	_ =	shalt  }
0x67: {  	_ =	shalt  }
0x68: {  	_ =	shalt  }
0x69: {  	_ =	shalt  }
0x6a: {  	_ =	shalt  }
0x6b: {  	_ =	shalt  }
0x6c: {  	_ =	shalt  }
0x6d: {  	_ =	shalt  }
0x6e: {  	_ =	shalt  }
0x6f: {  	_ =	shalt  }
0x70: {  	_ =	shalt  }
0x71: {  	_ =	shalt  }
0x72: {  	_ =	shalt  }
0x73: {  	_ =	shalt  }
0x74: {  	_ =	shalt  }
0x75: {  	_ =	shalt  }
0x76: {  	_ =	shalt  }
0x77: {  	_ =	shalt  }
0x78: {  	_ =	shalt  }
0x79: {  	_ =	shalt  }
0x7a: {  	_ =	shalt  }
0x7b: {  	_ =	shalt  }
0x7c: {  	_ =	shalt  }
0x7d: {  	_ =	shalt  }
0x7e: {  	_ =	shalt  }
0x7f: {  	_ =	shalt  }
0x80: {  	_ =	shalt  }
0x81: {  	_ =	shalt  }
0x82: {  	_ =	shalt  }
0x83: {  	_ =	shalt  }
0x84: {  	_ =	shalt  }
0x85: {  	_ =	shalt  }
0x86: {  	_ =	shalt  }
0x87: {  	_ =	shalt  }
.Lfunc_end0:
.L_simem_size_0:
called_computation.5_lowered:
.L_overlay_start_0:
0x88: {  	s2 =	sld [smem:$0x3FD9]  }
0x89: {  	s3 =	sld [smem:$0x3FFE];
	_ =	sdelay $0x1  }
0x8a: {  	s1 =	srdreg.scid  }
0x8b: {  	s0 =	sand.u32 $0x1, s1  }
0x8c: {  	s16 =	sshll.u32 s0, $0xA;
	s2 =	sadd.s32 s3, s2  }
0x8d: {  	s2 =	sadd.s32 s2, s16  }
0x8e: {  	[smem:$0x3FB6] =	sst s2  }
0x8f: {  	_ = 	snop  }
0x90: {  	(tm) =	ssettm $0x1  }
0x91: {  	s17 =	sld [smem:$0x3FFB];
	_ =	sdelay $0x3  }
0x92: {  	_ =	strace s17  }
0x93: {  	s2 =	sld [smem:$0x3FFC];
	_ =	sdelay $0x3  }
0x94: {  	_ =	strace s2  }
0x95: {  	s2 =	sld [smem:$0x3FFD];
	_ =	sdelay $0x3  }
0x96: {  	_ =	strace s2  }
0x97: {  	_ =	strace $0x8FFFFFFF  }
0x98: {  	s18 =	sld [smem:$0x3FDB];
	_ =	sdelay $0x1  }
0x99: {  	s19 =	simm.s32 $_scs_section_size  }
0x9a: {  	s4 =	simm.s32 $_size__tile_overlayer_lowered;
	s5 =	simm.s32 $_tile_overlayer_lowered  }
0x9b: {  	s22 =	simm.s32 $0x1BFF;
	s21 =	sshll.u32 s5, $0x1;
	s2 =	sadd.s32 s19, s18  }
0x9c: {  	s6 =	simm.s32 $0x0;
	s20 =	sshll.u32 s4, $0x1;
	s4 =	sadd.s32 s21, s2  }
0x9d: {  	[timem:s6], [sflag:s22] =	dma.local [hbm:s4], s20  }
0x9e: {  	_ =	swait.ge [sflag:s22], s20  }
0x9f: {  	s3 =	ssub.s32 $0x0, s20;
	[sflag:s22] =	ssyncset.done $0x0  }
0xa0: {  	[sflag:s22] =	ssyncadd.s32 s3;
	_ =	sdelay $0x1  }
0xa1: {  	s23 =	simm.s32 $0x1B8B  }
0xa2: {  	_ =	swait.ge [sflag:s23], $0x1  }
0xa3: {  	[sflag:s23] =	ssyncset.done $0x0  }
0xa4: {  	s25 =	simm.s32 $0x1B8E;
	s24 =	sld [smem:$0x3FFE];
	[sflag:s23] =	ssyncadd.s32 $0xFFFFFFFF  }
0xa5: {  	s26 =	simm.s32 $execute0_lowered;
	[smem:$0x3FD2] =	sst s25  }
0xa6: {  	s4 =	sshll.u32 s26, $0x1;
	_ =	strace $0x80000055;
	[dreg:$0x1] =	wrdreg $0xFFFFFFFF  }
0xa7: {  	s28 =	simm.s32 $_size_execute0_lowered;
	s2 =	sadd.s32 s2, s4;
	[dreg:$0x0] =	wrdreg $0x0  }
0xa8: {  	s4 =	sshll.u32 s28, $0x1;
	[dreg:$0x2] =	wrdreg s2  }
0xa9: {  	[dreg:$0x3] =	wrdreg s4  }
0xaa: {  	[dreg:$0x4] =	wrdreg $0xC0  }
0xab: {  	_ =	task [dreg:s6], $0x5FFFF  }
0xac: {  	[dreg:$0x1] =	wrdreg $0xFFFFFFFF  }
0xad: {  	[dreg:$0x0] =	wrdreg $0x60  }
0xae: {  	[dreg:$0x2] =	wrdreg s24  }
0xaf: {  	[dreg:$0x3] =	wrdreg $0xA8000  }
0xb0: {  	[dreg:$0x4] =	wrdreg $0x9  }
0xb1: {  	_ =	task.clear_ibuf [dreg:s6], $0x5FFFF;
	_ =	strace $0x90000055  }
0xb2: {  	s29 =	simm.s32 $0x9;
	_ =	strace $0x80000057  }
0xb3: {  	_ =	swait.ge [sflag:s29], $0x1  }
0xb4: {  	[sflag:s29] =	ssyncadd.s32 $0xFFFFFFFF  }
0xb5: {  	_ =	strace $0x90000057  }
0xb6: {  	_ =	sfence  }
0xb7: {  	s30 =	sld [smem:$0x0];
	_ =	sdelay $0x2  }
0xb8: {  	s31 =	sshll.u32 s1, $0xD;
	s1 =	sshrl.u32 s1, $0x2  }
0xb9: {  	s3 =	sand.u32 $0x4000, s31;
	s1 =	sadd.s32 s1, s30  }
0xba: {  	s0 =	sor.u32 s3, s0;
	s1 =	sshll.u32 s1, $0x11  }
0xbb: {  	s0 =	sor.u32 s1, s0  }
0xbc: {  	s0 =	sadd.s32 $0x8F2B, s0  }
0xbd: {  	[sflag:s0] =	ssyncadd.remote.s32 $0x1  }
0xbe: {  	_ =	sfence.sel $0xFFFF  }
0xbf: {  	[dreg:$0x0] =	wrdreg $0xFFFFFFFF;
	(pc) =	sbr.abs _section_cstart, $3  }
0xc0: {  	[dreg:$0x1] =	wrdreg $0xFFFFFFFF  }
0xc1: {  	_ =	task.clear_ibuf [dreg:s6], $0x2FFFF;
	_ =	strace $0x9FFFFFFF  }
0xc2: {  	(tm) =	ssettm $0x7FFFFFFF  }
0xc3: {  	_ =	shalt  }
tec
execute0_lowered:
.L_overlay_start_1:
0x0: {  	(tag) =	ssettag $0x1  }
0x1: {  	s0 =	srdreg.scid;
	s2 =	rddreg [dreg:$0x0]  }
0x2: {  	s1 =	rddreg [dreg:$0x1];
	s25 =	stileid.u32  }
0x3: {  	s3 =	simm.s32 $0x0;
	s28 =	simm.s32 $0x2700;
	s29 =	simm.s32 $0x2780  }
0x4: {  	s30 =	simm.s32 $0x0;
	s0 =	sand.u32 $0x1, s0;
	s13 =	smul.u32 $0x13800, s25  }
0x5: {  	[smem:$0x7FF] =	sst s3;
	s6 =	sadd.s32 $0xABDC00, s2;
	s24 =	smul.u32 $0x4E000, s25  }
0x6: {  	s7 =	sadd.s32 $0xFBDC00, s2;
	s10 =	sadd.s32 $0xBDC00, s2;
	s17 =	smul.u32 $0x140000, s25  }
0x7: {  	p0 =	sne.s32 s25, $0x0;
	p1 =	sne.s32 s25, $0xF;
	s4 =	sshll.u32 s0, $0x4  }
0x8: {  	_ =	strace $0x80000056;
	s8 =	ssub.s32 $0x2, s0;
	s9 =	smul.u32 $0x138800, s0  }
0x9: {  	s0 =	smul.u32 $0x1400000, s0;
	p2 =	sne.s32 @p1 s25, $0x0;
	s4 =	sor.u32 s25, s4  }
0xa: {  	s11 =	sshrl.u32 s8, $0x1;
	s25 =	simm.s32 $0x80;
	s5 =	smul.u32 $0x500, s4  }
0xb: {  	p2 =	por p2, !p1;
	s12 =	smul.u32 $0x28000, s4;
	s4 =	sadd.s32 $0x48600, s2  }
0xc: {  	s16 =	ssub.s32 s8, s11;
	s22 =	sadd.s32 s13, s9;
	s9 =	sshrl.u32 s9, $0x3  }
0xd: {  	s11 =	sshrl.u32 s24, $0x2;
	s0 =	sadd.s32 s17, s0;
	s24 =	simm.s32 $0x1  }
0xe: {  	s14 =	sshrl.u32 s22, $0x3;
	s15 =	sadd.s32 $0x27000, s9;
	s9 =	sadd.s32 s11, s1  }
0xf: {  	s11 =	sadd.s32 $0x138000, s1;
	s26 =	sor.u32 $0xC000, s0;
	s0 =	sor.u32 $0x8000, s0  }
0x10: {  	s16 =	smax.u32 s16, $0x1;
	s22 =	simm.s32 $0x2800;
	s5 =	sadd.s32 s5, s2  }
0x11: {  	s2 =	sadd.s32 $0x10BE00, s2;
	s20 =	sadd.s32 s6, s12;
	s21 =	sor.u32 $0x800, s12  }
0x12: {  	s8 =	sadd.s32 s10, s14;
	s10 =	sadd.s32 s10, s15;
	s12 =	sadd.s32 s7, s12  }
0x13: {  	s31 =	sshrl.u32 s26, $0x3;
	s0 =	sshrl.u32 s0, $0x3;
	s26 =	simm.s32 $0x2  }
0x14: {  	s5 =	sadd.s32 $0x31400, s5;
	[dreg:$0x4] =	wrdreg s20;
	s23 =	sadd.s32 s6, s21  }
0x15: {  	[dreg:$0x6] =	wrdreg s8;
	s13 =	sadd.s32 s7, s21;
	s14 =	sadd.s32 s2, s14  }
0x16: {  	s15 =	sadd.s32 s2, s15;
	s17 =	sadd.s32 s31, s6;
	s18 =	sadd.s32 s0, s6  }
0x17: {  	s19 =	sadd.s32 s31, s7;
	s20 =	sadd.s32 s0, s7;
	[dreg:$0x3] =	wrdreg s5  }
0x18: {  	s21 =	simm.s32 $0x3;
	[dreg:$0x5] =	wrdreg s23;
	s23 =	simm.s32 $0x6800  }
.LBB2_1:
0x19: {  	s0 =	rddreg [dreg:$0x3]  }
0x1a: {  	[tilespmem:s3], [sflag:$0x3] =	stream.linear.gather [hbm4b:s0+s3], $0x2800, $0x38;
	[tilespmem:$0x1E100] =	vst v63  }
0x1b: {  	_ =	swait.ge [sflag:s21], $0x2800  }
0x1c: {  	[sflag:s21] =	ssyncset.done $0x0  }
0x1d: {  	s2 =	simm.s32 @!p0 $0x1C03;
	s0 =	sshrl.u32 @!p0 s1, $0x3;
	[sflag:s21] =	ssyncadd.s32 $0xFFFFD800  }
0x1e: {  	[spmem:s0], [sflag:s2] =	dma.local @!p0 [hbm:s4], $0x27200  }
0x1f: {  	s0 =	simm.s32 @!p0 $0x3  }
0x20: {  	_ =	swait.ge @!p0 [sflag:s0], $0x27200  }
0x21: {  	[sflag:s0] =	ssyncset.done @!p0 $0x0  }
0x22: {  	[sflag:s0] =	ssyncadd.s32 @!p0 $0xFFFD8E00  }
0x23: {  	[bflag:$0x0] =	sbarrier.arrive $0xFFFF  }
0x24: {  	s6 =	rddreg [dreg:$0x4]  }
0x25: {  	[tilespmem:s22], [sflag:$0x1] =	stream.linear.gather [hbm4b:s6+s3], $0x4000, $0x38;
	[tilespmem:$0x1E100] =	vst v63  }
0x26: {  	s7 =	rddreg [dreg:$0x5]  }
0x27: {  	[tilespmem:s23], [sflag:$0x2] =	stream.linear.gather [hbm4b:s7+s3], $0x4000, $0x38;
	[tilespmem:$0x1E100] =	vst v63  }
0x28: {  	_ =	swait.ge [sflag:s24], $0x4000  }
0x29: {  	[sflag:s24] =	ssyncset.done $0x0  }
0x2a: {  	s8 =	simm.s32 $0x0;
	[sflag:s24] =	ssyncadd.s32 $0xFFFFC000  }
0x2b: {  	[spmem:s1] =	stream.indirect.scatter.add.f32 [tilespmem:s22], [sflag:$0x3], $0x80, s8, s25, $0xb8;
	[tilespmem:$0x1E100] =	vst v63  }
0x2c: {  	_ =	swait.ge [sflag:s21], $0x4000  }
0x2d: {  	[sflag:s21] =	ssyncset.done $0x0  }
0x2e: {  	s31 =	sadd.s32 $0x0, s18;
	[sflag:s21] =	ssyncadd.s32 $0xFFFFC000  }
0x2f: {  	[tilespmem:s22], [sflag:$0x1] =	stream.linear.gather [hbm4b:s31+s3], $0x4000, $0x38;
	[tilespmem:$0x1E100] =	vst v63  }
0x30: {  	_ =	swait.ge [sflag:s26], $0x4000  }
0x31: {  	[sflag:s26] =	ssyncset.done $0x0  }
0x32: {  	[sflag:s26] =	ssyncadd.s32 $0xFFFFC000  }
0x33: {  	[spmem:s1] =	stream.indirect.scatter.add.f32 [tilespmem:s23], [sflag:$0x3], $0x80, s25, s25, $0xb8;
	[tilespmem:$0x1E100] =	vst v63  }
0x34: {  	_ =	swait.ge [sflag:s21], $0x4000  }
0x35: {  	s5 =	sadd.s32 $0x0, s17;
	[sflag:s21] =	ssyncset.done $0x0  }
0x36: {  	s2 =	simm.s32 $0x180;
	s0 =	simm.s32 $0x1000;
	[sflag:s21] =	ssyncadd.s32 $0xFFFFC000  }
.LBB2_2:
0x37: {  	[tilespmem:s23], [sflag:$0x2] =	stream.linear.gather [hbm4b:s5+s3], $0x4000, $0x38;
	[tilespmem:$0x1E100] =	vst v63  }
0x38: {  	s5 =	smov.u32 s0  }
0x39: {  	p3 =	sne.s32 s0, $0x26000;
	s0 =	sadd.s32 $0x1000, s0;
	_ =	swait.ge [sflag:s24], $0x4000  }
0x3a: {  	[sflag:s24] =	ssyncset.done $0x0  }
0x3b: {  	s6 =	sadd.s32 $0xFFFFFF80, s2;
	[sflag:s24] =	ssyncadd.s32 $0xFFFFC000  }
0x3c: {  	[spmem:s1] =	stream.indirect.scatter.add.f32 [tilespmem:s22], [sflag:$0x3], $0x80, s6, s25, $0xb8;
	[tilespmem:$0x1E100] =	vst v63  }
0x3d: {  	_ =	swait.ge [sflag:s21], $0x4000  }
0x3e: {  	[sflag:s21] =	ssyncset.done $0x0  }
0x3f: {  	s6 =	sadd.s32 s5, s18;
	[sflag:s21] =	ssyncadd.s32 $0xFFFFC000  }
0x40: {  	[tilespmem:s22], [sflag:$0x1] =	stream.linear.gather [hbm4b:s6+s3], $0x4000, $0x38;
	[tilespmem:$0x1E100] =	vst v63  }
0x41: {  	_ =	swait.ge [sflag:s26], $0x4000  }
0x42: {  	[sflag:s26] =	ssyncset.done $0x0  }
.Ltmp0:
0x43: {  	[sflag:s26] =	ssyncadd.s32 $0xFFFFC000;
	(pc) =	sbr.rel @p3 .LBB2_2-.Ltmp0, $4  }
0x44: {  	[spmem:s1] =	stream.indirect.scatter.add.f32 [tilespmem:s23], [sflag:$0x3], $0x80, s2, s25, $0xb8;
	[tilespmem:$0x1E100] =	vst v63  }
0x45: {  	_ =	swait.ge [sflag:s21], $0x4000  }
0x46: {  	[sflag:s21] =	ssyncset.done $0x0  }
0x47: {  	s5 =	sadd.s32 s5, s17;
	s2 =	sadd.s32 $0x100, s2;
	[sflag:s21] =	ssyncadd.s32 $0xFFFFC000  }
0x48: {  	[tilespmem:s23], [sflag:$0x2] =	stream.linear.gather [hbm4b:s5+s3], $0x4000, $0x38;
	[tilespmem:$0x1E100] =	vst v63  }
0x49: {  	_ =	swait.ge [sflag:s24], $0x4000  }
0x4a: {  	[sflag:s24] =	ssyncset.done $0x0  }
0x4b: {  	[sflag:s24] =	ssyncadd.s32 $0xFFFFC000  }
0x4c: {  	[spmem:s1] =	stream.indirect.scatter.add.f32 [tilespmem:s22], [sflag:$0x3], $0x80, s28, s25, $0xb8;
	[tilespmem:$0x1E100] =	vst v63  }
0x4d: {  	_ =	swait.ge [sflag:s21], $0x4000  }
0x4e: {  	[sflag:s21] =	ssyncset.done $0x0  }
0x4f: {  	[sflag:s21] =	ssyncadd.s32 $0xFFFFC000  }
0x50: {  	_ =	swait.ge [sflag:s26], $0x4000  }
0x51: {  	[sflag:s26] =	ssyncset.done $0x0  }
0x52: {  	[sflag:s26] =	ssyncadd.s32 $0xFFFFC000  }
0x53: {  	[spmem:s1] =	stream.indirect.scatter.add.f32 [tilespmem:s23], [sflag:$0x3], $0x80, s29, s25, $0xb8;
	[tilespmem:$0x1E100] =	vst v63  }
0x54: {  	_ =	swait.ge [sflag:s21], $0x4000  }
0x55: {  	[sflag:s21] =	ssyncset.done $0x0  }
0x56: {  	s0 =	stileid.u32;
	[sflag:s21] =	ssyncadd.s32 $0xFFFFC000  }
0x57: {  	s0 =	sshll.u32 s0, $0x6;
	[bflag:$0x0] =	sbarrier.arrive $0xFFFF  }
0x58: {  	s31 =	sor.u32 $0x1C03, s0;
	s0 =	sshrl.u32 s9, $0x3;
	s2 =	rddreg [dreg:$0x6]  }
0x59: {  	[hbm:s2], [sflag:s31] =	dma.local [spmem:s0], $0x2700  }
0x5a: {  	_ =	swait.ge [sflag:s21], $0x2700  }
0x5b: {  	[sflag:s21] =	ssyncset.done $0x0  }
0x5c: {  	[sflag:s21] =	ssyncadd.s32 $0xFFFFD900  }
0x5d: {  	s2 =	sshrl.u32 @!p2 s1, $0x3;
	[bflag:$0x0] =	sbarrier.arrive @p1 $0xFFFF  }
0x5e: {  	[spmem:s2], [sflag:s31] =	dma.local @!p2 [hbm:s4], $0x27200  }
0x5f: {  	s2 =	simm.s32 @!p2 $0x3  }
0x60: {  	_ =	swait.ge @!p2 [sflag:s2], $0x27200  }
0x61: {  	[sflag:s2] =	ssyncset.done @!p2 $0x0  }
0x62: {  	s5 =	simm.s32 @!p1 $0x3;
	[sflag:s2] =	ssyncadd.s32 @!p2 $0xFFFD8E00;
	s2 =	sshrl.u32 @!p1 s11, $0x3  }
0x63: {  	[hbm:s10], [sflag:s31] =	dma.local @!p1 [spmem:s2], $0x100  }
0x64: {  	_ =	swait.ge @!p1 [sflag:s5], $0x100  }
0x65: {  	[sflag:s5] =	ssyncset.done @!p1 $0x0  }
0x66: {  	[sflag:s5] =	ssyncadd.s32 @!p1 $0xFFFFFF00  }
0x67: {  	[bflag:$0x0] =	sbarrier.arrive @!p1 $0xFFFF  }
0x68: {  	s8 =	simm.s32 $0x0;
	[bflag:$0x0] =	sbarrier.arrive $0xFFFF  }
0x69: {  	[tilespmem:s22], [sflag:$0x1] =	stream.linear.gather [hbm4b:s12+s8], $0x4000, $0x38;
	[tilespmem:$0x1E100] =	vst v63  }
0x6a: {  	_ = 	snop  }
0x6b: {  	[tilespmem:s23], [sflag:$0x2] =	stream.linear.gather [hbm4b:s13+s8], $0x4000, $0x38;
	[tilespmem:$0x1E100] =	vst v63  }
0x6c: {  	_ =	swait.ge [sflag:s24], $0x4000  }
0x6d: {  	[sflag:s24] =	ssyncset.done $0x0  }
0x6e: {  	s6 =	simm.s32 $0x0;
	[sflag:s24] =	ssyncadd.s32 $0xFFFFC000  }
0x6f: {  	[spmem:s1] =	stream.indirect.scatter.add.f32 [tilespmem:s22], [sflag:$0x3], $0x80, s6, s25, $0xb8;
	[tilespmem:$0x1E100] =	vst v63  }
0x70: {  	_ =	swait.ge [sflag:s21], $0x4000  }
0x71: {  	[sflag:s21] =	ssyncset.done $0x0  }
0x72: {  	s7 =	sadd.s32 $0x0, s20;
	[sflag:s21] =	ssyncadd.s32 $0xFFFFC000  }
0x73: {  	[tilespmem:s22], [sflag:$0x1] =	stream.linear.gather [hbm4b:s7+s3], $0x4000, $0x38;
	[tilespmem:$0x1E100] =	vst v63  }
0x74: {  	_ =	swait.ge [sflag:s26], $0x4000  }
0x75: {  	[sflag:s26] =	ssyncset.done $0x0  }
0x76: {  	s8 =	simm.s32 $0x80;
	[sflag:s26] =	ssyncadd.s32 $0xFFFFC000  }
0x77: {  	[spmem:s1] =	stream.indirect.scatter.add.f32 [tilespmem:s23], [sflag:$0x3], $0x80, s8, s25, $0xb8;
	[tilespmem:$0x1E100] =	vst v63  }
0x78: {  	_ =	swait.ge [sflag:s21], $0x4000  }
0x79: {  	s5 =	simm.s32 $0x1000;
	[sflag:s21] =	ssyncset.done $0x0  }
0x7a: {  	s6 =	simm.s32 $0x180;
	s7 =	sadd.s32 $0x0, s19;
	[sflag:s21] =	ssyncadd.s32 $0xFFFFC000  }
.LBB2_4:
0x7b: {  	[tilespmem:s23], [sflag:$0x2] =	stream.linear.gather [hbm4b:s7+s3], $0x4000, $0x38;
	[tilespmem:$0x1E100] =	vst v63  }
0x7c: {  	s7 =	smov.u32 s5  }
0x7d: {  	p3 =	sne.s32 s5, $0x26000;
	s5 =	sadd.s32 $0x1000, s5;
	_ =	swait.ge [sflag:s24], $0x4000  }
0x7e: {  	[sflag:s24] =	ssyncset.done $0x0  }
0x7f: {  	s8 =	sadd.s32 $0xFFFFFF80, s6;
	[sflag:s24] =	ssyncadd.s32 $0xFFFFC000  }
0x80: {  	[spmem:s1] =	stream.indirect.scatter.add.f32 [tilespmem:s22], [sflag:$0x3], $0x80, s8, s25, $0xb8;
	[tilespmem:$0x1E100] =	vst v63  }
0x81: {  	_ =	swait.ge [sflag:s21], $0x4000  }
0x82: {  	[sflag:s21] =	ssyncset.done $0x0  }
0x83: {  	s8 =	sadd.s32 s7, s20;
	[sflag:s21] =	ssyncadd.s32 $0xFFFFC000  }
0x84: {  	[tilespmem:s22], [sflag:$0x1] =	stream.linear.gather [hbm4b:s8+s3], $0x4000, $0x38;
	[tilespmem:$0x1E100] =	vst v63  }
0x85: {  	_ =	swait.ge [sflag:s26], $0x4000  }
0x86: {  	[sflag:s26] =	ssyncset.done $0x0  }
.Ltmp1:
0x87: {  	[sflag:s26] =	ssyncadd.s32 $0xFFFFC000;
	(pc) =	sbr.rel @p3 .LBB2_4-.Ltmp1, $4  }
0x88: {  	[spmem:s1] =	stream.indirect.scatter.add.f32 [tilespmem:s23], [sflag:$0x3], $0x80, s6, s25, $0xb8;
	[tilespmem:$0x1E100] =	vst v63  }
0x89: {  	_ =	swait.ge [sflag:s21], $0x4000  }
0x8a: {  	[sflag:s21] =	ssyncset.done $0x0  }
0x8b: {  	s7 =	sadd.s32 s7, s19;
	s6 =	sadd.s32 $0x100, s6;
	[sflag:s21] =	ssyncadd.s32 $0xFFFFC000  }
0x8c: {  	[tilespmem:s23], [sflag:$0x2] =	stream.linear.gather [hbm4b:s7+s3], $0x4000, $0x38;
	[tilespmem:$0x1E100] =	vst v63  }
0x8d: {  	_ =	swait.ge [sflag:s24], $0x4000  }
0x8e: {  	[sflag:s24] =	ssyncset.done $0x0  }
0x8f: {  	[sflag:s24] =	ssyncadd.s32 $0xFFFFC000  }
0x90: {  	[spmem:s1] =	stream.indirect.scatter.add.f32 [tilespmem:s22], [sflag:$0x3], $0x80, s28, s25, $0xb8;
	[tilespmem:$0x1E100] =	vst v63  }
0x91: {  	_ =	swait.ge [sflag:s21], $0x4000  }
0x92: {  	[sflag:s21] =	ssyncset.done $0x0  }
0x93: {  	[sflag:s21] =	ssyncadd.s32 $0xFFFFC000  }
0x94: {  	_ =	swait.ge [sflag:s26], $0x4000  }
0x95: {  	[sflag:s26] =	ssyncset.done $0x0  }
0x96: {  	[sflag:s26] =	ssyncadd.s32 $0xFFFFC000  }
0x97: {  	[spmem:s1] =	stream.indirect.scatter.add.f32 [tilespmem:s23], [sflag:$0x3], $0x80, s29, s25, $0xb8;
	[tilespmem:$0x1E100] =	vst v63  }
0x98: {  	_ =	swait.ge [sflag:s21], $0x4000  }
0x99: {  	[sflag:s21] =	ssyncset.done $0x0  }
0x9a: {  	[sflag:s21] =	ssyncadd.s32 $0xFFFFC000  }
0x9b: {  	[bflag:$0x0] =	sbarrier.arrive $0xFFFF  }
0x9c: {  	[hbm:s14], [sflag:s31] =	dma.local [spmem:s0], $0x2700  }
0x9d: {  	_ =	swait.ge [sflag:s21], $0x2700  }
0x9e: {  	s30 =	sadd.s32 $0x1, s30;
	[sflag:s21] =	ssyncset.done $0x0  }
0x9f: {  	p3 =	sne.s32 s30, s16;
	s0 =	simm.s32 @!p1 $0x3;
	[sflag:s21] =	ssyncadd.s32 $0xFFFFD900  }
0xa0: {  	[hbm:s15], [sflag:s31] =	dma.local @!p1 [spmem:s2], $0x100  }
.Ltmp2:
0xa1: {  	_ =	swait.ge @!p1 [sflag:s0], $0x100;
	(pc) =	sbr.rel @p3 .LBB2_1-.Ltmp2, $3  }
0xa2: {  	[sflag:s0] =	ssyncset.done @!p1 $0x0  }
0xa3: {  	[sflag:s0] =	ssyncadd.s32 @!p1 $0xFFFFFF00  }
0xa4: {  	[bflag:$0x0] =	sbarrier.arrive $0xFFFF;
	_ =	sdelay $0x1  }
0xa5: {  	_ =	sfence.sel $0x180000  }
0xa6: {  	[bflag:$0x0] =	sbarrier.arrive $0xFFFF  }
0xa7: {  	_ =	strace $0x90000056  }
0xa8: {  	[bflag:$0x2] =	sbarrier.arrive $0xFFFF  }
0xa9: {  	s0 =	rddreg [dreg:$0x2]  }
0xaa: {  	s0 =	sadd.s32 @!p0 $0x100000, s0  }
0xab: {  	[sflag:s0] =	ssyncadd.tile.s32 @!p0 $0x1;
	_ =	shalt  }
.Lfunc_end2:
_tile_overlayer_lowered:
.L_overlay_start_2:
0xac: {  	(tag) =	ssettag $0x2  }
0xad: {  	s0 =	rddreg [dreg:$0x0];
	s2 =	stileid.u32  }
0xae: {  	s1 =	rddreg [dreg:$0x1];
	p0 =	sne.s32 s2, $0x0  }
0xaf: {  	s3 =	rddreg [dreg:$0x2];
	[bflag:$0x3] =	sbarrier.arrive $0xFFFF;
	s2 =	simm.s32 @!p0 $0x1C03  }
0xb0: {  	[timem:s3], [sflag:s2] =	dma.local @!p0 [hbm:s0], s1  }
0xb1: {  	s0 =	simm.s32 @!p0 $0x3  }
0xb2: {  	_ =	swait.ge @!p0 [sflag:s0], s1  }
0xb3: {  	s1 =	ssub.s32 @!p0 $0x0, s1;
	[sflag:s0] =	ssyncset.done @!p0 $0x0  }
0xb4: {  	[sflag:s0] =	ssyncadd.s32 @!p0 s1  }
0xb5: {  	[bflag:$0x3] =	sbarrier.arrive $0xFFFF  }
0xb6: {  	_ =	shalt  }

</sc_bundles>
